<compile_context>
chip_gen: v7x
topology: tpu7x:2x2x1
jax: 0.10.2.dev20260603
libtpu: 0.0.44.dev20260713+nightly
codegen_flags: <defaults>
</compile_context>

<pallas_src>
import dataclasses
import functools

import jax
import jax.numpy as jnp
from jax import lax
from jax.experimental import pallas as pl
from jax.experimental.pallas import tpu as pltpu
from jax.experimental.pallas import tpu_sc as plsc

B, C, H, W = 8, 19, 512, 512
N = B * H * W
KEEP = max(int(0.3 * N), min(100000, N))

NW = 32
HROWS_W = (B * H // 2) // NW
CROWS = 32
NCHUNK = HROWS_W // CROWS
NB1 = 32768
NB2 = 65536



def _loss_body(x_ref, lab_ref, out_ref):
    x = x_ref[0]
    lab = lab_ref[0]
    m = jnp.max(x, axis=0)
    s = jnp.sum(jnp.exp(x - m[None]), axis=0)
    lse = m + jnp.log(s)
    xt = jnp.zeros_like(m)
    for c in range(C):
        xt += jnp.where(lab == c, x[c], 0.0)
    out_ref[0] = lse - xt


_BH = 128


def _make_loss_call(boff):
    return pl.pallas_call(
        _loss_body,
        grid=(B // 2, H // _BH),
        in_specs=[
            pl.BlockSpec((1, C, _BH, W), lambda b, h: (b + boff, 0, h, 0)),
            pl.BlockSpec((1, _BH, W), lambda b, h: (b + boff, h, 0)),
        ],
        out_specs=pl.BlockSpec((1, _BH, W), lambda b, h: (b, h, 0)),
        out_shape=jax.ShapeDtypeStruct((B // 2, H, W), jnp.float32),
    )


_loss_call_a = _make_loss_call(0)
_loss_call_b = _make_loss_call(B // 2)



_ILP = 4


def _worker_id():
    return lax.axis_index("s") * 2 + lax.axis_index("c")


def _zero2d(ref, rows):
    z = jnp.zeros((16,), jnp.int32)

    @pl.loop(0, rows, step=1, unroll=2)
    def _(r):
        for c in range(0, 128, 16):
            ref[r, pl.ds(c, 16)] = z


def _sweep(loss_hbm, bufs, sem, wid, process_group, pre=None):
    r0 = wid * HROWS_W

    def start(j):
        return pltpu.async_copy(
            loss_hbm.at[pl.ds(r0 + j * CROWS, CROWS)],
            bufs[j % 2],
            sem,
        )

    cp = start(0)
    if pre is not None:
        pre()
    for j in range(NCHUNK):
        nxt = start(j + 1) if j + 1 < NCHUNK else None
        cp.wait()
        bslot = bufs[j % 2]

        @pl.loop(0, CROWS, step=1)
        def _(r):
            @pl.loop(0, W, step=16 * _ILP, unroll=2)
            def _(i):
                process_group(
                    [bslot[r, pl.ds(i + 16 * t, 16)] for t in range(_ILP)]
                )

        cp = nxt


def _sc_hist1_body(loss_hbm, cnt_hbm, cnt_v, buf0, buf1, sem):
    wid = _worker_id()
    ones = jnp.ones((16,), jnp.int32)

    def pre():
        _zero2d(cnt_v, NB1 // 128)

    def process(xs):
        ks = [lax.shift_right_logical(plsc.bitcast(x, jnp.int32), 16) for x in xs]
        for k in ks:
            plsc.addupdate_scatter(
                cnt_v, [lax.shift_right_logical(k, 7), k & 127], ones
            )

    _sweep(loss_hbm, (buf0, buf1), sem, wid, process, pre)
    pltpu.async_copy(cnt_v, cnt_hbm.at[wid], sem).wait()


def _sc_hist2_body(lossa_hbm, lossb_hbm, p1_hbm, cnt_hbm, sa_hbm, cnt_v, acc_v,
                   sa_v, buf0, buf1, p1_v, sem):
    wid = _worker_id()
    cp1 = pltpu.async_copy(p1_hbm, p1_v, sem)
    ones = jnp.ones((16,), jnp.int32)

    def pre():
        _zero2d(cnt_v, NB2 // 128)
        acc_v[...] = jnp.zeros((16,), jnp.float32)

    cp1.wait()
    b1 = p1_v[0, pl.ds(0, 16)]

    def process(xs):
        bs = [plsc.bitcast(x, jnp.int32) for x in xs]
        k1s = [lax.shift_right_logical(b, 16) for b in bs]
        contrib = jnp.zeros((16,), jnp.float32)
        for x, k1 in zip(xs, k1s):
            contrib = contrib + jnp.where(k1 > b1, x, 0.0)
        acc_v[...] = acc_v[...] + contrib
        for b, k1 in zip(bs, k1s):
            k2 = b & 0xFFFF
            plsc.addupdate_scatter(
                cnt_v,
                [lax.shift_right_logical(k2, 7), k2 & 127],
                ones,
                mask=k1 == b1,
            )

    _sweep(lossa_hbm, (buf0, buf1), sem, wid, process, pre)
    _sweep(lossb_hbm, (buf0, buf1), sem, wid, process)
    stot = jnp.broadcast_to(jnp.sum(acc_v[...]), (16,))

    @pl.loop(0, 8)
    def _(r):
        for c in range(0, 128, 16):
            sa_v[r, pl.ds(c, 16)] = stot

    pltpu.async_copy(cnt_v, cnt_hbm.at[wid], sem).wait()
    pltpu.async_copy(sa_v, sa_hbm.at[wid], sem).wait()


@functools.lru_cache(maxsize=1)
def _sc_kernels():
    mesh = plsc.VectorSubcoreMesh(
        core_axis_name="c", subcore_axis_name="s", num_cores=2, num_subcores=16
    )
    cp = pltpu.CompilerParams(use_tc_tiling_on_sc=True)
    if "needs_layout_passes" in pltpu.CompilerParams.__dataclass_fields__:
        cp = dataclasses.replace(cp, needs_layout_passes=False)
    hist1 = pl.kernel(
        _sc_hist1_body,
        out_type=jax.ShapeDtypeStruct((NW, NB1 // 128, 128), jnp.int32),
        mesh=mesh,
        compiler_params=cp,
        scratch_types=[
            pltpu.VMEM((NB1 // 128, 128), jnp.int32),
            pltpu.VMEM((CROWS, W), jnp.float32),
            pltpu.VMEM((CROWS, W), jnp.float32),
            pltpu.SemaphoreType.DMA,
        ],
    )
    hist2 = pl.kernel(
        _sc_hist2_body,
        out_type=(
            jax.ShapeDtypeStruct((NW, NB2 // 128, 128), jnp.int32),
            jax.ShapeDtypeStruct((NW, 8, 128), jnp.float32),
        ),
        mesh=mesh,
        compiler_params=cp,
        scratch_types=[
            pltpu.VMEM((NB2 // 128, 128), jnp.int32),
            pltpu.VMEM((16,), jnp.float32),
            pltpu.VMEM((8, 128), jnp.float32),
            pltpu.VMEM((CROWS, W), jnp.float32),
            pltpu.VMEM((CROWS, W), jnp.float32),
            pltpu.VMEM((8, 128), jnp.int32),
            pltpu.SemaphoreType.DMA,
        ],
    )
    return hist1, hist2



def _flat_idx(shape):
    r = lax.broadcasted_iota(jnp.int32, shape, 0)
    l = lax.broadcasted_iota(jnp.int32, shape, 1)
    return r * shape[1] + l


def _select_bin(idx, c, K, iters):

    def body(_, lohi):
        lo, hi = lohi
        mid = (lo + hi + 1) // 2
        ok = jnp.sum(jnp.where(idx >= mid, c, 0)) >= K
        return jnp.where(ok, mid, lo), jnp.where(ok, hi, mid - 1)

    lo, _ = lax.fori_loop(0, iters, body, (jnp.int32(0), jnp.int32(idx.size - 1)))
    return lo


def _bcast(val, dtype):
    return jnp.full((8, 128), val, dtype)


def _sel1_body(cnta_ref, cntb_ref, b1_ref, k1_ref, a1_ref):
    c = jnp.sum(cnta_ref[...], axis=0) + jnp.sum(cntb_ref[...], axis=0)
    idx = _flat_idx(c.shape)
    b1 = _select_bin(idx, c, KEEP, 15)
    A1 = jnp.sum(jnp.where(idx > b1, c, 0))
    b1_ref[...] = _bcast(b1, jnp.int32)
    k1_ref[...] = _bcast(KEEP - A1, jnp.int32)
    a1_ref[...] = _bcast(A1, jnp.int32)


_sel1_call = pl.pallas_call(
    _sel1_body,
    out_shape=(
        jax.ShapeDtypeStruct((8, 128), jnp.int32),
        jax.ShapeDtypeStruct((8, 128), jnp.int32),
        jax.ShapeDtypeStruct((8, 128), jnp.int32),
    ),
)


def _sel2_body(cnt_ref, sa_ref, b1_ref, k1_ref, a1_ref, out_ref):
    c = jnp.sum(cnt_ref[...], axis=0)
    SA1 = jnp.sum(sa_ref[...]) / 1024.0
    b1 = jnp.max(b1_ref[...])
    K1 = jnp.max(k1_ref[...])
    A1 = jnp.max(a1_ref[...])
    idx = _flat_idx(c.shape)
    b2 = _select_bin(idx, c, K1, 16)
    above = idx > b2
    A2 = jnp.sum(jnp.where(above, c, 0))
    cnt_eq = jnp.sum(jnp.where(idx == b2, c, 0))
    vals = lax.bitcast_convert_type((b1 << 16) | idx, jnp.float32)
    SA2 = jnp.sum(jnp.where(above, c.astype(jnp.float32) * vals, 0.0))
    thr = lax.bitcast_convert_type((b1 << 16) | b2, jnp.float32)
    total = SA1 + SA2 + cnt_eq.astype(jnp.float32) * thr
    count = A1 + A2 + cnt_eq
    out_ref[...] = _bcast(
        total / jnp.maximum(count, 1).astype(jnp.float32), jnp.float32
    )


_sel2_call = pl.pallas_call(
    _sel2_body,
    out_shape=jax.ShapeDtypeStruct((8, 128), jnp.float32),
)



def kernel(logits, labels):
    _sc_hist1, _sc_hist2 = _sc_kernels()
    labels = labels.astype(jnp.int32)
    lossa = _loss_call_a(logits, labels).reshape(B * H // 2, W)
    lossb = _loss_call_b(logits, labels).reshape(B * H // 2, W)
    c1a = _sc_hist1(lossa)
    c1b = _sc_hist1(lossb)
    b1, K1, A1 = _sel1_call(c1a, c1b)
    c2, sa = _sc_hist2(lossa, lossb, b1)
    res = _sel2_call(c2, sa, b1, K1, A1)
    return res[0, 0].reshape(())

# --- scband reference (transcript-rebuilt; emitter-appended) ---
"""Pipeline reference for scband-ohemloss-35012573397261 (READ-ONLY COPY).

The authoritative reference and input builder live on the scoring server;
editing this copy changes nothing except your own understanding.
"""

import jax, jax.numpy as jnp
import numpy as np

IGNORE_INDEX = 255
KEEP_RATIO = 0.3
MIN_KEPT = 100000
LABEL_SMOOTHING = 0.0


def setup_inputs(seed: int = 0) -> dict:
    key = jax.random.key(seed)
    k1, k2 = jax.random.split(key)
    logits = jax.random.normal(k1, (8, 19, 512, 512), dtype=jnp.float32)
    labels = jax.random.randint(k2, (8, 512, 512), 0, 19).astype(jnp.int64)
    return {"logits": logits, "labels": labels}


def _ohem_loss(logits, labels):
    C = logits.shape[1]
    logp = jax.nn.log_softmax(logits, axis=1)  # [B, C, H, W]
    lab_clipped = jnp.clip(labels, 0, C - 1)
    logp_t = jnp.take_along_axis(logp, lab_clipped[:, None, :, :], axis=1)[:, 0]  # [B, H, W]
    nll = -logp_t
    smooth = -jnp.mean(logp, axis=1)
    loss_pixel = ((1.0 - LABEL_SMOOTHING) * nll + LABEL_SMOOTHING * smooth).reshape(-1)
    valid = labels.reshape(-1) != IGNORE_INDEX
    n_valid = valid.sum()
    masked = jnp.where(valid, loss_pixel, -jnp.inf)
    sorted_desc = jnp.sort(masked)[::-1]
    n_keep = jnp.maximum(
        (KEEP_RATIO * n_valid.astype(jnp.float32)).astype(jnp.int32),
        jnp.minimum(jnp.int32(MIN_KEPT), n_valid.astype(jnp.int32)),
    )
    n_keep = jnp.minimum(n_keep, n_valid.astype(jnp.int32))
    threshold = jax.lax.stop_gradient(sorted_desc[jnp.maximum(n_keep - 1, 0)])
    keep = valid & (loss_pixel >= threshold)
    total = jnp.sum(jnp.where(keep, loss_pixel, 0.0))
    count = jnp.maximum(keep.sum(), 1)
    return total / count.astype(loss_pixel.dtype)


def reference(logits, labels):
    return _ohem_loss(logits, labels)

if __name__ == "__main__":
    import jax
    _d = setup_inputs()
    print(jax.jit(kernel)(*tuple(_d.values())))

</pallas_src>

<mosaic_0001>
#map = affine_map<(d0, d1) -> (0, 0)>
#map1 = affine_map<(d0, d1) -> (0, 0, 0)>
module attributes {stable_mosaic.version = 14 : i64} {
  func.func @_sc_hist2_body(%arg0: i32, %arg1: i32, %arg2: memref<2048x512xf32, #tpu.memory_space<hbm>>, %arg3: memref<2048x512xf32, #tpu.memory_space<hbm>>, %arg4: memref<8x128xi32, #tpu.memory_space<hbm>>, %arg5: memref<32x512x128xi32, #tpu.memory_space<hbm>>, %arg6: memref<32x8x128xf32, #tpu.memory_space<hbm>>, %arg7: memref<512x128xi32, #tpu.memory_space<vmem>>, %arg8: memref<16xf32, #tpu.memory_space<vmem>>, %arg9: memref<8x128xf32, #tpu.memory_space<vmem>>, %arg10: memref<32x512xf32, #tpu.memory_space<vmem>>, %arg11: memref<32x512xf32, #tpu.memory_space<vmem>>, %arg12: memref<8x128xi32, #tpu.memory_space<vmem>>, %arg13: memref<!tpu.dma_semaphore, #tpu.memory_space<semaphore_mem>>) attributes {dimension_semantics = [#tpu.dimension_semantics<core_parallel>, #tpu.dimension_semantics<subcore_parallel>], iteration_bounds = array<i64: 2, 16>, scalar_prefetch = 0 : i64, scratch_operands = 7 : i64, tpu.core_type = #tpu.core_type<sc_vector_subcore>, window_params = [{transform_indices = #map}, {transform_indices = #map}, {transform_indices = #map}, {transform_indices = #map1}, {transform_indices = #map1}]} {
    %mul3A = arith.constant 2 : i32
    %mul3A_0 = arith.muli %arg1, %mul3A : i32
    %add3A = arith.addi %mul3A_0, %arg0 : i32
    tpu.enqueue_dma source(%arg4 : memref<8x128xi32, #tpu.memory_space<hbm>>) target(%arg12 : memref<8x128xi32, #tpu.memory_space<vmem>>) target_semaphore(%arg13 : memref<!tpu.dma_semaphore, #tpu.memory_space<semaphore_mem>>)
    %broadcast_in_dim3A = arith.constant 1 : i32
    %broadcast_in_dim3A_1 = vector.broadcast %broadcast_in_dim3A : i32 to vector<16xi32>
    tpu.wait_dma2 semaphore(%arg13 : memref<!tpu.dma_semaphore, #tpu.memory_space<semaphore_mem>>) src(%arg4 : memref<8x128xi32, #tpu.memory_space<hbm>>) dst(%arg12 : memref<8x128xi32, #tpu.memory_space<vmem>>)
    %get3A = arith.constant 0 : i32
    %get3A_2 = arith.index_cast %get3A : i32 to index
    %get3A_3 = arith.constant 0 : index
    %get3A_4 = tpu.vector_load %arg12[%get3A_2, %get3A_3] {strides = array<i32>} : memref<8x128xi32, #tpu.memory_space<vmem>>, vector<16xi32>,
    %mul3A_5 = arith.constant 64 : i32
    %mul3A_6 = arith.muli %add3A, %mul3A_5 : i32
    %add3A_7 = arith.constant 0 : i32
    %add3A_8 = arith.addi %mul3A_6, %add3A_7 : i32
    %dma_start3A = arith.constant 0 : i32
    %dma_start3A_9 = tpu.memref_slice %arg2[%add3A_8, %dma_start3A] : memref<2048x512xf32, #tpu.memory_space<hbm>> -> memref<32x512xf32, #tpu.memory_space<hbm>>
    %dma_start3A_10 = arith.constant 0 : i32
    %dma_start3A_11 = tpu.memref_slice %arg2[%add3A_8, %dma_start3A_10] : memref<2048x512xf32, #tpu.memory_space<hbm>> -> memref<32x512xf32, #tpu.memory_space<hbm>>
    tpu.enqueue_dma source(%dma_start3A_11 : memref<32x512xf32, #tpu.memory_space<hbm>>) target(%arg10 : memref<32x512xf32, #tpu.memory_space<vmem>>) target_semaphore(%arg13 : memref<!tpu.dma_semaphore, #tpu.memory_space<semaphore_mem>>)
    %broadcast_in_dim3A_12 = arith.constant 0 : i32
    %broadcast_in_dim3A_13 = vector.broadcast %broadcast_in_dim3A_12 : i32 to vector<16xi32>
    %scan3A = arith.constant 0 : i32
    %scan3A_14 = arith.constant 512 : i32
    %scan3A_15 = arith.addi %scan3A, %scan3A_14 : i32
    %scan3A_16 = arith.constant 2 : i32
    scf.for %scan3A_119 = %scan3A to %scan3A_15 step %scan3A_16  : i32 {
      %mul3A_120 = arith.constant 1 : i32
      %mul3A_121 = arith.muli %scan3A_119, %mul3A_120 : i32
      %add3A_122 = arith.constant 0 : i32
      %add3A_123 = arith.addi %add3A_122, %mul3A_121 : i32
      %swap3A_124 = arith.index_cast %add3A_123 : i32 to index
      %swap3A_125 = arith.constant 0 : index
      %swap3A_126 = tpu.vector_load %arg7[%swap3A_124, %swap3A_125] {strides = array<i32>} : memref<512x128xi32, #tpu.memory_space<vmem>>, vector<16xi32>,
      tpu.vector_store %arg7[%swap3A_124, %swap3A_125], %broadcast_in_dim3A_13 {strides = array<i32>} : memref<512x128xi32, #tpu.memory_space<vmem>>, vector<16xi32>,
      %swap3A_127 = arith.index_cast %add3A_123 : i32 to index
      %swap3A_128 = arith.constant 16 : index
      %swap3A_129 = tpu.vector_load %arg7[%swap3A_127, %swap3A_128] {strides = array<i32>} : memref<512x128xi32, #tpu.memory_space<vmem>>, vector<16xi32>,
      tpu.vector_store %arg7[%swap3A_127, %swap3A_128], %broadcast_in_dim3A_13 {strides = array<i32>} : memref<512x128xi32, #tpu.memory_space<vmem>>, vector<16xi32>,
      %swap3A_130 = arith.index_cast %add3A_123 : i32 to index
      %swap3A_131 = arith.constant 32 : index
      %swap3A_132 = tpu.vector_load %arg7[%swap3A_130, %swap3A_131] {strides = array<i32>} : memref<512x128xi32, #tpu.memory_space<vmem>>, vector<16xi32>,
      tpu.vector_store %arg7[%swap3A_130, %swap3A_131], %broadcast_in_dim3A_13 {strides = array<i32>} : memref<512x128xi32, #tpu.memory_space<vmem>>, vector<16xi32>,
      %swap3A_133 = arith.index_cast %add3A_123 : i32 to index
      %swap3A_134 = arith.constant 48 : index
      %swap3A_135 = tpu.vector_load %arg7[%swap3A_133, %swap3A_134] {strides = array<i32>} : memref<512x128xi32, #tpu.memory_space<vmem>>, vector<16xi32>,
      tpu.vector_store %arg7[%swap3A_133, %swap3A_134], %broadcast_in_dim3A_13 {strides = array<i32>} : memref<512x128xi32, #tpu.memory_space<vmem>>, vector<16xi32>,
      %swap3A_136 = arith.index_cast %add3A_123 : i32 to index
      %swap3A_137 = arith.constant 64 : index
      %swap3A_138 = tpu.vector_load %arg7[%swap3A_136, %swap3A_137] {strides = array<i32>} : memref<512x128xi32, #tpu.memory_space<vmem>>, vector<16xi32>,
      tpu.vector_store %arg7[%swap3A_136, %swap3A_137], %broadcast_in_dim3A_13 {strides = array<i32>} : memref<512x128xi32, #tpu.memory_space<vmem>>, vector<16xi32>,
      %swap3A_139 = arith.index_cast %add3A_123 : i32 to index
      %swap3A_140 = arith.constant 80 : index
      %swap3A_141 = tpu.vector_load %arg7[%swap3A_139, %swap3A_140] {strides = array<i32>} : memref<512x128xi32, #tpu.memory_space<vmem>>, vector<16xi32>,
      tpu.vector_store %arg7[%swap3A_139, %swap3A_140], %broadcast_in_dim3A_13 {strides = array<i32>} : memref<512x128xi32, #tpu.memory_space<vmem>>, vector<16xi32>,
      %swap3A_142 = arith.index_cast %add3A_123 : i32 to index
      %swap3A_143 = arith.constant 96 : index
      %swap3A_144 = tpu.vector_load %arg7[%swap3A_142, %swap3A_143] {strides = array<i32>} : memref<512x128xi32, #tpu.memory_space<vmem>>, vector<16xi32>,
      tpu.vector_store %arg7[%swap3A_142, %swap3A_143], %broadcast_in_dim3A_13 {strides = array<i32>} : memref<512x128xi32, #tpu.memory_space<vmem>>, vector<16xi32>,
      %swap3A_145 = arith.index_cast %add3A_123 : i32 to index
      %swap3A_146 = arith.constant 112 : index
      %swap3A_147 = tpu.vector_load %arg7[%swap3A_145, %swap3A_146] {strides = array<i32>} : memref<512x128xi32, #tpu.memory_space<vmem>>, vector<16xi32>,
      tpu.vector_store %arg7[%swap3A_145, %swap3A_146], %broadcast_in_dim3A_13 {strides = array<i32>} : memref<512x128xi32, #tpu.memory_space<vmem>>, vector<16xi32>,
      %scan3A_148 = arith.constant 1 : i32
      %scan3A_149 = arith.addi %scan3A_119, %scan3A_148 : i32
      %mul3A_150 = arith.constant 1 : i32
      %mul3A_151 = arith.muli %scan3A_149, %mul3A_150 : i32
      %add3A_152 = arith.constant 0 : i32
      %add3A_153 = arith.addi %add3A_152, %mul3A_151 : i32
      %swap3A_154 = arith.index_cast %add3A_153 : i32 to index
      %swap3A_155 = arith.constant 0 : index
      %swap3A_156 = tpu.vector_load %arg7[%swap3A_154, %swap3A_155] {strides = array<i32>} : memref<512x128xi32, #tpu.memory_space<vmem>>, vector<16xi32>,
      tpu.vector_store %arg7[%swap3A_154, %swap3A_155], %broadcast_in_dim3A_13 {strides = array<i32>} : memref<512x128xi32, #tpu.memory_space<vmem>>, vector<16xi32>,
      %swap3A_157 = arith.index_cast %add3A_153 : i32 to index
      %swap3A_158 = arith.constant 16 : index
      %swap3A_159 = tpu.vector_load %arg7[%swap3A_157, %swap3A_158] {strides = array<i32>} : memref<512x128xi32, #tpu.memory_space<vmem>>, vector<16xi32>,
      tpu.vector_store %arg7[%swap3A_157, %swap3A_158], %broadcast_in_dim3A_13 {strides = array<i32>} : memref<512x128xi32, #tpu.memory_space<vmem>>, vector<16xi32>,
      %swap3A_160 = arith.index_cast %add3A_153 : i32 to index
      %swap3A_161 = arith.constant 32 : index
      %swap3A_162 = tpu.vector_load %arg7[%swap3A_160, %swap3A_161] {strides = array<i32>} : memref<512x128xi32, #tpu.memory_space<vmem>>, vector<16xi32>,
      tpu.vector_store %arg7[%swap3A_160, %swap3A_161], %broadcast_in_dim3A_13 {strides = array<i32>} : memref<512x128xi32, #tpu.memory_space<vmem>>, vector<16xi32>,
      %swap3A_163 = arith.index_cast %add3A_153 : i32 to index
      %swap3A_164 = arith.constant 48 : index
      %swap3A_165 = tpu.vector_load %arg7[%swap3A_163, %swap3A_164] {strides = array<i32>} : memref<512x128xi32, #tpu.memory_space<vmem>>, vector<16xi32>,
      tpu.vector_store %arg7[%swap3A_163, %swap3A_164], %broadcast_in_dim3A_13 {strides = array<i32>} : memref<512x128xi32, #tpu.memory_space<vmem>>, vector<16xi32>,
      %swap3A_166 = arith.index_cast %add3A_153 : i32 to index
      %swap3A_167 = arith.constant 64 : index
      %swap3A_168 = tpu.vector_load %arg7[%swap3A_166, %swap3A_167] {strides = array<i32>} : memref<512x128xi32, #tpu.memory_space<vmem>>, vector<16xi32>,
      tpu.vector_store %arg7[%swap3A_166, %swap3A_167], %broadcast_in_dim3A_13 {strides = array<i32>} : memref<512x128xi32, #tpu.memory_space<vmem>>, vector<16xi32>,
      %swap3A_169 = arith.index_cast %add3A_153 : i32 to index
      %swap3A_170 = arith.constant 80 : index
      %swap3A_171 = tpu.vector_load %arg7[%swap3A_169, %swap3A_170] {strides = array<i32>} : memref<512x128xi32, #tpu.memory_space<vmem>>, vector<16xi32>,
      tpu.vector_store %arg7[%swap3A_169, %swap3A_170], %broadcast_in_dim3A_13 {strides = array<i32>} : memref<512x128xi32, #tpu.memory_space<vmem>>, vector<16xi32>,
      %swap3A_172 = arith.index_cast %add3A_153 : i32 to index
      %swap3A_173 = arith.constant 96 : index
      %swap3A_174 = tpu.vector_load %arg7[%swap3A_172, %swap3A_173] {strides = array<i32>} : memref<512x128xi32, #tpu.memory_space<vmem>>, vector<16xi32>,
      tpu.vector_store %arg7[%swap3A_172, %swap3A_173], %broadcast_in_dim3A_13 {strides = array<i32>} : memref<512x128xi32, #tpu.memory_space<vmem>>, vector<16xi32>,
      %swap3A_175 = arith.index_cast %add3A_153 : i32 to index
      %swap3A_176 = arith.constant 112 : index
      %swap3A_177 = tpu.vector_load %arg7[%swap3A_175, %swap3A_176] {strides = array<i32>} : memref<512x128xi32, #tpu.memory_space<vmem>>, vector<16xi32>,
      tpu.vector_store %arg7[%swap3A_175, %swap3A_176], %broadcast_in_dim3A_13 {strides = array<i32>} : memref<512x128xi32, #tpu.memory_space<vmem>>, vector<16xi32>,
    }
    %scan3A_17 = arith.constant 512 : i32
    %broadcast_in_dim3A_18 = arith.constant 0.000000e+00 : f32
    %broadcast_in_dim3A_19 = vector.broadcast %broadcast_in_dim3A_18 : f32 to vector<16xf32>
    %swap3A = arith.constant 0 : index
    %swap3A_20 = tpu.vector_load %arg8[%swap3A] {strides = array<i32>} : memref<16xf32, #tpu.memory_space<vmem>>, vector<16xf32>,
    tpu.vector_store %arg8[%swap3A], %broadcast_in_dim3A_19 {strides = array<i32>} : memref<16xf32, #tpu.memory_space<vmem>>, vector<16xf32>,
    %add3A_21 = arith.constant 32 : i32
    %add3A_22 = arith.addi %mul3A_6, %add3A_21 : i32
    %dma_start3A_23 = arith.constant 0 : i32
    %dma_start3A_24 = tpu.memref_slice %arg2[%add3A_22, %dma_start3A_23] : memref<2048x512xf32, #tpu.memory_space<hbm>> -> memref<32x512xf32, #tpu.memory_space<hbm>>
    %dma_start3A_25 = arith.constant 0 : i32
    %dma_start3A_26 = tpu.memref_slice %arg2[%add3A_22, %dma_start3A_25] : memref<2048x512xf32, #tpu.memory_space<hbm>> -> memref<32x512xf32, #tpu.memory_space<hbm>>
    tpu.enqueue_dma source(%dma_start3A_26 : memref<32x512xf32, #tpu.memory_space<hbm>>) target(%arg11 : memref<32x512xf32, #tpu.memory_space<vmem>>) target_semaphore(%arg13 : memref<!tpu.dma_semaphore, #tpu.memory_space<semaphore_mem>>)
    %dma_wait3A = arith.constant 0 : i32
    %dma_wait3A_27 = tpu.memref_slice %arg2[%add3A_8, %dma_wait3A] : memref<2048x512xf32, #tpu.memory_space<hbm>> -> memref<32x512xf32, #tpu.memory_space<hbm>>
    %dma_wait3A_28 = arith.constant 0 : i32
    %dma_wait3A_29 = tpu.memref_slice %arg2[%add3A_8, %dma_wait3A_28] : memref<2048x512xf32, #tpu.memory_space<hbm>> -> memref<32x512xf32, #tpu.memory_space<hbm>>
    tpu.wait_dma2 semaphore(%arg13 : memref<!tpu.dma_semaphore, #tpu.memory_space<semaphore_mem>>) src(%dma_wait3A_29 : memref<32x512xf32, #tpu.memory_space<hbm>>) dst(%arg10 : memref<32x512xf32, #tpu.memory_space<vmem>>)
    %scan3A_30 = arith.constant 0 : i32
    %scan3A_31 = arith.constant 32 : i32
    %scan3A_32 = arith.addi %scan3A_30, %scan3A_31 : i32
    %scan3A_33 = arith.constant 1 : i32
    scf.for %scan3A_119 = %scan3A_30 to %scan3A_32 step %scan3A_33  : i32 {
      %mul3A_120 = arith.constant 1 : i32
      %mul3A_121 = arith.muli %scan3A_119, %mul3A_120 : i32
      %add3A_122 = arith.constant 0 : i32
      %add3A_123 = arith.addi %add3A_122, %mul3A_121 : i32
      %scan3A_124 = arith.constant 0 : i32
      %scan3A_125 = arith.constant 8 : i32
      %scan3A_126 = arith.addi %scan3A_124, %scan3A_125 : i32
      %scan3A_127 = arith.constant 2 : i32
      scf.for %scan3A_129 = %scan3A_124 to %scan3A_126 step %scan3A_127  : i32 {
        %mul3A_130 = arith.constant 64 : i32
        %mul3A_131 = arith.muli %scan3A_129, %mul3A_130 : i32
        %add3A_132 = arith.constant 0 : i32
        %add3A_133 = arith.addi %add3A_132, %mul3A_131 : i32
        %add3A_134 = arith.constant 0 : i32
        %add3A_135 = arith.addi %add3A_133, %add3A_134 : i32
        %get3A_136 = arith.index_cast %add3A_123 : i32 to index
        %get3A_137 = arith.index_cast %add3A_135 : i32 to index
        %get3A_138 = tpu.vector_load %arg10[%get3A_136, %get3A_137] {strides = array<i32>} : memref<32x512xf32, #tpu.memory_space<vmem>>, vector<16xf32>,
        %add3A_139 = arith.constant 16 : i32
        %add3A_140 = arith.addi %add3A_133, %add3A_139 : i32
        %get3A_141 = arith.index_cast %add3A_123 : i32 to index
        %get3A_142 = arith.index_cast %add3A_140 : i32 to index
        %get3A_143 = tpu.vector_load %arg10[%get3A_141, %get3A_142] {strides = array<i32>} : memref<32x512xf32, #tpu.memory_space<vmem>>, vector<16xf32>,
        %add3A_144 = arith.constant 32 : i32
        %add3A_145 = arith.addi %add3A_133, %add3A_144 : i32
        %get3A_146 = arith.index_cast %add3A_123 : i32 to index
        %get3A_147 = arith.index_cast %add3A_145 : i32 to index
        %get3A_148 = tpu.vector_load %arg10[%get3A_146, %get3A_147] {strides = array<i32>} : memref<32x512xf32, #tpu.memory_space<vmem>>, vector<16xf32>,
        %add3A_149 = arith.constant 48 : i32
        %add3A_150 = arith.addi %add3A_133, %add3A_149 : i32
        %get3A_151 = arith.index_cast %add3A_123 : i32 to index
        %get3A_152 = arith.index_cast %add3A_150 : i32 to index
        %get3A_153 = tpu.vector_load %arg10[%get3A_151, %get3A_152] {strides = array<i32>} : memref<32x512xf32, #tpu.memory_space<vmem>>, vector<16xf32>,
        %bitcast3A = vector.bitcast %get3A_138 : vector<16xf32> to vector<16xi32>
        %bitcast3A_154 = vector.bitcast %get3A_143 : vector<16xf32> to vector<16xi32>
        %bitcast3A_155 = vector.bitcast %get3A_148 : vector<16xf32> to vector<16xi32>
        %bitcast3A_156 = vector.bitcast %get3A_153 : vector<16xf32> to vector<16xi32>
        %shift_right_logical3A = arith.constant 16 : i32
        %shift_right_logical3A_157 = vector.broadcast %shift_right_logical3A : i32 to vector<16xi32>
        %shift_right_logical3A_158 = arith.shrui %bitcast3A, %shift_right_logical3A_157 : vector<16xi32>
        %shift_right_logical3A_159 = arith.constant 16 : i32
        %shift_right_logical3A_160 = vector.broadcast %shift_right_logical3A_159 : i32 to vector<16xi32>
        %shift_right_logical3A_161 = arith.shrui %bitcast3A_154, %shift_right_logical3A_160 : vector<16xi32>
        %shift_right_logical3A_162 = arith.constant 16 : i32
        %shift_right_logical3A_163 = vector.broadcast %shift_right_logical3A_162 : i32 to vector<16xi32>
        %shift_right_logical3A_164 = arith.shrui %bitcast3A_155, %shift_right_logical3A_163 : vector<16xi32>
        %shift_right_logical3A_165 = arith.constant 16 : i32
        %shift_right_logical3A_166 = vector.broadcast %shift_right_logical3A_165 : i32 to vector<16xi32>
        %shift_right_logical3A_167 = arith.shrui %bitcast3A_156, %shift_right_logical3A_166 : vector<16xi32>
        %broadcast_in_dim3A_168 = arith.constant 0.000000e+00 : f32
        %broadcast_in_dim3A_169 = vector.broadcast %broadcast_in_dim3A_168 : f32 to vector<16xf32>
        %gt3A = arith.cmpi sgt, %shift_right_logical3A_158, %get3A_4 : vector<16xi32>
        %jit3A = arith.constant 0.000000e+00 : f32
        %broadcast_in_dim3A_170 = vector.broadcast %jit3A : f32 to vector<16xf32>
        %select_n3A = arith.select %gt3A, %get3A_138, %broadcast_in_dim3A_170 : vector<16xi1>, vector<16xf32>
        %add3A_171 = arith.addf %broadcast_in_dim3A_169, %select_n3A : vector<16xf32>
        %gt3A_172 = arith.cmpi sgt, %shift_right_logical3A_161, %get3A_4 : vector<16xi32>
        %jit3A_173 = arith.constant 0.000000e+00 : f32
        %broadcast_in_dim3A_174 = vector.broadcast %jit3A_173 : f32 to vector<16xf32>
        %select_n3A_175 = arith.select %gt3A_172, %get3A_143, %broadcast_in_dim3A_174 : vector<16xi1>, vector<16xf32>
        %add3A_176 = arith.addf %add3A_171, %select_n3A_175 : vector<16xf32>
        %gt3A_177 = arith.cmpi sgt, %shift_right_logical3A_164, %get3A_4 : vector<16xi32>
        %jit3A_178 = arith.constant 0.000000e+00 : f32
        %broadcast_in_dim3A_179 = vector.broadcast %jit3A_178 : f32 to vector<16xf32>
        %select_n3A_180 = arith.select %gt3A_177, %get3A_148, %broadcast_in_dim3A_179 : vector<16xi1>, vector<16xf32>
        %add3A_181 = arith.addf %add3A_176, %select_n3A_180 : vector<16xf32>
        %gt3A_182 = arith.cmpi sgt, %shift_right_logical3A_167, %get3A_4 : vector<16xi32>
        %jit3A_183 = arith.constant 0.000000e+00 : f32
        %broadcast_in_dim3A_184 = vector.broadcast %jit3A_183 : f32 to vector<16xf32>
        %select_n3A_185 = arith.select %gt3A_182, %get3A_153, %broadcast_in_dim3A_184 : vector<16xi1>, vector<16xf32>
        %add3A_186 = arith.addf %add3A_181, %select_n3A_185 : vector<16xf32>
        %get3A_187 = arith.constant 0 : index
        %get3A_188 = tpu.vector_load %arg8[%get3A_187] {strides = array<i32>} : memref<16xf32, #tpu.memory_space<vmem>>, vector<16xf32>,
        %add3A_189 = arith.addf %get3A_188, %add3A_186 : vector<16xf32>
        %swap3A_190 = arith.constant 0 : index
        %swap3A_191 = tpu.vector_load %arg8[%swap3A_190] {strides = array<i32>} : memref<16xf32, #tpu.memory_space<vmem>>, vector<16xf32>,
        tpu.vector_store %arg8[%swap3A_190], %add3A_189 {strides = array<i32>} : memref<16xf32, #tpu.memory_space<vmem>>, vector<16xf32>,
        %and3A = arith.constant 65535 : i32
        %and3A_192 = vector.broadcast %and3A : i32 to vector<16xi32>
        %and3A_193 = arith.andi %bitcast3A, %and3A_192 : vector<16xi32>
        %shift_right_logical3A_194 = arith.constant 7 : i32
        %shift_right_logical3A_195 = vector.broadcast %shift_right_logical3A_194 : i32 to vector<16xi32>
        %shift_right_logical3A_196 = arith.shrui %and3A_193, %shift_right_logical3A_195 : vector<16xi32>
        %and3A_197 = arith.constant 127 : i32
        %and3A_198 = vector.broadcast %and3A_197 : i32 to vector<16xi32>
        %and3A_199 = arith.andi %and3A_193, %and3A_198 : vector<16xi32>
        %eq3A = arith.cmpi eq, %shift_right_logical3A_158, %get3A_4 : vector<16xi32>
        tpu.vector_store_idx %arg7[%shift_right_logical3A_196, %and3A_199], %broadcast_in_dim3A_1 masked %eq3A {add = true} : memref<512x128xi32, #tpu.memory_space<vmem>>[vector<16xi32>, vector<16xi32>], vector<16xi32>, vector<16xi1>
        %and3A_200 = arith.constant 65535 : i32
        %and3A_201 = vector.broadcast %and3A_200 : i32 to vector<16xi32>
        %and3A_202 = arith.andi %bitcast3A_154, %and3A_201 : vector<16xi32>
        %shift_right_logical3A_203 = arith.constant 7 : i32
        %shift_right_logical3A_204 = vector.broadcast %shift_right_logical3A_203 : i32 to vector<16xi32>
        %shift_right_logical3A_205 = arith.shrui %and3A_202, %shift_right_logical3A_204 : vector<16xi32>
        %and3A_206 = arith.constant 127 : i32
        %and3A_207 = vector.broadcast %and3A_206 : i32 to vector<16xi32>
        %and3A_208 = arith.andi %and3A_202, %and3A_207 : vector<16xi32>
        %eq3A_209 = arith.cmpi eq, %shift_right_logical3A_161, %get3A_4 : vector<16xi32>
        tpu.vector_store_idx %arg7[%shift_right_logical3A_205, %and3A_208], %broadcast_in_dim3A_1 masked %eq3A_209 {add = true} : memref<512x128xi32, #tpu.memory_space<vmem>>[vector<16xi32>, vector<16xi32>], vector<16xi32>, vector<16xi1>
        %and3A_210 = arith.constant 65535 : i32
        %and3A_211 = vector.broadcast %and3A_210 : i32 to vector<16xi32>
        %and3A_212 = arith.andi %bitcast3A_155, %and3A_211 : vector<16xi32>
        %shift_right_logical3A_213 = arith.constant 7 : i32
        %shift_right_logical3A_214 = vector.broadcast %shift_right_logical3A_213 : i32 to vector<16xi32>
        %shift_right_logical3A_215 = arith.shrui %and3A_212, %shift_right_logical3A_214 : vector<16xi32>
        %and3A_216 = arith.constant 127 : i32
        %and3A_217 = vector.broadcast %and3A_216 : i32 to vector<16xi32>
        %and3A_218 = arith.andi %and3A_212, %and3A_217 : vector<16xi32>
        %eq3A_219 = arith.cmpi eq, %shift_right_logical3A_164, %get3A_4 : vector<16xi32>
        tpu.vector_store_idx %arg7[%shift_right_logical3A_215, %and3A_218], %broadcast_in_dim3A_1 masked %eq3A_219 {add = true} : memref<512x128xi32, #tpu.memory_space<vmem>>[vector<16xi32>, vector<16xi32>], vector<16xi32>, vector<16xi1>
        %and3A_220 = arith.constant 65535 : i32
        %and3A_221 = vector.broadcast %and3A_220 : i32 to vector<16xi32>
        %and3A_222 = arith.andi %bitcast3A_156, %and3A_221 : vector<16xi32>
        %shift_right_logical3A_223 = arith.constant 7 : i32
        %shift_right_logical3A_224 = vector.broadcast %shift_right_logical3A_223 : i32 to vector<16xi32>
        %shift_right_logical3A_225 = arith.shrui %and3A_222, %shift_right_logical3A_224 : vector<16xi32>
        %and3A_226 = arith.constant 127 : i32
        %and3A_227 = vector.broadcast %and3A_226 : i32 to vector<16xi32>
        %and3A_228 = arith.andi %and3A_222, %and3A_227 : vector<16xi32>
        %eq3A_229 = arith.cmpi eq, %shift_right_logical3A_167, %get3A_4 : vector<16xi32>
        tpu.vector_store_idx %arg7[%shift_right_logical3A_225, %and3A_228], %broadcast_in_dim3A_1 masked %eq3A_229 {add = true} : memref<512x128xi32, #tpu.memory_space<vmem>>[vector<16xi32>, vector<16xi32>], vector<16xi32>, vector<16xi1>
        %scan3A_230 = arith.constant 1 : i32
        %scan3A_231 = arith.addi %scan3A_129, %scan3A_230 : i32
        %mul3A_232 = arith.constant 64 : i32
        %mul3A_233 = arith.muli %scan3A_231, %mul3A_232 : i32
        %add3A_234 = arith.constant 0 : i32
        %add3A_235 = arith.addi %add3A_234, %mul3A_233 : i32
        %add3A_236 = arith.constant 0 : i32
        %add3A_237 = arith.addi %add3A_235, %add3A_236 : i32
        %get3A_238 = arith.index_cast %add3A_123 : i32 to index
        %get3A_239 = arith.index_cast %add3A_237 : i32 to index
        %get3A_240 = tpu.vector_load %arg10[%get3A_238, %get3A_239] {strides = array<i32>} : memref<32x512xf32, #tpu.memory_space<vmem>>, vector<16xf32>,
        %add3A_241 = arith.constant 16 : i32
        %add3A_242 = arith.addi %add3A_235, %add3A_241 : i32
        %get3A_243 = arith.index_cast %add3A_123 : i32 to index
        %get3A_244 = arith.index_cast %add3A_242 : i32 to index
        %get3A_245 = tpu.vector_load %arg10[%get3A_243, %get3A_244] {strides = array<i32>} : memref<32x512xf32, #tpu.memory_space<vmem>>, vector<16xf32>,
        %add3A_246 = arith.constant 32 : i32
        %add3A_247 = arith.addi %add3A_235, %add3A_246 : i32
        %get3A_248 = arith.index_cast %add3A_123 : i32 to index
        %get3A_249 = arith.index_cast %add3A_247 : i32 to index
        %get3A_250 = tpu.vector_load %arg10[%get3A_248, %get3A_249] {strides = array<i32>} : memref<32x512xf32, #tpu.memory_space<vmem>>, vector<16xf32>,
        %add3A_251 = arith.constant 48 : i32
        %add3A_252 = arith.addi %add3A_235, %add3A_251 : i32
        %get3A_253 = arith.index_cast %add3A_123 : i32 to index
        %get3A_254 = arith.index_cast %add3A_252 : i32 to index
        %get3A_255 = tpu.vector_load %arg10[%get3A_253, %get3A_254] {strides = array<i32>} : memref<32x512xf32, #tpu.memory_space<vmem>>, vector<16xf32>,
        %bitcast3A_256 = vector.bitcast %get3A_240 : vector<16xf32> to vector<16xi32>
        %bitcast3A_257 = vector.bitcast %get3A_245 : vector<16xf32> to vector<16xi32>
        %bitcast3A_258 = vector.bitcast %get3A_250 : vector<16xf32> to vector<16xi32>
        %bitcast3A_259 = vector.bitcast %get3A_255 : vector<16xf32> to vector<16xi32>
        %shift_right_logical3A_260 = arith.constant 16 : i32
        %shift_right_logical3A_261 = vector.broadcast %shift_right_logical3A_260 : i32 to vector<16xi32>
        %shift_right_logical3A_262 = arith.shrui %bitcast3A_256, %shift_right_logical3A_261 : vector<16xi32>
        %shift_right_logical3A_263 = arith.constant 16 : i32
        %shift_right_logical3A_264 = vector.broadcast %shift_right_logical3A_263 : i32 to vector<16xi32>
        %shift_right_logical3A_265 = arith.shrui %bitcast3A_257, %shift_right_logical3A_264 : vector<16xi32>
        %shift_right_logical3A_266 = arith.constant 16 : i32
        %shift_right_logical3A_267 = vector.broadcast %shift_right_logical3A_266 : i32 to vector<16xi32>
        %shift_right_logical3A_268 = arith.shrui %bitcast3A_258, %shift_right_logical3A_267 : vector<16xi32>
        %shift_right_logical3A_269 = arith.constant 16 : i32
        %shift_right_logical3A_270 = vector.broadcast %shift_right_logical3A_269 : i32 to vector<16xi32>
        %shift_right_logical3A_271 = arith.shrui %bitcast3A_259, %shift_right_logical3A_270 : vector<16xi32>
        %broadcast_in_dim3A_272 = arith.constant 0.000000e+00 : f32
        %broadcast_in_dim3A_273 = vector.broadcast %broadcast_in_dim3A_272 : f32 to vector<16xf32>
        %gt3A_274 = arith.cmpi sgt, %shift_right_logical3A_262, %get3A_4 : vector<16xi32>
        %jit3A_275 = arith.constant 0.000000e+00 : f32
        %broadcast_in_dim3A_276 = vector.broadcast %jit3A_275 : f32 to vector<16xf32>
        %select_n3A_277 = arith.select %gt3A_274, %get3A_240, %broadcast_in_dim3A_276 : vector<16xi1>, vector<16xf32>
        %add3A_278 = arith.addf %broadcast_in_dim3A_273, %select_n3A_277 : vector<16xf32>
        %gt3A_279 = arith.cmpi sgt, %shift_right_logical3A_265, %get3A_4 : vector<16xi32>
        %jit3A_280 = arith.constant 0.000000e+00 : f32
        %broadcast_in_dim3A_281 = vector.broadcast %jit3A_280 : f32 to vector<16xf32>
        %select_n3A_282 = arith.select %gt3A_279, %get3A_245, %broadcast_in_dim3A_281 : vector<16xi1>, vector<16xf32>
        %add3A_283 = arith.addf %add3A_278, %select_n3A_282 : vector<16xf32>
        %gt3A_284 = arith.cmpi sgt, %shift_right_logical3A_268, %get3A_4 : vector<16xi32>
        %jit3A_285 = arith.constant 0.000000e+00 : f32
        %broadcast_in_dim3A_286 = vector.broadcast %jit3A_285 : f32 to vector<16xf32>
        %select_n3A_287 = arith.select %gt3A_284, %get3A_250, %broadcast_in_dim3A_286 : vector<16xi1>, vector<16xf32>
        %add3A_288 = arith.addf %add3A_283, %select_n3A_287 : vector<16xf32>
        %gt3A_289 = arith.cmpi sgt, %shift_right_logical3A_271, %get3A_4 : vector<16xi32>
        %jit3A_290 = arith.constant 0.000000e+00 : f32
        %broadcast_in_dim3A_291 = vector.broadcast %jit3A_290 : f32 to vector<16xf32>
        %select_n3A_292 = arith.select %gt3A_289, %get3A_255, %broadcast_in_dim3A_291 : vector<16xi1>, vector<16xf32>
        %add3A_293 = arith.addf %add3A_288, %select_n3A_292 : vector<16xf32>
        %get3A_294 = arith.constant 0 : index
        %get3A_295 = tpu.vector_load %arg8[%get3A_294] {strides = array<i32>} : memref<16xf32, #tpu.memory_space<vmem>>, vector<16xf32>,
        %add3A_296 = arith.addf %get3A_295, %add3A_293 : vector<16xf32>
        %swap3A_297 = arith.constant 0 : index
        %swap3A_298 = tpu.vector_load %arg8[%swap3A_297] {strides = array<i32>} : memref<16xf32, #tpu.memory_space<vmem>>, vector<16xf32>,
        tpu.vector_store %arg8[%swap3A_297], %add3A_296 {strides = array<i32>} : memref<16xf32, #tpu.memory_space<vmem>>, vector<16xf32>,
        %and3A_299 = arith.constant 65535 : i32
        %and3A_300 = vector.broadcast %and3A_299 : i32 to vector<16xi32>
        %and3A_301 = arith.andi %bitcast3A_256, %and3A_300 : vector<16xi32>
        %shift_right_logical3A_302 = arith.constant 7 : i32
        %shift_right_logical3A_303 = vector.broadcast %shift_right_logical3A_302 : i32 to vector<16xi32>
        %shift_right_logical3A_304 = arith.shrui %and3A_301, %shift_right_logical3A_303 : vector<16xi32>
        %and3A_305 = arith.constant 127 : i32
        %and3A_306 = vector.broadcast %and3A_305 : i32 to vector<16xi32>
        %and3A_307 = arith.andi %and3A_301, %and3A_306 : vector<16xi32>
        %eq3A_308 = arith.cmpi eq, %shift_right_logical3A_262, %get3A_4 : vector<16xi32>
        tpu.vector_store_idx %arg7[%shift_right_logical3A_304, %and3A_307], %broadcast_in_dim3A_1 masked %eq3A_308 {add = true} : memref<512x128xi32, #tpu.memory_space<vmem>>[vector<16xi32>, vector<16xi32>], vector<16xi32>, vector<16xi1>
        %and3A_309 = arith.constant 65535 : i32
        %and3A_310 = vector.broadcast %and3A_309 : i32 to vector<16xi32>
        %and3A_311 = arith.andi %bitcast3A_257, %and3A_310 : vector<16xi32>
        %shift_right_logical3A_312 = arith.constant 7 : i32
        %shift_right_logical3A_313 = vector.broadcast %shift_right_logical3A_312 : i32 to vector<16xi32>
        %shift_right_logical3A_314 = arith.shrui %and3A_311, %shift_right_logical3A_313 : vector<16xi32>
        %and3A_315 = arith.constant 127 : i32
        %and3A_316 = vector.broadcast %and3A_315 : i32 to vector<16xi32>
        %and3A_317 = arith.andi %and3A_311, %and3A_316 : vector<16xi32>
        %eq3A_318 = arith.cmpi eq, %shift_right_logical3A_265, %get3A_4 : vector<16xi32>
        tpu.vector_store_idx %arg7[%shift_right_logical3A_314, %and3A_317], %broadcast_in_dim3A_1 masked %eq3A_318 {add = true} : memref<512x128xi32, #tpu.memory_space<vmem>>[vector<16xi32>, vector<16xi32>], vector<16xi32>, vector<16xi1>
        %and3A_319 = arith.constant 65535 : i32
        %and3A_320 = vector.broadcast %and3A_319 : i32 to vector<16xi32>
        %and3A_321 = arith.andi %bitcast3A_258, %and3A_320 : vector<16xi32>
        %shift_right_logical3A_322 = arith.constant 7 : i32
        %shift_right_logical3A_323 = vector.broadcast %shift_right_logical3A_322 : i32 to vector<16xi32>
        %shift_right_logical3A_324 = arith.shrui %and3A_321, %shift_right_logical3A_323 : vector<16xi32>
        %and3A_325 = arith.constant 127 : i32
        %and3A_326 = vector.broadcast %and3A_325 : i32 to vector<16xi32>
        %and3A_327 = arith.andi %and3A_321, %and3A_326 : vector<16xi32>
        %eq3A_328 = arith.cmpi eq, %shift_right_logical3A_268, %get3A_4 : vector<16xi32>
        tpu.vector_store_idx %arg7[%shift_right_logical3A_324, %and3A_327], %broadcast_in_dim3A_1 masked %eq3A_328 {add = true} : memref<512x128xi32, #tpu.memory_space<vmem>>[vector<16xi32>, vector<16xi32>], vector<16xi32>, vector<16xi1>
        %and3A_329 = arith.constant 65535 : i32
        %and3A_330 = vector.broadcast %and3A_329 : i32 to vector<16xi32>
        %and3A_331 = arith.andi %bitcast3A_259, %and3A_330 : vector<16xi32>
        %shift_right_logical3A_332 = arith.constant 7 : i32
        %shift_right_logical3A_333 = vector.broadcast %shift_right_logical3A_332 : i32 to vector<16xi32>
        %shift_right_logical3A_334 = arith.shrui %and3A_331, %shift_right_logical3A_333 : vector<16xi32>
        %and3A_335 = arith.constant 127 : i32
        %and3A_336 = vector.broadcast %and3A_335 : i32 to vector<16xi32>
        %and3A_337 = arith.andi %and3A_331, %and3A_336 : vector<16xi32>
        %eq3A_338 = arith.cmpi eq, %shift_right_logical3A_271, %get3A_4 : vector<16xi32>
        tpu.vector_store_idx %arg7[%shift_right_logical3A_334, %and3A_337], %broadcast_in_dim3A_1 masked %eq3A_338 {add = true} : memref<512x128xi32, #tpu.memory_space<vmem>>[vector<16xi32>, vector<16xi32>], vector<16xi32>, vector<16xi1>
      }
      %scan3A_128 = arith.constant 8 : i32
    }
    %scan3A_34 = arith.constant 32 : i32
    %dma_wait3A_35 = arith.constant 0 : i32
    %dma_wait3A_36 = tpu.memref_slice %arg2[%add3A_22, %dma_wait3A_35] : memref<2048x512xf32, #tpu.memory_space<hbm>> -> memref<32x512xf32, #tpu.memory_space<hbm>>
    %dma_wait3A_37 = arith.constant 0 : i32
    %dma_wait3A_38 = tpu.memref_slice %arg2[%add3A_22, %dma_wait3A_37] : memref<2048x512xf32, #tpu.memory_space<hbm>> -> memref<32x512xf32, #tpu.memory_space<hbm>>
    tpu.wait_dma2 semaphore(%arg13 : memref<!tpu.dma_semaphore, #tpu.memory_space<semaphore_mem>>) src(%dma_wait3A_38 : memref<32x512xf32, #tpu.memory_space<hbm>>) dst(%arg11 : memref<32x512xf32, #tpu.memory_space<vmem>>)
    %scan3A_39 = arith.constant 0 : i32
    %scan3A_40 = arith.constant 32 : i32
    %scan3A_41 = arith.addi %scan3A_39, %scan3A_40 : i32
    %scan3A_42 = arith.constant 1 : i32
    scf.for %scan3A_119 = %scan3A_39 to %scan3A_41 step %scan3A_42  : i32 {
      %mul3A_120 = arith.constant 1 : i32
      %mul3A_121 = arith.muli %scan3A_119, %mul3A_120 : i32
      %add3A_122 = arith.constant 0 : i32
      %add3A_123 = arith.addi %add3A_122, %mul3A_121 : i32
      %scan3A_124 = arith.constant 0 : i32
      %scan3A_125 = arith.constant 8 : i32
      %scan3A_126 = arith.addi %scan3A_124, %scan3A_125 : i32
      %scan3A_127 = arith.constant 2 : i32
      scf.for %scan3A_129 = %scan3A_124 to %scan3A_126 step %scan3A_127  : i32 {
        %mul3A_130 = arith.constant 64 : i32
        %mul3A_131 = arith.muli %scan3A_129, %mul3A_130 : i32
        %add3A_132 = arith.constant 0 : i32
        %add3A_133 = arith.addi %add3A_132, %mul3A_131 : i32
        %add3A_134 = arith.constant 0 : i32
        %add3A_135 = arith.addi %add3A_133, %add3A_134 : i32
        %get3A_136 = arith.index_cast %add3A_123 : i32 to index
        %get3A_137 = arith.index_cast %add3A_135 : i32 to index
        %get3A_138 = tpu.vector_load %arg11[%get3A_136, %get3A_137] {strides = array<i32>} : memref<32x512xf32, #tpu.memory_space<vmem>>, vector<16xf32>,
        %add3A_139 = arith.constant 16 : i32
        %add3A_140 = arith.addi %add3A_133, %add3A_139 : i32
        %get3A_141 = arith.index_cast %add3A_123 : i32 to index
        %get3A_142 = arith.index_cast %add3A_140 : i32 to index
        %get3A_143 = tpu.vector_load %arg11[%get3A_141, %get3A_142] {strides = array<i32>} : memref<32x512xf32, #tpu.memory_space<vmem>>, vector<16xf32>,
        %add3A_144 = arith.constant 32 : i32
        %add3A_145 = arith.addi %add3A_133, %add3A_144 : i32
        %get3A_146 = arith.index_cast %add3A_123 : i32 to index
        %get3A_147 = arith.index_cast %add3A_145 : i32 to index
        %get3A_148 = tpu.vector_load %arg11[%get3A_146, %get3A_147] {strides = array<i32>} : memref<32x512xf32, #tpu.memory_space<vmem>>, vector<16xf32>,
        %add3A_149 = arith.constant 48 : i32
        %add3A_150 = arith.addi %add3A_133, %add3A_149 : i32
        %get3A_151 = arith.index_cast %add3A_123 : i32 to index
        %get3A_152 = arith.index_cast %add3A_150 : i32 to index
        %get3A_153 = tpu.vector_load %arg11[%get3A_151, %get3A_152] {strides = array<i32>} : memref<32x512xf32, #tpu.memory_space<vmem>>, vector<16xf32>,
        %bitcast3A = vector.bitcast %get3A_138 : vector<16xf32> to vector<16xi32>
        %bitcast3A_154 = vector.bitcast %get3A_143 : vector<16xf32> to vector<16xi32>
        %bitcast3A_155 = vector.bitcast %get3A_148 : vector<16xf32> to vector<16xi32>
        %bitcast3A_156 = vector.bitcast %get3A_153 : vector<16xf32> to vector<16xi32>
        %shift_right_logical3A = arith.constant 16 : i32
        %shift_right_logical3A_157 = vector.broadcast %shift_right_logical3A : i32 to vector<16xi32>
        %shift_right_logical3A_158 = arith.shrui %bitcast3A, %shift_right_logical3A_157 : vector<16xi32>
        %shift_right_logical3A_159 = arith.constant 16 : i32
        %shift_right_logical3A_160 = vector.broadcast %shift_right_logical3A_159 : i32 to vector<16xi32>
        %shift_right_logical3A_161 = arith.shrui %bitcast3A_154, %shift_right_logical3A_160 : vector<16xi32>
        %shift_right_logical3A_162 = arith.constant 16 : i32
        %shift_right_logical3A_163 = vector.broadcast %shift_right_logical3A_162 : i32 to vector<16xi32>
        %shift_right_logical3A_164 = arith.shrui %bitcast3A_155, %shift_right_logical3A_163 : vector<16xi32>
        %shift_right_logical3A_165 = arith.constant 16 : i32
        %shift_right_logical3A_166 = vector.broadcast %shift_right_logical3A_165 : i32 to vector<16xi32>
        %shift_right_logical3A_167 = arith.shrui %bitcast3A_156, %shift_right_logical3A_166 : vector<16xi32>
        %broadcast_in_dim3A_168 = arith.constant 0.000000e+00 : f32
        %broadcast_in_dim3A_169 = vector.broadcast %broadcast_in_dim3A_168 : f32 to vector<16xf32>
        %gt3A = arith.cmpi sgt, %shift_right_logical3A_158, %get3A_4 : vector<16xi32>
        %jit3A = arith.constant 0.000000e+00 : f32
        %broadcast_in_dim3A_170 = vector.broadcast %jit3A : f32 to vector<16xf32>
        %select_n3A = arith.select %gt3A, %get3A_138, %broadcast_in_dim3A_170 : vector<16xi1>, vector<16xf32>
        %add3A_171 = arith.addf %broadcast_in_dim3A_169, %select_n3A : vector<16xf32>
        %gt3A_172 = arith.cmpi sgt, %shift_right_logical3A_161, %get3A_4 : vector<16xi32>
        %jit3A_173 = arith.constant 0.000000e+00 : f32
        %broadcast_in_dim3A_174 = vector.broadcast %jit3A_173 : f32 to vector<16xf32>
        %select_n3A_175 = arith.select %gt3A_172, %get3A_143, %broadcast_in_dim3A_174 : vector<16xi1>, vector<16xf32>
        %add3A_176 = arith.addf %add3A_171, %select_n3A_175 : vector<16xf32>
        %gt3A_177 = arith.cmpi sgt, %shift_right_logical3A_164, %get3A_4 : vector<16xi32>
        %jit3A_178 = arith.constant 0.000000e+00 : f32
        %broadcast_in_dim3A_179 = vector.broadcast %jit3A_178 : f32 to vector<16xf32>
        %select_n3A_180 = arith.select %gt3A_177, %get3A_148, %broadcast_in_dim3A_179 : vector<16xi1>, vector<16xf32>
        %add3A_181 = arith.addf %add3A_176, %select_n3A_180 : vector<16xf32>
        %gt3A_182 = arith.cmpi sgt, %shift_right_logical3A_167, %get3A_4 : vector<16xi32>
        %jit3A_183 = arith.constant 0.000000e+00 : f32
        %broadcast_in_dim3A_184 = vector.broadcast %jit3A_183 : f32 to vector<16xf32>
        %select_n3A_185 = arith.select %gt3A_182, %get3A_153, %broadcast_in_dim3A_184 : vector<16xi1>, vector<16xf32>
        %add3A_186 = arith.addf %add3A_181, %select_n3A_185 : vector<16xf32>
        %get3A_187 = arith.constant 0 : index
        %get3A_188 = tpu.vector_load %arg8[%get3A_187] {strides = array<i32>} : memref<16xf32, #tpu.memory_space<vmem>>, vector<16xf32>,
        %add3A_189 = arith.addf %get3A_188, %add3A_186 : vector<16xf32>
        %swap3A_190 = arith.constant 0 : index
        %swap3A_191 = tpu.vector_load %arg8[%swap3A_190] {strides = array<i32>} : memref<16xf32, #tpu.memory_space<vmem>>, vector<16xf32>,
        tpu.vector_store %arg8[%swap3A_190], %add3A_189 {strides = array<i32>} : memref<16xf32, #tpu.memory_space<vmem>>, vector<16xf32>,
        %and3A = arith.constant 65535 : i32
        %and3A_192 = vector.broadcast %and3A : i32 to vector<16xi32>
        %and3A_193 = arith.andi %bitcast3A, %and3A_192 : vector<16xi32>
        %shift_right_logical3A_194 = arith.constant 7 : i32
        %shift_right_logical3A_195 = vector.broadcast %shift_right_logical3A_194 : i32 to vector<16xi32>
        %shift_right_logical3A_196 = arith.shrui %and3A_193, %shift_right_logical3A_195 : vector<16xi32>
        %and3A_197 = arith.constant 127 : i32
        %and3A_198 = vector.broadcast %and3A_197 : i32 to vector<16xi32>
        %and3A_199 = arith.andi %and3A_193, %and3A_198 : vector<16xi32>
        %eq3A = arith.cmpi eq, %shift_right_logical3A_158, %get3A_4 : vector<16xi32>
        tpu.vector_store_idx %arg7[%shift_right_logical3A_196, %and3A_199], %broadcast_in_dim3A_1 masked %eq3A {add = true} : memref<512x128xi32, #tpu.memory_space<vmem>>[vector<16xi32>, vector<16xi32>], vector<16xi32>, vector<16xi1>
        %and3A_200 = arith.constant 65535 : i32
        %and3A_201 = vector.broadcast %and3A_200 : i32 to vector<16xi32>
        %and3A_202 = arith.andi %bitcast3A_154, %and3A_201 : vector<16xi32>
        %shift_right_logical3A_203 = arith.constant 7 : i32
        %shift_right_logical3A_204 = vector.broadcast %shift_right_logical3A_203 : i32 to vector<16xi32>
        %shift_right_logical3A_205 = arith.shrui %and3A_202, %shift_right_logical3A_204 : vector<16xi32>
        %and3A_206 = arith.constant 127 : i32
        %and3A_207 = vector.broadcast %and3A_206 : i32 to vector<16xi32>
        %and3A_208 = arith.andi %and3A_202, %and3A_207 : vector<16xi32>
        %eq3A_209 = arith.cmpi eq, %shift_right_logical3A_161, %get3A_4 : vector<16xi32>
        tpu.vector_store_idx %arg7[%shift_right_logical3A_205, %and3A_208], %broadcast_in_dim3A_1 masked %eq3A_209 {add = true} : memref<512x128xi32, #tpu.memory_space<vmem>>[vector<16xi32>, vector<16xi32>], vector<16xi32>, vector<16xi1>
        %and3A_210 = arith.constant 65535 : i32
        %and3A_211 = vector.broadcast %and3A_210 : i32 to vector<16xi32>
        %and3A_212 = arith.andi %bitcast3A_155, %and3A_211 : vector<16xi32>
        %shift_right_logical3A_213 = arith.constant 7 : i32
        %shift_right_logical3A_214 = vector.broadcast %shift_right_logical3A_213 : i32 to vector<16xi32>
        %shift_right_logical3A_215 = arith.shrui %and3A_212, %shift_right_logical3A_214 : vector<16xi32>
        %and3A_216 = arith.constant 127 : i32
        %and3A_217 = vector.broadcast %and3A_216 : i32 to vector<16xi32>
        %and3A_218 = arith.andi %and3A_212, %and3A_217 : vector<16xi32>
        %eq3A_219 = arith.cmpi eq, %shift_right_logical3A_164, %get3A_4 : vector<16xi32>
        tpu.vector_store_idx %arg7[%shift_right_logical3A_215, %and3A_218], %broadcast_in_dim3A_1 masked %eq3A_219 {add = true} : memref<512x128xi32, #tpu.memory_space<vmem>>[vector<16xi32>, vector<16xi32>], vector<16xi32>, vector<16xi1>
        %and3A_220 = arith.constant 65535 : i32
        %and3A_221 = vector.broadcast %and3A_220 : i32 to vector<16xi32>
        %and3A_222 = arith.andi %bitcast3A_156, %and3A_221 : vector<16xi32>
        %shift_right_logical3A_223 = arith.constant 7 : i32
        %shift_right_logical3A_224 = vector.broadcast %shift_right_logical3A_223 : i32 to vector<16xi32>
        %shift_right_logical3A_225 = arith.shrui %and3A_222, %shift_right_logical3A_224 : vector<16xi32>
        %and3A_226 = arith.constant 127 : i32
        %and3A_227 = vector.broadcast %and3A_226 : i32 to vector<16xi32>
        %and3A_228 = arith.andi %and3A_222, %and3A_227 : vector<16xi32>
        %eq3A_229 = arith.cmpi eq, %shift_right_logical3A_167, %get3A_4 : vector<16xi32>
        tpu.vector_store_idx %arg7[%shift_right_logical3A_225, %and3A_228], %broadcast_in_dim3A_1 masked %eq3A_229 {add = true} : memref<512x128xi32, #tpu.memory_space<vmem>>[vector<16xi32>, vector<16xi32>], vector<16xi32>, vector<16xi1>
        %scan3A_230 = arith.constant 1 : i32
        %scan3A_231 = arith.addi %scan3A_129, %scan3A_230 : i32
        %mul3A_232 = arith.constant 64 : i32
        %mul3A_233 = arith.muli %scan3A_231, %mul3A_232 : i32
        %add3A_234 = arith.constant 0 : i32
        %add3A_235 = arith.addi %add3A_234, %mul3A_233 : i32
        %add3A_236 = arith.constant 0 : i32
        %add3A_237 = arith.addi %add3A_235, %add3A_236 : i32
        %get3A_238 = arith.index_cast %add3A_123 : i32 to index
        %get3A_239 = arith.index_cast %add3A_237 : i32 to index
        %get3A_240 = tpu.vector_load %arg11[%get3A_238, %get3A_239] {strides = array<i32>} : memref<32x512xf32, #tpu.memory_space<vmem>>, vector<16xf32>,
        %add3A_241 = arith.constant 16 : i32
        %add3A_242 = arith.addi %add3A_235, %add3A_241 : i32
        %get3A_243 = arith.index_cast %add3A_123 : i32 to index
        %get3A_244 = arith.index_cast %add3A_242 : i32 to index
        %get3A_245 = tpu.vector_load %arg11[%get3A_243, %get3A_244] {strides = array<i32>} : memref<32x512xf32, #tpu.memory_space<vmem>>, vector<16xf32>,
        %add3A_246 = arith.constant 32 : i32
        %add3A_247 = arith.addi %add3A_235, %add3A_246 : i32
        %get3A_248 = arith.index_cast %add3A_123 : i32 to index
        %get3A_249 = arith.index_cast %add3A_247 : i32 to index
        %get3A_250 = tpu.vector_load %arg11[%get3A_248, %get3A_249] {strides = array<i32>} : memref<32x512xf32, #tpu.memory_space<vmem>>, vector<16xf32>,
        %add3A_251 = arith.constant 48 : i32
        %add3A_252 = arith.addi %add3A_235, %add3A_251 : i32
        %get3A_253 = arith.index_cast %add3A_123 : i32 to index
        %get3A_254 = arith.index_cast %add3A_252 : i32 to index
        %get3A_255 = tpu.vector_load %arg11[%get3A_253, %get3A_254] {strides = array<i32>} : memref<32x512xf32, #tpu.memory_space<vmem>>, vector<16xf32>,
        %bitcast3A_256 = vector.bitcast %get3A_240 : vector<16xf32> to vector<16xi32>
        %bitcast3A_257 = vector.bitcast %get3A_245 : vector<16xf32> to vector<16xi32>
        %bitcast3A_258 = vector.bitcast %get3A_250 : vector<16xf32> to vector<16xi32>
        %bitcast3A_259 = vector.bitcast %get3A_255 : vector<16xf32> to vector<16xi32>
        %shift_right_logical3A_260 = arith.constant 16 : i32
        %shift_right_logical3A_261 = vector.broadcast %shift_right_logical3A_260 : i32 to vector<16xi32>
        %shift_right_logical3A_262 = arith.shrui %bitcast3A_256, %shift_right_logical3A_261 : vector<16xi32>
        %shift_right_logical3A_263 = arith.constant 16 : i32
        %shift_right_logical3A_264 = vector.broadcast %shift_right_logical3A_263 : i32 to vector<16xi32>
        %shift_right_logical3A_265 = arith.shrui %bitcast3A_257, %shift_right_logical3A_264 : vector<16xi32>
        %shift_right_logical3A_266 = arith.constant 16 : i32
        %shift_right_logical3A_267 = vector.broadcast %shift_right_logical3A_266 : i32 to vector<16xi32>
        %shift_right_logical3A_268 = arith.shrui %bitcast3A_258, %shift_right_logical3A_267 : vector<16xi32>
        %shift_right_logical3A_269 = arith.constant 16 : i32
        %shift_right_logical3A_270 = vector.broadcast %shift_right_logical3A_269 : i32 to vector<16xi32>
        %shift_right_logical3A_271 = arith.shrui %bitcast3A_259, %shift_right_logical3A_270 : vector<16xi32>
        %broadcast_in_dim3A_272 = arith.constant 0.000000e+00 : f32
        %broadcast_in_dim3A_273 = vector.broadcast %broadcast_in_dim3A_272 : f32 to vector<16xf32>
        %gt3A_274 = arith.cmpi sgt, %shift_right_logical3A_262, %get3A_4 : vector<16xi32>
        %jit3A_275 = arith.constant 0.000000e+00 : f32
        %broadcast_in_dim3A_276 = vector.broadcast %jit3A_275 : f32 to vector<16xf32>
        %select_n3A_277 = arith.select %gt3A_274, %get3A_240, %broadcast_in_dim3A_276 : vector<16xi1>, vector<16xf32>
        %add3A_278 = arith.addf %broadcast_in_dim3A_273, %select_n3A_277 : vector<16xf32>
        %gt3A_279 = arith.cmpi sgt, %shift_right_logical3A_265, %get3A_4 : vector<16xi32>
        %jit3A_280 = arith.constant 0.000000e+00 : f32
        %broadcast_in_dim3A_281 = vector.broadcast %jit3A_280 : f32 to vector<16xf32>
        %select_n3A_282 = arith.select %gt3A_279, %get3A_245, %broadcast_in_dim3A_281 : vector<16xi1>, vector<16xf32>
        %add3A_283 = arith.addf %add3A_278, %select_n3A_282 : vector<16xf32>
        %gt3A_284 = arith.cmpi sgt, %shift_right_logical3A_268, %get3A_4 : vector<16xi32>
        %jit3A_285 = arith.constant 0.000000e+00 : f32
        %broadcast_in_dim3A_286 = vector.broadcast %jit3A_285 : f32 to vector<16xf32>
        %select_n3A_287 = arith.select %gt3A_284, %get3A_250, %broadcast_in_dim3A_286 : vector<16xi1>, vector<16xf32>
        %add3A_288 = arith.addf %add3A_283, %select_n3A_287 : vector<16xf32>
        %gt3A_289 = arith.cmpi sgt, %shift_right_logical3A_271, %get3A_4 : vector<16xi32>
        %jit3A_290 = arith.constant 0.000000e+00 : f32
        %broadcast_in_dim3A_291 = vector.broadcast %jit3A_290 : f32 to vector<16xf32>
        %select_n3A_292 = arith.select %gt3A_289, %get3A_255, %broadcast_in_dim3A_291 : vector<16xi1>, vector<16xf32>
        %add3A_293 = arith.addf %add3A_288, %select_n3A_292 : vector<16xf32>
        %get3A_294 = arith.constant 0 : index
        %get3A_295 = tpu.vector_load %arg8[%get3A_294] {strides = array<i32>} : memref<16xf32, #tpu.memory_space<vmem>>, vector<16xf32>,
        %add3A_296 = arith.addf %get3A_295, %add3A_293 : vector<16xf32>
        %swap3A_297 = arith.constant 0 : index
        %swap3A_298 = tpu.vector_load %arg8[%swap3A_297] {strides = array<i32>} : memref<16xf32, #tpu.memory_space<vmem>>, vector<16xf32>,
        tpu.vector_store %arg8[%swap3A_297], %add3A_296 {strides = array<i32>} : memref<16xf32, #tpu.memory_space<vmem>>, vector<16xf32>,
        %and3A_299 = arith.constant 65535 : i32
        %and3A_300 = vector.broadcast %and3A_299 : i32 to vector<16xi32>
        %and3A_301 = arith.andi %bitcast3A_256, %and3A_300 : vector<16xi32>
        %shift_right_logical3A_302 = arith.constant 7 : i32
        %shift_right_logical3A_303 = vector.broadcast %shift_right_logical3A_302 : i32 to vector<16xi32>
        %shift_right_logical3A_304 = arith.shrui %and3A_301, %shift_right_logical3A_303 : vector<16xi32>
        %and3A_305 = arith.constant 127 : i32
        %and3A_306 = vector.broadcast %and3A_305 : i32 to vector<16xi32>
        %and3A_307 = arith.andi %and3A_301, %and3A_306 : vector<16xi32>
        %eq3A_308 = arith.cmpi eq, %shift_right_logical3A_262, %get3A_4 : vector<16xi32>
        tpu.vector_store_idx %arg7[%shift_right_logical3A_304, %and3A_307], %broadcast_in_dim3A_1 masked %eq3A_308 {add = true} : memref<512x128xi32, #tpu.memory_space<vmem>>[vector<16xi32>, vector<16xi32>], vector<16xi32>, vector<16xi1>
        %and3A_309 = arith.constant 65535 : i32
        %and3A_310 = vector.broadcast %and3A_309 : i32 to vector<16xi32>
        %and3A_311 = arith.andi %bitcast3A_257, %and3A_310 : vector<16xi32>
        %shift_right_logical3A_312 = arith.constant 7 : i32
        %shift_right_logical3A_313 = vector.broadcast %shift_right_logical3A_312 : i32 to vector<16xi32>
        %shift_right_logical3A_314 = arith.shrui %and3A_311, %shift_right_logical3A_313 : vector<16xi32>
        %and3A_315 = arith.constant 127 : i32
        %and3A_316 = vector.broadcast %and3A_315 : i32 to vector<16xi32>
        %and3A_317 = arith.andi %and3A_311, %and3A_316 : vector<16xi32>
        %eq3A_318 = arith.cmpi eq, %shift_right_logical3A_265, %get3A_4 : vector<16xi32>
        tpu.vector_store_idx %arg7[%shift_right_logical3A_314, %and3A_317], %broadcast_in_dim3A_1 masked %eq3A_318 {add = true} : memref<512x128xi32, #tpu.memory_space<vmem>>[vector<16xi32>, vector<16xi32>], vector<16xi32>, vector<16xi1>
        %and3A_319 = arith.constant 65535 : i32
        %and3A_320 = vector.broadcast %and3A_319 : i32 to vector<16xi32>
        %and3A_321 = arith.andi %bitcast3A_258, %and3A_320 : vector<16xi32>
        %shift_right_logical3A_322 = arith.constant 7 : i32
        %shift_right_logical3A_323 = vector.broadcast %shift_right_logical3A_322 : i32 to vector<16xi32>
        %shift_right_logical3A_324 = arith.shrui %and3A_321, %shift_right_logical3A_323 : vector<16xi32>
        %and3A_325 = arith.constant 127 : i32
        %and3A_326 = vector.broadcast %and3A_325 : i32 to vector<16xi32>
        %and3A_327 = arith.andi %and3A_321, %and3A_326 : vector<16xi32>
        %eq3A_328 = arith.cmpi eq, %shift_right_logical3A_268, %get3A_4 : vector<16xi32>
        tpu.vector_store_idx %arg7[%shift_right_logical3A_324, %and3A_327], %broadcast_in_dim3A_1 masked %eq3A_328 {add = true} : memref<512x128xi32, #tpu.memory_space<vmem>>[vector<16xi32>, vector<16xi32>], vector<16xi32>, vector<16xi1>
        %and3A_329 = arith.constant 65535 : i32
        %and3A_330 = vector.broadcast %and3A_329 : i32 to vector<16xi32>
        %and3A_331 = arith.andi %bitcast3A_259, %and3A_330 : vector<16xi32>
        %shift_right_logical3A_332 = arith.constant 7 : i32
        %shift_right_logical3A_333 = vector.broadcast %shift_right_logical3A_332 : i32 to vector<16xi32>
        %shift_right_logical3A_334 = arith.shrui %and3A_331, %shift_right_logical3A_333 : vector<16xi32>
        %and3A_335 = arith.constant 127 : i32
        %and3A_336 = vector.broadcast %and3A_335 : i32 to vector<16xi32>
        %and3A_337 = arith.andi %and3A_331, %and3A_336 : vector<16xi32>
        %eq3A_338 = arith.cmpi eq, %shift_right_logical3A_271, %get3A_4 : vector<16xi32>
        tpu.vector_store_idx %arg7[%shift_right_logical3A_334, %and3A_337], %broadcast_in_dim3A_1 masked %eq3A_338 {add = true} : memref<512x128xi32, #tpu.memory_space<vmem>>[vector<16xi32>, vector<16xi32>], vector<16xi32>, vector<16xi1>
      }
      %scan3A_128 = arith.constant 8 : i32
    }
    %scan3A_43 = arith.constant 32 : i32
    %mul3A_44 = arith.constant 64 : i32
    %mul3A_45 = arith.muli %add3A, %mul3A_44 : i32
    %add3A_46 = arith.constant 0 : i32
    %add3A_47 = arith.addi %mul3A_45, %add3A_46 : i32
    %dma_start3A_48 = arith.constant 0 : i32
    %dma_start3A_49 = tpu.memref_slice %arg3[%add3A_47, %dma_start3A_48] : memref<2048x512xf32, #tpu.memory_space<hbm>> -> memref<32x512xf32, #tpu.memory_space<hbm>>
    %dma_start3A_50 = arith.constant 0 : i32
    %dma_start3A_51 = tpu.memref_slice %arg3[%add3A_47, %dma_start3A_50] : memref<2048x512xf32, #tpu.memory_space<hbm>> -> memref<32x512xf32, #tpu.memory_space<hbm>>
    tpu.enqueue_dma source(%dma_start3A_51 : memref<32x512xf32, #tpu.memory_space<hbm>>) target(%arg10 : memref<32x512xf32, #tpu.memory_space<vmem>>) target_semaphore(%arg13 : memref<!tpu.dma_semaphore, #tpu.memory_space<semaphore_mem>>)
    %add3A_52 = arith.constant 32 : i32
    %add3A_53 = arith.addi %mul3A_45, %add3A_52 : i32
    %dma_start3A_54 = arith.constant 0 : i32
    %dma_start3A_55 = tpu.memref_slice %arg3[%add3A_53, %dma_start3A_54] : memref<2048x512xf32, #tpu.memory_space<hbm>> -> memref<32x512xf32, #tpu.memory_space<hbm>>
    %dma_start3A_56 = arith.constant 0 : i32
    %dma_start3A_57 = tpu.memref_slice %arg3[%add3A_53, %dma_start3A_56] : memref<2048x512xf32, #tpu.memory_space<hbm>> -> memref<32x512xf32, #tpu.memory_space<hbm>>
    tpu.enqueue_dma source(%dma_start3A_57 : memref<32x512xf32, #tpu.memory_space<hbm>>) target(%arg11 : memref<32x512xf32, #tpu.memory_space<vmem>>) target_semaphore(%arg13 : memref<!tpu.dma_semaphore, #tpu.memory_space<semaphore_mem>>)
    %dma_wait3A_58 = arith.constant 0 : i32
    %dma_wait3A_59 = tpu.memref_slice %arg3[%add3A_47, %dma_wait3A_58] : memref<2048x512xf32, #tpu.memory_space<hbm>> -> memref<32x512xf32, #tpu.memory_space<hbm>>
    %dma_wait3A_60 = arith.constant 0 : i32
    %dma_wait3A_61 = tpu.memref_slice %arg3[%add3A_47, %dma_wait3A_60] : memref<2048x512xf32, #tpu.memory_space<hbm>> -> memref<32x512xf32, #tpu.memory_space<hbm>>
    tpu.wait_dma2 semaphore(%arg13 : memref<!tpu.dma_semaphore, #tpu.memory_space<semaphore_mem>>) src(%dma_wait3A_61 : memref<32x512xf32, #tpu.memory_space<hbm>>) dst(%arg10 : memref<32x512xf32, #tpu.memory_space<vmem>>)
    %scan3A_62 = arith.constant 0 : i32
    %scan3A_63 = arith.constant 32 : i32
    %scan3A_64 = arith.addi %scan3A_62, %scan3A_63 : i32
    %scan3A_65 = arith.constant 1 : i32
    scf.for %scan3A_119 = %scan3A_62 to %scan3A_64 step %scan3A_65  : i32 {
      %mul3A_120 = arith.constant 1 : i32
      %mul3A_121 = arith.muli %scan3A_119, %mul3A_120 : i32
      %add3A_122 = arith.constant 0 : i32
      %add3A_123 = arith.addi %add3A_122, %mul3A_121 : i32
      %scan3A_124 = arith.constant 0 : i32
      %scan3A_125 = arith.constant 8 : i32
      %scan3A_126 = arith.addi %scan3A_124, %scan3A_125 : i32
      %scan3A_127 = arith.constant 2 : i32
      scf.for %scan3A_129 = %scan3A_124 to %scan3A_126 step %scan3A_127  : i32 {
        %mul3A_130 = arith.constant 64 : i32
        %mul3A_131 = arith.muli %scan3A_129, %mul3A_130 : i32
        %add3A_132 = arith.constant 0 : i32
        %add3A_133 = arith.addi %add3A_132, %mul3A_131 : i32
        %add3A_134 = arith.constant 0 : i32
        %add3A_135 = arith.addi %add3A_133, %add3A_134 : i32
        %get3A_136 = arith.index_cast %add3A_123 : i32 to index
        %get3A_137 = arith.index_cast %add3A_135 : i32 to index
        %get3A_138 = tpu.vector_load %arg10[%get3A_136, %get3A_137] {strides = array<i32>} : memref<32x512xf32, #tpu.memory_space<vmem>>, vector<16xf32>,
        %add3A_139 = arith.constant 16 : i32
        %add3A_140 = arith.addi %add3A_133, %add3A_139 : i32
        %get3A_141 = arith.index_cast %add3A_123 : i32 to index
        %get3A_142 = arith.index_cast %add3A_140 : i32 to index
        %get3A_143 = tpu.vector_load %arg10[%get3A_141, %get3A_142] {strides = array<i32>} : memref<32x512xf32, #tpu.memory_space<vmem>>, vector<16xf32>,
        %add3A_144 = arith.constant 32 : i32
        %add3A_145 = arith.addi %add3A_133, %add3A_144 : i32
        %get3A_146 = arith.index_cast %add3A_123 : i32 to index
        %get3A_147 = arith.index_cast %add3A_145 : i32 to index
        %get3A_148 = tpu.vector_load %arg10[%get3A_146, %get3A_147] {strides = array<i32>} : memref<32x512xf32, #tpu.memory_space<vmem>>, vector<16xf32>,
        %add3A_149 = arith.constant 48 : i32
        %add3A_150 = arith.addi %add3A_133, %add3A_149 : i32
        %get3A_151 = arith.index_cast %add3A_123 : i32 to index
        %get3A_152 = arith.index_cast %add3A_150 : i32 to index
        %get3A_153 = tpu.vector_load %arg10[%get3A_151, %get3A_152] {strides = array<i32>} : memref<32x512xf32, #tpu.memory_space<vmem>>, vector<16xf32>,
        %bitcast3A = vector.bitcast %get3A_138 : vector<16xf32> to vector<16xi32>
        %bitcast3A_154 = vector.bitcast %get3A_143 : vector<16xf32> to vector<16xi32>
        %bitcast3A_155 = vector.bitcast %get3A_148 : vector<16xf32> to vector<16xi32>
        %bitcast3A_156 = vector.bitcast %get3A_153 : vector<16xf32> to vector<16xi32>
        %shift_right_logical3A = arith.constant 16 : i32
        %shift_right_logical3A_157 = vector.broadcast %shift_right_logical3A : i32 to vector<16xi32>
        %shift_right_logical3A_158 = arith.shrui %bitcast3A, %shift_right_logical3A_157 : vector<16xi32>
        %shift_right_logical3A_159 = arith.constant 16 : i32
        %shift_right_logical3A_160 = vector.broadcast %shift_right_logical3A_159 : i32 to vector<16xi32>
        %shift_right_logical3A_161 = arith.shrui %bitcast3A_154, %shift_right_logical3A_160 : vector<16xi32>
        %shift_right_logical3A_162 = arith.constant 16 : i32
        %shift_right_logical3A_163 = vector.broadcast %shift_right_logical3A_162 : i32 to vector<16xi32>
        %shift_right_logical3A_164 = arith.shrui %bitcast3A_155, %shift_right_logical3A_163 : vector<16xi32>
        %shift_right_logical3A_165 = arith.constant 16 : i32
        %shift_right_logical3A_166 = vector.broadcast %shift_right_logical3A_165 : i32 to vector<16xi32>
        %shift_right_logical3A_167 = arith.shrui %bitcast3A_156, %shift_right_logical3A_166 : vector<16xi32>
        %broadcast_in_dim3A_168 = arith.constant 0.000000e+00 : f32
        %broadcast_in_dim3A_169 = vector.broadcast %broadcast_in_dim3A_168 : f32 to vector<16xf32>
        %gt3A = arith.cmpi sgt, %shift_right_logical3A_158, %get3A_4 : vector<16xi32>
        %jit3A = arith.constant 0.000000e+00 : f32
        %broadcast_in_dim3A_170 = vector.broadcast %jit3A : f32 to vector<16xf32>
        %select_n3A = arith.select %gt3A, %get3A_138, %broadcast_in_dim3A_170 : vector<16xi1>, vector<16xf32>
        %add3A_171 = arith.addf %broadcast_in_dim3A_169, %select_n3A : vector<16xf32>
        %gt3A_172 = arith.cmpi sgt, %shift_right_logical3A_161, %get3A_4 : vector<16xi32>
        %jit3A_173 = arith.constant 0.000000e+00 : f32
        %broadcast_in_dim3A_174 = vector.broadcast %jit3A_173 : f32 to vector<16xf32>
        %select_n3A_175 = arith.select %gt3A_172, %get3A_143, %broadcast_in_dim3A_174 : vector<16xi1>, vector<16xf32>
        %add3A_176 = arith.addf %add3A_171, %select_n3A_175 : vector<16xf32>
        %gt3A_177 = arith.cmpi sgt, %shift_right_logical3A_164, %get3A_4 : vector<16xi32>
        %jit3A_178 = arith.constant 0.000000e+00 : f32
        %broadcast_in_dim3A_179 = vector.broadcast %jit3A_178 : f32 to vector<16xf32>
        %select_n3A_180 = arith.select %gt3A_177, %get3A_148, %broadcast_in_dim3A_179 : vector<16xi1>, vector<16xf32>
        %add3A_181 = arith.addf %add3A_176, %select_n3A_180 : vector<16xf32>
        %gt3A_182 = arith.cmpi sgt, %shift_right_logical3A_167, %get3A_4 : vector<16xi32>
        %jit3A_183 = arith.constant 0.000000e+00 : f32
        %broadcast_in_dim3A_184 = vector.broadcast %jit3A_183 : f32 to vector<16xf32>
        %select_n3A_185 = arith.select %gt3A_182, %get3A_153, %broadcast_in_dim3A_184 : vector<16xi1>, vector<16xf32>
        %add3A_186 = arith.addf %add3A_181, %select_n3A_185 : vector<16xf32>
        %get3A_187 = arith.constant 0 : index
        %get3A_188 = tpu.vector_load %arg8[%get3A_187] {strides = array<i32>} : memref<16xf32, #tpu.memory_space<vmem>>, vector<16xf32>,
        %add3A_189 = arith.addf %get3A_188, %add3A_186 : vector<16xf32>
        %swap3A_190 = arith.constant 0 : index
        %swap3A_191 = tpu.vector_load %arg8[%swap3A_190] {strides = array<i32>} : memref<16xf32, #tpu.memory_space<vmem>>, vector<16xf32>,
        tpu.vector_store %arg8[%swap3A_190], %add3A_189 {strides = array<i32>} : memref<16xf32, #tpu.memory_space<vmem>>, vector<16xf32>,
        %and3A = arith.constant 65535 : i32
        %and3A_192 = vector.broadcast %and3A : i32 to vector<16xi32>
        %and3A_193 = arith.andi %bitcast3A, %and3A_192 : vector<16xi32>
        %shift_right_logical3A_194 = arith.constant 7 : i32
        %shift_right_logical3A_195 = vector.broadcast %shift_right_logical3A_194 : i32 to vector<16xi32>
        %shift_right_logical3A_196 = arith.shrui %and3A_193, %shift_right_logical3A_195 : vector<16xi32>
        %and3A_197 = arith.constant 127 : i32
        %and3A_198 = vector.broadcast %and3A_197 : i32 to vector<16xi32>
        %and3A_199 = arith.andi %and3A_193, %and3A_198 : vector<16xi32>
        %eq3A = arith.cmpi eq, %shift_right_logical3A_158, %get3A_4 : vector<16xi32>
        tpu.vector_store_idx %arg7[%shift_right_logical3A_196, %and3A_199], %broadcast_in_dim3A_1 masked %eq3A {add = true} : memref<512x128xi32, #tpu.memory_space<vmem>>[vector<16xi32>, vector<16xi32>], vector<16xi32>, vector<16xi1>
        %and3A_200 = arith.constant 65535 : i32
        %and3A_201 = vector.broadcast %and3A_200 : i32 to vector<16xi32>
        %and3A_202 = arith.andi %bitcast3A_154, %and3A_201 : vector<16xi32>
        %shift_right_logical3A_203 = arith.constant 7 : i32
        %shift_right_logical3A_204 = vector.broadcast %shift_right_logical3A_203 : i32 to vector<16xi32>
        %shift_right_logical3A_205 = arith.shrui %and3A_202, %shift_right_logical3A_204 : vector<16xi32>
        %and3A_206 = arith.constant 127 : i32
        %and3A_207 = vector.broadcast %and3A_206 : i32 to vector<16xi32>
        %and3A_208 = arith.andi %and3A_202, %and3A_207 : vector<16xi32>
        %eq3A_209 = arith.cmpi eq, %shift_right_logical3A_161, %get3A_4 : vector<16xi32>
        tpu.vector_store_idx %arg7[%shift_right_logical3A_205, %and3A_208], %broadcast_in_dim3A_1 masked %eq3A_209 {add = true} : memref<512x128xi32, #tpu.memory_space<vmem>>[vector<16xi32>, vector<16xi32>], vector<16xi32>, vector<16xi1>
        %and3A_210 = arith.constant 65535 : i32
        %and3A_211 = vector.broadcast %and3A_210 : i32 to vector<16xi32>
        %and3A_212 = arith.andi %bitcast3A_155, %and3A_211 : vector<16xi32>
        %shift_right_logical3A_213 = arith.constant 7 : i32
        %shift_right_logical3A_214 = vector.broadcast %shift_right_logical3A_213 : i32 to vector<16xi32>
        %shift_right_logical3A_215 = arith.shrui %and3A_212, %shift_right_logical3A_214 : vector<16xi32>
        %and3A_216 = arith.constant 127 : i32
        %and3A_217 = vector.broadcast %and3A_216 : i32 to vector<16xi32>
        %and3A_218 = arith.andi %and3A_212, %and3A_217 : vector<16xi32>
        %eq3A_219 = arith.cmpi eq, %shift_right_logical3A_164, %get3A_4 : vector<16xi32>
        tpu.vector_store_idx %arg7[%shift_right_logical3A_215, %and3A_218], %broadcast_in_dim3A_1 masked %eq3A_219 {add = true} : memref<512x128xi32, #tpu.memory_space<vmem>>[vector<16xi32>, vector<16xi32>], vector<16xi32>, vector<16xi1>
        %and3A_220 = arith.constant 65535 : i32
        %and3A_221 = vector.broadcast %and3A_220 : i32 to vector<16xi32>
        %and3A_222 = arith.andi %bitcast3A_156, %and3A_221 : vector<16xi32>
        %shift_right_logical3A_223 = arith.constant 7 : i32
        %shift_right_logical3A_224 = vector.broadcast %shift_right_logical3A_223 : i32 to vector<16xi32>
        %shift_right_logical3A_225 = arith.shrui %and3A_222, %shift_right_logical3A_224 : vector<16xi32>
        %and3A_226 = arith.constant 127 : i32
        %and3A_227 = vector.broadcast %and3A_226 : i32 to vector<16xi32>
        %and3A_228 = arith.andi %and3A_222, %and3A_227 : vector<16xi32>
        %eq3A_229 = arith.cmpi eq, %shift_right_logical3A_167, %get3A_4 : vector<16xi32>
        tpu.vector_store_idx %arg7[%shift_right_logical3A_225, %and3A_228], %broadcast_in_dim3A_1 masked %eq3A_229 {add = true} : memref<512x128xi32, #tpu.memory_space<vmem>>[vector<16xi32>, vector<16xi32>], vector<16xi32>, vector<16xi1>
        %scan3A_230 = arith.constant 1 : i32
        %scan3A_231 = arith.addi %scan3A_129, %scan3A_230 : i32
        %mul3A_232 = arith.constant 64 : i32
        %mul3A_233 = arith.muli %scan3A_231, %mul3A_232 : i32
        %add3A_234 = arith.constant 0 : i32
        %add3A_235 = arith.addi %add3A_234, %mul3A_233 : i32
        %add3A_236 = arith.constant 0 : i32
        %add3A_237 = arith.addi %add3A_235, %add3A_236 : i32
        %get3A_238 = arith.index_cast %add3A_123 : i32 to index
        %get3A_239 = arith.index_cast %add3A_237 : i32 to index
        %get3A_240 = tpu.vector_load %arg10[%get3A_238, %get3A_239] {strides = array<i32>} : memref<32x512xf32, #tpu.memory_space<vmem>>, vector<16xf32>,
        %add3A_241 = arith.constant 16 : i32
        %add3A_242 = arith.addi %add3A_235, %add3A_241 : i32
        %get3A_243 = arith.index_cast %add3A_123 : i32 to index
        %get3A_244 = arith.index_cast %add3A_242 : i32 to index
        %get3A_245 = tpu.vector_load %arg10[%get3A_243, %get3A_244] {strides = array<i32>} : memref<32x512xf32, #tpu.memory_space<vmem>>, vector<16xf32>,
        %add3A_246 = arith.constant 32 : i32
        %add3A_247 = arith.addi %add3A_235, %add3A_246 : i32
        %get3A_248 = arith.index_cast %add3A_123 : i32 to index
        %get3A_249 = arith.index_cast %add3A_247 : i32 to index
        %get3A_250 = tpu.vector_load %arg10[%get3A_248, %get3A_249] {strides = array<i32>} : memref<32x512xf32, #tpu.memory_space<vmem>>, vector<16xf32>,
        %add3A_251 = arith.constant 48 : i32
        %add3A_252 = arith.addi %add3A_235, %add3A_251 : i32
        %get3A_253 = arith.index_cast %add3A_123 : i32 to index
        %get3A_254 = arith.index_cast %add3A_252 : i32 to index
        %get3A_255 = tpu.vector_load %arg10[%get3A_253, %get3A_254] {strides = array<i32>} : memref<32x512xf32, #tpu.memory_space<vmem>>, vector<16xf32>,
        %bitcast3A_256 = vector.bitcast %get3A_240 : vector<16xf32> to vector<16xi32>
        %bitcast3A_257 = vector.bitcast %get3A_245 : vector<16xf32> to vector<16xi32>
        %bitcast3A_258 = vector.bitcast %get3A_250 : vector<16xf32> to vector<16xi32>
        %bitcast3A_259 = vector.bitcast %get3A_255 : vector<16xf32> to vector<16xi32>
        %shift_right_logical3A_260 = arith.constant 16 : i32
        %shift_right_logical3A_261 = vector.broadcast %shift_right_logical3A_260 : i32 to vector<16xi32>
        %shift_right_logical3A_262 = arith.shrui %bitcast3A_256, %shift_right_logical3A_261 : vector<16xi32>
        %shift_right_logical3A_263 = arith.constant 16 : i32
        %shift_right_logical3A_264 = vector.broadcast %shift_right_logical3A_263 : i32 to vector<16xi32>
        %shift_right_logical3A_265 = arith.shrui %bitcast3A_257, %shift_right_logical3A_264 : vector<16xi32>
        %shift_right_logical3A_266 = arith.constant 16 : i32
        %shift_right_logical3A_267 = vector.broadcast %shift_right_logical3A_266 : i32 to vector<16xi32>
        %shift_right_logical3A_268 = arith.shrui %bitcast3A_258, %shift_right_logical3A_267 : vector<16xi32>
        %shift_right_logical3A_269 = arith.constant 16 : i32
        %shift_right_logical3A_270 = vector.broadcast %shift_right_logical3A_269 : i32 to vector<16xi32>
        %shift_right_logical3A_271 = arith.shrui %bitcast3A_259, %shift_right_logical3A_270 : vector<16xi32>
        %broadcast_in_dim3A_272 = arith.constant 0.000000e+00 : f32
        %broadcast_in_dim3A_273 = vector.broadcast %broadcast_in_dim3A_272 : f32 to vector<16xf32>
        %gt3A_274 = arith.cmpi sgt, %shift_right_logical3A_262, %get3A_4 : vector<16xi32>
        %jit3A_275 = arith.constant 0.000000e+00 : f32
        %broadcast_in_dim3A_276 = vector.broadcast %jit3A_275 : f32 to vector<16xf32>
        %select_n3A_277 = arith.select %gt3A_274, %get3A_240, %broadcast_in_dim3A_276 : vector<16xi1>, vector<16xf32>
        %add3A_278 = arith.addf %broadcast_in_dim3A_273, %select_n3A_277 : vector<16xf32>
        %gt3A_279 = arith.cmpi sgt, %shift_right_logical3A_265, %get3A_4 : vector<16xi32>
        %jit3A_280 = arith.constant 0.000000e+00 : f32
        %broadcast_in_dim3A_281 = vector.broadcast %jit3A_280 : f32 to vector<16xf32>
        %select_n3A_282 = arith.select %gt3A_279, %get3A_245, %broadcast_in_dim3A_281 : vector<16xi1>, vector<16xf32>
        %add3A_283 = arith.addf %add3A_278, %select_n3A_282 : vector<16xf32>
        %gt3A_284 = arith.cmpi sgt, %shift_right_logical3A_268, %get3A_4 : vector<16xi32>
        %jit3A_285 = arith.constant 0.000000e+00 : f32
        %broadcast_in_dim3A_286 = vector.broadcast %jit3A_285 : f32 to vector<16xf32>
        %select_n3A_287 = arith.select %gt3A_284, %get3A_250, %broadcast_in_dim3A_286 : vector<16xi1>, vector<16xf32>
        %add3A_288 = arith.addf %add3A_283, %select_n3A_287 : vector<16xf32>
        %gt3A_289 = arith.cmpi sgt, %shift_right_logical3A_271, %get3A_4 : vector<16xi32>
        %jit3A_290 = arith.constant 0.000000e+00 : f32
        %broadcast_in_dim3A_291 = vector.broadcast %jit3A_290 : f32 to vector<16xf32>
        %select_n3A_292 = arith.select %gt3A_289, %get3A_255, %broadcast_in_dim3A_291 : vector<16xi1>, vector<16xf32>
        %add3A_293 = arith.addf %add3A_288, %select_n3A_292 : vector<16xf32>
        %get3A_294 = arith.constant 0 : index
        %get3A_295 = tpu.vector_load %arg8[%get3A_294] {strides = array<i32>} : memref<16xf32, #tpu.memory_space<vmem>>, vector<16xf32>,
        %add3A_296 = arith.addf %get3A_295, %add3A_293 : vector<16xf32>
        %swap3A_297 = arith.constant 0 : index
        %swap3A_298 = tpu.vector_load %arg8[%swap3A_297] {strides = array<i32>} : memref<16xf32, #tpu.memory_space<vmem>>, vector<16xf32>,
        tpu.vector_store %arg8[%swap3A_297], %add3A_296 {strides = array<i32>} : memref<16xf32, #tpu.memory_space<vmem>>, vector<16xf32>,
        %and3A_299 = arith.constant 65535 : i32
        %and3A_300 = vector.broadcast %and3A_299 : i32 to vector<16xi32>
        %and3A_301 = arith.andi %bitcast3A_256, %and3A_300 : vector<16xi32>
        %shift_right_logical3A_302 = arith.constant 7 : i32
        %shift_right_logical3A_303 = vector.broadcast %shift_right_logical3A_302 : i32 to vector<16xi32>
        %shift_right_logical3A_304 = arith.shrui %and3A_301, %shift_right_logical3A_303 : vector<16xi32>
        %and3A_305 = arith.constant 127 : i32
        %and3A_306 = vector.broadcast %and3A_305 : i32 to vector<16xi32>
        %and3A_307 = arith.andi %and3A_301, %and3A_306 : vector<16xi32>
        %eq3A_308 = arith.cmpi eq, %shift_right_logical3A_262, %get3A_4 : vector<16xi32>
        tpu.vector_store_idx %arg7[%shift_right_logical3A_304, %and3A_307], %broadcast_in_dim3A_1 masked %eq3A_308 {add = true} : memref<512x128xi32, #tpu.memory_space<vmem>>[vector<16xi32>, vector<16xi32>], vector<16xi32>, vector<16xi1>
        %and3A_309 = arith.constant 65535 : i32
        %and3A_310 = vector.broadcast %and3A_309 : i32 to vector<16xi32>
        %and3A_311 = arith.andi %bitcast3A_257, %and3A_310 : vector<16xi32>
        %shift_right_logical3A_312 = arith.constant 7 : i32
        %shift_right_logical3A_313 = vector.broadcast %shift_right_logical3A_312 : i32 to vector<16xi32>
        %shift_right_logical3A_314 = arith.shrui %and3A_311, %shift_right_logical3A_313 : vector<16xi32>
        %and3A_315 = arith.constant 127 : i32
        %and3A_316 = vector.broadcast %and3A_315 : i32 to vector<16xi32>
        %and3A_317 = arith.andi %and3A_311, %and3A_316 : vector<16xi32>
        %eq3A_318 = arith.cmpi eq, %shift_right_logical3A_265, %get3A_4 : vector<16xi32>
        tpu.vector_store_idx %arg7[%shift_right_logical3A_314, %and3A_317], %broadcast_in_dim3A_1 masked %eq3A_318 {add = true} : memref<512x128xi32, #tpu.memory_space<vmem>>[vector<16xi32>, vector<16xi32>], vector<16xi32>, vector<16xi1>
        %and3A_319 = arith.constant 65535 : i32
        %and3A_320 = vector.broadcast %and3A_319 : i32 to vector<16xi32>
        %and3A_321 = arith.andi %bitcast3A_258, %and3A_320 : vector<16xi32>
        %shift_right_logical3A_322 = arith.constant 7 : i32
        %shift_right_logical3A_323 = vector.broadcast %shift_right_logical3A_322 : i32 to vector<16xi32>
        %shift_right_logical3A_324 = arith.shrui %and3A_321, %shift_right_logical3A_323 : vector<16xi32>
        %and3A_325 = arith.constant 127 : i32
        %and3A_326 = vector.broadcast %and3A_325 : i32 to vector<16xi32>
        %and3A_327 = arith.andi %and3A_321, %and3A_326 : vector<16xi32>
        %eq3A_328 = arith.cmpi eq, %shift_right_logical3A_268, %get3A_4 : vector<16xi32>
        tpu.vector_store_idx %arg7[%shift_right_logical3A_324, %and3A_327], %broadcast_in_dim3A_1 masked %eq3A_328 {add = true} : memref<512x128xi32, #tpu.memory_space<vmem>>[vector<16xi32>, vector<16xi32>], vector<16xi32>, vector<16xi1>
        %and3A_329 = arith.constant 65535 : i32
        %and3A_330 = vector.broadcast %and3A_329 : i32 to vector<16xi32>
        %and3A_331 = arith.andi %bitcast3A_259, %and3A_330 : vector<16xi32>
        %shift_right_logical3A_332 = arith.constant 7 : i32
        %shift_right_logical3A_333 = vector.broadcast %shift_right_logical3A_332 : i32 to vector<16xi32>
        %shift_right_logical3A_334 = arith.shrui %and3A_331, %shift_right_logical3A_333 : vector<16xi32>
        %and3A_335 = arith.constant 127 : i32
        %and3A_336 = vector.broadcast %and3A_335 : i32 to vector<16xi32>
        %and3A_337 = arith.andi %and3A_331, %and3A_336 : vector<16xi32>
        %eq3A_338 = arith.cmpi eq, %shift_right_logical3A_271, %get3A_4 : vector<16xi32>
        tpu.vector_store_idx %arg7[%shift_right_logical3A_334, %and3A_337], %broadcast_in_dim3A_1 masked %eq3A_338 {add = true} : memref<512x128xi32, #tpu.memory_space<vmem>>[vector<16xi32>, vector<16xi32>], vector<16xi32>, vector<16xi1>
      }
      %scan3A_128 = arith.constant 8 : i32
    }
    %scan3A_66 = arith.constant 32 : i32
    %dma_wait3A_67 = arith.constant 0 : i32
    %dma_wait3A_68 = tpu.memref_slice %arg3[%add3A_53, %dma_wait3A_67] : memref<2048x512xf32, #tpu.memory_space<hbm>> -> memref<32x512xf32, #tpu.memory_space<hbm>>
    %dma_wait3A_69 = arith.constant 0 : i32
    %dma_wait3A_70 = tpu.memref_slice %arg3[%add3A_53, %dma_wait3A_69] : memref<2048x512xf32, #tpu.memory_space<hbm>> -> memref<32x512xf32, #tpu.memory_space<hbm>>
    tpu.wait_dma2 semaphore(%arg13 : memref<!tpu.dma_semaphore, #tpu.memory_space<semaphore_mem>>) src(%dma_wait3A_70 : memref<32x512xf32, #tpu.memory_space<hbm>>) dst(%arg11 : memref<32x512xf32, #tpu.memory_space<vmem>>)
    %scan3A_71 = arith.constant 0 : i32
    %scan3A_72 = arith.constant 32 : i32
    %scan3A_73 = arith.addi %scan3A_71, %scan3A_72 : i32
    %scan3A_74 = arith.constant 1 : i32
    scf.for %scan3A_119 = %scan3A_71 to %scan3A_73 step %scan3A_74  : i32 {
      %mul3A_120 = arith.constant 1 : i32
      %mul3A_121 = arith.muli %scan3A_119, %mul3A_120 : i32
      %add3A_122 = arith.constant 0 : i32
      %add3A_123 = arith.addi %add3A_122, %mul3A_121 : i32
      %scan3A_124 = arith.constant 0 : i32
      %scan3A_125 = arith.constant 8 : i32
      %scan3A_126 = arith.addi %scan3A_124, %scan3A_125 : i32
      %scan3A_127 = arith.constant 2 : i32
      scf.for %scan3A_129 = %scan3A_124 to %scan3A_126 step %scan3A_127  : i32 {
        %mul3A_130 = arith.constant 64 : i32
        %mul3A_131 = arith.muli %scan3A_129, %mul3A_130 : i32
        %add3A_132 = arith.constant 0 : i32
        %add3A_133 = arith.addi %add3A_132, %mul3A_131 : i32
        %add3A_134 = arith.constant 0 : i32
        %add3A_135 = arith.addi %add3A_133, %add3A_134 : i32
        %get3A_136 = arith.index_cast %add3A_123 : i32 to index
        %get3A_137 = arith.index_cast %add3A_135 : i32 to index
        %get3A_138 = tpu.vector_load %arg11[%get3A_136, %get3A_137] {strides = array<i32>} : memref<32x512xf32, #tpu.memory_space<vmem>>, vector<16xf32>,
        %add3A_139 = arith.constant 16 : i32
        %add3A_140 = arith.addi %add3A_133, %add3A_139 : i32
        %get3A_141 = arith.index_cast %add3A_123 : i32 to index
        %get3A_142 = arith.index_cast %add3A_140 : i32 to index
        %get3A_143 = tpu.vector_load %arg11[%get3A_141, %get3A_142] {strides = array<i32>} : memref<32x512xf32, #tpu.memory_space<vmem>>, vector<16xf32>,
        %add3A_144 = arith.constant 32 : i32
        %add3A_145 = arith.addi %add3A_133, %add3A_144 : i32
        %get3A_146 = arith.index_cast %add3A_123 : i32 to index
        %get3A_147 = arith.index_cast %add3A_145 : i32 to index
        %get3A_148 = tpu.vector_load %arg11[%get3A_146, %get3A_147] {strides = array<i32>} : memref<32x512xf32, #tpu.memory_space<vmem>>, vector<16xf32>,
        %add3A_149 = arith.constant 48 : i32
        %add3A_150 = arith.addi %add3A_133, %add3A_149 : i32
        %get3A_151 = arith.index_cast %add3A_123 : i32 to index
        %get3A_152 = arith.index_cast %add3A_150 : i32 to index
        %get3A_153 = tpu.vector_load %arg11[%get3A_151, %get3A_152] {strides = array<i32>} : memref<32x512xf32, #tpu.memory_space<vmem>>, vector<16xf32>,
        %bitcast3A = vector.bitcast %get3A_138 : vector<16xf32> to vector<16xi32>
        %bitcast3A_154 = vector.bitcast %get3A_143 : vector<16xf32> to vector<16xi32>
        %bitcast3A_155 = vector.bitcast %get3A_148 : vector<16xf32> to vector<16xi32>
        %bitcast3A_156 = vector.bitcast %get3A_153 : vector<16xf32> to vector<16xi32>
        %shift_right_logical3A = arith.constant 16 : i32
        %shift_right_logical3A_157 = vector.broadcast %shift_right_logical3A : i32 to vector<16xi32>
        %shift_right_logical3A_158 = arith.shrui %bitcast3A, %shift_right_logical3A_157 : vector<16xi32>
        %shift_right_logical3A_159 = arith.constant 16 : i32
        %shift_right_logical3A_160 = vector.broadcast %shift_right_logical3A_159 : i32 to vector<16xi32>
        %shift_right_logical3A_161 = arith.shrui %bitcast3A_154, %shift_right_logical3A_160 : vector<16xi32>
        %shift_right_logical3A_162 = arith.constant 16 : i32
        %shift_right_logical3A_163 = vector.broadcast %shift_right_logical3A_162 : i32 to vector<16xi32>
        %shift_right_logical3A_164 = arith.shrui %bitcast3A_155, %shift_right_logical3A_163 : vector<16xi32>
        %shift_right_logical3A_165 = arith.constant 16 : i32
        %shift_right_logical3A_166 = vector.broadcast %shift_right_logical3A_165 : i32 to vector<16xi32>
        %shift_right_logical3A_167 = arith.shrui %bitcast3A_156, %shift_right_logical3A_166 : vector<16xi32>
        %broadcast_in_dim3A_168 = arith.constant 0.000000e+00 : f32
        %broadcast_in_dim3A_169 = vector.broadcast %broadcast_in_dim3A_168 : f32 to vector<16xf32>
        %gt3A = arith.cmpi sgt, %shift_right_logical3A_158, %get3A_4 : vector<16xi32>
        %jit3A = arith.constant 0.000000e+00 : f32
        %broadcast_in_dim3A_170 = vector.broadcast %jit3A : f32 to vector<16xf32>
        %select_n3A = arith.select %gt3A, %get3A_138, %broadcast_in_dim3A_170 : vector<16xi1>, vector<16xf32>
        %add3A_171 = arith.addf %broadcast_in_dim3A_169, %select_n3A : vector<16xf32>
        %gt3A_172 = arith.cmpi sgt, %shift_right_logical3A_161, %get3A_4 : vector<16xi32>
        %jit3A_173 = arith.constant 0.000000e+00 : f32
        %broadcast_in_dim3A_174 = vector.broadcast %jit3A_173 : f32 to vector<16xf32>
        %select_n3A_175 = arith.select %gt3A_172, %get3A_143, %broadcast_in_dim3A_174 : vector<16xi1>, vector<16xf32>
        %add3A_176 = arith.addf %add3A_171, %select_n3A_175 : vector<16xf32>
        %gt3A_177 = arith.cmpi sgt, %shift_right_logical3A_164, %get3A_4 : vector<16xi32>
        %jit3A_178 = arith.constant 0.000000e+00 : f32
        %broadcast_in_dim3A_179 = vector.broadcast %jit3A_178 : f32 to vector<16xf32>
        %select_n3A_180 = arith.select %gt3A_177, %get3A_148, %broadcast_in_dim3A_179 : vector<16xi1>, vector<16xf32>
        %add3A_181 = arith.addf %add3A_176, %select_n3A_180 : vector<16xf32>
        %gt3A_182 = arith.cmpi sgt, %shift_right_logical3A_167, %get3A_4 : vector<16xi32>
        %jit3A_183 = arith.constant 0.000000e+00 : f32
        %broadcast_in_dim3A_184 = vector.broadcast %jit3A_183 : f32 to vector<16xf32>
        %select_n3A_185 = arith.select %gt3A_182, %get3A_153, %broadcast_in_dim3A_184 : vector<16xi1>, vector<16xf32>
        %add3A_186 = arith.addf %add3A_181, %select_n3A_185 : vector<16xf32>
        %get3A_187 = arith.constant 0 : index
        %get3A_188 = tpu.vector_load %arg8[%get3A_187] {strides = array<i32>} : memref<16xf32, #tpu.memory_space<vmem>>, vector<16xf32>,
        %add3A_189 = arith.addf %get3A_188, %add3A_186 : vector<16xf32>
        %swap3A_190 = arith.constant 0 : index
        %swap3A_191 = tpu.vector_load %arg8[%swap3A_190] {strides = array<i32>} : memref<16xf32, #tpu.memory_space<vmem>>, vector<16xf32>,
        tpu.vector_store %arg8[%swap3A_190], %add3A_189 {strides = array<i32>} : memref<16xf32, #tpu.memory_space<vmem>>, vector<16xf32>,
        %and3A = arith.constant 65535 : i32
        %and3A_192 = vector.broadcast %and3A : i32 to vector<16xi32>
        %and3A_193 = arith.andi %bitcast3A, %and3A_192 : vector<16xi32>
        %shift_right_logical3A_194 = arith.constant 7 : i32
        %shift_right_logical3A_195 = vector.broadcast %shift_right_logical3A_194 : i32 to vector<16xi32>
        %shift_right_logical3A_196 = arith.shrui %and3A_193, %shift_right_logical3A_195 : vector<16xi32>
        %and3A_197 = arith.constant 127 : i32
        %and3A_198 = vector.broadcast %and3A_197 : i32 to vector<16xi32>
        %and3A_199 = arith.andi %and3A_193, %and3A_198 : vector<16xi32>
        %eq3A = arith.cmpi eq, %shift_right_logical3A_158, %get3A_4 : vector<16xi32>
        tpu.vector_store_idx %arg7[%shift_right_logical3A_196, %and3A_199], %broadcast_in_dim3A_1 masked %eq3A {add = true} : memref<512x128xi32, #tpu.memory_space<vmem>>[vector<16xi32>, vector<16xi32>], vector<16xi32>, vector<16xi1>
        %and3A_200 = arith.constant 65535 : i32
        %and3A_201 = vector.broadcast %and3A_200 : i32 to vector<16xi32>
        %and3A_202 = arith.andi %bitcast3A_154, %and3A_201 : vector<16xi32>
        %shift_right_logical3A_203 = arith.constant 7 : i32
        %shift_right_logical3A_204 = vector.broadcast %shift_right_logical3A_203 : i32 to vector<16xi32>
        %shift_right_logical3A_205 = arith.shrui %and3A_202, %shift_right_logical3A_204 : vector<16xi32>
        %and3A_206 = arith.constant 127 : i32
        %and3A_207 = vector.broadcast %and3A_206 : i32 to vector<16xi32>
        %and3A_208 = arith.andi %and3A_202, %and3A_207 : vector<16xi32>
        %eq3A_209 = arith.cmpi eq, %shift_right_logical3A_161, %get3A_4 : vector<16xi32>
        tpu.vector_store_idx %arg7[%shift_right_logical3A_205, %and3A_208], %broadcast_in_dim3A_1 masked %eq3A_209 {add = true} : memref<512x128xi32, #tpu.memory_space<vmem>>[vector<16xi32>, vector<16xi32>], vector<16xi32>, vector<16xi1>
        %and3A_210 = arith.constant 65535 : i32
        %and3A_211 = vector.broadcast %and3A_210 : i32 to vector<16xi32>
        %and3A_212 = arith.andi %bitcast3A_155, %and3A_211 : vector<16xi32>
        %shift_right_logical3A_213 = arith.constant 7 : i32
        %shift_right_logical3A_214 = vector.broadcast %shift_right_logical3A_213 : i32 to vector<16xi32>
        %shift_right_logical3A_215 = arith.shrui %and3A_212, %shift_right_logical3A_214 : vector<16xi32>
        %and3A_216 = arith.constant 127 : i32
        %and3A_217 = vector.broadcast %and3A_216 : i32 to vector<16xi32>
        %and3A_218 = arith.andi %and3A_212, %and3A_217 : vector<16xi32>
        %eq3A_219 = arith.cmpi eq, %shift_right_logical3A_164, %get3A_4 : vector<16xi32>
        tpu.vector_store_idx %arg7[%shift_right_logical3A_215, %and3A_218], %broadcast_in_dim3A_1 masked %eq3A_219 {add = true} : memref<512x128xi32, #tpu.memory_space<vmem>>[vector<16xi32>, vector<16xi32>], vector<16xi32>, vector<16xi1>
        %and3A_220 = arith.constant 65535 : i32
        %and3A_221 = vector.broadcast %and3A_220 : i32 to vector<16xi32>
        %and3A_222 = arith.andi %bitcast3A_156, %and3A_221 : vector<16xi32>
        %shift_right_logical3A_223 = arith.constant 7 : i32
        %shift_right_logical3A_224 = vector.broadcast %shift_right_logical3A_223 : i32 to vector<16xi32>
        %shift_right_logical3A_225 = arith.shrui %and3A_222, %shift_right_logical3A_224 : vector<16xi32>
        %and3A_226 = arith.constant 127 : i32
        %and3A_227 = vector.broadcast %and3A_226 : i32 to vector<16xi32>
        %and3A_228 = arith.andi %and3A_222, %and3A_227 : vector<16xi32>
        %eq3A_229 = arith.cmpi eq, %shift_right_logical3A_167, %get3A_4 : vector<16xi32>
        tpu.vector_store_idx %arg7[%shift_right_logical3A_225, %and3A_228], %broadcast_in_dim3A_1 masked %eq3A_229 {add = true} : memref<512x128xi32, #tpu.memory_space<vmem>>[vector<16xi32>, vector<16xi32>], vector<16xi32>, vector<16xi1>
        %scan3A_230 = arith.constant 1 : i32
        %scan3A_231 = arith.addi %scan3A_129, %scan3A_230 : i32
        %mul3A_232 = arith.constant 64 : i32
        %mul3A_233 = arith.muli %scan3A_231, %mul3A_232 : i32
        %add3A_234 = arith.constant 0 : i32
        %add3A_235 = arith.addi %add3A_234, %mul3A_233 : i32
        %add3A_236 = arith.constant 0 : i32
        %add3A_237 = arith.addi %add3A_235, %add3A_236 : i32
        %get3A_238 = arith.index_cast %add3A_123 : i32 to index
        %get3A_239 = arith.index_cast %add3A_237 : i32 to index
        %get3A_240 = tpu.vector_load %arg11[%get3A_238, %get3A_239] {strides = array<i32>} : memref<32x512xf32, #tpu.memory_space<vmem>>, vector<16xf32>,
        %add3A_241 = arith.constant 16 : i32
        %add3A_242 = arith.addi %add3A_235, %add3A_241 : i32
        %get3A_243 = arith.index_cast %add3A_123 : i32 to index
        %get3A_244 = arith.index_cast %add3A_242 : i32 to index
        %get3A_245 = tpu.vector_load %arg11[%get3A_243, %get3A_244] {strides = array<i32>} : memref<32x512xf32, #tpu.memory_space<vmem>>, vector<16xf32>,
        %add3A_246 = arith.constant 32 : i32
        %add3A_247 = arith.addi %add3A_235, %add3A_246 : i32
        %get3A_248 = arith.index_cast %add3A_123 : i32 to index
        %get3A_249 = arith.index_cast %add3A_247 : i32 to index
        %get3A_250 = tpu.vector_load %arg11[%get3A_248, %get3A_249] {strides = array<i32>} : memref<32x512xf32, #tpu.memory_space<vmem>>, vector<16xf32>,
        %add3A_251 = arith.constant 48 : i32
        %add3A_252 = arith.addi %add3A_235, %add3A_251 : i32
        %get3A_253 = arith.index_cast %add3A_123 : i32 to index
        %get3A_254 = arith.index_cast %add3A_252 : i32 to index
        %get3A_255 = tpu.vector_load %arg11[%get3A_253, %get3A_254] {strides = array<i32>} : memref<32x512xf32, #tpu.memory_space<vmem>>, vector<16xf32>,
        %bitcast3A_256 = vector.bitcast %get3A_240 : vector<16xf32> to vector<16xi32>
        %bitcast3A_257 = vector.bitcast %get3A_245 : vector<16xf32> to vector<16xi32>
        %bitcast3A_258 = vector.bitcast %get3A_250 : vector<16xf32> to vector<16xi32>
        %bitcast3A_259 = vector.bitcast %get3A_255 : vector<16xf32> to vector<16xi32>
        %shift_right_logical3A_260 = arith.constant 16 : i32
        %shift_right_logical3A_261 = vector.broadcast %shift_right_logical3A_260 : i32 to vector<16xi32>
        %shift_right_logical3A_262 = arith.shrui %bitcast3A_256, %shift_right_logical3A_261 : vector<16xi32>
        %shift_right_logical3A_263 = arith.constant 16 : i32
        %shift_right_logical3A_264 = vector.broadcast %shift_right_logical3A_263 : i32 to vector<16xi32>
        %shift_right_logical3A_265 = arith.shrui %bitcast3A_257, %shift_right_logical3A_264 : vector<16xi32>
        %shift_right_logical3A_266 = arith.constant 16 : i32
        %shift_right_logical3A_267 = vector.broadcast %shift_right_logical3A_266 : i32 to vector<16xi32>
        %shift_right_logical3A_268 = arith.shrui %bitcast3A_258, %shift_right_logical3A_267 : vector<16xi32>
        %shift_right_logical3A_269 = arith.constant 16 : i32
        %shift_right_logical3A_270 = vector.broadcast %shift_right_logical3A_269 : i32 to vector<16xi32>
        %shift_right_logical3A_271 = arith.shrui %bitcast3A_259, %shift_right_logical3A_270 : vector<16xi32>
        %broadcast_in_dim3A_272 = arith.constant 0.000000e+00 : f32
        %broadcast_in_dim3A_273 = vector.broadcast %broadcast_in_dim3A_272 : f32 to vector<16xf32>
        %gt3A_274 = arith.cmpi sgt, %shift_right_logical3A_262, %get3A_4 : vector<16xi32>
        %jit3A_275 = arith.constant 0.000000e+00 : f32
        %broadcast_in_dim3A_276 = vector.broadcast %jit3A_275 : f32 to vector<16xf32>
        %select_n3A_277 = arith.select %gt3A_274, %get3A_240, %broadcast_in_dim3A_276 : vector<16xi1>, vector<16xf32>
        %add3A_278 = arith.addf %broadcast_in_dim3A_273, %select_n3A_277 : vector<16xf32>
        %gt3A_279 = arith.cmpi sgt, %shift_right_logical3A_265, %get3A_4 : vector<16xi32>
        %jit3A_280 = arith.constant 0.000000e+00 : f32
        %broadcast_in_dim3A_281 = vector.broadcast %jit3A_280 : f32 to vector<16xf32>
        %select_n3A_282 = arith.select %gt3A_279, %get3A_245, %broadcast_in_dim3A_281 : vector<16xi1>, vector<16xf32>
        %add3A_283 = arith.addf %add3A_278, %select_n3A_282 : vector<16xf32>
        %gt3A_284 = arith.cmpi sgt, %shift_right_logical3A_268, %get3A_4 : vector<16xi32>
        %jit3A_285 = arith.constant 0.000000e+00 : f32
        %broadcast_in_dim3A_286 = vector.broadcast %jit3A_285 : f32 to vector<16xf32>
        %select_n3A_287 = arith.select %gt3A_284, %get3A_250, %broadcast_in_dim3A_286 : vector<16xi1>, vector<16xf32>
        %add3A_288 = arith.addf %add3A_283, %select_n3A_287 : vector<16xf32>
        %gt3A_289 = arith.cmpi sgt, %shift_right_logical3A_271, %get3A_4 : vector<16xi32>
        %jit3A_290 = arith.constant 0.000000e+00 : f32
        %broadcast_in_dim3A_291 = vector.broadcast %jit3A_290 : f32 to vector<16xf32>
        %select_n3A_292 = arith.select %gt3A_289, %get3A_255, %broadcast_in_dim3A_291 : vector<16xi1>, vector<16xf32>
        %add3A_293 = arith.addf %add3A_288, %select_n3A_292 : vector<16xf32>
        %get3A_294 = arith.constant 0 : index
        %get3A_295 = tpu.vector_load %arg8[%get3A_294] {strides = array<i32>} : memref<16xf32, #tpu.memory_space<vmem>>, vector<16xf32>,
        %add3A_296 = arith.addf %get3A_295, %add3A_293 : vector<16xf32>
        %swap3A_297 = arith.constant 0 : index
        %swap3A_298 = tpu.vector_load %arg8[%swap3A_297] {strides = array<i32>} : memref<16xf32, #tpu.memory_space<vmem>>, vector<16xf32>,
        tpu.vector_store %arg8[%swap3A_297], %add3A_296 {strides = array<i32>} : memref<16xf32, #tpu.memory_space<vmem>>, vector<16xf32>,
        %and3A_299 = arith.constant 65535 : i32
        %and3A_300 = vector.broadcast %and3A_299 : i32 to vector<16xi32>
        %and3A_301 = arith.andi %bitcast3A_256, %and3A_300 : vector<16xi32>
        %shift_right_logical3A_302 = arith.constant 7 : i32
        %shift_right_logical3A_303 = vector.broadcast %shift_right_logical3A_302 : i32 to vector<16xi32>
        %shift_right_logical3A_304 = arith.shrui %and3A_301, %shift_right_logical3A_303 : vector<16xi32>
        %and3A_305 = arith.constant 127 : i32
        %and3A_306 = vector.broadcast %and3A_305 : i32 to vector<16xi32>
        %and3A_307 = arith.andi %and3A_301, %and3A_306 : vector<16xi32>
        %eq3A_308 = arith.cmpi eq, %shift_right_logical3A_262, %get3A_4 : vector<16xi32>
        tpu.vector_store_idx %arg7[%shift_right_logical3A_304, %and3A_307], %broadcast_in_dim3A_1 masked %eq3A_308 {add = true} : memref<512x128xi32, #tpu.memory_space<vmem>>[vector<16xi32>, vector<16xi32>], vector<16xi32>, vector<16xi1>
        %and3A_309 = arith.constant 65535 : i32
        %and3A_310 = vector.broadcast %and3A_309 : i32 to vector<16xi32>
        %and3A_311 = arith.andi %bitcast3A_257, %and3A_310 : vector<16xi32>
        %shift_right_logical3A_312 = arith.constant 7 : i32
        %shift_right_logical3A_313 = vector.broadcast %shift_right_logical3A_312 : i32 to vector<16xi32>
        %shift_right_logical3A_314 = arith.shrui %and3A_311, %shift_right_logical3A_313 : vector<16xi32>
        %and3A_315 = arith.constant 127 : i32
        %and3A_316 = vector.broadcast %and3A_315 : i32 to vector<16xi32>
        %and3A_317 = arith.andi %and3A_311, %and3A_316 : vector<16xi32>
        %eq3A_318 = arith.cmpi eq, %shift_right_logical3A_265, %get3A_4 : vector<16xi32>
        tpu.vector_store_idx %arg7[%shift_right_logical3A_314, %and3A_317], %broadcast_in_dim3A_1 masked %eq3A_318 {add = true} : memref<512x128xi32, #tpu.memory_space<vmem>>[vector<16xi32>, vector<16xi32>], vector<16xi32>, vector<16xi1>
        %and3A_319 = arith.constant 65535 : i32
        %and3A_320 = vector.broadcast %and3A_319 : i32 to vector<16xi32>
        %and3A_321 = arith.andi %bitcast3A_258, %and3A_320 : vector<16xi32>
        %shift_right_logical3A_322 = arith.constant 7 : i32
        %shift_right_logical3A_323 = vector.broadcast %shift_right_logical3A_322 : i32 to vector<16xi32>
        %shift_right_logical3A_324 = arith.shrui %and3A_321, %shift_right_logical3A_323 : vector<16xi32>
        %and3A_325 = arith.constant 127 : i32
        %and3A_326 = vector.broadcast %and3A_325 : i32 to vector<16xi32>
        %and3A_327 = arith.andi %and3A_321, %and3A_326 : vector<16xi32>
        %eq3A_328 = arith.cmpi eq, %shift_right_logical3A_268, %get3A_4 : vector<16xi32>
        tpu.vector_store_idx %arg7[%shift_right_logical3A_324, %and3A_327], %broadcast_in_dim3A_1 masked %eq3A_328 {add = true} : memref<512x128xi32, #tpu.memory_space<vmem>>[vector<16xi32>, vector<16xi32>], vector<16xi32>, vector<16xi1>
        %and3A_329 = arith.constant 65535 : i32
        %and3A_330 = vector.broadcast %and3A_329 : i32 to vector<16xi32>
        %and3A_331 = arith.andi %bitcast3A_259, %and3A_330 : vector<16xi32>
        %shift_right_logical3A_332 = arith.constant 7 : i32
        %shift_right_logical3A_333 = vector.broadcast %shift_right_logical3A_332 : i32 to vector<16xi32>
        %shift_right_logical3A_334 = arith.shrui %and3A_331, %shift_right_logical3A_333 : vector<16xi32>
        %and3A_335 = arith.constant 127 : i32
        %and3A_336 = vector.broadcast %and3A_335 : i32 to vector<16xi32>
        %and3A_337 = arith.andi %and3A_331, %and3A_336 : vector<16xi32>
        %eq3A_338 = arith.cmpi eq, %shift_right_logical3A_271, %get3A_4 : vector<16xi32>
        tpu.vector_store_idx %arg7[%shift_right_logical3A_334, %and3A_337], %broadcast_in_dim3A_1 masked %eq3A_338 {add = true} : memref<512x128xi32, #tpu.memory_space<vmem>>[vector<16xi32>, vector<16xi32>], vector<16xi32>, vector<16xi1>
      }
      %scan3A_128 = arith.constant 8 : i32
    }
    %scan3A_75 = arith.constant 32 : i32
    %get3A_76 = arith.constant 0 : index
    %get3A_77 = tpu.vector_load %arg8[%get3A_76] {strides = array<i32>} : memref<16xf32, #tpu.memory_space<vmem>>, vector<16xf32>,
    %reduce_sum3A = arith.constant true
    %reduce_sum3A_78 = vector.broadcast %reduce_sum3A : i1 to vector<16xi1>
    %reduce_sum3A_79 = tpu.scan <sum>, %get3A_77 masked %reduce_sum3A_78 : vector<16xf32>, vector<16xi1> -> vector<16xf32>
    %reduce_sum3A_80 = vector.extract %reduce_sum3A_79[15] : f32 from vector<16xf32>
    %broadcast_in_dim3A_81 = vector.broadcast %reduce_sum3A_80 : f32 to vector<16xf32>
    %scan3A_82 = arith.constant 0 : i32
    %scan3A_83 = arith.constant 8 : i32
    %scan3A_84 = arith.addi %scan3A_82, %scan3A_83 : i32
    %scan3A_85 = arith.constant 1 : i32
    scf.for %scan3A_119 = %scan3A_82 to %scan3A_84 step %scan3A_85  : i32 {
      %mul3A_120 = arith.constant 1 : i32
      %mul3A_121 = arith.muli %scan3A_119, %mul3A_120 : i32
      %add3A_122 = arith.constant 0 : i32
      %add3A_123 = arith.addi %add3A_122, %mul3A_121 : i32
      %swap3A_124 = arith.index_cast %add3A_123 : i32 to index
      %swap3A_125 = arith.constant 0 : index
      %swap3A_126 = tpu.vector_load %arg9[%swap3A_124, %swap3A_125] {strides = array<i32>} : memref<8x128xf32, #tpu.memory_space<vmem>>, vector<16xf32>,
      tpu.vector_store %arg9[%swap3A_124, %swap3A_125], %broadcast_in_dim3A_81 {strides = array<i32>} : memref<8x128xf32, #tpu.memory_space<vmem>>, vector<16xf32>,
      %swap3A_127 = arith.index_cast %add3A_123 : i32 to index
      %swap3A_128 = arith.constant 16 : index
      %swap3A_129 = tpu.vector_load %arg9[%swap3A_127, %swap3A_128] {strides = array<i32>} : memref<8x128xf32, #tpu.memory_space<vmem>>, vector<16xf32>,
      tpu.vector_store %arg9[%swap3A_127, %swap3A_128], %broadcast_in_dim3A_81 {strides = array<i32>} : memref<8x128xf32, #tpu.memory_space<vmem>>, vector<16xf32>,
      %swap3A_130 = arith.index_cast %add3A_123 : i32 to index
      %swap3A_131 = arith.constant 32 : index
      %swap3A_132 = tpu.vector_load %arg9[%swap3A_130, %swap3A_131] {strides = array<i32>} : memref<8x128xf32, #tpu.memory_space<vmem>>, vector<16xf32>,
      tpu.vector_store %arg9[%swap3A_130, %swap3A_131], %broadcast_in_dim3A_81 {strides = array<i32>} : memref<8x128xf32, #tpu.memory_space<vmem>>, vector<16xf32>,
      %swap3A_133 = arith.index_cast %add3A_123 : i32 to index
      %swap3A_134 = arith.constant 48 : index
      %swap3A_135 = tpu.vector_load %arg9[%swap3A_133, %swap3A_134] {strides = array<i32>} : memref<8x128xf32, #tpu.memory_space<vmem>>, vector<16xf32>,
      tpu.vector_store %arg9[%swap3A_133, %swap3A_134], %broadcast_in_dim3A_81 {strides = array<i32>} : memref<8x128xf32, #tpu.memory_space<vmem>>, vector<16xf32>,
      %swap3A_136 = arith.index_cast %add3A_123 : i32 to index
      %swap3A_137 = arith.constant 64 : index
      %swap3A_138 = tpu.vector_load %arg9[%swap3A_136, %swap3A_137] {strides = array<i32>} : memref<8x128xf32, #tpu.memory_space<vmem>>, vector<16xf32>,
      tpu.vector_store %arg9[%swap3A_136, %swap3A_137], %broadcast_in_dim3A_81 {strides = array<i32>} : memref<8x128xf32, #tpu.memory_space<vmem>>, vector<16xf32>,
      %swap3A_139 = arith.index_cast %add3A_123 : i32 to index
      %swap3A_140 = arith.constant 80 : index
      %swap3A_141 = tpu.vector_load %arg9[%swap3A_139, %swap3A_140] {strides = array<i32>} : memref<8x128xf32, #tpu.memory_space<vmem>>, vector<16xf32>,
      tpu.vector_store %arg9[%swap3A_139, %swap3A_140], %broadcast_in_dim3A_81 {strides = array<i32>} : memref<8x128xf32, #tpu.memory_space<vmem>>, vector<16xf32>,
      %swap3A_142 = arith.index_cast %add3A_123 : i32 to index
      %swap3A_143 = arith.constant 96 : index
      %swap3A_144 = tpu.vector_load %arg9[%swap3A_142, %swap3A_143] {strides = array<i32>} : memref<8x128xf32, #tpu.memory_space<vmem>>, vector<16xf32>,
      tpu.vector_store %arg9[%swap3A_142, %swap3A_143], %broadcast_in_dim3A_81 {strides = array<i32>} : memref<8x128xf32, #tpu.memory_space<vmem>>, vector<16xf32>,
      %swap3A_145 = arith.index_cast %add3A_123 : i32 to index
      %swap3A_146 = arith.constant 112 : index
      %swap3A_147 = tpu.vector_load %arg9[%swap3A_145, %swap3A_146] {strides = array<i32>} : memref<8x128xf32, #tpu.memory_space<vmem>>, vector<16xf32>,
      tpu.vector_store %arg9[%swap3A_145, %swap3A_146], %broadcast_in_dim3A_81 {strides = array<i32>} : memref<8x128xf32, #tpu.memory_space<vmem>>, vector<16xf32>,
    }
    %scan3A_86 = arith.constant 8 : i32
    %dma_start3A_87 = arith.constant 0 : i32
    %dma_start3A_88 = arith.constant 0 : i32
    %dma_start3A_89 = tpu.memref_slice %arg5[%add3A, %dma_start3A_87, %dma_start3A_88] : memref<32x512x128xi32, #tpu.memory_space<hbm>> -> memref<1x512x128xi32, #tpu.memory_space<hbm>>
    %dma_start3A_90 = tpu.memref_squeeze %dma_start3A_89 : memref<1x512x128xi32, #tpu.memory_space<hbm>> -> memref<512x128xi32, #tpu.memory_space<hbm>>
    %dma_start3A_91 = arith.constant 0 : i32
    %dma_start3A_92 = arith.constant 0 : i32
    %dma_start3A_93 = tpu.memref_slice %arg5[%add3A, %dma_start3A_91, %dma_start3A_92] : memref<32x512x128xi32, #tpu.memory_space<hbm>> -> memref<1x512x128xi32, #tpu.memory_space<hbm>>
    %dma_start3A_94 = tpu.memref_squeeze %dma_start3A_93 : memref<1x512x128xi32, #tpu.memory_space<hbm>> -> memref<512x128xi32, #tpu.memory_space<hbm>>
    tpu.enqueue_dma source(%arg7 : memref<512x128xi32, #tpu.memory_space<vmem>>) target(%dma_start3A_94 : memref<512x128xi32, #tpu.memory_space<hbm>>) target_semaphore(%arg13 : memref<!tpu.dma_semaphore, #tpu.memory_space<semaphore_mem>>)
    %dma_wait3A_95 = arith.constant 0 : i32
    %dma_wait3A_96 = arith.constant 0 : i32
    %dma_wait3A_97 = tpu.memref_slice %arg5[%add3A, %dma_wait3A_95, %dma_wait3A_96] : memref<32x512x128xi32, #tpu.memory_space<hbm>> -> memref<1x512x128xi32, #tpu.memory_space<hbm>>
    %dma_wait3A_98 = tpu.memref_squeeze %dma_wait3A_97 : memref<1x512x128xi32, #tpu.memory_space<hbm>> -> memref<512x128xi32, #tpu.memory_space<hbm>>
    %dma_wait3A_99 = arith.constant 0 : i32
    %dma_wait3A_100 = arith.constant 0 : i32
    %dma_wait3A_101 = tpu.memref_slice %arg5[%add3A, %dma_wait3A_99, %dma_wait3A_100] : memref<32x512x128xi32, #tpu.memory_space<hbm>> -> memref<1x512x128xi32, #tpu.memory_space<hbm>>
    %dma_wait3A_102 = tpu.memref_squeeze %dma_wait3A_101 : memref<1x512x128xi32, #tpu.memory_space<hbm>> -> memref<512x128xi32, #tpu.memory_space<hbm>>
    tpu.wait_dma2 semaphore(%arg13 : memref<!tpu.dma_semaphore, #tpu.memory_space<semaphore_mem>>) src(%arg7 : memref<512x128xi32, #tpu.memory_space<vmem>>) dst(%dma_wait3A_102 : memref<512x128xi32, #tpu.memory_space<hbm>>)
    %dma_start3A_103 = arith.constant 0 : i32
    %dma_start3A_104 = arith.constant 0 : i32
    %dma_start3A_105 = tpu.memref_slice %arg6[%add3A, %dma_start3A_103, %dma_start3A_104] : memref<32x8x128xf32, #tpu.memory_space<hbm>> -> memref<1x8x128xf32, #tpu.memory_space<hbm>>
    %dma_start3A_106 = tpu.memref_squeeze %dma_start3A_105 : memref<1x8x128xf32, #tpu.memory_space<hbm>> -> memref<8x128xf32, #tpu.memory_space<hbm>>
    %dma_start3A_107 = arith.constant 0 : i32
    %dma_start3A_108 = arith.constant 0 : i32
    %dma_start3A_109 = tpu.memref_slice %arg6[%add3A, %dma_start3A_107, %dma_start3A_108] : memref<32x8x128xf32, #tpu.memory_space<hbm>> -> memref<1x8x128xf32, #tpu.memory_space<hbm>>
    %dma_start3A_110 = tpu.memref_squeeze %dma_start3A_109 : memref<1x8x128xf32, #tpu.memory_space<hbm>> -> memref<8x128xf32, #tpu.memory_space<hbm>>
    tpu.enqueue_dma source(%arg9 : memref<8x128xf32, #tpu.memory_space<vmem>>) target(%dma_start3A_110 : memref<8x128xf32, #tpu.memory_space<hbm>>) target_semaphore(%arg13 : memref<!tpu.dma_semaphore, #tpu.memory_space<semaphore_mem>>)
    %dma_wait3A_111 = arith.constant 0 : i32
    %dma_wait3A_112 = arith.constant 0 : i32
    %dma_wait3A_113 = tpu.memref_slice %arg6[%add3A, %dma_wait3A_111, %dma_wait3A_112] : memref<32x8x128xf32, #tpu.memory_space<hbm>> -> memref<1x8x128xf32, #tpu.memory_space<hbm>>
    %dma_wait3A_114 = tpu.memref_squeeze %dma_wait3A_113 : memref<1x8x128xf32, #tpu.memory_space<hbm>> -> memref<8x128xf32, #tpu.memory_space<hbm>>
    %dma_wait3A_115 = arith.constant 0 : i32
    %dma_wait3A_116 = arith.constant 0 : i32
    %dma_wait3A_117 = tpu.memref_slice %arg6[%add3A, %dma_wait3A_115, %dma_wait3A_116] : memref<32x8x128xf32, #tpu.memory_space<hbm>> -> memref<1x8x128xf32, #tpu.memory_space<hbm>>
    %dma_wait3A_118 = tpu.memref_squeeze %dma_wait3A_117 : memref<1x8x128xf32, #tpu.memory_space<hbm>> -> memref<8x128xf32, #tpu.memory_space<hbm>>
    tpu.wait_dma2 semaphore(%arg13 : memref<!tpu.dma_semaphore, #tpu.memory_space<semaphore_mem>>) src(%arg9 : memref<8x128xf32, #tpu.memory_space<vmem>>) dst(%dma_wait3A_118 : memref<8x128xf32, #tpu.memory_space<hbm>>)
    return
  }
}

#map = affine_map<(d0, d1) -> (0, 0)>
#map1 = affine_map<(d0, d1) -> (0, 0, 0)>
module attributes {stable_mosaic.version = 14 : i64} {
  func.func @_sc_hist1_body(%arg0: i32, %arg1: i32, %arg2: memref<2048x512xf32, #tpu.memory_space<hbm>>, %arg3: memref<32x256x128xi32, #tpu.memory_space<hbm>>, %arg4: memref<256x128xi32, #tpu.memory_space<vmem>>, %arg5: memref<32x512xf32, #tpu.memory_space<vmem>>, %arg6: memref<32x512xf32, #tpu.memory_space<vmem>>, %arg7: memref<!tpu.dma_semaphore, #tpu.memory_space<semaphore_mem>>) attributes {dimension_semantics = [#tpu.dimension_semantics<core_parallel>, #tpu.dimension_semantics<subcore_parallel>], iteration_bounds = array<i64: 2, 16>, scalar_prefetch = 0 : i64, scratch_operands = 4 : i64, tpu.core_type = #tpu.core_type<sc_vector_subcore>, window_params = [{transform_indices = #map}, {transform_indices = #map1}]} {
    %mul3A = arith.constant 2 : i32
    %mul3A_0 = arith.muli %arg1, %mul3A : i32
    %add3A = arith.addi %mul3A_0, %arg0 : i32
    %broadcast_in_dim3A = arith.constant 1 : i32
    %broadcast_in_dim3A_1 = vector.broadcast %broadcast_in_dim3A : i32 to vector<16xi32>
    %mul3A_2 = arith.constant 64 : i32
    %mul3A_3 = arith.muli %add3A, %mul3A_2 : i32
    %add3A_4 = arith.constant 0 : i32
    %add3A_5 = arith.addi %mul3A_3, %add3A_4 : i32
    %dma_start3A = arith.constant 0 : i32
    %dma_start3A_6 = tpu.memref_slice %arg2[%add3A_5, %dma_start3A] : memref<2048x512xf32, #tpu.memory_space<hbm>> -> memref<32x512xf32, #tpu.memory_space<hbm>>
    %dma_start3A_7 = arith.constant 0 : i32
    %dma_start3A_8 = tpu.memref_slice %arg2[%add3A_5, %dma_start3A_7] : memref<2048x512xf32, #tpu.memory_space<hbm>> -> memref<32x512xf32, #tpu.memory_space<hbm>>
    tpu.enqueue_dma source(%dma_start3A_8 : memref<32x512xf32, #tpu.memory_space<hbm>>) target(%arg5 : memref<32x512xf32, #tpu.memory_space<vmem>>) target_semaphore(%arg7 : memref<!tpu.dma_semaphore, #tpu.memory_space<semaphore_mem>>)
    %broadcast_in_dim3A_9 = arith.constant 0 : i32
    %broadcast_in_dim3A_10 = vector.broadcast %broadcast_in_dim3A_9 : i32 to vector<16xi32>
    %scan3A = arith.constant 0 : i32
    %scan3A_11 = arith.constant 256 : i32
    %scan3A_12 = arith.addi %scan3A, %scan3A_11 : i32
    %scan3A_13 = arith.constant 2 : i32
    scf.for %scan3A_54 = %scan3A to %scan3A_12 step %scan3A_13  : i32 {
      %mul3A_55 = arith.constant 1 : i32
      %mul3A_56 = arith.muli %scan3A_54, %mul3A_55 : i32
      %add3A_57 = arith.constant 0 : i32
      %add3A_58 = arith.addi %add3A_57, %mul3A_56 : i32
      %swap3A = arith.index_cast %add3A_58 : i32 to index
      %swap3A_59 = arith.constant 0 : index
      %swap3A_60 = tpu.vector_load %arg4[%swap3A, %swap3A_59] {strides = array<i32>} : memref<256x128xi32, #tpu.memory_space<vmem>>, vector<16xi32>,
      tpu.vector_store %arg4[%swap3A, %swap3A_59], %broadcast_in_dim3A_10 {strides = array<i32>} : memref<256x128xi32, #tpu.memory_space<vmem>>, vector<16xi32>,
      %swap3A_61 = arith.index_cast %add3A_58 : i32 to index
      %swap3A_62 = arith.constant 16 : index
      %swap3A_63 = tpu.vector_load %arg4[%swap3A_61, %swap3A_62] {strides = array<i32>} : memref<256x128xi32, #tpu.memory_space<vmem>>, vector<16xi32>,
      tpu.vector_store %arg4[%swap3A_61, %swap3A_62], %broadcast_in_dim3A_10 {strides = array<i32>} : memref<256x128xi32, #tpu.memory_space<vmem>>, vector<16xi32>,
      %swap3A_64 = arith.index_cast %add3A_58 : i32 to index
      %swap3A_65 = arith.constant 32 : index
      %swap3A_66 = tpu.vector_load %arg4[%swap3A_64, %swap3A_65] {strides = array<i32>} : memref<256x128xi32, #tpu.memory_space<vmem>>, vector<16xi32>,
      tpu.vector_store %arg4[%swap3A_64, %swap3A_65], %broadcast_in_dim3A_10 {strides = array<i32>} : memref<256x128xi32, #tpu.memory_space<vmem>>, vector<16xi32>,
      %swap3A_67 = arith.index_cast %add3A_58 : i32 to index
      %swap3A_68 = arith.constant 48 : index
      %swap3A_69 = tpu.vector_load %arg4[%swap3A_67, %swap3A_68] {strides = array<i32>} : memref<256x128xi32, #tpu.memory_space<vmem>>, vector<16xi32>,
      tpu.vector_store %arg4[%swap3A_67, %swap3A_68], %broadcast_in_dim3A_10 {strides = array<i32>} : memref<256x128xi32, #tpu.memory_space<vmem>>, vector<16xi32>,
      %swap3A_70 = arith.index_cast %add3A_58 : i32 to index
      %swap3A_71 = arith.constant 64 : index
      %swap3A_72 = tpu.vector_load %arg4[%swap3A_70, %swap3A_71] {strides = array<i32>} : memref<256x128xi32, #tpu.memory_space<vmem>>, vector<16xi32>,
      tpu.vector_store %arg4[%swap3A_70, %swap3A_71], %broadcast_in_dim3A_10 {strides = array<i32>} : memref<256x128xi32, #tpu.memory_space<vmem>>, vector<16xi32>,
      %swap3A_73 = arith.index_cast %add3A_58 : i32 to index
      %swap3A_74 = arith.constant 80 : index
      %swap3A_75 = tpu.vector_load %arg4[%swap3A_73, %swap3A_74] {strides = array<i32>} : memref<256x128xi32, #tpu.memory_space<vmem>>, vector<16xi32>,
      tpu.vector_store %arg4[%swap3A_73, %swap3A_74], %broadcast_in_dim3A_10 {strides = array<i32>} : memref<256x128xi32, #tpu.memory_space<vmem>>, vector<16xi32>,
      %swap3A_76 = arith.index_cast %add3A_58 : i32 to index
      %swap3A_77 = arith.constant 96 : index
      %swap3A_78 = tpu.vector_load %arg4[%swap3A_76, %swap3A_77] {strides = array<i32>} : memref<256x128xi32, #tpu.memory_space<vmem>>, vector<16xi32>,
      tpu.vector_store %arg4[%swap3A_76, %swap3A_77], %broadcast_in_dim3A_10 {strides = array<i32>} : memref<256x128xi32, #tpu.memory_space<vmem>>, vector<16xi32>,
      %swap3A_79 = arith.index_cast %add3A_58 : i32 to index
      %swap3A_80 = arith.constant 112 : index
      %swap3A_81 = tpu.vector_load %arg4[%swap3A_79, %swap3A_80] {strides = array<i32>} : memref<256x128xi32, #tpu.memory_space<vmem>>, vector<16xi32>,
      tpu.vector_store %arg4[%swap3A_79, %swap3A_80], %broadcast_in_dim3A_10 {strides = array<i32>} : memref<256x128xi32, #tpu.memory_space<vmem>>, vector<16xi32>,
      %scan3A_82 = arith.constant 1 : i32
      %scan3A_83 = arith.addi %scan3A_54, %scan3A_82 : i32
      %mul3A_84 = arith.constant 1 : i32
      %mul3A_85 = arith.muli %scan3A_83, %mul3A_84 : i32
      %add3A_86 = arith.constant 0 : i32
      %add3A_87 = arith.addi %add3A_86, %mul3A_85 : i32
      %swap3A_88 = arith.index_cast %add3A_87 : i32 to index
      %swap3A_89 = arith.constant 0 : index
      %swap3A_90 = tpu.vector_load %arg4[%swap3A_88, %swap3A_89] {strides = array<i32>} : memref<256x128xi32, #tpu.memory_space<vmem>>, vector<16xi32>,
      tpu.vector_store %arg4[%swap3A_88, %swap3A_89], %broadcast_in_dim3A_10 {strides = array<i32>} : memref<256x128xi32, #tpu.memory_space<vmem>>, vector<16xi32>,
      %swap3A_91 = arith.index_cast %add3A_87 : i32 to index
      %swap3A_92 = arith.constant 16 : index
      %swap3A_93 = tpu.vector_load %arg4[%swap3A_91, %swap3A_92] {strides = array<i32>} : memref<256x128xi32, #tpu.memory_space<vmem>>, vector<16xi32>,
      tpu.vector_store %arg4[%swap3A_91, %swap3A_92], %broadcast_in_dim3A_10 {strides = array<i32>} : memref<256x128xi32, #tpu.memory_space<vmem>>, vector<16xi32>,
      %swap3A_94 = arith.index_cast %add3A_87 : i32 to index
      %swap3A_95 = arith.constant 32 : index
      %swap3A_96 = tpu.vector_load %arg4[%swap3A_94, %swap3A_95] {strides = array<i32>} : memref<256x128xi32, #tpu.memory_space<vmem>>, vector<16xi32>,
      tpu.vector_store %arg4[%swap3A_94, %swap3A_95], %broadcast_in_dim3A_10 {strides = array<i32>} : memref<256x128xi32, #tpu.memory_space<vmem>>, vector<16xi32>,
      %swap3A_97 = arith.index_cast %add3A_87 : i32 to index
      %swap3A_98 = arith.constant 48 : index
      %swap3A_99 = tpu.vector_load %arg4[%swap3A_97, %swap3A_98] {strides = array<i32>} : memref<256x128xi32, #tpu.memory_space<vmem>>, vector<16xi32>,
      tpu.vector_store %arg4[%swap3A_97, %swap3A_98], %broadcast_in_dim3A_10 {strides = array<i32>} : memref<256x128xi32, #tpu.memory_space<vmem>>, vector<16xi32>,
      %swap3A_100 = arith.index_cast %add3A_87 : i32 to index
      %swap3A_101 = arith.constant 64 : index
      %swap3A_102 = tpu.vector_load %arg4[%swap3A_100, %swap3A_101] {strides = array<i32>} : memref<256x128xi32, #tpu.memory_space<vmem>>, vector<16xi32>,
      tpu.vector_store %arg4[%swap3A_100, %swap3A_101], %broadcast_in_dim3A_10 {strides = array<i32>} : memref<256x128xi32, #tpu.memory_space<vmem>>, vector<16xi32>,
      %swap3A_103 = arith.index_cast %add3A_87 : i32 to index
      %swap3A_104 = arith.constant 80 : index
      %swap3A_105 = tpu.vector_load %arg4[%swap3A_103, %swap3A_104] {strides = array<i32>} : memref<256x128xi32, #tpu.memory_space<vmem>>, vector<16xi32>,
      tpu.vector_store %arg4[%swap3A_103, %swap3A_104], %broadcast_in_dim3A_10 {strides = array<i32>} : memref<256x128xi32, #tpu.memory_space<vmem>>, vector<16xi32>,
      %swap3A_106 = arith.index_cast %add3A_87 : i32 to index
      %swap3A_107 = arith.constant 96 : index
      %swap3A_108 = tpu.vector_load %arg4[%swap3A_106, %swap3A_107] {strides = array<i32>} : memref<256x128xi32, #tpu.memory_space<vmem>>, vector<16xi32>,
      tpu.vector_store %arg4[%swap3A_106, %swap3A_107], %broadcast_in_dim3A_10 {strides = array<i32>} : memref<256x128xi32, #tpu.memory_space<vmem>>, vector<16xi32>,
      %swap3A_109 = arith.index_cast %add3A_87 : i32 to index
      %swap3A_110 = arith.constant 112 : index
      %swap3A_111 = tpu.vector_load %arg4[%swap3A_109, %swap3A_110] {strides = array<i32>} : memref<256x128xi32, #tpu.memory_space<vmem>>, vector<16xi32>,
      tpu.vector_store %arg4[%swap3A_109, %swap3A_110], %broadcast_in_dim3A_10 {strides = array<i32>} : memref<256x128xi32, #tpu.memory_space<vmem>>, vector<16xi32>,
    }
    %scan3A_14 = arith.constant 256 : i32
    %add3A_15 = arith.constant 32 : i32
    %add3A_16 = arith.addi %mul3A_3, %add3A_15 : i32
    %dma_start3A_17 = arith.constant 0 : i32
    %dma_start3A_18 = tpu.memref_slice %arg2[%add3A_16, %dma_start3A_17] : memref<2048x512xf32, #tpu.memory_space<hbm>> -> memref<32x512xf32, #tpu.memory_space<hbm>>
    %dma_start3A_19 = arith.constant 0 : i32
    %dma_start3A_20 = tpu.memref_slice %arg2[%add3A_16, %dma_start3A_19] : memref<2048x512xf32, #tpu.memory_space<hbm>> -> memref<32x512xf32, #tpu.memory_space<hbm>>
    tpu.enqueue_dma source(%dma_start3A_20 : memref<32x512xf32, #tpu.memory_space<hbm>>) target(%arg6 : memref<32x512xf32, #tpu.memory_space<vmem>>) target_semaphore(%arg7 : memref<!tpu.dma_semaphore, #tpu.memory_space<semaphore_mem>>)
    %dma_wait3A = arith.constant 0 : i32
    %dma_wait3A_21 = tpu.memref_slice %arg2[%add3A_5, %dma_wait3A] : memref<2048x512xf32, #tpu.memory_space<hbm>> -> memref<32x512xf32, #tpu.memory_space<hbm>>
    %dma_wait3A_22 = arith.constant 0 : i32
    %dma_wait3A_23 = tpu.memref_slice %arg2[%add3A_5, %dma_wait3A_22] : memref<2048x512xf32, #tpu.memory_space<hbm>> -> memref<32x512xf32, #tpu.memory_space<hbm>>
    tpu.wait_dma2 semaphore(%arg7 : memref<!tpu.dma_semaphore, #tpu.memory_space<semaphore_mem>>) src(%dma_wait3A_23 : memref<32x512xf32, #tpu.memory_space<hbm>>) dst(%arg5 : memref<32x512xf32, #tpu.memory_space<vmem>>)
    %scan3A_24 = arith.constant 0 : i32
    %scan3A_25 = arith.constant 32 : i32
    %scan3A_26 = arith.addi %scan3A_24, %scan3A_25 : i32
    %scan3A_27 = arith.constant 1 : i32
    scf.for %scan3A_54 = %scan3A_24 to %scan3A_26 step %scan3A_27  : i32 {
      %mul3A_55 = arith.constant 1 : i32
      %mul3A_56 = arith.muli %scan3A_54, %mul3A_55 : i32
      %add3A_57 = arith.constant 0 : i32
      %add3A_58 = arith.addi %add3A_57, %mul3A_56 : i32
      %scan3A_59 = arith.constant 0 : i32
      %scan3A_60 = arith.constant 8 : i32
      %scan3A_61 = arith.addi %scan3A_59, %scan3A_60 : i32
      %scan3A_62 = arith.constant 2 : i32
      scf.for %scan3A_64 = %scan3A_59 to %scan3A_61 step %scan3A_62  : i32 {
        %mul3A_65 = arith.constant 64 : i32
        %mul3A_66 = arith.muli %scan3A_64, %mul3A_65 : i32
        %add3A_67 = arith.constant 0 : i32
        %add3A_68 = arith.addi %add3A_67, %mul3A_66 : i32
        %add3A_69 = arith.constant 0 : i32
        %add3A_70 = arith.addi %add3A_68, %add3A_69 : i32
        %get3A = arith.index_cast %add3A_58 : i32 to index
        %get3A_71 = arith.index_cast %add3A_70 : i32 to index
        %get3A_72 = tpu.vector_load %arg5[%get3A, %get3A_71] {strides = array<i32>} : memref<32x512xf32, #tpu.memory_space<vmem>>, vector<16xf32>,
        %add3A_73 = arith.constant 16 : i32
        %add3A_74 = arith.addi %add3A_68, %add3A_73 : i32
        %get3A_75 = arith.index_cast %add3A_58 : i32 to index
        %get3A_76 = arith.index_cast %add3A_74 : i32 to index
        %get3A_77 = tpu.vector_load %arg5[%get3A_75, %get3A_76] {strides = array<i32>} : memref<32x512xf32, #tpu.memory_space<vmem>>, vector<16xf32>,
        %add3A_78 = arith.constant 32 : i32
        %add3A_79 = arith.addi %add3A_68, %add3A_78 : i32
        %get3A_80 = arith.index_cast %add3A_58 : i32 to index
        %get3A_81 = arith.index_cast %add3A_79 : i32 to index
        %get3A_82 = tpu.vector_load %arg5[%get3A_80, %get3A_81] {strides = array<i32>} : memref<32x512xf32, #tpu.memory_space<vmem>>, vector<16xf32>,
        %add3A_83 = arith.constant 48 : i32
        %add3A_84 = arith.addi %add3A_68, %add3A_83 : i32
        %get3A_85 = arith.index_cast %add3A_58 : i32 to index
        %get3A_86 = arith.index_cast %add3A_84 : i32 to index
        %get3A_87 = tpu.vector_load %arg5[%get3A_85, %get3A_86] {strides = array<i32>} : memref<32x512xf32, #tpu.memory_space<vmem>>, vector<16xf32>,
        %bitcast3A = vector.bitcast %get3A_72 : vector<16xf32> to vector<16xi32>
        %shift_right_logical3A = arith.constant 16 : i32
        %shift_right_logical3A_88 = vector.broadcast %shift_right_logical3A : i32 to vector<16xi32>
        %shift_right_logical3A_89 = arith.shrui %bitcast3A, %shift_right_logical3A_88 : vector<16xi32>
        %bitcast3A_90 = vector.bitcast %get3A_77 : vector<16xf32> to vector<16xi32>
        %shift_right_logical3A_91 = arith.constant 16 : i32
        %shift_right_logical3A_92 = vector.broadcast %shift_right_logical3A_91 : i32 to vector<16xi32>
        %shift_right_logical3A_93 = arith.shrui %bitcast3A_90, %shift_right_logical3A_92 : vector<16xi32>
        %bitcast3A_94 = vector.bitcast %get3A_82 : vector<16xf32> to vector<16xi32>
        %shift_right_logical3A_95 = arith.constant 16 : i32
        %shift_right_logical3A_96 = vector.broadcast %shift_right_logical3A_95 : i32 to vector<16xi32>
        %shift_right_logical3A_97 = arith.shrui %bitcast3A_94, %shift_right_logical3A_96 : vector<16xi32>
        %bitcast3A_98 = vector.bitcast %get3A_87 : vector<16xf32> to vector<16xi32>
        %shift_right_logical3A_99 = arith.constant 16 : i32
        %shift_right_logical3A_100 = vector.broadcast %shift_right_logical3A_99 : i32 to vector<16xi32>
        %shift_right_logical3A_101 = arith.shrui %bitcast3A_98, %shift_right_logical3A_100 : vector<16xi32>
        %shift_right_logical3A_102 = arith.constant 7 : i32
        %shift_right_logical3A_103 = vector.broadcast %shift_right_logical3A_102 : i32 to vector<16xi32>
        %shift_right_logical3A_104 = arith.shrui %shift_right_logical3A_89, %shift_right_logical3A_103 : vector<16xi32>
        %and3A = arith.constant 127 : i32
        %and3A_105 = vector.broadcast %and3A : i32 to vector<16xi32>
        %and3A_106 = arith.andi %shift_right_logical3A_89, %and3A_105 : vector<16xi32>
        tpu.vector_store_idx %arg4[%shift_right_logical3A_104, %and3A_106], %broadcast_in_dim3A_1 {add = true} : memref<256x128xi32, #tpu.memory_space<vmem>>[vector<16xi32>, vector<16xi32>], vector<16xi32>,
        %shift_right_logical3A_107 = arith.constant 7 : i32
        %shift_right_logical3A_108 = vector.broadcast %shift_right_logical3A_107 : i32 to vector<16xi32>
        %shift_right_logical3A_109 = arith.shrui %shift_right_logical3A_93, %shift_right_logical3A_108 : vector<16xi32>
        %and3A_110 = arith.constant 127 : i32
        %and3A_111 = vector.broadcast %and3A_110 : i32 to vector<16xi32>
        %and3A_112 = arith.andi %shift_right_logical3A_93, %and3A_111 : vector<16xi32>
        tpu.vector_store_idx %arg4[%shift_right_logical3A_109, %and3A_112], %broadcast_in_dim3A_1 {add = true} : memref<256x128xi32, #tpu.memory_space<vmem>>[vector<16xi32>, vector<16xi32>], vector<16xi32>,
        %shift_right_logical3A_113 = arith.constant 7 : i32
        %shift_right_logical3A_114 = vector.broadcast %shift_right_logical3A_113 : i32 to vector<16xi32>
        %shift_right_logical3A_115 = arith.shrui %shift_right_logical3A_97, %shift_right_logical3A_114 : vector<16xi32>
        %and3A_116 = arith.constant 127 : i32
        %and3A_117 = vector.broadcast %and3A_116 : i32 to vector<16xi32>
        %and3A_118 = arith.andi %shift_right_logical3A_97, %and3A_117 : vector<16xi32>
        tpu.vector_store_idx %arg4[%shift_right_logical3A_115, %and3A_118], %broadcast_in_dim3A_1 {add = true} : memref<256x128xi32, #tpu.memory_space<vmem>>[vector<16xi32>, vector<16xi32>], vector<16xi32>,
        %shift_right_logical3A_119 = arith.constant 7 : i32
        %shift_right_logical3A_120 = vector.broadcast %shift_right_logical3A_119 : i32 to vector<16xi32>
        %shift_right_logical3A_121 = arith.shrui %shift_right_logical3A_101, %shift_right_logical3A_120 : vector<16xi32>
        %and3A_122 = arith.constant 127 : i32
        %and3A_123 = vector.broadcast %and3A_122 : i32 to vector<16xi32>
        %and3A_124 = arith.andi %shift_right_logical3A_101, %and3A_123 : vector<16xi32>
        tpu.vector_store_idx %arg4[%shift_right_logical3A_121, %and3A_124], %broadcast_in_dim3A_1 {add = true} : memref<256x128xi32, #tpu.memory_space<vmem>>[vector<16xi32>, vector<16xi32>], vector<16xi32>,
        %scan3A_125 = arith.constant 1 : i32
        %scan3A_126 = arith.addi %scan3A_64, %scan3A_125 : i32
        %mul3A_127 = arith.constant 64 : i32
        %mul3A_128 = arith.muli %scan3A_126, %mul3A_127 : i32
        %add3A_129 = arith.constant 0 : i32
        %add3A_130 = arith.addi %add3A_129, %mul3A_128 : i32
        %add3A_131 = arith.constant 0 : i32
        %add3A_132 = arith.addi %add3A_130, %add3A_131 : i32
        %get3A_133 = arith.index_cast %add3A_58 : i32 to index
        %get3A_134 = arith.index_cast %add3A_132 : i32 to index
        %get3A_135 = tpu.vector_load %arg5[%get3A_133, %get3A_134] {strides = array<i32>} : memref<32x512xf32, #tpu.memory_space<vmem>>, vector<16xf32>,
        %add3A_136 = arith.constant 16 : i32
        %add3A_137 = arith.addi %add3A_130, %add3A_136 : i32
        %get3A_138 = arith.index_cast %add3A_58 : i32 to index
        %get3A_139 = arith.index_cast %add3A_137 : i32 to index
        %get3A_140 = tpu.vector_load %arg5[%get3A_138, %get3A_139] {strides = array<i32>} : memref<32x512xf32, #tpu.memory_space<vmem>>, vector<16xf32>,
        %add3A_141 = arith.constant 32 : i32
        %add3A_142 = arith.addi %add3A_130, %add3A_141 : i32
        %get3A_143 = arith.index_cast %add3A_58 : i32 to index
        %get3A_144 = arith.index_cast %add3A_142 : i32 to index
        %get3A_145 = tpu.vector_load %arg5[%get3A_143, %get3A_144] {strides = array<i32>} : memref<32x512xf32, #tpu.memory_space<vmem>>, vector<16xf32>,
        %add3A_146 = arith.constant 48 : i32
        %add3A_147 = arith.addi %add3A_130, %add3A_146 : i32
        %get3A_148 = arith.index_cast %add3A_58 : i32 to index
        %get3A_149 = arith.index_cast %add3A_147 : i32 to index
        %get3A_150 = tpu.vector_load %arg5[%get3A_148, %get3A_149] {strides = array<i32>} : memref<32x512xf32, #tpu.memory_space<vmem>>, vector<16xf32>,
        %bitcast3A_151 = vector.bitcast %get3A_135 : vector<16xf32> to vector<16xi32>
        %shift_right_logical3A_152 = arith.constant 16 : i32
        %shift_right_logical3A_153 = vector.broadcast %shift_right_logical3A_152 : i32 to vector<16xi32>
        %shift_right_logical3A_154 = arith.shrui %bitcast3A_151, %shift_right_logical3A_153 : vector<16xi32>
        %bitcast3A_155 = vector.bitcast %get3A_140 : vector<16xf32> to vector<16xi32>
        %shift_right_logical3A_156 = arith.constant 16 : i32
        %shift_right_logical3A_157 = vector.broadcast %shift_right_logical3A_156 : i32 to vector<16xi32>
        %shift_right_logical3A_158 = arith.shrui %bitcast3A_155, %shift_right_logical3A_157 : vector<16xi32>
        %bitcast3A_159 = vector.bitcast %get3A_145 : vector<16xf32> to vector<16xi32>
        %shift_right_logical3A_160 = arith.constant 16 : i32
        %shift_right_logical3A_161 = vector.broadcast %shift_right_logical3A_160 : i32 to vector<16xi32>
        %shift_right_logical3A_162 = arith.shrui %bitcast3A_159, %shift_right_logical3A_161 : vector<16xi32>
        %bitcast3A_163 = vector.bitcast %get3A_150 : vector<16xf32> to vector<16xi32>
        %shift_right_logical3A_164 = arith.constant 16 : i32
        %shift_right_logical3A_165 = vector.broadcast %shift_right_logical3A_164 : i32 to vector<16xi32>
        %shift_right_logical3A_166 = arith.shrui %bitcast3A_163, %shift_right_logical3A_165 : vector<16xi32>
        %shift_right_logical3A_167 = arith.constant 7 : i32
        %shift_right_logical3A_168 = vector.broadcast %shift_right_logical3A_167 : i32 to vector<16xi32>
        %shift_right_logical3A_169 = arith.shrui %shift_right_logical3A_154, %shift_right_logical3A_168 : vector<16xi32>
        %and3A_170 = arith.constant 127 : i32
        %and3A_171 = vector.broadcast %and3A_170 : i32 to vector<16xi32>
        %and3A_172 = arith.andi %shift_right_logical3A_154, %and3A_171 : vector<16xi32>
        tpu.vector_store_idx %arg4[%shift_right_logical3A_169, %and3A_172], %broadcast_in_dim3A_1 {add = true} : memref<256x128xi32, #tpu.memory_space<vmem>>[vector<16xi32>, vector<16xi32>], vector<16xi32>,
        %shift_right_logical3A_173 = arith.constant 7 : i32
        %shift_right_logical3A_174 = vector.broadcast %shift_right_logical3A_173 : i32 to vector<16xi32>
        %shift_right_logical3A_175 = arith.shrui %shift_right_logical3A_158, %shift_right_logical3A_174 : vector<16xi32>
        %and3A_176 = arith.constant 127 : i32
        %and3A_177 = vector.broadcast %and3A_176 : i32 to vector<16xi32>
        %and3A_178 = arith.andi %shift_right_logical3A_158, %and3A_177 : vector<16xi32>
        tpu.vector_store_idx %arg4[%shift_right_logical3A_175, %and3A_178], %broadcast_in_dim3A_1 {add = true} : memref<256x128xi32, #tpu.memory_space<vmem>>[vector<16xi32>, vector<16xi32>], vector<16xi32>,
        %shift_right_logical3A_179 = arith.constant 7 : i32
        %shift_right_logical3A_180 = vector.broadcast %shift_right_logical3A_179 : i32 to vector<16xi32>
        %shift_right_logical3A_181 = arith.shrui %shift_right_logical3A_162, %shift_right_logical3A_180 : vector<16xi32>
        %and3A_182 = arith.constant 127 : i32
        %and3A_183 = vector.broadcast %and3A_182 : i32 to vector<16xi32>
        %and3A_184 = arith.andi %shift_right_logical3A_162, %and3A_183 : vector<16xi32>
        tpu.vector_store_idx %arg4[%shift_right_logical3A_181, %and3A_184], %broadcast_in_dim3A_1 {add = true} : memref<256x128xi32, #tpu.memory_space<vmem>>[vector<16xi32>, vector<16xi32>], vector<16xi32>,
        %shift_right_logical3A_185 = arith.constant 7 : i32
        %shift_right_logical3A_186 = vector.broadcast %shift_right_logical3A_185 : i32 to vector<16xi32>
        %shift_right_logical3A_187 = arith.shrui %shift_right_logical3A_166, %shift_right_logical3A_186 : vector<16xi32>
        %and3A_188 = arith.constant 127 : i32
        %and3A_189 = vector.broadcast %and3A_188 : i32 to vector<16xi32>
        %and3A_190 = arith.andi %shift_right_logical3A_166, %and3A_189 : vector<16xi32>
        tpu.vector_store_idx %arg4[%shift_right_logical3A_187, %and3A_190], %broadcast_in_dim3A_1 {add = true} : memref<256x128xi32, #tpu.memory_space<vmem>>[vector<16xi32>, vector<16xi32>], vector<16xi32>,
      }
      %scan3A_63 = arith.constant 8 : i32
    }
    %scan3A_28 = arith.constant 32 : i32
    %dma_wait3A_29 = arith.constant 0 : i32
    %dma_wait3A_30 = tpu.memref_slice %arg2[%add3A_16, %dma_wait3A_29] : memref<2048x512xf32, #tpu.memory_space<hbm>> -> memref<32x512xf32, #tpu.memory_space<hbm>>
    %dma_wait3A_31 = arith.constant 0 : i32
    %dma_wait3A_32 = tpu.memref_slice %arg2[%add3A_16, %dma_wait3A_31] : memref<2048x512xf32, #tpu.memory_space<hbm>> -> memref<32x512xf32, #tpu.memory_space<hbm>>
    tpu.wait_dma2 semaphore(%arg7 : memref<!tpu.dma_semaphore, #tpu.memory_space<semaphore_mem>>) src(%dma_wait3A_32 : memref<32x512xf32, #tpu.memory_space<hbm>>) dst(%arg6 : memref<32x512xf32, #tpu.memory_space<vmem>>)
    %scan3A_33 = arith.constant 0 : i32
    %scan3A_34 = arith.constant 32 : i32
    %scan3A_35 = arith.addi %scan3A_33, %scan3A_34 : i32
    %scan3A_36 = arith.constant 1 : i32
    scf.for %scan3A_54 = %scan3A_33 to %scan3A_35 step %scan3A_36  : i32 {
      %mul3A_55 = arith.constant 1 : i32
      %mul3A_56 = arith.muli %scan3A_54, %mul3A_55 : i32
      %add3A_57 = arith.constant 0 : i32
      %add3A_58 = arith.addi %add3A_57, %mul3A_56 : i32
      %scan3A_59 = arith.constant 0 : i32
      %scan3A_60 = arith.constant 8 : i32
      %scan3A_61 = arith.addi %scan3A_59, %scan3A_60 : i32
      %scan3A_62 = arith.constant 2 : i32
      scf.for %scan3A_64 = %scan3A_59 to %scan3A_61 step %scan3A_62  : i32 {
        %mul3A_65 = arith.constant 64 : i32
        %mul3A_66 = arith.muli %scan3A_64, %mul3A_65 : i32
        %add3A_67 = arith.constant 0 : i32
        %add3A_68 = arith.addi %add3A_67, %mul3A_66 : i32
        %add3A_69 = arith.constant 0 : i32
        %add3A_70 = arith.addi %add3A_68, %add3A_69 : i32
        %get3A = arith.index_cast %add3A_58 : i32 to index
        %get3A_71 = arith.index_cast %add3A_70 : i32 to index
        %get3A_72 = tpu.vector_load %arg6[%get3A, %get3A_71] {strides = array<i32>} : memref<32x512xf32, #tpu.memory_space<vmem>>, vector<16xf32>,
        %add3A_73 = arith.constant 16 : i32
        %add3A_74 = arith.addi %add3A_68, %add3A_73 : i32
        %get3A_75 = arith.index_cast %add3A_58 : i32 to index
        %get3A_76 = arith.index_cast %add3A_74 : i32 to index
        %get3A_77 = tpu.vector_load %arg6[%get3A_75, %get3A_76] {strides = array<i32>} : memref<32x512xf32, #tpu.memory_space<vmem>>, vector<16xf32>,
        %add3A_78 = arith.constant 32 : i32
        %add3A_79 = arith.addi %add3A_68, %add3A_78 : i32
        %get3A_80 = arith.index_cast %add3A_58 : i32 to index
        %get3A_81 = arith.index_cast %add3A_79 : i32 to index
        %get3A_82 = tpu.vector_load %arg6[%get3A_80, %get3A_81] {strides = array<i32>} : memref<32x512xf32, #tpu.memory_space<vmem>>, vector<16xf32>,
        %add3A_83 = arith.constant 48 : i32
        %add3A_84 = arith.addi %add3A_68, %add3A_83 : i32
        %get3A_85 = arith.index_cast %add3A_58 : i32 to index
        %get3A_86 = arith.index_cast %add3A_84 : i32 to index
        %get3A_87 = tpu.vector_load %arg6[%get3A_85, %get3A_86] {strides = array<i32>} : memref<32x512xf32, #tpu.memory_space<vmem>>, vector<16xf32>,
        %bitcast3A = vector.bitcast %get3A_72 : vector<16xf32> to vector<16xi32>
        %shift_right_logical3A = arith.constant 16 : i32
        %shift_right_logical3A_88 = vector.broadcast %shift_right_logical3A : i32 to vector<16xi32>
        %shift_right_logical3A_89 = arith.shrui %bitcast3A, %shift_right_logical3A_88 : vector<16xi32>
        %bitcast3A_90 = vector.bitcast %get3A_77 : vector<16xf32> to vector<16xi32>
        %shift_right_logical3A_91 = arith.constant 16 : i32
        %shift_right_logical3A_92 = vector.broadcast %shift_right_logical3A_91 : i32 to vector<16xi32>
        %shift_right_logical3A_93 = arith.shrui %bitcast3A_90, %shift_right_logical3A_92 : vector<16xi32>
        %bitcast3A_94 = vector.bitcast %get3A_82 : vector<16xf32> to vector<16xi32>
        %shift_right_logical3A_95 = arith.constant 16 : i32
        %shift_right_logical3A_96 = vector.broadcast %shift_right_logical3A_95 : i32 to vector<16xi32>
        %shift_right_logical3A_97 = arith.shrui %bitcast3A_94, %shift_right_logical3A_96 : vector<16xi32>
        %bitcast3A_98 = vector.bitcast %get3A_87 : vector<16xf32> to vector<16xi32>
        %shift_right_logical3A_99 = arith.constant 16 : i32
        %shift_right_logical3A_100 = vector.broadcast %shift_right_logical3A_99 : i32 to vector<16xi32>
        %shift_right_logical3A_101 = arith.shrui %bitcast3A_98, %shift_right_logical3A_100 : vector<16xi32>
        %shift_right_logical3A_102 = arith.constant 7 : i32
        %shift_right_logical3A_103 = vector.broadcast %shift_right_logical3A_102 : i32 to vector<16xi32>
        %shift_right_logical3A_104 = arith.shrui %shift_right_logical3A_89, %shift_right_logical3A_103 : vector<16xi32>
        %and3A = arith.constant 127 : i32
        %and3A_105 = vector.broadcast %and3A : i32 to vector<16xi32>
        %and3A_106 = arith.andi %shift_right_logical3A_89, %and3A_105 : vector<16xi32>
        tpu.vector_store_idx %arg4[%shift_right_logical3A_104, %and3A_106], %broadcast_in_dim3A_1 {add = true} : memref<256x128xi32, #tpu.memory_space<vmem>>[vector<16xi32>, vector<16xi32>], vector<16xi32>,
        %shift_right_logical3A_107 = arith.constant 7 : i32
        %shift_right_logical3A_108 = vector.broadcast %shift_right_logical3A_107 : i32 to vector<16xi32>
        %shift_right_logical3A_109 = arith.shrui %shift_right_logical3A_93, %shift_right_logical3A_108 : vector<16xi32>
        %and3A_110 = arith.constant 127 : i32
        %and3A_111 = vector.broadcast %and3A_110 : i32 to vector<16xi32>
        %and3A_112 = arith.andi %shift_right_logical3A_93, %and3A_111 : vector<16xi32>
        tpu.vector_store_idx %arg4[%shift_right_logical3A_109, %and3A_112], %broadcast_in_dim3A_1 {add = true} : memref<256x128xi32, #tpu.memory_space<vmem>>[vector<16xi32>, vector<16xi32>], vector<16xi32>,
        %shift_right_logical3A_113 = arith.constant 7 : i32
        %shift_right_logical3A_114 = vector.broadcast %shift_right_logical3A_113 : i32 to vector<16xi32>
        %shift_right_logical3A_115 = arith.shrui %shift_right_logical3A_97, %shift_right_logical3A_114 : vector<16xi32>
        %and3A_116 = arith.constant 127 : i32
        %and3A_117 = vector.broadcast %and3A_116 : i32 to vector<16xi32>
        %and3A_118 = arith.andi %shift_right_logical3A_97, %and3A_117 : vector<16xi32>
        tpu.vector_store_idx %arg4[%shift_right_logical3A_115, %and3A_118], %broadcast_in_dim3A_1 {add = true} : memref<256x128xi32, #tpu.memory_space<vmem>>[vector<16xi32>, vector<16xi32>], vector<16xi32>,
        %shift_right_logical3A_119 = arith.constant 7 : i32
        %shift_right_logical3A_120 = vector.broadcast %shift_right_logical3A_119 : i32 to vector<16xi32>
        %shift_right_logical3A_121 = arith.shrui %shift_right_logical3A_101, %shift_right_logical3A_120 : vector<16xi32>
        %and3A_122 = arith.constant 127 : i32
        %and3A_123 = vector.broadcast %and3A_122 : i32 to vector<16xi32>
        %and3A_124 = arith.andi %shift_right_logical3A_101, %and3A_123 : vector<16xi32>
        tpu.vector_store_idx %arg4[%shift_right_logical3A_121, %and3A_124], %broadcast_in_dim3A_1 {add = true} : memref<256x128xi32, #tpu.memory_space<vmem>>[vector<16xi32>, vector<16xi32>], vector<16xi32>,
        %scan3A_125 = arith.constant 1 : i32
        %scan3A_126 = arith.addi %scan3A_64, %scan3A_125 : i32
        %mul3A_127 = arith.constant 64 : i32
        %mul3A_128 = arith.muli %scan3A_126, %mul3A_127 : i32
        %add3A_129 = arith.constant 0 : i32
        %add3A_130 = arith.addi %add3A_129, %mul3A_128 : i32
        %add3A_131 = arith.constant 0 : i32
        %add3A_132 = arith.addi %add3A_130, %add3A_131 : i32
        %get3A_133 = arith.index_cast %add3A_58 : i32 to index
        %get3A_134 = arith.index_cast %add3A_132 : i32 to index
        %get3A_135 = tpu.vector_load %arg6[%get3A_133, %get3A_134] {strides = array<i32>} : memref<32x512xf32, #tpu.memory_space<vmem>>, vector<16xf32>,
        %add3A_136 = arith.constant 16 : i32
        %add3A_137 = arith.addi %add3A_130, %add3A_136 : i32
        %get3A_138 = arith.index_cast %add3A_58 : i32 to index
        %get3A_139 = arith.index_cast %add3A_137 : i32 to index
        %get3A_140 = tpu.vector_load %arg6[%get3A_138, %get3A_139] {strides = array<i32>} : memref<32x512xf32, #tpu.memory_space<vmem>>, vector<16xf32>,
        %add3A_141 = arith.constant 32 : i32
        %add3A_142 = arith.addi %add3A_130, %add3A_141 : i32
        %get3A_143 = arith.index_cast %add3A_58 : i32 to index
        %get3A_144 = arith.index_cast %add3A_142 : i32 to index
        %get3A_145 = tpu.vector_load %arg6[%get3A_143, %get3A_144] {strides = array<i32>} : memref<32x512xf32, #tpu.memory_space<vmem>>, vector<16xf32>,
        %add3A_146 = arith.constant 48 : i32
        %add3A_147 = arith.addi %add3A_130, %add3A_146 : i32
        %get3A_148 = arith.index_cast %add3A_58 : i32 to index
        %get3A_149 = arith.index_cast %add3A_147 : i32 to index
        %get3A_150 = tpu.vector_load %arg6[%get3A_148, %get3A_149] {strides = array<i32>} : memref<32x512xf32, #tpu.memory_space<vmem>>, vector<16xf32>,
        %bitcast3A_151 = vector.bitcast %get3A_135 : vector<16xf32> to vector<16xi32>
        %shift_right_logical3A_152 = arith.constant 16 : i32
        %shift_right_logical3A_153 = vector.broadcast %shift_right_logical3A_152 : i32 to vector<16xi32>
        %shift_right_logical3A_154 = arith.shrui %bitcast3A_151, %shift_right_logical3A_153 : vector<16xi32>
        %bitcast3A_155 = vector.bitcast %get3A_140 : vector<16xf32> to vector<16xi32>
        %shift_right_logical3A_156 = arith.constant 16 : i32
        %shift_right_logical3A_157 = vector.broadcast %shift_right_logical3A_156 : i32 to vector<16xi32>
        %shift_right_logical3A_158 = arith.shrui %bitcast3A_155, %shift_right_logical3A_157 : vector<16xi32>
        %bitcast3A_159 = vector.bitcast %get3A_145 : vector<16xf32> to vector<16xi32>
        %shift_right_logical3A_160 = arith.constant 16 : i32
        %shift_right_logical3A_161 = vector.broadcast %shift_right_logical3A_160 : i32 to vector<16xi32>
        %shift_right_logical3A_162 = arith.shrui %bitcast3A_159, %shift_right_logical3A_161 : vector<16xi32>
        %bitcast3A_163 = vector.bitcast %get3A_150 : vector<16xf32> to vector<16xi32>
        %shift_right_logical3A_164 = arith.constant 16 : i32
        %shift_right_logical3A_165 = vector.broadcast %shift_right_logical3A_164 : i32 to vector<16xi32>
        %shift_right_logical3A_166 = arith.shrui %bitcast3A_163, %shift_right_logical3A_165 : vector<16xi32>
        %shift_right_logical3A_167 = arith.constant 7 : i32
        %shift_right_logical3A_168 = vector.broadcast %shift_right_logical3A_167 : i32 to vector<16xi32>
        %shift_right_logical3A_169 = arith.shrui %shift_right_logical3A_154, %shift_right_logical3A_168 : vector<16xi32>
        %and3A_170 = arith.constant 127 : i32
        %and3A_171 = vector.broadcast %and3A_170 : i32 to vector<16xi32>
        %and3A_172 = arith.andi %shift_right_logical3A_154, %and3A_171 : vector<16xi32>
        tpu.vector_store_idx %arg4[%shift_right_logical3A_169, %and3A_172], %broadcast_in_dim3A_1 {add = true} : memref<256x128xi32, #tpu.memory_space<vmem>>[vector<16xi32>, vector<16xi32>], vector<16xi32>,
        %shift_right_logical3A_173 = arith.constant 7 : i32
        %shift_right_logical3A_174 = vector.broadcast %shift_right_logical3A_173 : i32 to vector<16xi32>
        %shift_right_logical3A_175 = arith.shrui %shift_right_logical3A_158, %shift_right_logical3A_174 : vector<16xi32>
        %and3A_176 = arith.constant 127 : i32
        %and3A_177 = vector.broadcast %and3A_176 : i32 to vector<16xi32>
        %and3A_178 = arith.andi %shift_right_logical3A_158, %and3A_177 : vector<16xi32>
        tpu.vector_store_idx %arg4[%shift_right_logical3A_175, %and3A_178], %broadcast_in_dim3A_1 {add = true} : memref<256x128xi32, #tpu.memory_space<vmem>>[vector<16xi32>, vector<16xi32>], vector<16xi32>,
        %shift_right_logical3A_179 = arith.constant 7 : i32
        %shift_right_logical3A_180 = vector.broadcast %shift_right_logical3A_179 : i32 to vector<16xi32>
        %shift_right_logical3A_181 = arith.shrui %shift_right_logical3A_162, %shift_right_logical3A_180 : vector<16xi32>
        %and3A_182 = arith.constant 127 : i32
        %and3A_183 = vector.broadcast %and3A_182 : i32 to vector<16xi32>
        %and3A_184 = arith.andi %shift_right_logical3A_162, %and3A_183 : vector<16xi32>
        tpu.vector_store_idx %arg4[%shift_right_logical3A_181, %and3A_184], %broadcast_in_dim3A_1 {add = true} : memref<256x128xi32, #tpu.memory_space<vmem>>[vector<16xi32>, vector<16xi32>], vector<16xi32>,
        %shift_right_logical3A_185 = arith.constant 7 : i32
        %shift_right_logical3A_186 = vector.broadcast %shift_right_logical3A_185 : i32 to vector<16xi32>
        %shift_right_logical3A_187 = arith.shrui %shift_right_logical3A_166, %shift_right_logical3A_186 : vector<16xi32>
        %and3A_188 = arith.constant 127 : i32
        %and3A_189 = vector.broadcast %and3A_188 : i32 to vector<16xi32>
        %and3A_190 = arith.andi %shift_right_logical3A_166, %and3A_189 : vector<16xi32>
        tpu.vector_store_idx %arg4[%shift_right_logical3A_187, %and3A_190], %broadcast_in_dim3A_1 {add = true} : memref<256x128xi32, #tpu.memory_space<vmem>>[vector<16xi32>, vector<16xi32>], vector<16xi32>,
      }
      %scan3A_63 = arith.constant 8 : i32
    }
    %scan3A_37 = arith.constant 32 : i32
    %dma_start3A_38 = arith.constant 0 : i32
    %dma_start3A_39 = arith.constant 0 : i32
    %dma_start3A_40 = tpu.memref_slice %arg3[%add3A, %dma_start3A_38, %dma_start3A_39] : memref<32x256x128xi32, #tpu.memory_space<hbm>> -> memref<1x256x128xi32, #tpu.memory_space<hbm>>
    %dma_start3A_41 = tpu.memref_squeeze %dma_start3A_40 : memref<1x256x128xi32, #tpu.memory_space<hbm>> -> memref<256x128xi32, #tpu.memory_space<hbm>>
    %dma_start3A_42 = arith.constant 0 : i32
    %dma_start3A_43 = arith.constant 0 : i32
    %dma_start3A_44 = tpu.memref_slice %arg3[%add3A, %dma_start3A_42, %dma_start3A_43] : memref<32x256x128xi32, #tpu.memory_space<hbm>> -> memref<1x256x128xi32, #tpu.memory_space<hbm>>
    %dma_start3A_45 = tpu.memref_squeeze %dma_start3A_44 : memref<1x256x128xi32, #tpu.memory_space<hbm>> -> memref<256x128xi32, #tpu.memory_space<hbm>>
    tpu.enqueue_dma source(%arg4 : memref<256x128xi32, #tpu.memory_space<vmem>>) target(%dma_start3A_45 : memref<256x128xi32, #tpu.memory_space<hbm>>) target_semaphore(%arg7 : memref<!tpu.dma_semaphore, #tpu.memory_space<semaphore_mem>>)
    %dma_wait3A_46 = arith.constant 0 : i32
    %dma_wait3A_47 = arith.constant 0 : i32
    %dma_wait3A_48 = tpu.memref_slice %arg3[%add3A, %dma_wait3A_46, %dma_wait3A_47] : memref<32x256x128xi32, #tpu.memory_space<hbm>> -> memref<1x256x128xi32, #tpu.memory_space<hbm>>
    %dma_wait3A_49 = tpu.memref_squeeze %dma_wait3A_48 : memref<1x256x128xi32, #tpu.memory_space<hbm>> -> memref<256x128xi32, #tpu.memory_space<hbm>>
    %dma_wait3A_50 = arith.constant 0 : i32
    %dma_wait3A_51 = arith.constant 0 : i32
    %dma_wait3A_52 = tpu.memref_slice %arg3[%add3A, %dma_wait3A_50, %dma_wait3A_51] : memref<32x256x128xi32, #tpu.memory_space<hbm>> -> memref<1x256x128xi32, #tpu.memory_space<hbm>>
    %dma_wait3A_53 = tpu.memref_squeeze %dma_wait3A_52 : memref<1x256x128xi32, #tpu.memory_space<hbm>> -> memref<256x128xi32, #tpu.memory_space<hbm>>
    tpu.wait_dma2 semaphore(%arg7 : memref<!tpu.dma_semaphore, #tpu.memory_space<semaphore_mem>>) src(%arg4 : memref<256x128xi32, #tpu.memory_space<vmem>>) dst(%dma_wait3A_53 : memref<256x128xi32, #tpu.memory_space<hbm>>)
    return
  }
}

#map = affine_map<(d0, d1) -> (0, 0)>
#map1 = affine_map<(d0, d1) -> (0, 0, 0)>
module attributes {stable_mosaic.version = 14 : i64} {
  func.func @_sc_hist1_body(%arg0: i32, %arg1: i32, %arg2: memref<2048x512xf32, #tpu.memory_space<hbm>>, %arg3: memref<32x256x128xi32, #tpu.memory_space<hbm>>, %arg4: memref<256x128xi32, #tpu.memory_space<vmem>>, %arg5: memref<32x512xf32, #tpu.memory_space<vmem>>, %arg6: memref<32x512xf32, #tpu.memory_space<vmem>>, %arg7: memref<!tpu.dma_semaphore, #tpu.memory_space<semaphore_mem>>) attributes {dimension_semantics = [#tpu.dimension_semantics<core_parallel>, #tpu.dimension_semantics<subcore_parallel>], iteration_bounds = array<i64: 2, 16>, scalar_prefetch = 0 : i64, scratch_operands = 4 : i64, tpu.core_type = #tpu.core_type<sc_vector_subcore>, window_params = [{transform_indices = #map}, {transform_indices = #map1}]} {
    %mul3A = arith.constant 2 : i32
    %mul3A_0 = arith.muli %arg1, %mul3A : i32
    %add3A = arith.addi %mul3A_0, %arg0 : i32
    %broadcast_in_dim3A = arith.constant 1 : i32
    %broadcast_in_dim3A_1 = vector.broadcast %broadcast_in_dim3A : i32 to vector<16xi32>
    %mul3A_2 = arith.constant 64 : i32
    %mul3A_3 = arith.muli %add3A, %mul3A_2 : i32
    %add3A_4 = arith.constant 0 : i32
    %add3A_5 = arith.addi %mul3A_3, %add3A_4 : i32
    %dma_start3A = arith.constant 0 : i32
    %dma_start3A_6 = tpu.memref_slice %arg2[%add3A_5, %dma_start3A] : memref<2048x512xf32, #tpu.memory_space<hbm>> -> memref<32x512xf32, #tpu.memory_space<hbm>>
    %dma_start3A_7 = arith.constant 0 : i32
    %dma_start3A_8 = tpu.memref_slice %arg2[%add3A_5, %dma_start3A_7] : memref<2048x512xf32, #tpu.memory_space<hbm>> -> memref<32x512xf32, #tpu.memory_space<hbm>>
    tpu.enqueue_dma source(%dma_start3A_8 : memref<32x512xf32, #tpu.memory_space<hbm>>) target(%arg5 : memref<32x512xf32, #tpu.memory_space<vmem>>) target_semaphore(%arg7 : memref<!tpu.dma_semaphore, #tpu.memory_space<semaphore_mem>>)
    %broadcast_in_dim3A_9 = arith.constant 0 : i32
    %broadcast_in_dim3A_10 = vector.broadcast %broadcast_in_dim3A_9 : i32 to vector<16xi32>
    %scan3A = arith.constant 0 : i32
    %scan3A_11 = arith.constant 256 : i32
    %scan3A_12 = arith.addi %scan3A, %scan3A_11 : i32
    %scan3A_13 = arith.constant 2 : i32
    scf.for %scan3A_54 = %scan3A to %scan3A_12 step %scan3A_13  : i32 {
      %mul3A_55 = arith.constant 1 : i32
      %mul3A_56 = arith.muli %scan3A_54, %mul3A_55 : i32
      %add3A_57 = arith.constant 0 : i32
      %add3A_58 = arith.addi %add3A_57, %mul3A_56 : i32
      %swap3A = arith.index_cast %add3A_58 : i32 to index
      %swap3A_59 = arith.constant 0 : index
      %swap3A_60 = tpu.vector_load %arg4[%swap3A, %swap3A_59] {strides = array<i32>} : memref<256x128xi32, #tpu.memory_space<vmem>>, vector<16xi32>,
      tpu.vector_store %arg4[%swap3A, %swap3A_59], %broadcast_in_dim3A_10 {strides = array<i32>} : memref<256x128xi32, #tpu.memory_space<vmem>>, vector<16xi32>,
      %swap3A_61 = arith.index_cast %add3A_58 : i32 to index
      %swap3A_62 = arith.constant 16 : index
      %swap3A_63 = tpu.vector_load %arg4[%swap3A_61, %swap3A_62] {strides = array<i32>} : memref<256x128xi32, #tpu.memory_space<vmem>>, vector<16xi32>,
      tpu.vector_store %arg4[%swap3A_61, %swap3A_62], %broadcast_in_dim3A_10 {strides = array<i32>} : memref<256x128xi32, #tpu.memory_space<vmem>>, vector<16xi32>,
      %swap3A_64 = arith.index_cast %add3A_58 : i32 to index
      %swap3A_65 = arith.constant 32 : index
      %swap3A_66 = tpu.vector_load %arg4[%swap3A_64, %swap3A_65] {strides = array<i32>} : memref<256x128xi32, #tpu.memory_space<vmem>>, vector<16xi32>,
      tpu.vector_store %arg4[%swap3A_64, %swap3A_65], %broadcast_in_dim3A_10 {strides = array<i32>} : memref<256x128xi32, #tpu.memory_space<vmem>>, vector<16xi32>,
      %swap3A_67 = arith.index_cast %add3A_58 : i32 to index
      %swap3A_68 = arith.constant 48 : index
      %swap3A_69 = tpu.vector_load %arg4[%swap3A_67, %swap3A_68] {strides = array<i32>} : memref<256x128xi32, #tpu.memory_space<vmem>>, vector<16xi32>,
      tpu.vector_store %arg4[%swap3A_67, %swap3A_68], %broadcast_in_dim3A_10 {strides = array<i32>} : memref<256x128xi32, #tpu.memory_space<vmem>>, vector<16xi32>,
      %swap3A_70 = arith.index_cast %add3A_58 : i32 to index
      %swap3A_71 = arith.constant 64 : index
      %swap3A_72 = tpu.vector_load %arg4[%swap3A_70, %swap3A_71] {strides = array<i32>} : memref<256x128xi32, #tpu.memory_space<vmem>>, vector<16xi32>,
      tpu.vector_store %arg4[%swap3A_70, %swap3A_71], %broadcast_in_dim3A_10 {strides = array<i32>} : memref<256x128xi32, #tpu.memory_space<vmem>>, vector<16xi32>,
      %swap3A_73 = arith.index_cast %add3A_58 : i32 to index
      %swap3A_74 = arith.constant 80 : index
      %swap3A_75 = tpu.vector_load %arg4[%swap3A_73, %swap3A_74] {strides = array<i32>} : memref<256x128xi32, #tpu.memory_space<vmem>>, vector<16xi32>,
      tpu.vector_store %arg4[%swap3A_73, %swap3A_74], %broadcast_in_dim3A_10 {strides = array<i32>} : memref<256x128xi32, #tpu.memory_space<vmem>>, vector<16xi32>,
      %swap3A_76 = arith.index_cast %add3A_58 : i32 to index
      %swap3A_77 = arith.constant 96 : index
      %swap3A_78 = tpu.vector_load %arg4[%swap3A_76, %swap3A_77] {strides = array<i32>} : memref<256x128xi32, #tpu.memory_space<vmem>>, vector<16xi32>,
      tpu.vector_store %arg4[%swap3A_76, %swap3A_77], %broadcast_in_dim3A_10 {strides = array<i32>} : memref<256x128xi32, #tpu.memory_space<vmem>>, vector<16xi32>,
      %swap3A_79 = arith.index_cast %add3A_58 : i32 to index
      %swap3A_80 = arith.constant 112 : index
      %swap3A_81 = tpu.vector_load %arg4[%swap3A_79, %swap3A_80] {strides = array<i32>} : memref<256x128xi32, #tpu.memory_space<vmem>>, vector<16xi32>,
      tpu.vector_store %arg4[%swap3A_79, %swap3A_80], %broadcast_in_dim3A_10 {strides = array<i32>} : memref<256x128xi32, #tpu.memory_space<vmem>>, vector<16xi32>,
      %scan3A_82 = arith.constant 1 : i32
      %scan3A_83 = arith.addi %scan3A_54, %scan3A_82 : i32
      %mul3A_84 = arith.constant 1 : i32
      %mul3A_85 = arith.muli %scan3A_83, %mul3A_84 : i32
      %add3A_86 = arith.constant 0 : i32
      %add3A_87 = arith.addi %add3A_86, %mul3A_85 : i32
      %swap3A_88 = arith.index_cast %add3A_87 : i32 to index
      %swap3A_89 = arith.constant 0 : index
      %swap3A_90 = tpu.vector_load %arg4[%swap3A_88, %swap3A_89] {strides = array<i32>} : memref<256x128xi32, #tpu.memory_space<vmem>>, vector<16xi32>,
      tpu.vector_store %arg4[%swap3A_88, %swap3A_89], %broadcast_in_dim3A_10 {strides = array<i32>} : memref<256x128xi32, #tpu.memory_space<vmem>>, vector<16xi32>,
      %swap3A_91 = arith.index_cast %add3A_87 : i32 to index
      %swap3A_92 = arith.constant 16 : index
      %swap3A_93 = tpu.vector_load %arg4[%swap3A_91, %swap3A_92] {strides = array<i32>} : memref<256x128xi32, #tpu.memory_space<vmem>>, vector<16xi32>,
      tpu.vector_store %arg4[%swap3A_91, %swap3A_92], %broadcast_in_dim3A_10 {strides = array<i32>} : memref<256x128xi32, #tpu.memory_space<vmem>>, vector<16xi32>,
      %swap3A_94 = arith.index_cast %add3A_87 : i32 to index
      %swap3A_95 = arith.constant 32 : index
      %swap3A_96 = tpu.vector_load %arg4[%swap3A_94, %swap3A_95] {strides = array<i32>} : memref<256x128xi32, #tpu.memory_space<vmem>>, vector<16xi32>,
      tpu.vector_store %arg4[%swap3A_94, %swap3A_95], %broadcast_in_dim3A_10 {strides = array<i32>} : memref<256x128xi32, #tpu.memory_space<vmem>>, vector<16xi32>,
      %swap3A_97 = arith.index_cast %add3A_87 : i32 to index
      %swap3A_98 = arith.constant 48 : index
      %swap3A_99 = tpu.vector_load %arg4[%swap3A_97, %swap3A_98] {strides = array<i32>} : memref<256x128xi32, #tpu.memory_space<vmem>>, vector<16xi32>,
      tpu.vector_store %arg4[%swap3A_97, %swap3A_98], %broadcast_in_dim3A_10 {strides = array<i32>} : memref<256x128xi32, #tpu.memory_space<vmem>>, vector<16xi32>,
      %swap3A_100 = arith.index_cast %add3A_87 : i32 to index
      %swap3A_101 = arith.constant 64 : index
      %swap3A_102 = tpu.vector_load %arg4[%swap3A_100, %swap3A_101] {strides = array<i32>} : memref<256x128xi32, #tpu.memory_space<vmem>>, vector<16xi32>,
      tpu.vector_store %arg4[%swap3A_100, %swap3A_101], %broadcast_in_dim3A_10 {strides = array<i32>} : memref<256x128xi32, #tpu.memory_space<vmem>>, vector<16xi32>,
      %swap3A_103 = arith.index_cast %add3A_87 : i32 to index
      %swap3A_104 = arith.constant 80 : index
      %swap3A_105 = tpu.vector_load %arg4[%swap3A_103, %swap3A_104] {strides = array<i32>} : memref<256x128xi32, #tpu.memory_space<vmem>>, vector<16xi32>,
      tpu.vector_store %arg4[%swap3A_103, %swap3A_104], %broadcast_in_dim3A_10 {strides = array<i32>} : memref<256x128xi32, #tpu.memory_space<vmem>>, vector<16xi32>,
      %swap3A_106 = arith.index_cast %add3A_87 : i32 to index
      %swap3A_107 = arith.constant 96 : index
      %swap3A_108 = tpu.vector_load %arg4[%swap3A_106, %swap3A_107] {strides = array<i32>} : memref<256x128xi32, #tpu.memory_space<vmem>>, vector<16xi32>,
      tpu.vector_store %arg4[%swap3A_106, %swap3A_107], %broadcast_in_dim3A_10 {strides = array<i32>} : memref<256x128xi32, #tpu.memory_space<vmem>>, vector<16xi32>,
      %swap3A_109 = arith.index_cast %add3A_87 : i32 to index
      %swap3A_110 = arith.constant 112 : index
      %swap3A_111 = tpu.vector_load %arg4[%swap3A_109, %swap3A_110] {strides = array<i32>} : memref<256x128xi32, #tpu.memory_space<vmem>>, vector<16xi32>,
      tpu.vector_store %arg4[%swap3A_109, %swap3A_110], %broadcast_in_dim3A_10 {strides = array<i32>} : memref<256x128xi32, #tpu.memory_space<vmem>>, vector<16xi32>,
    }
    %scan3A_14 = arith.constant 256 : i32
    %add3A_15 = arith.constant 32 : i32
    %add3A_16 = arith.addi %mul3A_3, %add3A_15 : i32
    %dma_start3A_17 = arith.constant 0 : i32
    %dma_start3A_18 = tpu.memref_slice %arg2[%add3A_16, %dma_start3A_17] : memref<2048x512xf32, #tpu.memory_space<hbm>> -> memref<32x512xf32, #tpu.memory_space<hbm>>
    %dma_start3A_19 = arith.constant 0 : i32
    %dma_start3A_20 = tpu.memref_slice %arg2[%add3A_16, %dma_start3A_19] : memref<2048x512xf32, #tpu.memory_space<hbm>> -> memref<32x512xf32, #tpu.memory_space<hbm>>
    tpu.enqueue_dma source(%dma_start3A_20 : memref<32x512xf32, #tpu.memory_space<hbm>>) target(%arg6 : memref<32x512xf32, #tpu.memory_space<vmem>>) target_semaphore(%arg7 : memref<!tpu.dma_semaphore, #tpu.memory_space<semaphore_mem>>)
    %dma_wait3A = arith.constant 0 : i32
    %dma_wait3A_21 = tpu.memref_slice %arg2[%add3A_5, %dma_wait3A] : memref<2048x512xf32, #tpu.memory_space<hbm>> -> memref<32x512xf32, #tpu.memory_space<hbm>>
    %dma_wait3A_22 = arith.constant 0 : i32
    %dma_wait3A_23 = tpu.memref_slice %arg2[%add3A_5, %dma_wait3A_22] : memref<2048x512xf32, #tpu.memory_space<hbm>> -> memref<32x512xf32, #tpu.memory_space<hbm>>
    tpu.wait_dma2 semaphore(%arg7 : memref<!tpu.dma_semaphore, #tpu.memory_space<semaphore_mem>>) src(%dma_wait3A_23 : memref<32x512xf32, #tpu.memory_space<hbm>>) dst(%arg5 : memref<32x512xf32, #tpu.memory_space<vmem>>)
    %scan3A_24 = arith.constant 0 : i32
    %scan3A_25 = arith.constant 32 : i32
    %scan3A_26 = arith.addi %scan3A_24, %scan3A_25 : i32
    %scan3A_27 = arith.constant 1 : i32
    scf.for %scan3A_54 = %scan3A_24 to %scan3A_26 step %scan3A_27  : i32 {
      %mul3A_55 = arith.constant 1 : i32
      %mul3A_56 = arith.muli %scan3A_54, %mul3A_55 : i32
      %add3A_57 = arith.constant 0 : i32
      %add3A_58 = arith.addi %add3A_57, %mul3A_56 : i32
      %scan3A_59 = arith.constant 0 : i32
      %scan3A_60 = arith.constant 8 : i32
      %scan3A_61 = arith.addi %scan3A_59, %scan3A_60 : i32
      %scan3A_62 = arith.constant 2 : i32
      scf.for %scan3A_64 = %scan3A_59 to %scan3A_61 step %scan3A_62  : i32 {
        %mul3A_65 = arith.constant 64 : i32
        %mul3A_66 = arith.muli %scan3A_64, %mul3A_65 : i32
        %add3A_67 = arith.constant 0 : i32
        %add3A_68 = arith.addi %add3A_67, %mul3A_66 : i32
        %add3A_69 = arith.constant 0 : i32
        %add3A_70 = arith.addi %add3A_68, %add3A_69 : i32
        %get3A = arith.index_cast %add3A_58 : i32 to index
        %get3A_71 = arith.index_cast %add3A_70 : i32 to index
        %get3A_72 = tpu.vector_load %arg5[%get3A, %get3A_71] {strides = array<i32>} : memref<32x512xf32, #tpu.memory_space<vmem>>, vector<16xf32>,
        %add3A_73 = arith.constant 16 : i32
        %add3A_74 = arith.addi %add3A_68, %add3A_73 : i32
        %get3A_75 = arith.index_cast %add3A_58 : i32 to index
        %get3A_76 = arith.index_cast %add3A_74 : i32 to index
        %get3A_77 = tpu.vector_load %arg5[%get3A_75, %get3A_76] {strides = array<i32>} : memref<32x512xf32, #tpu.memory_space<vmem>>, vector<16xf32>,
        %add3A_78 = arith.constant 32 : i32
        %add3A_79 = arith.addi %add3A_68, %add3A_78 : i32
        %get3A_80 = arith.index_cast %add3A_58 : i32 to index
        %get3A_81 = arith.index_cast %add3A_79 : i32 to index
        %get3A_82 = tpu.vector_load %arg5[%get3A_80, %get3A_81] {strides = array<i32>} : memref<32x512xf32, #tpu.memory_space<vmem>>, vector<16xf32>,
        %add3A_83 = arith.constant 48 : i32
        %add3A_84 = arith.addi %add3A_68, %add3A_83 : i32
        %get3A_85 = arith.index_cast %add3A_58 : i32 to index
        %get3A_86 = arith.index_cast %add3A_84 : i32 to index
        %get3A_87 = tpu.vector_load %arg5[%get3A_85, %get3A_86] {strides = array<i32>} : memref<32x512xf32, #tpu.memory_space<vmem>>, vector<16xf32>,
        %bitcast3A = vector.bitcast %get3A_72 : vector<16xf32> to vector<16xi32>
        %shift_right_logical3A = arith.constant 16 : i32
        %shift_right_logical3A_88 = vector.broadcast %shift_right_logical3A : i32 to vector<16xi32>
        %shift_right_logical3A_89 = arith.shrui %bitcast3A, %shift_right_logical3A_88 : vector<16xi32>
        %bitcast3A_90 = vector.bitcast %get3A_77 : vector<16xf32> to vector<16xi32>
        %shift_right_logical3A_91 = arith.constant 16 : i32
        %shift_right_logical3A_92 = vector.broadcast %shift_right_logical3A_91 : i32 to vector<16xi32>
        %shift_right_logical3A_93 = arith.shrui %bitcast3A_90, %shift_right_logical3A_92 : vector<16xi32>
        %bitcast3A_94 = vector.bitcast %get3A_82 : vector<16xf32> to vector<16xi32>
        %shift_right_logical3A_95 = arith.constant 16 : i32
        %shift_right_logical3A_96 = vector.broadcast %shift_right_logical3A_95 : i32 to vector<16xi32>
        %shift_right_logical3A_97 = arith.shrui %bitcast3A_94, %shift_right_logical3A_96 : vector<16xi32>
        %bitcast3A_98 = vector.bitcast %get3A_87 : vector<16xf32> to vector<16xi32>
        %shift_right_logical3A_99 = arith.constant 16 : i32
        %shift_right_logical3A_100 = vector.broadcast %shift_right_logical3A_99 : i32 to vector<16xi32>
        %shift_right_logical3A_101 = arith.shrui %bitcast3A_98, %shift_right_logical3A_100 : vector<16xi32>
        %shift_right_logical3A_102 = arith.constant 7 : i32
        %shift_right_logical3A_103 = vector.broadcast %shift_right_logical3A_102 : i32 to vector<16xi32>
        %shift_right_logical3A_104 = arith.shrui %shift_right_logical3A_89, %shift_right_logical3A_103 : vector<16xi32>
        %and3A = arith.constant 127 : i32
        %and3A_105 = vector.broadcast %and3A : i32 to vector<16xi32>
        %and3A_106 = arith.andi %shift_right_logical3A_89, %and3A_105 : vector<16xi32>
        tpu.vector_store_idx %arg4[%shift_right_logical3A_104, %and3A_106], %broadcast_in_dim3A_1 {add = true} : memref<256x128xi32, #tpu.memory_space<vmem>>[vector<16xi32>, vector<16xi32>], vector<16xi32>,
        %shift_right_logical3A_107 = arith.constant 7 : i32
        %shift_right_logical3A_108 = vector.broadcast %shift_right_logical3A_107 : i32 to vector<16xi32>
        %shift_right_logical3A_109 = arith.shrui %shift_right_logical3A_93, %shift_right_logical3A_108 : vector<16xi32>
        %and3A_110 = arith.constant 127 : i32
        %and3A_111 = vector.broadcast %and3A_110 : i32 to vector<16xi32>
        %and3A_112 = arith.andi %shift_right_logical3A_93, %and3A_111 : vector<16xi32>
        tpu.vector_store_idx %arg4[%shift_right_logical3A_109, %and3A_112], %broadcast_in_dim3A_1 {add = true} : memref<256x128xi32, #tpu.memory_space<vmem>>[vector<16xi32>, vector<16xi32>], vector<16xi32>,
        %shift_right_logical3A_113 = arith.constant 7 : i32
        %shift_right_logical3A_114 = vector.broadcast %shift_right_logical3A_113 : i32 to vector<16xi32>
        %shift_right_logical3A_115 = arith.shrui %shift_right_logical3A_97, %shift_right_logical3A_114 : vector<16xi32>
        %and3A_116 = arith.constant 127 : i32
        %and3A_117 = vector.broadcast %and3A_116 : i32 to vector<16xi32>
        %and3A_118 = arith.andi %shift_right_logical3A_97, %and3A_117 : vector<16xi32>
        tpu.vector_store_idx %arg4[%shift_right_logical3A_115, %and3A_118], %broadcast_in_dim3A_1 {add = true} : memref<256x128xi32, #tpu.memory_space<vmem>>[vector<16xi32>, vector<16xi32>], vector<16xi32>,
        %shift_right_logical3A_119 = arith.constant 7 : i32
        %shift_right_logical3A_120 = vector.broadcast %shift_right_logical3A_119 : i32 to vector<16xi32>
        %shift_right_logical3A_121 = arith.shrui %shift_right_logical3A_101, %shift_right_logical3A_120 : vector<16xi32>
        %and3A_122 = arith.constant 127 : i32
        %and3A_123 = vector.broadcast %and3A_122 : i32 to vector<16xi32>
        %and3A_124 = arith.andi %shift_right_logical3A_101, %and3A_123 : vector<16xi32>
        tpu.vector_store_idx %arg4[%shift_right_logical3A_121, %and3A_124], %broadcast_in_dim3A_1 {add = true} : memref<256x128xi32, #tpu.memory_space<vmem>>[vector<16xi32>, vector<16xi32>], vector<16xi32>,
        %scan3A_125 = arith.constant 1 : i32
        %scan3A_126 = arith.addi %scan3A_64, %scan3A_125 : i32
        %mul3A_127 = arith.constant 64 : i32
        %mul3A_128 = arith.muli %scan3A_126, %mul3A_127 : i32
        %add3A_129 = arith.constant 0 : i32
        %add3A_130 = arith.addi %add3A_129, %mul3A_128 : i32
        %add3A_131 = arith.constant 0 : i32
        %add3A_132 = arith.addi %add3A_130, %add3A_131 : i32
        %get3A_133 = arith.index_cast %add3A_58 : i32 to index
        %get3A_134 = arith.index_cast %add3A_132 : i32 to index
        %get3A_135 = tpu.vector_load %arg5[%get3A_133, %get3A_134] {strides = array<i32>} : memref<32x512xf32, #tpu.memory_space<vmem>>, vector<16xf32>,
        %add3A_136 = arith.constant 16 : i32
        %add3A_137 = arith.addi %add3A_130, %add3A_136 : i32
        %get3A_138 = arith.index_cast %add3A_58 : i32 to index
        %get3A_139 = arith.index_cast %add3A_137 : i32 to index
        %get3A_140 = tpu.vector_load %arg5[%get3A_138, %get3A_139] {strides = array<i32>} : memref<32x512xf32, #tpu.memory_space<vmem>>, vector<16xf32>,
        %add3A_141 = arith.constant 32 : i32
        %add3A_142 = arith.addi %add3A_130, %add3A_141 : i32
        %get3A_143 = arith.index_cast %add3A_58 : i32 to index
        %get3A_144 = arith.index_cast %add3A_142 : i32 to index
        %get3A_145 = tpu.vector_load %arg5[%get3A_143, %get3A_144] {strides = array<i32>} : memref<32x512xf32, #tpu.memory_space<vmem>>, vector<16xf32>,
        %add3A_146 = arith.constant 48 : i32
        %add3A_147 = arith.addi %add3A_130, %add3A_146 : i32
        %get3A_148 = arith.index_cast %add3A_58 : i32 to index
        %get3A_149 = arith.index_cast %add3A_147 : i32 to index
        %get3A_150 = tpu.vector_load %arg5[%get3A_148, %get3A_149] {strides = array<i32>} : memref<32x512xf32, #tpu.memory_space<vmem>>, vector<16xf32>,
        %bitcast3A_151 = vector.bitcast %get3A_135 : vector<16xf32> to vector<16xi32>
        %shift_right_logical3A_152 = arith.constant 16 : i32
        %shift_right_logical3A_153 = vector.broadcast %shift_right_logical3A_152 : i32 to vector<16xi32>
        %shift_right_logical3A_154 = arith.shrui %bitcast3A_151, %shift_right_logical3A_153 : vector<16xi32>
        %bitcast3A_155 = vector.bitcast %get3A_140 : vector<16xf32> to vector<16xi32>
        %shift_right_logical3A_156 = arith.constant 16 : i32
        %shift_right_logical3A_157 = vector.broadcast %shift_right_logical3A_156 : i32 to vector<16xi32>
        %shift_right_logical3A_158 = arith.shrui %bitcast3A_155, %shift_right_logical3A_157 : vector<16xi32>
        %bitcast3A_159 = vector.bitcast %get3A_145 : vector<16xf32> to vector<16xi32>
        %shift_right_logical3A_160 = arith.constant 16 : i32
        %shift_right_logical3A_161 = vector.broadcast %shift_right_logical3A_160 : i32 to vector<16xi32>
        %shift_right_logical3A_162 = arith.shrui %bitcast3A_159, %shift_right_logical3A_161 : vector<16xi32>
        %bitcast3A_163 = vector.bitcast %get3A_150 : vector<16xf32> to vector<16xi32>
        %shift_right_logical3A_164 = arith.constant 16 : i32
        %shift_right_logical3A_165 = vector.broadcast %shift_right_logical3A_164 : i32 to vector<16xi32>
        %shift_right_logical3A_166 = arith.shrui %bitcast3A_163, %shift_right_logical3A_165 : vector<16xi32>
        %shift_right_logical3A_167 = arith.constant 7 : i32
        %shift_right_logical3A_168 = vector.broadcast %shift_right_logical3A_167 : i32 to vector<16xi32>
        %shift_right_logical3A_169 = arith.shrui %shift_right_logical3A_154, %shift_right_logical3A_168 : vector<16xi32>
        %and3A_170 = arith.constant 127 : i32
        %and3A_171 = vector.broadcast %and3A_170 : i32 to vector<16xi32>
        %and3A_172 = arith.andi %shift_right_logical3A_154, %and3A_171 : vector<16xi32>
        tpu.vector_store_idx %arg4[%shift_right_logical3A_169, %and3A_172], %broadcast_in_dim3A_1 {add = true} : memref<256x128xi32, #tpu.memory_space<vmem>>[vector<16xi32>, vector<16xi32>], vector<16xi32>,
        %shift_right_logical3A_173 = arith.constant 7 : i32
        %shift_right_logical3A_174 = vector.broadcast %shift_right_logical3A_173 : i32 to vector<16xi32>
        %shift_right_logical3A_175 = arith.shrui %shift_right_logical3A_158, %shift_right_logical3A_174 : vector<16xi32>
        %and3A_176 = arith.constant 127 : i32
        %and3A_177 = vector.broadcast %and3A_176 : i32 to vector<16xi32>
        %and3A_178 = arith.andi %shift_right_logical3A_158, %and3A_177 : vector<16xi32>
        tpu.vector_store_idx %arg4[%shift_right_logical3A_175, %and3A_178], %broadcast_in_dim3A_1 {add = true} : memref<256x128xi32, #tpu.memory_space<vmem>>[vector<16xi32>, vector<16xi32>], vector<16xi32>,
        %shift_right_logical3A_179 = arith.constant 7 : i32
        %shift_right_logical3A_180 = vector.broadcast %shift_right_logical3A_179 : i32 to vector<16xi32>
        %shift_right_logical3A_181 = arith.shrui %shift_right_logical3A_162, %shift_right_logical3A_180 : vector<16xi32>
        %and3A_182 = arith.constant 127 : i32
        %and3A_183 = vector.broadcast %and3A_182 : i32 to vector<16xi32>
        %and3A_184 = arith.andi %shift_right_logical3A_162, %and3A_183 : vector<16xi32>
        tpu.vector_store_idx %arg4[%shift_right_logical3A_181, %and3A_184], %broadcast_in_dim3A_1 {add = true} : memref<256x128xi32, #tpu.memory_space<vmem>>[vector<16xi32>, vector<16xi32>], vector<16xi32>,
        %shift_right_logical3A_185 = arith.constant 7 : i32
        %shift_right_logical3A_186 = vector.broadcast %shift_right_logical3A_185 : i32 to vector<16xi32>
        %shift_right_logical3A_187 = arith.shrui %shift_right_logical3A_166, %shift_right_logical3A_186 : vector<16xi32>
        %and3A_188 = arith.constant 127 : i32
        %and3A_189 = vector.broadcast %and3A_188 : i32 to vector<16xi32>
        %and3A_190 = arith.andi %shift_right_logical3A_166, %and3A_189 : vector<16xi32>
        tpu.vector_store_idx %arg4[%shift_right_logical3A_187, %and3A_190], %broadcast_in_dim3A_1 {add = true} : memref<256x128xi32, #tpu.memory_space<vmem>>[vector<16xi32>, vector<16xi32>], vector<16xi32>,
      }
      %scan3A_63 = arith.constant 8 : i32
    }
    %scan3A_28 = arith.constant 32 : i32
    %dma_wait3A_29 = arith.constant 0 : i32
    %dma_wait3A_30 = tpu.memref_slice %arg2[%add3A_16, %dma_wait3A_29] : memref<2048x512xf32, #tpu.memory_space<hbm>> -> memref<32x512xf32, #tpu.memory_space<hbm>>
    %dma_wait3A_31 = arith.constant 0 : i32
    %dma_wait3A_32 = tpu.memref_slice %arg2[%add3A_16, %dma_wait3A_31] : memref<2048x512xf32, #tpu.memory_space<hbm>> -> memref<32x512xf32, #tpu.memory_space<hbm>>
    tpu.wait_dma2 semaphore(%arg7 : memref<!tpu.dma_semaphore, #tpu.memory_space<semaphore_mem>>) src(%dma_wait3A_32 : memref<32x512xf32, #tpu.memory_space<hbm>>) dst(%arg6 : memref<32x512xf32, #tpu.memory_space<vmem>>)
    %scan3A_33 = arith.constant 0 : i32
    %scan3A_34 = arith.constant 32 : i32
    %scan3A_35 = arith.addi %scan3A_33, %scan3A_34 : i32
    %scan3A_36 = arith.constant 1 : i32
    scf.for %scan3A_54 = %scan3A_33 to %scan3A_35 step %scan3A_36  : i32 {
      %mul3A_55 = arith.constant 1 : i32
      %mul3A_56 = arith.muli %scan3A_54, %mul3A_55 : i32
      %add3A_57 = arith.constant 0 : i32
      %add3A_58 = arith.addi %add3A_57, %mul3A_56 : i32
      %scan3A_59 = arith.constant 0 : i32
      %scan3A_60 = arith.constant 8 : i32
      %scan3A_61 = arith.addi %scan3A_59, %scan3A_60 : i32
      %scan3A_62 = arith.constant 2 : i32
      scf.for %scan3A_64 = %scan3A_59 to %scan3A_61 step %scan3A_62  : i32 {
        %mul3A_65 = arith.constant 64 : i32
        %mul3A_66 = arith.muli %scan3A_64, %mul3A_65 : i32
        %add3A_67 = arith.constant 0 : i32
        %add3A_68 = arith.addi %add3A_67, %mul3A_66 : i32
        %add3A_69 = arith.constant 0 : i32
        %add3A_70 = arith.addi %add3A_68, %add3A_69 : i32
        %get3A = arith.index_cast %add3A_58 : i32 to index
        %get3A_71 = arith.index_cast %add3A_70 : i32 to index
        %get3A_72 = tpu.vector_load %arg6[%get3A, %get3A_71] {strides = array<i32>} : memref<32x512xf32, #tpu.memory_space<vmem>>, vector<16xf32>,
        %add3A_73 = arith.constant 16 : i32
        %add3A_74 = arith.addi %add3A_68, %add3A_73 : i32
        %get3A_75 = arith.index_cast %add3A_58 : i32 to index
        %get3A_76 = arith.index_cast %add3A_74 : i32 to index
        %get3A_77 = tpu.vector_load %arg6[%get3A_75, %get3A_76] {strides = array<i32>} : memref<32x512xf32, #tpu.memory_space<vmem>>, vector<16xf32>,
        %add3A_78 = arith.constant 32 : i32
        %add3A_79 = arith.addi %add3A_68, %add3A_78 : i32
        %get3A_80 = arith.index_cast %add3A_58 : i32 to index
        %get3A_81 = arith.index_cast %add3A_79 : i32 to index
        %get3A_82 = tpu.vector_load %arg6[%get3A_80, %get3A_81] {strides = array<i32>} : memref<32x512xf32, #tpu.memory_space<vmem>>, vector<16xf32>,
        %add3A_83 = arith.constant 48 : i32
        %add3A_84 = arith.addi %add3A_68, %add3A_83 : i32
        %get3A_85 = arith.index_cast %add3A_58 : i32 to index
        %get3A_86 = arith.index_cast %add3A_84 : i32 to index
        %get3A_87 = tpu.vector_load %arg6[%get3A_85, %get3A_86] {strides = array<i32>} : memref<32x512xf32, #tpu.memory_space<vmem>>, vector<16xf32>,
        %bitcast3A = vector.bitcast %get3A_72 : vector<16xf32> to vector<16xi32>
        %shift_right_logical3A = arith.constant 16 : i32
        %shift_right_logical3A_88 = vector.broadcast %shift_right_logical3A : i32 to vector<16xi32>
        %shift_right_logical3A_89 = arith.shrui %bitcast3A, %shift_right_logical3A_88 : vector<16xi32>
        %bitcast3A_90 = vector.bitcast %get3A_77 : vector<16xf32> to vector<16xi32>
        %shift_right_logical3A_91 = arith.constant 16 : i32
        %shift_right_logical3A_92 = vector.broadcast %shift_right_logical3A_91 : i32 to vector<16xi32>
        %shift_right_logical3A_93 = arith.shrui %bitcast3A_90, %shift_right_logical3A_92 : vector<16xi32>
        %bitcast3A_94 = vector.bitcast %get3A_82 : vector<16xf32> to vector<16xi32>
        %shift_right_logical3A_95 = arith.constant 16 : i32
        %shift_right_logical3A_96 = vector.broadcast %shift_right_logical3A_95 : i32 to vector<16xi32>
        %shift_right_logical3A_97 = arith.shrui %bitcast3A_94, %shift_right_logical3A_96 : vector<16xi32>
        %bitcast3A_98 = vector.bitcast %get3A_87 : vector<16xf32> to vector<16xi32>
        %shift_right_logical3A_99 = arith.constant 16 : i32
        %shift_right_logical3A_100 = vector.broadcast %shift_right_logical3A_99 : i32 to vector<16xi32>
        %shift_right_logical3A_101 = arith.shrui %bitcast3A_98, %shift_right_logical3A_100 : vector<16xi32>
        %shift_right_logical3A_102 = arith.constant 7 : i32
        %shift_right_logical3A_103 = vector.broadcast %shift_right_logical3A_102 : i32 to vector<16xi32>
        %shift_right_logical3A_104 = arith.shrui %shift_right_logical3A_89, %shift_right_logical3A_103 : vector<16xi32>
        %and3A = arith.constant 127 : i32
        %and3A_105 = vector.broadcast %and3A : i32 to vector<16xi32>
        %and3A_106 = arith.andi %shift_right_logical3A_89, %and3A_105 : vector<16xi32>
        tpu.vector_store_idx %arg4[%shift_right_logical3A_104, %and3A_106], %broadcast_in_dim3A_1 {add = true} : memref<256x128xi32, #tpu.memory_space<vmem>>[vector<16xi32>, vector<16xi32>], vector<16xi32>,
        %shift_right_logical3A_107 = arith.constant 7 : i32
        %shift_right_logical3A_108 = vector.broadcast %shift_right_logical3A_107 : i32 to vector<16xi32>
        %shift_right_logical3A_109 = arith.shrui %shift_right_logical3A_93, %shift_right_logical3A_108 : vector<16xi32>
        %and3A_110 = arith.constant 127 : i32
        %and3A_111 = vector.broadcast %and3A_110 : i32 to vector<16xi32>
        %and3A_112 = arith.andi %shift_right_logical3A_93, %and3A_111 : vector<16xi32>
        tpu.vector_store_idx %arg4[%shift_right_logical3A_109, %and3A_112], %broadcast_in_dim3A_1 {add = true} : memref<256x128xi32, #tpu.memory_space<vmem>>[vector<16xi32>, vector<16xi32>], vector<16xi32>,
        %shift_right_logical3A_113 = arith.constant 7 : i32
        %shift_right_logical3A_114 = vector.broadcast %shift_right_logical3A_113 : i32 to vector<16xi32>
        %shift_right_logical3A_115 = arith.shrui %shift_right_logical3A_97, %shift_right_logical3A_114 : vector<16xi32>
        %and3A_116 = arith.constant 127 : i32
        %and3A_117 = vector.broadcast %and3A_116 : i32 to vector<16xi32>
        %and3A_118 = arith.andi %shift_right_logical3A_97, %and3A_117 : vector<16xi32>
        tpu.vector_store_idx %arg4[%shift_right_logical3A_115, %and3A_118], %broadcast_in_dim3A_1 {add = true} : memref<256x128xi32, #tpu.memory_space<vmem>>[vector<16xi32>, vector<16xi32>], vector<16xi32>,
        %shift_right_logical3A_119 = arith.constant 7 : i32
        %shift_right_logical3A_120 = vector.broadcast %shift_right_logical3A_119 : i32 to vector<16xi32>
        %shift_right_logical3A_121 = arith.shrui %shift_right_logical3A_101, %shift_right_logical3A_120 : vector<16xi32>
        %and3A_122 = arith.constant 127 : i32
        %and3A_123 = vector.broadcast %and3A_122 : i32 to vector<16xi32>
        %and3A_124 = arith.andi %shift_right_logical3A_101, %and3A_123 : vector<16xi32>
        tpu.vector_store_idx %arg4[%shift_right_logical3A_121, %and3A_124], %broadcast_in_dim3A_1 {add = true} : memref<256x128xi32, #tpu.memory_space<vmem>>[vector<16xi32>, vector<16xi32>], vector<16xi32>,
        %scan3A_125 = arith.constant 1 : i32
        %scan3A_126 = arith.addi %scan3A_64, %scan3A_125 : i32
        %mul3A_127 = arith.constant 64 : i32
        %mul3A_128 = arith.muli %scan3A_126, %mul3A_127 : i32
        %add3A_129 = arith.constant 0 : i32
        %add3A_130 = arith.addi %add3A_129, %mul3A_128 : i32
        %add3A_131 = arith.constant 0 : i32
        %add3A_132 = arith.addi %add3A_130, %add3A_131 : i32
        %get3A_133 = arith.index_cast %add3A_58 : i32 to index
        %get3A_134 = arith.index_cast %add3A_132 : i32 to index
        %get3A_135 = tpu.vector_load %arg6[%get3A_133, %get3A_134] {strides = array<i32>} : memref<32x512xf32, #tpu.memory_space<vmem>>, vector<16xf32>,
        %add3A_136 = arith.constant 16 : i32
        %add3A_137 = arith.addi %add3A_130, %add3A_136 : i32
        %get3A_138 = arith.index_cast %add3A_58 : i32 to index
        %get3A_139 = arith.index_cast %add3A_137 : i32 to index
        %get3A_140 = tpu.vector_load %arg6[%get3A_138, %get3A_139] {strides = array<i32>} : memref<32x512xf32, #tpu.memory_space<vmem>>, vector<16xf32>,
        %add3A_141 = arith.constant 32 : i32
        %add3A_142 = arith.addi %add3A_130, %add3A_141 : i32
        %get3A_143 = arith.index_cast %add3A_58 : i32 to index
        %get3A_144 = arith.index_cast %add3A_142 : i32 to index
        %get3A_145 = tpu.vector_load %arg6[%get3A_143, %get3A_144] {strides = array<i32>} : memref<32x512xf32, #tpu.memory_space<vmem>>, vector<16xf32>,
        %add3A_146 = arith.constant 48 : i32
        %add3A_147 = arith.addi %add3A_130, %add3A_146 : i32
        %get3A_148 = arith.index_cast %add3A_58 : i32 to index
        %get3A_149 = arith.index_cast %add3A_147 : i32 to index
        %get3A_150 = tpu.vector_load %arg6[%get3A_148, %get3A_149] {strides = array<i32>} : memref<32x512xf32, #tpu.memory_space<vmem>>, vector<16xf32>,
        %bitcast3A_151 = vector.bitcast %get3A_135 : vector<16xf32> to vector<16xi32>
        %shift_right_logical3A_152 = arith.constant 16 : i32
        %shift_right_logical3A_153 = vector.broadcast %shift_right_logical3A_152 : i32 to vector<16xi32>
        %shift_right_logical3A_154 = arith.shrui %bitcast3A_151, %shift_right_logical3A_153 : vector<16xi32>
        %bitcast3A_155 = vector.bitcast %get3A_140 : vector<16xf32> to vector<16xi32>
        %shift_right_logical3A_156 = arith.constant 16 : i32
        %shift_right_logical3A_157 = vector.broadcast %shift_right_logical3A_156 : i32 to vector<16xi32>
        %shift_right_logical3A_158 = arith.shrui %bitcast3A_155, %shift_right_logical3A_157 : vector<16xi32>
        %bitcast3A_159 = vector.bitcast %get3A_145 : vector<16xf32> to vector<16xi32>
        %shift_right_logical3A_160 = arith.constant 16 : i32
        %shift_right_logical3A_161 = vector.broadcast %shift_right_logical3A_160 : i32 to vector<16xi32>
        %shift_right_logical3A_162 = arith.shrui %bitcast3A_159, %shift_right_logical3A_161 : vector<16xi32>
        %bitcast3A_163 = vector.bitcast %get3A_150 : vector<16xf32> to vector<16xi32>
        %shift_right_logical3A_164 = arith.constant 16 : i32
        %shift_right_logical3A_165 = vector.broadcast %shift_right_logical3A_164 : i32 to vector<16xi32>
        %shift_right_logical3A_166 = arith.shrui %bitcast3A_163, %shift_right_logical3A_165 : vector<16xi32>
        %shift_right_logical3A_167 = arith.constant 7 : i32
        %shift_right_logical3A_168 = vector.broadcast %shift_right_logical3A_167 : i32 to vector<16xi32>
        %shift_right_logical3A_169 = arith.shrui %shift_right_logical3A_154, %shift_right_logical3A_168 : vector<16xi32>
        %and3A_170 = arith.constant 127 : i32
        %and3A_171 = vector.broadcast %and3A_170 : i32 to vector<16xi32>
        %and3A_172 = arith.andi %shift_right_logical3A_154, %and3A_171 : vector<16xi32>
        tpu.vector_store_idx %arg4[%shift_right_logical3A_169, %and3A_172], %broadcast_in_dim3A_1 {add = true} : memref<256x128xi32, #tpu.memory_space<vmem>>[vector<16xi32>, vector<16xi32>], vector<16xi32>,
        %shift_right_logical3A_173 = arith.constant 7 : i32
        %shift_right_logical3A_174 = vector.broadcast %shift_right_logical3A_173 : i32 to vector<16xi32>
        %shift_right_logical3A_175 = arith.shrui %shift_right_logical3A_158, %shift_right_logical3A_174 : vector<16xi32>
        %and3A_176 = arith.constant 127 : i32
        %and3A_177 = vector.broadcast %and3A_176 : i32 to vector<16xi32>
        %and3A_178 = arith.andi %shift_right_logical3A_158, %and3A_177 : vector<16xi32>
        tpu.vector_store_idx %arg4[%shift_right_logical3A_175, %and3A_178], %broadcast_in_dim3A_1 {add = true} : memref<256x128xi32, #tpu.memory_space<vmem>>[vector<16xi32>, vector<16xi32>], vector<16xi32>,
        %shift_right_logical3A_179 = arith.constant 7 : i32
        %shift_right_logical3A_180 = vector.broadcast %shift_right_logical3A_179 : i32 to vector<16xi32>
        %shift_right_logical3A_181 = arith.shrui %shift_right_logical3A_162, %shift_right_logical3A_180 : vector<16xi32>
        %and3A_182 = arith.constant 127 : i32
        %and3A_183 = vector.broadcast %and3A_182 : i32 to vector<16xi32>
        %and3A_184 = arith.andi %shift_right_logical3A_162, %and3A_183 : vector<16xi32>
        tpu.vector_store_idx %arg4[%shift_right_logical3A_181, %and3A_184], %broadcast_in_dim3A_1 {add = true} : memref<256x128xi32, #tpu.memory_space<vmem>>[vector<16xi32>, vector<16xi32>], vector<16xi32>,
        %shift_right_logical3A_185 = arith.constant 7 : i32
        %shift_right_logical3A_186 = vector.broadcast %shift_right_logical3A_185 : i32 to vector<16xi32>
        %shift_right_logical3A_187 = arith.shrui %shift_right_logical3A_166, %shift_right_logical3A_186 : vector<16xi32>
        %and3A_188 = arith.constant 127 : i32
        %and3A_189 = vector.broadcast %and3A_188 : i32 to vector<16xi32>
        %and3A_190 = arith.andi %shift_right_logical3A_166, %and3A_189 : vector<16xi32>
        tpu.vector_store_idx %arg4[%shift_right_logical3A_187, %and3A_190], %broadcast_in_dim3A_1 {add = true} : memref<256x128xi32, #tpu.memory_space<vmem>>[vector<16xi32>, vector<16xi32>], vector<16xi32>,
      }
      %scan3A_63 = arith.constant 8 : i32
    }
    %scan3A_37 = arith.constant 32 : i32
    %dma_start3A_38 = arith.constant 0 : i32
    %dma_start3A_39 = arith.constant 0 : i32
    %dma_start3A_40 = tpu.memref_slice %arg3[%add3A, %dma_start3A_38, %dma_start3A_39] : memref<32x256x128xi32, #tpu.memory_space<hbm>> -> memref<1x256x128xi32, #tpu.memory_space<hbm>>
    %dma_start3A_41 = tpu.memref_squeeze %dma_start3A_40 : memref<1x256x128xi32, #tpu.memory_space<hbm>> -> memref<256x128xi32, #tpu.memory_space<hbm>>
    %dma_start3A_42 = arith.constant 0 : i32
    %dma_start3A_43 = arith.constant 0 : i32
    %dma_start3A_44 = tpu.memref_slice %arg3[%add3A, %dma_start3A_42, %dma_start3A_43] : memref<32x256x128xi32, #tpu.memory_space<hbm>> -> memref<1x256x128xi32, #tpu.memory_space<hbm>>
    %dma_start3A_45 = tpu.memref_squeeze %dma_start3A_44 : memref<1x256x128xi32, #tpu.memory_space<hbm>> -> memref<256x128xi32, #tpu.memory_space<hbm>>
    tpu.enqueue_dma source(%arg4 : memref<256x128xi32, #tpu.memory_space<vmem>>) target(%dma_start3A_45 : memref<256x128xi32, #tpu.memory_space<hbm>>) target_semaphore(%arg7 : memref<!tpu.dma_semaphore, #tpu.memory_space<semaphore_mem>>)
    %dma_wait3A_46 = arith.constant 0 : i32
    %dma_wait3A_47 = arith.constant 0 : i32
    %dma_wait3A_48 = tpu.memref_slice %arg3[%add3A, %dma_wait3A_46, %dma_wait3A_47] : memref<32x256x128xi32, #tpu.memory_space<hbm>> -> memref<1x256x128xi32, #tpu.memory_space<hbm>>
    %dma_wait3A_49 = tpu.memref_squeeze %dma_wait3A_48 : memref<1x256x128xi32, #tpu.memory_space<hbm>> -> memref<256x128xi32, #tpu.memory_space<hbm>>
    %dma_wait3A_50 = arith.constant 0 : i32
    %dma_wait3A_51 = arith.constant 0 : i32
    %dma_wait3A_52 = tpu.memref_slice %arg3[%add3A, %dma_wait3A_50, %dma_wait3A_51] : memref<32x256x128xi32, #tpu.memory_space<hbm>> -> memref<1x256x128xi32, #tpu.memory_space<hbm>>
    %dma_wait3A_53 = tpu.memref_squeeze %dma_wait3A_52 : memref<1x256x128xi32, #tpu.memory_space<hbm>> -> memref<256x128xi32, #tpu.memory_space<hbm>>
    tpu.wait_dma2 semaphore(%arg7 : memref<!tpu.dma_semaphore, #tpu.memory_space<semaphore_mem>>) src(%arg4 : memref<256x128xi32, #tpu.memory_space<vmem>>) dst(%dma_wait3A_53 : memref<256x128xi32, #tpu.memory_space<hbm>>)
    return
  }
}

module attributes {stable_mosaic.version = 14 : i64} {
  func.func @_sel1_body(%arg0: memref<32x256x128xi32, #tpu.memory_space<vmem>>, %arg1: memref<32x256x128xi32, #tpu.memory_space<vmem>>, %arg2: memref<8x128xi32, #tpu.memory_space<vmem>>, %arg3: memref<8x128xi32, #tpu.memory_space<vmem>>, %arg4: memref<8x128xi32, #tpu.memory_space<vmem>>) attributes {dimension_semantics = [], scalar_prefetch = 0 : i64, scratch_operands = 0 : i64, tpu.core_type = #tpu.core_type<tc>} {
    %get3A = arith.constant 0 : index
    %get3A_0 = arith.constant 0 : index
    %get3A_1 = arith.constant 0 : index
    %get3A_2 = vector.load %arg0[%get3A, %get3A_0, %get3A_1] : memref<32x256x128xi32, #tpu.memory_space<vmem>>, vector<32x256x128xi32>
    %reduce_sum3A = arith.constant dense<0> : vector<256x128xi32>
    %reduce_sum3A_3 = vector.multi_reduction <add>, %get3A_2, %reduce_sum3A [0] : vector<32x256x128xi32> to vector<256x128xi32>
    %get3A_4 = arith.constant 0 : index
    %get3A_5 = arith.constant 0 : index
    %get3A_6 = arith.constant 0 : index
    %get3A_7 = vector.load %arg1[%get3A_4, %get3A_5, %get3A_6] : memref<32x256x128xi32, #tpu.memory_space<vmem>>, vector<32x256x128xi32>
    %reduce_sum3A_8 = arith.constant dense<0> : vector<256x128xi32>
    %reduce_sum3A_9 = vector.multi_reduction <add>, %get3A_7, %reduce_sum3A_8 [0] : vector<32x256x128xi32> to vector<256x128xi32>
    %add3A = arith.addi %reduce_sum3A_3, %reduce_sum3A_9 : vector<256x128xi32>
    %iota3A = tpu.iota {dimensions = array<i32: 0>} : vector<256x128xi32>
    %iota3A_10 = tpu.iota {dimensions = array<i32: 1>} : vector<256x128xi32>
    %mul3A = arith.constant 128 : i32
    %mul3A_11 = vector.broadcast %mul3A : i32 to vector<256x128xi32>
    %mul3A_12 = arith.muli %iota3A, %mul3A_11 : vector<256x128xi32>
    %add3A_13 = arith.addi %mul3A_12, %iota3A_10 : vector<256x128xi32>
    %scan3A = arith.constant 0 : i32
    %scan3A_14 = arith.constant 32767 : i32
    %scan3A_15 = arith.constant 0 : i32
    %scan3A_16 = arith.constant 15 : i32
    %scan3A_17 = arith.addi %scan3A_15, %scan3A_16 : i32
    %scan3A_18 = arith.constant 1 : i32
    %scan3A_19:2 = scf.for %scan3A_38 = %scan3A_15 to %scan3A_17 step %scan3A_18 iter_args(%scan3A_39 = %scan3A, %scan3A_40 = %scan3A_14) -> (i32, i32)  : i32 {
      %add3A_41 = arith.addi %scan3A_39, %scan3A_40 : i32
      %add3A_42 = arith.constant 1 : i32
      %add3A_43 = arith.addi %add3A_41, %add3A_42 : i32
      %jit3A_44 = arith.constant 2 : i32
      %div3A = arith.divsi %add3A_43, %jit3A_44 : i32
      %sign3A = arith.constant 0 : i32
      %sign3A_45 = arith.cmpi sgt, %add3A_43, %sign3A : i32
      %sign3A_46 = arith.extui %sign3A_45 : i1 to i32
      %sign3A_47 = arith.constant 0 : i32
      %sign3A_48 = arith.cmpi slt, %add3A_43, %sign3A_47 : i32
      %sign3A_49 = arith.extui %sign3A_48 : i1 to i32
      %sign3A_50 = arith.subi %sign3A_46, %sign3A_49 : i32
      %sign3A_51 = arith.constant 0 : i32
      %sign3A_52 = arith.cmpi sgt, %jit3A_44, %sign3A_51 : i32
      %sign3A_53 = arith.extui %sign3A_52 : i1 to i32
      %sign3A_54 = arith.constant 0 : i32
      %sign3A_55 = arith.cmpi slt, %jit3A_44, %sign3A_54 : i32
      %sign3A_56 = arith.extui %sign3A_55 : i1 to i32
      %sign3A_57 = arith.subi %sign3A_53, %sign3A_56 : i32
      %ne3A = arith.cmpi ne, %sign3A_50, %sign3A_57 : i32
      %rem3A = arith.remsi %add3A_43, %jit3A_44 : i32
      %ne3A_58 = arith.constant 0 : i32
      %ne3A_59 = arith.cmpi ne, %rem3A, %ne3A_58 : i32
      %and3A = arith.andi %ne3A, %ne3A_59 : i1
      %sub3A_60 = arith.constant 1 : i32
      %sub3A_61 = arith.subi %div3A, %sub3A_60 : i32
      %select_n3A_62 = arith.select %and3A, %sub3A_61, %div3A : i32
      %ge3A = vector.broadcast %select_n3A_62 : i32 to vector<256x128xi32>
      %ge3A_63 = arith.cmpi sge, %add3A_13, %ge3A : vector<256x128xi32>
      %jit3A_64 = arith.constant 0 : i32
      %broadcast_in_dim3A_65 = vector.broadcast %jit3A_64 : i32 to vector<256x128xi32>
      %select_n3A_66 = arith.select %ge3A_63, %add3A, %broadcast_in_dim3A_65 : vector<256x128xi1>, vector<256x128xi32>
      %reduce_sum3A_67 = vector.shape_cast %select_n3A_66 : vector<256x128xi32> to vector<1x256x128xi32>
      %reduce_sum3A_68 = arith.constant dense<0> : vector<1xi32>
      %reduce_sum3A_69 = vector.multi_reduction <add>, %reduce_sum3A_67, %reduce_sum3A_68 [1, 2] : vector<1x256x128xi32> to vector<1xi32>
      %reduce_sum3A_70 = vector.shape_cast %reduce_sum3A_69 : vector<1xi32> to vector<1x1x1xi32>
      %reduce_sum3A_71 = vector.extract %reduce_sum3A_70[0, 0, 0] : i32 from vector<1x1x1xi32>
      %ge3A_72 = arith.constant 629145 : i32
      %ge3A_73 = arith.cmpi sge, %reduce_sum3A_71, %ge3A_72 : i32
      %select_n3A_74 = arith.select %ge3A_73, %select_n3A_62, %scan3A_39 : i32
      %sub3A_75 = arith.constant 1 : i32
      %sub3A_76 = arith.subi %select_n3A_62, %sub3A_75 : i32
      %select_n3A_77 = arith.select %ge3A_73, %scan3A_40, %sub3A_76 : i32
      scf.yield %select_n3A_74, %select_n3A_77 : i32, i32
    }
    %gt3A = vector.broadcast %scan3A_19#0 : i32 to vector<256x128xi32>
    %gt3A_20 = arith.cmpi sgt, %add3A_13, %gt3A : vector<256x128xi32>
    %jit3A = arith.constant 0 : i32
    %broadcast_in_dim3A = vector.broadcast %jit3A : i32 to vector<256x128xi32>
    %select_n3A = arith.select %gt3A_20, %add3A, %broadcast_in_dim3A : vector<256x128xi1>, vector<256x128xi32>
    %reduce_sum3A_21 = vector.shape_cast %select_n3A : vector<256x128xi32> to vector<1x256x128xi32>
    %reduce_sum3A_22 = arith.constant dense<0> : vector<1xi32>
    %reduce_sum3A_23 = vector.multi_reduction <add>, %reduce_sum3A_21, %reduce_sum3A_22 [1, 2] : vector<1x256x128xi32> to vector<1xi32>
    %reduce_sum3A_24 = vector.shape_cast %reduce_sum3A_23 : vector<1xi32> to vector<1x1x1xi32>
    %reduce_sum3A_25 = vector.extract %reduce_sum3A_24[0, 0, 0] : i32 from vector<1x1x1xi32>
    %broadcast_in_dim3A_26 = vector.broadcast %scan3A_19#0 : i32 to vector<8x128xi32>
    %swap3A = arith.constant 0 : index
    %swap3A_27 = arith.constant 0 : index
    %swap3A_28 = vector.load %arg2[%swap3A, %swap3A_27] : memref<8x128xi32, #tpu.memory_space<vmem>>, vector<8x128xi32>
    tpu.vector_store %arg2[%swap3A, %swap3A_27], %broadcast_in_dim3A_26 {strides = array<i32>} : memref<8x128xi32, #tpu.memory_space<vmem>>, vector<8x128xi32>,
    %sub3A = arith.constant 629145 : i32
    %sub3A_29 = arith.subi %sub3A, %reduce_sum3A_25 : i32
    %broadcast_in_dim3A_30 = vector.broadcast %sub3A_29 : i32 to vector<8x128xi32>
    %swap3A_31 = arith.constant 0 : index
    %swap3A_32 = arith.constant 0 : index
    %swap3A_33 = vector.load %arg3[%swap3A_31, %swap3A_32] : memref<8x128xi32, #tpu.memory_space<vmem>>, vector<8x128xi32>
    tpu.vector_store %arg3[%swap3A_31, %swap3A_32], %broadcast_in_dim3A_30 {strides = array<i32>} : memref<8x128xi32, #tpu.memory_space<vmem>>, vector<8x128xi32>,
    %broadcast_in_dim3A_34 = vector.broadcast %reduce_sum3A_25 : i32 to vector<8x128xi32>
    %swap3A_35 = arith.constant 0 : index
    %swap3A_36 = arith.constant 0 : index
    %swap3A_37 = vector.load %arg4[%swap3A_35, %swap3A_36] : memref<8x128xi32, #tpu.memory_space<vmem>>, vector<8x128xi32>
    tpu.vector_store %arg4[%swap3A_35, %swap3A_36], %broadcast_in_dim3A_34 {strides = array<i32>} : memref<8x128xi32, #tpu.memory_space<vmem>>, vector<8x128xi32>,
    return
  }
}

module attributes {stable_mosaic.version = 14 : i64} {
  func.func @_loss_body(%arg0: i32, %arg1: i32, %arg2: memref<1x19x128x512xf32, #tpu.memory_space<vmem>>, %arg3: memref<1x128x512xi32, #tpu.memory_space<vmem>>, %arg4: memref<1x128x512xf32, #tpu.memory_space<vmem>>) attributes {dimension_semantics = [#tpu.dimension_semantics<arbitrary>, #tpu.dimension_semantics<arbitrary>], iteration_bounds = array<i64: 4, 4>, scalar_prefetch = 0 : i64, scratch_operands = 0 : i64, tpu.core_type = #tpu.core_type<tc>, window_params = [{transform_indices = @transform_0, window_bounds = array<i64: 1, 19, 128, 512>}, {transform_indices = @transform_1, window_bounds = array<i64: 1, 128, 512>}, {transform_indices = @transform_2, window_bounds = array<i64: 1, 128, 512>}]} {
    %get3A = arith.constant 0 : index
    %get3A_0 = arith.constant 0 : index
    %get3A_1 = arith.constant 0 : index
    %get3A_2 = arith.constant 0 : index
    %get3A_3 = vector.load %arg2[%get3A, %get3A_0, %get3A_1, %get3A_2] : memref<1x19x128x512xf32, #tpu.memory_space<vmem>>, vector<1x19x128x512xf32>
    %get3A_4 = vector.shape_cast %get3A_3 : vector<1x19x128x512xf32> to vector<19x128x512xf32>
    %get3A_5 = arith.constant 0 : index
    %get3A_6 = arith.constant 0 : index
    %get3A_7 = arith.constant 0 : index
    %get3A_8 = vector.load %arg3[%get3A_5, %get3A_6, %get3A_7] : memref<1x128x512xi32, #tpu.memory_space<vmem>>, vector<1x128x512xi32>
    %get3A_9 = vector.shape_cast %get3A_8 : vector<1x128x512xi32> to vector<128x512xi32>
    %reduce_max3A = arith.constant dense<0xFF800000> : vector<128x512xf32>
    %reduce_max3A_10 = vector.multi_reduction <maximumf>, %get3A_4, %reduce_max3A [0] : vector<19x128x512xf32> to vector<128x512xf32>
    %broadcast_in_dim3A = vector.shape_cast %reduce_max3A_10 : vector<128x512xf32> to vector<1x128x512xf32>
    %sub3A = vector.broadcast %broadcast_in_dim3A : vector<1x128x512xf32> to vector<19x128x512xf32>
    %sub3A_11 = arith.subf %get3A_4, %sub3A : vector<19x128x512xf32>
    %exp3A = math.exp %sub3A_11 : vector<19x128x512xf32>
    %reduce_sum3A = arith.constant dense<0.000000e+00> : vector<128x512xf32>
    %reduce_sum3A_12 = vector.multi_reduction <add>, %exp3A, %reduce_sum3A [0] : vector<19x128x512xf32> to vector<128x512xf32>
    %log3A = math.log %reduce_sum3A_12 : vector<128x512xf32>
    %add3A = arith.addf %reduce_max3A_10, %log3A : vector<128x512xf32>
    %broadcast_in_dim3A_13 = arith.constant 0.000000e+00 : f32
    %broadcast_in_dim3A_14 = vector.broadcast %broadcast_in_dim3A_13 : f32 to vector<128x512xf32>
    %eq3A = arith.constant 0 : i32
    %eq3A_15 = vector.broadcast %eq3A : i32 to vector<128x512xi32>
    %eq3A_16 = arith.cmpi eq, %get3A_9, %eq3A_15 : vector<128x512xi32>
    %slice3A = vector.extract_strided_slice %get3A_4 {offsets = [0, 0, 0], sizes = [1, 128, 512], strides = [1, 1, 1]} : vector<19x128x512xf32> to vector<1x128x512xf32>
    %squeeze3A = vector.shape_cast %slice3A : vector<1x128x512xf32> to vector<128x512xf32>
    %jit3A = arith.constant 0.000000e+00 : f32
    %broadcast_in_dim3A_17 = vector.broadcast %jit3A : f32 to vector<128x512xf32>
    %select_n3A = arith.select %eq3A_16, %squeeze3A, %broadcast_in_dim3A_17 : vector<128x512xi1>, vector<128x512xf32>
    %add3A_18 = arith.addf %broadcast_in_dim3A_14, %select_n3A : vector<128x512xf32>
    %eq3A_19 = arith.constant 1 : i32
    %eq3A_20 = vector.broadcast %eq3A_19 : i32 to vector<128x512xi32>
    %eq3A_21 = arith.cmpi eq, %get3A_9, %eq3A_20 : vector<128x512xi32>
    %slice3A_22 = vector.extract_strided_slice %get3A_4 {offsets = [1, 0, 0], sizes = [1, 128, 512], strides = [1, 1, 1]} : vector<19x128x512xf32> to vector<1x128x512xf32>
    %squeeze3A_23 = vector.shape_cast %slice3A_22 : vector<1x128x512xf32> to vector<128x512xf32>
    %jit3A_24 = arith.constant 0.000000e+00 : f32
    %broadcast_in_dim3A_25 = vector.broadcast %jit3A_24 : f32 to vector<128x512xf32>
    %select_n3A_26 = arith.select %eq3A_21, %squeeze3A_23, %broadcast_in_dim3A_25 : vector<128x512xi1>, vector<128x512xf32>
    %add3A_27 = arith.addf %add3A_18, %select_n3A_26 : vector<128x512xf32>
    %eq3A_28 = arith.constant 2 : i32
    %eq3A_29 = vector.broadcast %eq3A_28 : i32 to vector<128x512xi32>
    %eq3A_30 = arith.cmpi eq, %get3A_9, %eq3A_29 : vector<128x512xi32>
    %slice3A_31 = vector.extract_strided_slice %get3A_4 {offsets = [2, 0, 0], sizes = [1, 128, 512], strides = [1, 1, 1]} : vector<19x128x512xf32> to vector<1x128x512xf32>
    %squeeze3A_32 = vector.shape_cast %slice3A_31 : vector<1x128x512xf32> to vector<128x512xf32>
    %jit3A_33 = arith.constant 0.000000e+00 : f32
    %broadcast_in_dim3A_34 = vector.broadcast %jit3A_33 : f32 to vector<128x512xf32>
    %select_n3A_35 = arith.select %eq3A_30, %squeeze3A_32, %broadcast_in_dim3A_34 : vector<128x512xi1>, vector<128x512xf32>
    %add3A_36 = arith.addf %add3A_27, %select_n3A_35 : vector<128x512xf32>
    %eq3A_37 = arith.constant 3 : i32
    %eq3A_38 = vector.broadcast %eq3A_37 : i32 to vector<128x512xi32>
    %eq3A_39 = arith.cmpi eq, %get3A_9, %eq3A_38 : vector<128x512xi32>
    %slice3A_40 = vector.extract_strided_slice %get3A_4 {offsets = [3, 0, 0], sizes = [1, 128, 512], strides = [1, 1, 1]} : vector<19x128x512xf32> to vector<1x128x512xf32>
    %squeeze3A_41 = vector.shape_cast %slice3A_40 : vector<1x128x512xf32> to vector<128x512xf32>
    %jit3A_42 = arith.constant 0.000000e+00 : f32
    %broadcast_in_dim3A_43 = vector.broadcast %jit3A_42 : f32 to vector<128x512xf32>
    %select_n3A_44 = arith.select %eq3A_39, %squeeze3A_41, %broadcast_in_dim3A_43 : vector<128x512xi1>, vector<128x512xf32>
    %add3A_45 = arith.addf %add3A_36, %select_n3A_44 : vector<128x512xf32>
    %eq3A_46 = arith.constant 4 : i32
    %eq3A_47 = vector.broadcast %eq3A_46 : i32 to vector<128x512xi32>
    %eq3A_48 = arith.cmpi eq, %get3A_9, %eq3A_47 : vector<128x512xi32>
    %slice3A_49 = vector.extract_strided_slice %get3A_4 {offsets = [4, 0, 0], sizes = [1, 128, 512], strides = [1, 1, 1]} : vector<19x128x512xf32> to vector<1x128x512xf32>
    %squeeze3A_50 = vector.shape_cast %slice3A_49 : vector<1x128x512xf32> to vector<128x512xf32>
    %jit3A_51 = arith.constant 0.000000e+00 : f32
    %broadcast_in_dim3A_52 = vector.broadcast %jit3A_51 : f32 to vector<128x512xf32>
    %select_n3A_53 = arith.select %eq3A_48, %squeeze3A_50, %broadcast_in_dim3A_52 : vector<128x512xi1>, vector<128x512xf32>
    %add3A_54 = arith.addf %add3A_45, %select_n3A_53 : vector<128x512xf32>
    %eq3A_55 = arith.constant 5 : i32
    %eq3A_56 = vector.broadcast %eq3A_55 : i32 to vector<128x512xi32>
    %eq3A_57 = arith.cmpi eq, %get3A_9, %eq3A_56 : vector<128x512xi32>
    %slice3A_58 = vector.extract_strided_slice %get3A_4 {offsets = [5, 0, 0], sizes = [1, 128, 512], strides = [1, 1, 1]} : vector<19x128x512xf32> to vector<1x128x512xf32>
    %squeeze3A_59 = vector.shape_cast %slice3A_58 : vector<1x128x512xf32> to vector<128x512xf32>
    %jit3A_60 = arith.constant 0.000000e+00 : f32
    %broadcast_in_dim3A_61 = vector.broadcast %jit3A_60 : f32 to vector<128x512xf32>
    %select_n3A_62 = arith.select %eq3A_57, %squeeze3A_59, %broadcast_in_dim3A_61 : vector<128x512xi1>, vector<128x512xf32>
    %add3A_63 = arith.addf %add3A_54, %select_n3A_62 : vector<128x512xf32>
    %eq3A_64 = arith.constant 6 : i32
    %eq3A_65 = vector.broadcast %eq3A_64 : i32 to vector<128x512xi32>
    %eq3A_66 = arith.cmpi eq, %get3A_9, %eq3A_65 : vector<128x512xi32>
    %slice3A_67 = vector.extract_strided_slice %get3A_4 {offsets = [6, 0, 0], sizes = [1, 128, 512], strides = [1, 1, 1]} : vector<19x128x512xf32> to vector<1x128x512xf32>
    %squeeze3A_68 = vector.shape_cast %slice3A_67 : vector<1x128x512xf32> to vector<128x512xf32>
    %jit3A_69 = arith.constant 0.000000e+00 : f32
    %broadcast_in_dim3A_70 = vector.broadcast %jit3A_69 : f32 to vector<128x512xf32>
    %select_n3A_71 = arith.select %eq3A_66, %squeeze3A_68, %broadcast_in_dim3A_70 : vector<128x512xi1>, vector<128x512xf32>
    %add3A_72 = arith.addf %add3A_63, %select_n3A_71 : vector<128x512xf32>
    %eq3A_73 = arith.constant 7 : i32
    %eq3A_74 = vector.broadcast %eq3A_73 : i32 to vector<128x512xi32>
    %eq3A_75 = arith.cmpi eq, %get3A_9, %eq3A_74 : vector<128x512xi32>
    %slice3A_76 = vector.extract_strided_slice %get3A_4 {offsets = [7, 0, 0], sizes = [1, 128, 512], strides = [1, 1, 1]} : vector<19x128x512xf32> to vector<1x128x512xf32>
    %squeeze3A_77 = vector.shape_cast %slice3A_76 : vector<1x128x512xf32> to vector<128x512xf32>
    %jit3A_78 = arith.constant 0.000000e+00 : f32
    %broadcast_in_dim3A_79 = vector.broadcast %jit3A_78 : f32 to vector<128x512xf32>
    %select_n3A_80 = arith.select %eq3A_75, %squeeze3A_77, %broadcast_in_dim3A_79 : vector<128x512xi1>, vector<128x512xf32>
    %add3A_81 = arith.addf %add3A_72, %select_n3A_80 : vector<128x512xf32>
    %eq3A_82 = arith.constant 8 : i32
    %eq3A_83 = vector.broadcast %eq3A_82 : i32 to vector<128x512xi32>
    %eq3A_84 = arith.cmpi eq, %get3A_9, %eq3A_83 : vector<128x512xi32>
    %slice3A_85 = vector.extract_strided_slice %get3A_4 {offsets = [8, 0, 0], sizes = [1, 128, 512], strides = [1, 1, 1]} : vector<19x128x512xf32> to vector<1x128x512xf32>
    %squeeze3A_86 = vector.shape_cast %slice3A_85 : vector<1x128x512xf32> to vector<128x512xf32>
    %jit3A_87 = arith.constant 0.000000e+00 : f32
    %broadcast_in_dim3A_88 = vector.broadcast %jit3A_87 : f32 to vector<128x512xf32>
    %select_n3A_89 = arith.select %eq3A_84, %squeeze3A_86, %broadcast_in_dim3A_88 : vector<128x512xi1>, vector<128x512xf32>
    %add3A_90 = arith.addf %add3A_81, %select_n3A_89 : vector<128x512xf32>
    %eq3A_91 = arith.constant 9 : i32
    %eq3A_92 = vector.broadcast %eq3A_91 : i32 to vector<128x512xi32>
    %eq3A_93 = arith.cmpi eq, %get3A_9, %eq3A_92 : vector<128x512xi32>
    %slice3A_94 = vector.extract_strided_slice %get3A_4 {offsets = [9, 0, 0], sizes = [1, 128, 512], strides = [1, 1, 1]} : vector<19x128x512xf32> to vector<1x128x512xf32>
    %squeeze3A_95 = vector.shape_cast %slice3A_94 : vector<1x128x512xf32> to vector<128x512xf32>
    %jit3A_96 = arith.constant 0.000000e+00 : f32
    %broadcast_in_dim3A_97 = vector.broadcast %jit3A_96 : f32 to vector<128x512xf32>
    %select_n3A_98 = arith.select %eq3A_93, %squeeze3A_95, %broadcast_in_dim3A_97 : vector<128x512xi1>, vector<128x512xf32>
    %add3A_99 = arith.addf %add3A_90, %select_n3A_98 : vector<128x512xf32>
    %eq3A_100 = arith.constant 10 : i32
    %eq3A_101 = vector.broadcast %eq3A_100 : i32 to vector<128x512xi32>
    %eq3A_102 = arith.cmpi eq, %get3A_9, %eq3A_101 : vector<128x512xi32>
    %slice3A_103 = vector.extract_strided_slice %get3A_4 {offsets = [10, 0, 0], sizes = [1, 128, 512], strides = [1, 1, 1]} : vector<19x128x512xf32> to vector<1x128x512xf32>
    %squeeze3A_104 = vector.shape_cast %slice3A_103 : vector<1x128x512xf32> to vector<128x512xf32>
    %jit3A_105 = arith.constant 0.000000e+00 : f32
    %broadcast_in_dim3A_106 = vector.broadcast %jit3A_105 : f32 to vector<128x512xf32>
    %select_n3A_107 = arith.select %eq3A_102, %squeeze3A_104, %broadcast_in_dim3A_106 : vector<128x512xi1>, vector<128x512xf32>
    %add3A_108 = arith.addf %add3A_99, %select_n3A_107 : vector<128x512xf32>
    %eq3A_109 = arith.constant 11 : i32
    %eq3A_110 = vector.broadcast %eq3A_109 : i32 to vector<128x512xi32>
    %eq3A_111 = arith.cmpi eq, %get3A_9, %eq3A_110 : vector<128x512xi32>
    %slice3A_112 = vector.extract_strided_slice %get3A_4 {offsets = [11, 0, 0], sizes = [1, 128, 512], strides = [1, 1, 1]} : vector<19x128x512xf32> to vector<1x128x512xf32>
    %squeeze3A_113 = vector.shape_cast %slice3A_112 : vector<1x128x512xf32> to vector<128x512xf32>
    %jit3A_114 = arith.constant 0.000000e+00 : f32
    %broadcast_in_dim3A_115 = vector.broadcast %jit3A_114 : f32 to vector<128x512xf32>
    %select_n3A_116 = arith.select %eq3A_111, %squeeze3A_113, %broadcast_in_dim3A_115 : vector<128x512xi1>, vector<128x512xf32>
    %add3A_117 = arith.addf %add3A_108, %select_n3A_116 : vector<128x512xf32>
    %eq3A_118 = arith.constant 12 : i32
    %eq3A_119 = vector.broadcast %eq3A_118 : i32 to vector<128x512xi32>
    %eq3A_120 = arith.cmpi eq, %get3A_9, %eq3A_119 : vector<128x512xi32>
    %slice3A_121 = vector.extract_strided_slice %get3A_4 {offsets = [12, 0, 0], sizes = [1, 128, 512], strides = [1, 1, 1]} : vector<19x128x512xf32> to vector<1x128x512xf32>
    %squeeze3A_122 = vector.shape_cast %slice3A_121 : vector<1x128x512xf32> to vector<128x512xf32>
    %jit3A_123 = arith.constant 0.000000e+00 : f32
    %broadcast_in_dim3A_124 = vector.broadcast %jit3A_123 : f32 to vector<128x512xf32>
    %select_n3A_125 = arith.select %eq3A_120, %squeeze3A_122, %broadcast_in_dim3A_124 : vector<128x512xi1>, vector<128x512xf32>
    %add3A_126 = arith.addf %add3A_117, %select_n3A_125 : vector<128x512xf32>
    %eq3A_127 = arith.constant 13 : i32
    %eq3A_128 = vector.broadcast %eq3A_127 : i32 to vector<128x512xi32>
    %eq3A_129 = arith.cmpi eq, %get3A_9, %eq3A_128 : vector<128x512xi32>
    %slice3A_130 = vector.extract_strided_slice %get3A_4 {offsets = [13, 0, 0], sizes = [1, 128, 512], strides = [1, 1, 1]} : vector<19x128x512xf32> to vector<1x128x512xf32>
    %squeeze3A_131 = vector.shape_cast %slice3A_130 : vector<1x128x512xf32> to vector<128x512xf32>
    %jit3A_132 = arith.constant 0.000000e+00 : f32
    %broadcast_in_dim3A_133 = vector.broadcast %jit3A_132 : f32 to vector<128x512xf32>
    %select_n3A_134 = arith.select %eq3A_129, %squeeze3A_131, %broadcast_in_dim3A_133 : vector<128x512xi1>, vector<128x512xf32>
    %add3A_135 = arith.addf %add3A_126, %select_n3A_134 : vector<128x512xf32>
    %eq3A_136 = arith.constant 14 : i32
    %eq3A_137 = vector.broadcast %eq3A_136 : i32 to vector<128x512xi32>
    %eq3A_138 = arith.cmpi eq, %get3A_9, %eq3A_137 : vector<128x512xi32>
    %slice3A_139 = vector.extract_strided_slice %get3A_4 {offsets = [14, 0, 0], sizes = [1, 128, 512], strides = [1, 1, 1]} : vector<19x128x512xf32> to vector<1x128x512xf32>
    %squeeze3A_140 = vector.shape_cast %slice3A_139 : vector<1x128x512xf32> to vector<128x512xf32>
    %jit3A_141 = arith.constant 0.000000e+00 : f32
    %broadcast_in_dim3A_142 = vector.broadcast %jit3A_141 : f32 to vector<128x512xf32>
    %select_n3A_143 = arith.select %eq3A_138, %squeeze3A_140, %broadcast_in_dim3A_142 : vector<128x512xi1>, vector<128x512xf32>
    %add3A_144 = arith.addf %add3A_135, %select_n3A_143 : vector<128x512xf32>
    %eq3A_145 = arith.constant 15 : i32
    %eq3A_146 = vector.broadcast %eq3A_145 : i32 to vector<128x512xi32>
    %eq3A_147 = arith.cmpi eq, %get3A_9, %eq3A_146 : vector<128x512xi32>
    %slice3A_148 = vector.extract_strided_slice %get3A_4 {offsets = [15, 0, 0], sizes = [1, 128, 512], strides = [1, 1, 1]} : vector<19x128x512xf32> to vector<1x128x512xf32>
    %squeeze3A_149 = vector.shape_cast %slice3A_148 : vector<1x128x512xf32> to vector<128x512xf32>
    %jit3A_150 = arith.constant 0.000000e+00 : f32
    %broadcast_in_dim3A_151 = vector.broadcast %jit3A_150 : f32 to vector<128x512xf32>
    %select_n3A_152 = arith.select %eq3A_147, %squeeze3A_149, %broadcast_in_dim3A_151 : vector<128x512xi1>, vector<128x512xf32>
    %add3A_153 = arith.addf %add3A_144, %select_n3A_152 : vector<128x512xf32>
    %eq3A_154 = arith.constant 16 : i32
    %eq3A_155 = vector.broadcast %eq3A_154 : i32 to vector<128x512xi32>
    %eq3A_156 = arith.cmpi eq, %get3A_9, %eq3A_155 : vector<128x512xi32>
    %slice3A_157 = vector.extract_strided_slice %get3A_4 {offsets = [16, 0, 0], sizes = [1, 128, 512], strides = [1, 1, 1]} : vector<19x128x512xf32> to vector<1x128x512xf32>
    %squeeze3A_158 = vector.shape_cast %slice3A_157 : vector<1x128x512xf32> to vector<128x512xf32>
    %jit3A_159 = arith.constant 0.000000e+00 : f32
    %broadcast_in_dim3A_160 = vector.broadcast %jit3A_159 : f32 to vector<128x512xf32>
    %select_n3A_161 = arith.select %eq3A_156, %squeeze3A_158, %broadcast_in_dim3A_160 : vector<128x512xi1>, vector<128x512xf32>
    %add3A_162 = arith.addf %add3A_153, %select_n3A_161 : vector<128x512xf32>
    %eq3A_163 = arith.constant 17 : i32
    %eq3A_164 = vector.broadcast %eq3A_163 : i32 to vector<128x512xi32>
    %eq3A_165 = arith.cmpi eq, %get3A_9, %eq3A_164 : vector<128x512xi32>
    %slice3A_166 = vector.extract_strided_slice %get3A_4 {offsets = [17, 0, 0], sizes = [1, 128, 512], strides = [1, 1, 1]} : vector<19x128x512xf32> to vector<1x128x512xf32>
    %squeeze3A_167 = vector.shape_cast %slice3A_166 : vector<1x128x512xf32> to vector<128x512xf32>
    %jit3A_168 = arith.constant 0.000000e+00 : f32
    %broadcast_in_dim3A_169 = vector.broadcast %jit3A_168 : f32 to vector<128x512xf32>
    %select_n3A_170 = arith.select %eq3A_165, %squeeze3A_167, %broadcast_in_dim3A_169 : vector<128x512xi1>, vector<128x512xf32>
    %add3A_171 = arith.addf %add3A_162, %select_n3A_170 : vector<128x512xf32>
    %eq3A_172 = arith.constant 18 : i32
    %eq3A_173 = vector.broadcast %eq3A_172 : i32 to vector<128x512xi32>
    %eq3A_174 = arith.cmpi eq, %get3A_9, %eq3A_173 : vector<128x512xi32>
    %slice3A_175 = vector.extract_strided_slice %get3A_4 {offsets = [18, 0, 0], sizes = [1, 128, 512], strides = [1, 1, 1]} : vector<19x128x512xf32> to vector<1x128x512xf32>
    %squeeze3A_176 = vector.shape_cast %slice3A_175 : vector<1x128x512xf32> to vector<128x512xf32>
    %jit3A_177 = arith.constant 0.000000e+00 : f32
    %broadcast_in_dim3A_178 = vector.broadcast %jit3A_177 : f32 to vector<128x512xf32>
    %select_n3A_179 = arith.select %eq3A_174, %squeeze3A_176, %broadcast_in_dim3A_178 : vector<128x512xi1>, vector<128x512xf32>
    %add3A_180 = arith.addf %add3A_171, %select_n3A_179 : vector<128x512xf32>
    %sub3A_181 = arith.subf %add3A, %add3A_180 : vector<128x512xf32>
    %swap3A = arith.constant 0 : index
    %swap3A_182 = arith.constant 0 : index
    %swap3A_183 = arith.constant 0 : index
    %swap3A_184 = vector.load %arg4[%swap3A, %swap3A_182, %swap3A_183] : memref<1x128x512xf32, #tpu.memory_space<vmem>>, vector<1x128x512xf32>
    %swap3A_185 = vector.shape_cast %swap3A_184 : vector<1x128x512xf32> to vector<128x512xf32>
    %swap3A_186 = vector.shape_cast %sub3A_181 : vector<128x512xf32> to vector<1x128x512xf32>
    tpu.vector_store %arg4[%swap3A, %swap3A_182, %swap3A_183], %swap3A_186 {strides = array<i32>} : memref<1x128x512xf32, #tpu.memory_space<vmem>>, vector<1x128x512xf32>,
    return
  }
  func.func @transform_0(%arg0: i32, %arg1: i32) -> (i32, i32, i32, i32) {
    %add3A = arith.constant 4 : i32
    %add3A_0 = arith.addi %arg0, %add3A : i32
    %c0_i32 = arith.constant 0 : i32
    %c0_i32_1 = arith.constant 0 : i32
    %c0_i32_2 = arith.constant 0 : i32
    return %add3A_0, %c0_i32, %arg1, %c0_i32_1 : i32, i32, i32, i32
  }
  func.func @transform_1(%arg0: i32, %arg1: i32) -> (i32, i32, i32) {
    %add3A = arith.constant 4 : i32
    %add3A_0 = arith.addi %arg0, %add3A : i32
    %c0_i32 = arith.constant 0 : i32
    %c0_i32_1 = arith.constant 0 : i32
    return %add3A_0, %arg1, %c0_i32 : i32, i32, i32
  }
  func.func @transform_2(%arg0: i32, %arg1: i32) -> (i32, i32, i32) {
    %c0_i32 = arith.constant 0 : i32
    %c0_i32_0 = arith.constant 0 : i32
    return %arg0, %arg1, %c0_i32 : i32, i32, i32
  }
}

module attributes {stable_mosaic.version = 14 : i64} {
  func.func @_loss_body(%arg0: i32, %arg1: i32, %arg2: memref<1x19x128x512xf32, #tpu.memory_space<vmem>>, %arg3: memref<1x128x512xi32, #tpu.memory_space<vmem>>, %arg4: memref<1x128x512xf32, #tpu.memory_space<vmem>>) attributes {dimension_semantics = [#tpu.dimension_semantics<arbitrary>, #tpu.dimension_semantics<arbitrary>], iteration_bounds = array<i64: 4, 4>, scalar_prefetch = 0 : i64, scratch_operands = 0 : i64, tpu.core_type = #tpu.core_type<tc>, window_params = [{transform_indices = @transform_0, window_bounds = array<i64: 1, 19, 128, 512>}, {transform_indices = @transform_1, window_bounds = array<i64: 1, 128, 512>}, {transform_indices = @transform_2, window_bounds = array<i64: 1, 128, 512>}]} {
    %get3A = arith.constant 0 : index
    %get3A_0 = arith.constant 0 : index
    %get3A_1 = arith.constant 0 : index
    %get3A_2 = arith.constant 0 : index
    %get3A_3 = vector.load %arg2[%get3A, %get3A_0, %get3A_1, %get3A_2] : memref<1x19x128x512xf32, #tpu.memory_space<vmem>>, vector<1x19x128x512xf32>
    %get3A_4 = vector.shape_cast %get3A_3 : vector<1x19x128x512xf32> to vector<19x128x512xf32>
    %get3A_5 = arith.constant 0 : index
    %get3A_6 = arith.constant 0 : index
    %get3A_7 = arith.constant 0 : index
    %get3A_8 = vector.load %arg3[%get3A_5, %get3A_6, %get3A_7] : memref<1x128x512xi32, #tpu.memory_space<vmem>>, vector<1x128x512xi32>
    %get3A_9 = vector.shape_cast %get3A_8 : vector<1x128x512xi32> to vector<128x512xi32>
    %reduce_max3A = arith.constant dense<0xFF800000> : vector<128x512xf32>
    %reduce_max3A_10 = vector.multi_reduction <maximumf>, %get3A_4, %reduce_max3A [0] : vector<19x128x512xf32> to vector<128x512xf32>
    %broadcast_in_dim3A = vector.shape_cast %reduce_max3A_10 : vector<128x512xf32> to vector<1x128x512xf32>
    %sub3A = vector.broadcast %broadcast_in_dim3A : vector<1x128x512xf32> to vector<19x128x512xf32>
    %sub3A_11 = arith.subf %get3A_4, %sub3A : vector<19x128x512xf32>
    %exp3A = math.exp %sub3A_11 : vector<19x128x512xf32>
    %reduce_sum3A = arith.constant dense<0.000000e+00> : vector<128x512xf32>
    %reduce_sum3A_12 = vector.multi_reduction <add>, %exp3A, %reduce_sum3A [0] : vector<19x128x512xf32> to vector<128x512xf32>
    %log3A = math.log %reduce_sum3A_12 : vector<128x512xf32>
    %add3A = arith.addf %reduce_max3A_10, %log3A : vector<128x512xf32>
    %broadcast_in_dim3A_13 = arith.constant 0.000000e+00 : f32
    %broadcast_in_dim3A_14 = vector.broadcast %broadcast_in_dim3A_13 : f32 to vector<128x512xf32>
    %eq3A = arith.constant 0 : i32
    %eq3A_15 = vector.broadcast %eq3A : i32 to vector<128x512xi32>
    %eq3A_16 = arith.cmpi eq, %get3A_9, %eq3A_15 : vector<128x512xi32>
    %slice3A = vector.extract_strided_slice %get3A_4 {offsets = [0, 0, 0], sizes = [1, 128, 512], strides = [1, 1, 1]} : vector<19x128x512xf32> to vector<1x128x512xf32>
    %squeeze3A = vector.shape_cast %slice3A : vector<1x128x512xf32> to vector<128x512xf32>
    %jit3A = arith.constant 0.000000e+00 : f32
    %broadcast_in_dim3A_17 = vector.broadcast %jit3A : f32 to vector<128x512xf32>
    %select_n3A = arith.select %eq3A_16, %squeeze3A, %broadcast_in_dim3A_17 : vector<128x512xi1>, vector<128x512xf32>
    %add3A_18 = arith.addf %broadcast_in_dim3A_14, %select_n3A : vector<128x512xf32>
    %eq3A_19 = arith.constant 1 : i32
    %eq3A_20 = vector.broadcast %eq3A_19 : i32 to vector<128x512xi32>
    %eq3A_21 = arith.cmpi eq, %get3A_9, %eq3A_20 : vector<128x512xi32>
    %slice3A_22 = vector.extract_strided_slice %get3A_4 {offsets = [1, 0, 0], sizes = [1, 128, 512], strides = [1, 1, 1]} : vector<19x128x512xf32> to vector<1x128x512xf32>
    %squeeze3A_23 = vector.shape_cast %slice3A_22 : vector<1x128x512xf32> to vector<128x512xf32>
    %jit3A_24 = arith.constant 0.000000e+00 : f32
    %broadcast_in_dim3A_25 = vector.broadcast %jit3A_24 : f32 to vector<128x512xf32>
    %select_n3A_26 = arith.select %eq3A_21, %squeeze3A_23, %broadcast_in_dim3A_25 : vector<128x512xi1>, vector<128x512xf32>
    %add3A_27 = arith.addf %add3A_18, %select_n3A_26 : vector<128x512xf32>
    %eq3A_28 = arith.constant 2 : i32
    %eq3A_29 = vector.broadcast %eq3A_28 : i32 to vector<128x512xi32>
    %eq3A_30 = arith.cmpi eq, %get3A_9, %eq3A_29 : vector<128x512xi32>
    %slice3A_31 = vector.extract_strided_slice %get3A_4 {offsets = [2, 0, 0], sizes = [1, 128, 512], strides = [1, 1, 1]} : vector<19x128x512xf32> to vector<1x128x512xf32>
    %squeeze3A_32 = vector.shape_cast %slice3A_31 : vector<1x128x512xf32> to vector<128x512xf32>
    %jit3A_33 = arith.constant 0.000000e+00 : f32
    %broadcast_in_dim3A_34 = vector.broadcast %jit3A_33 : f32 to vector<128x512xf32>
    %select_n3A_35 = arith.select %eq3A_30, %squeeze3A_32, %broadcast_in_dim3A_34 : vector<128x512xi1>, vector<128x512xf32>
    %add3A_36 = arith.addf %add3A_27, %select_n3A_35 : vector<128x512xf32>
    %eq3A_37 = arith.constant 3 : i32
    %eq3A_38 = vector.broadcast %eq3A_37 : i32 to vector<128x512xi32>
    %eq3A_39 = arith.cmpi eq, %get3A_9, %eq3A_38 : vector<128x512xi32>
    %slice3A_40 = vector.extract_strided_slice %get3A_4 {offsets = [3, 0, 0], sizes = [1, 128, 512], strides = [1, 1, 1]} : vector<19x128x512xf32> to vector<1x128x512xf32>
    %squeeze3A_41 = vector.shape_cast %slice3A_40 : vector<1x128x512xf32> to vector<128x512xf32>
    %jit3A_42 = arith.constant 0.000000e+00 : f32
    %broadcast_in_dim3A_43 = vector.broadcast %jit3A_42 : f32 to vector<128x512xf32>
    %select_n3A_44 = arith.select %eq3A_39, %squeeze3A_41, %broadcast_in_dim3A_43 : vector<128x512xi1>, vector<128x512xf32>
    %add3A_45 = arith.addf %add3A_36, %select_n3A_44 : vector<128x512xf32>
    %eq3A_46 = arith.constant 4 : i32
    %eq3A_47 = vector.broadcast %eq3A_46 : i32 to vector<128x512xi32>
    %eq3A_48 = arith.cmpi eq, %get3A_9, %eq3A_47 : vector<128x512xi32>
    %slice3A_49 = vector.extract_strided_slice %get3A_4 {offsets = [4, 0, 0], sizes = [1, 128, 512], strides = [1, 1, 1]} : vector<19x128x512xf32> to vector<1x128x512xf32>
    %squeeze3A_50 = vector.shape_cast %slice3A_49 : vector<1x128x512xf32> to vector<128x512xf32>
    %jit3A_51 = arith.constant 0.000000e+00 : f32
    %broadcast_in_dim3A_52 = vector.broadcast %jit3A_51 : f32 to vector<128x512xf32>
    %select_n3A_53 = arith.select %eq3A_48, %squeeze3A_50, %broadcast_in_dim3A_52 : vector<128x512xi1>, vector<128x512xf32>
    %add3A_54 = arith.addf %add3A_45, %select_n3A_53 : vector<128x512xf32>
    %eq3A_55 = arith.constant 5 : i32
    %eq3A_56 = vector.broadcast %eq3A_55 : i32 to vector<128x512xi32>
    %eq3A_57 = arith.cmpi eq, %get3A_9, %eq3A_56 : vector<128x512xi32>
    %slice3A_58 = vector.extract_strided_slice %get3A_4 {offsets = [5, 0, 0], sizes = [1, 128, 512], strides = [1, 1, 1]} : vector<19x128x512xf32> to vector<1x128x512xf32>
    %squeeze3A_59 = vector.shape_cast %slice3A_58 : vector<1x128x512xf32> to vector<128x512xf32>
    %jit3A_60 = arith.constant 0.000000e+00 : f32
    %broadcast_in_dim3A_61 = vector.broadcast %jit3A_60 : f32 to vector<128x512xf32>
    %select_n3A_62 = arith.select %eq3A_57, %squeeze3A_59, %broadcast_in_dim3A_61 : vector<128x512xi1>, vector<128x512xf32>
    %add3A_63 = arith.addf %add3A_54, %select_n3A_62 : vector<128x512xf32>
    %eq3A_64 = arith.constant 6 : i32
    %eq3A_65 = vector.broadcast %eq3A_64 : i32 to vector<128x512xi32>
    %eq3A_66 = arith.cmpi eq, %get3A_9, %eq3A_65 : vector<128x512xi32>
    %slice3A_67 = vector.extract_strided_slice %get3A_4 {offsets = [6, 0, 0], sizes = [1, 128, 512], strides = [1, 1, 1]} : vector<19x128x512xf32> to vector<1x128x512xf32>
    %squeeze3A_68 = vector.shape_cast %slice3A_67 : vector<1x128x512xf32> to vector<128x512xf32>
    %jit3A_69 = arith.constant 0.000000e+00 : f32
    %broadcast_in_dim3A_70 = vector.broadcast %jit3A_69 : f32 to vector<128x512xf32>
    %select_n3A_71 = arith.select %eq3A_66, %squeeze3A_68, %broadcast_in_dim3A_70 : vector<128x512xi1>, vector<128x512xf32>
    %add3A_72 = arith.addf %add3A_63, %select_n3A_71 : vector<128x512xf32>
    %eq3A_73 = arith.constant 7 : i32
    %eq3A_74 = vector.broadcast %eq3A_73 : i32 to vector<128x512xi32>
    %eq3A_75 = arith.cmpi eq, %get3A_9, %eq3A_74 : vector<128x512xi32>
    %slice3A_76 = vector.extract_strided_slice %get3A_4 {offsets = [7, 0, 0], sizes = [1, 128, 512], strides = [1, 1, 1]} : vector<19x128x512xf32> to vector<1x128x512xf32>
    %squeeze3A_77 = vector.shape_cast %slice3A_76 : vector<1x128x512xf32> to vector<128x512xf32>
    %jit3A_78 = arith.constant 0.000000e+00 : f32
    %broadcast_in_dim3A_79 = vector.broadcast %jit3A_78 : f32 to vector<128x512xf32>
    %select_n3A_80 = arith.select %eq3A_75, %squeeze3A_77, %broadcast_in_dim3A_79 : vector<128x512xi1>, vector<128x512xf32>
    %add3A_81 = arith.addf %add3A_72, %select_n3A_80 : vector<128x512xf32>
    %eq3A_82 = arith.constant 8 : i32
    %eq3A_83 = vector.broadcast %eq3A_82 : i32 to vector<128x512xi32>
    %eq3A_84 = arith.cmpi eq, %get3A_9, %eq3A_83 : vector<128x512xi32>
    %slice3A_85 = vector.extract_strided_slice %get3A_4 {offsets = [8, 0, 0], sizes = [1, 128, 512], strides = [1, 1, 1]} : vector<19x128x512xf32> to vector<1x128x512xf32>
    %squeeze3A_86 = vector.shape_cast %slice3A_85 : vector<1x128x512xf32> to vector<128x512xf32>
    %jit3A_87 = arith.constant 0.000000e+00 : f32
    %broadcast_in_dim3A_88 = vector.broadcast %jit3A_87 : f32 to vector<128x512xf32>
    %select_n3A_89 = arith.select %eq3A_84, %squeeze3A_86, %broadcast_in_dim3A_88 : vector<128x512xi1>, vector<128x512xf32>
    %add3A_90 = arith.addf %add3A_81, %select_n3A_89 : vector<128x512xf32>
    %eq3A_91 = arith.constant 9 : i32
    %eq3A_92 = vector.broadcast %eq3A_91 : i32 to vector<128x512xi32>
    %eq3A_93 = arith.cmpi eq, %get3A_9, %eq3A_92 : vector<128x512xi32>
    %slice3A_94 = vector.extract_strided_slice %get3A_4 {offsets = [9, 0, 0], sizes = [1, 128, 512], strides = [1, 1, 1]} : vector<19x128x512xf32> to vector<1x128x512xf32>
    %squeeze3A_95 = vector.shape_cast %slice3A_94 : vector<1x128x512xf32> to vector<128x512xf32>
    %jit3A_96 = arith.constant 0.000000e+00 : f32
    %broadcast_in_dim3A_97 = vector.broadcast %jit3A_96 : f32 to vector<128x512xf32>
    %select_n3A_98 = arith.select %eq3A_93, %squeeze3A_95, %broadcast_in_dim3A_97 : vector<128x512xi1>, vector<128x512xf32>
    %add3A_99 = arith.addf %add3A_90, %select_n3A_98 : vector<128x512xf32>
    %eq3A_100 = arith.constant 10 : i32
    %eq3A_101 = vector.broadcast %eq3A_100 : i32 to vector<128x512xi32>
    %eq3A_102 = arith.cmpi eq, %get3A_9, %eq3A_101 : vector<128x512xi32>
    %slice3A_103 = vector.extract_strided_slice %get3A_4 {offsets = [10, 0, 0], sizes = [1, 128, 512], strides = [1, 1, 1]} : vector<19x128x512xf32> to vector<1x128x512xf32>
    %squeeze3A_104 = vector.shape_cast %slice3A_103 : vector<1x128x512xf32> to vector<128x512xf32>
    %jit3A_105 = arith.constant 0.000000e+00 : f32
    %broadcast_in_dim3A_106 = vector.broadcast %jit3A_105 : f32 to vector<128x512xf32>
    %select_n3A_107 = arith.select %eq3A_102, %squeeze3A_104, %broadcast_in_dim3A_106 : vector<128x512xi1>, vector<128x512xf32>
    %add3A_108 = arith.addf %add3A_99, %select_n3A_107 : vector<128x512xf32>
    %eq3A_109 = arith.constant 11 : i32
    %eq3A_110 = vector.broadcast %eq3A_109 : i32 to vector<128x512xi32>
    %eq3A_111 = arith.cmpi eq, %get3A_9, %eq3A_110 : vector<128x512xi32>
    %slice3A_112 = vector.extract_strided_slice %get3A_4 {offsets = [11, 0, 0], sizes = [1, 128, 512], strides = [1, 1, 1]} : vector<19x128x512xf32> to vector<1x128x512xf32>
    %squeeze3A_113 = vector.shape_cast %slice3A_112 : vector<1x128x512xf32> to vector<128x512xf32>
    %jit3A_114 = arith.constant 0.000000e+00 : f32
    %broadcast_in_dim3A_115 = vector.broadcast %jit3A_114 : f32 to vector<128x512xf32>
    %select_n3A_116 = arith.select %eq3A_111, %squeeze3A_113, %broadcast_in_dim3A_115 : vector<128x512xi1>, vector<128x512xf32>
    %add3A_117 = arith.addf %add3A_108, %select_n3A_116 : vector<128x512xf32>
    %eq3A_118 = arith.constant 12 : i32
    %eq3A_119 = vector.broadcast %eq3A_118 : i32 to vector<128x512xi32>
    %eq3A_120 = arith.cmpi eq, %get3A_9, %eq3A_119 : vector<128x512xi32>
    %slice3A_121 = vector.extract_strided_slice %get3A_4 {offsets = [12, 0, 0], sizes = [1, 128, 512], strides = [1, 1, 1]} : vector<19x128x512xf32> to vector<1x128x512xf32>
    %squeeze3A_122 = vector.shape_cast %slice3A_121 : vector<1x128x512xf32> to vector<128x512xf32>
    %jit3A_123 = arith.constant 0.000000e+00 : f32
    %broadcast_in_dim3A_124 = vector.broadcast %jit3A_123 : f32 to vector<128x512xf32>
    %select_n3A_125 = arith.select %eq3A_120, %squeeze3A_122, %broadcast_in_dim3A_124 : vector<128x512xi1>, vector<128x512xf32>
    %add3A_126 = arith.addf %add3A_117, %select_n3A_125 : vector<128x512xf32>
    %eq3A_127 = arith.constant 13 : i32
    %eq3A_128 = vector.broadcast %eq3A_127 : i32 to vector<128x512xi32>
    %eq3A_129 = arith.cmpi eq, %get3A_9, %eq3A_128 : vector<128x512xi32>
    %slice3A_130 = vector.extract_strided_slice %get3A_4 {offsets = [13, 0, 0], sizes = [1, 128, 512], strides = [1, 1, 1]} : vector<19x128x512xf32> to vector<1x128x512xf32>
    %squeeze3A_131 = vector.shape_cast %slice3A_130 : vector<1x128x512xf32> to vector<128x512xf32>
    %jit3A_132 = arith.constant 0.000000e+00 : f32
    %broadcast_in_dim3A_133 = vector.broadcast %jit3A_132 : f32 to vector<128x512xf32>
    %select_n3A_134 = arith.select %eq3A_129, %squeeze3A_131, %broadcast_in_dim3A_133 : vector<128x512xi1>, vector<128x512xf32>
    %add3A_135 = arith.addf %add3A_126, %select_n3A_134 : vector<128x512xf32>
    %eq3A_136 = arith.constant 14 : i32
    %eq3A_137 = vector.broadcast %eq3A_136 : i32 to vector<128x512xi32>
    %eq3A_138 = arith.cmpi eq, %get3A_9, %eq3A_137 : vector<128x512xi32>
    %slice3A_139 = vector.extract_strided_slice %get3A_4 {offsets = [14, 0, 0], sizes = [1, 128, 512], strides = [1, 1, 1]} : vector<19x128x512xf32> to vector<1x128x512xf32>
    %squeeze3A_140 = vector.shape_cast %slice3A_139 : vector<1x128x512xf32> to vector<128x512xf32>
    %jit3A_141 = arith.constant 0.000000e+00 : f32
    %broadcast_in_dim3A_142 = vector.broadcast %jit3A_141 : f32 to vector<128x512xf32>
    %select_n3A_143 = arith.select %eq3A_138, %squeeze3A_140, %broadcast_in_dim3A_142 : vector<128x512xi1>, vector<128x512xf32>
    %add3A_144 = arith.addf %add3A_135, %select_n3A_143 : vector<128x512xf32>
    %eq3A_145 = arith.constant 15 : i32
    %eq3A_146 = vector.broadcast %eq3A_145 : i32 to vector<128x512xi32>
    %eq3A_147 = arith.cmpi eq, %get3A_9, %eq3A_146 : vector<128x512xi32>
    %slice3A_148 = vector.extract_strided_slice %get3A_4 {offsets = [15, 0, 0], sizes = [1, 128, 512], strides = [1, 1, 1]} : vector<19x128x512xf32> to vector<1x128x512xf32>
    %squeeze3A_149 = vector.shape_cast %slice3A_148 : vector<1x128x512xf32> to vector<128x512xf32>
    %jit3A_150 = arith.constant 0.000000e+00 : f32
    %broadcast_in_dim3A_151 = vector.broadcast %jit3A_150 : f32 to vector<128x512xf32>
    %select_n3A_152 = arith.select %eq3A_147, %squeeze3A_149, %broadcast_in_dim3A_151 : vector<128x512xi1>, vector<128x512xf32>
    %add3A_153 = arith.addf %add3A_144, %select_n3A_152 : vector<128x512xf32>
    %eq3A_154 = arith.constant 16 : i32
    %eq3A_155 = vector.broadcast %eq3A_154 : i32 to vector<128x512xi32>
    %eq3A_156 = arith.cmpi eq, %get3A_9, %eq3A_155 : vector<128x512xi32>
    %slice3A_157 = vector.extract_strided_slice %get3A_4 {offsets = [16, 0, 0], sizes = [1, 128, 512], strides = [1, 1, 1]} : vector<19x128x512xf32> to vector<1x128x512xf32>
    %squeeze3A_158 = vector.shape_cast %slice3A_157 : vector<1x128x512xf32> to vector<128x512xf32>
    %jit3A_159 = arith.constant 0.000000e+00 : f32
    %broadcast_in_dim3A_160 = vector.broadcast %jit3A_159 : f32 to vector<128x512xf32>
    %select_n3A_161 = arith.select %eq3A_156, %squeeze3A_158, %broadcast_in_dim3A_160 : vector<128x512xi1>, vector<128x512xf32>
    %add3A_162 = arith.addf %add3A_153, %select_n3A_161 : vector<128x512xf32>
    %eq3A_163 = arith.constant 17 : i32
    %eq3A_164 = vector.broadcast %eq3A_163 : i32 to vector<128x512xi32>
    %eq3A_165 = arith.cmpi eq, %get3A_9, %eq3A_164 : vector<128x512xi32>
    %slice3A_166 = vector.extract_strided_slice %get3A_4 {offsets = [17, 0, 0], sizes = [1, 128, 512], strides = [1, 1, 1]} : vector<19x128x512xf32> to vector<1x128x512xf32>
    %squeeze3A_167 = vector.shape_cast %slice3A_166 : vector<1x128x512xf32> to vector<128x512xf32>
    %jit3A_168 = arith.constant 0.000000e+00 : f32
    %broadcast_in_dim3A_169 = vector.broadcast %jit3A_168 : f32 to vector<128x512xf32>
    %select_n3A_170 = arith.select %eq3A_165, %squeeze3A_167, %broadcast_in_dim3A_169 : vector<128x512xi1>, vector<128x512xf32>
    %add3A_171 = arith.addf %add3A_162, %select_n3A_170 : vector<128x512xf32>
    %eq3A_172 = arith.constant 18 : i32
    %eq3A_173 = vector.broadcast %eq3A_172 : i32 to vector<128x512xi32>
    %eq3A_174 = arith.cmpi eq, %get3A_9, %eq3A_173 : vector<128x512xi32>
    %slice3A_175 = vector.extract_strided_slice %get3A_4 {offsets = [18, 0, 0], sizes = [1, 128, 512], strides = [1, 1, 1]} : vector<19x128x512xf32> to vector<1x128x512xf32>
    %squeeze3A_176 = vector.shape_cast %slice3A_175 : vector<1x128x512xf32> to vector<128x512xf32>
    %jit3A_177 = arith.constant 0.000000e+00 : f32
    %broadcast_in_dim3A_178 = vector.broadcast %jit3A_177 : f32 to vector<128x512xf32>
    %select_n3A_179 = arith.select %eq3A_174, %squeeze3A_176, %broadcast_in_dim3A_178 : vector<128x512xi1>, vector<128x512xf32>
    %add3A_180 = arith.addf %add3A_171, %select_n3A_179 : vector<128x512xf32>
    %sub3A_181 = arith.subf %add3A, %add3A_180 : vector<128x512xf32>
    %swap3A = arith.constant 0 : index
    %swap3A_182 = arith.constant 0 : index
    %swap3A_183 = arith.constant 0 : index
    %swap3A_184 = vector.load %arg4[%swap3A, %swap3A_182, %swap3A_183] : memref<1x128x512xf32, #tpu.memory_space<vmem>>, vector<1x128x512xf32>
    %swap3A_185 = vector.shape_cast %swap3A_184 : vector<1x128x512xf32> to vector<128x512xf32>
    %swap3A_186 = vector.shape_cast %sub3A_181 : vector<128x512xf32> to vector<1x128x512xf32>
    tpu.vector_store %arg4[%swap3A, %swap3A_182, %swap3A_183], %swap3A_186 {strides = array<i32>} : memref<1x128x512xf32, #tpu.memory_space<vmem>>, vector<1x128x512xf32>,
    return
  }
  func.func @transform_0(%arg0: i32, %arg1: i32) -> (i32, i32, i32, i32) {
    %add3A = arith.constant 0 : i32
    %add3A_0 = arith.addi %arg0, %add3A : i32
    %c0_i32 = arith.constant 0 : i32
    %c0_i32_1 = arith.constant 0 : i32
    %c0_i32_2 = arith.constant 0 : i32
    return %add3A_0, %c0_i32, %arg1, %c0_i32_1 : i32, i32, i32, i32
  }
  func.func @transform_1(%arg0: i32, %arg1: i32) -> (i32, i32, i32) {
    %add3A = arith.constant 0 : i32
    %add3A_0 = arith.addi %arg0, %add3A : i32
    %c0_i32 = arith.constant 0 : i32
    %c0_i32_1 = arith.constant 0 : i32
    return %add3A_0, %arg1, %c0_i32 : i32, i32, i32
  }
  func.func @transform_2(%arg0: i32, %arg1: i32) -> (i32, i32, i32) {
    %c0_i32 = arith.constant 0 : i32
    %c0_i32_0 = arith.constant 0 : i32
    return %arg0, %arg1, %c0_i32 : i32, i32, i32
  }
}

module attributes {stable_mosaic.version = 14 : i64} {
  func.func @_sel2_body(%arg0: memref<32x512x128xi32, #tpu.memory_space<vmem>>, %arg1: memref<32x8x128xf32, #tpu.memory_space<vmem>>, %arg2: memref<8x128xi32, #tpu.memory_space<vmem>>, %arg3: memref<8x128xi32, #tpu.memory_space<vmem>>, %arg4: memref<8x128xi32, #tpu.memory_space<vmem>>, %arg5: memref<8x128xf32, #tpu.memory_space<vmem>>) attributes {dimension_semantics = [], scalar_prefetch = 0 : i64, scratch_operands = 0 : i64, tpu.core_type = #tpu.core_type<tc>} {
    %get3A = arith.constant 0 : index
    %get3A_0 = arith.constant 0 : index
    %get3A_1 = arith.constant 0 : index
    %get3A_2 = vector.load %arg0[%get3A, %get3A_0, %get3A_1] : memref<32x512x128xi32, #tpu.memory_space<vmem>>, vector<32x512x128xi32>
    %reduce_sum3A = arith.constant dense<0> : vector<512x128xi32>
    %reduce_sum3A_3 = vector.multi_reduction <add>, %get3A_2, %reduce_sum3A [0] : vector<32x512x128xi32> to vector<512x128xi32>
    %get3A_4 = arith.constant 0 : index
    %get3A_5 = arith.constant 0 : index
    %get3A_6 = arith.constant 0 : index
    %get3A_7 = vector.load %arg1[%get3A_4, %get3A_5, %get3A_6] : memref<32x8x128xf32, #tpu.memory_space<vmem>>, vector<32x8x128xf32>
    %reduce_sum3A_8 = vector.shape_cast %get3A_7 : vector<32x8x128xf32> to vector<1x32x8x128xf32>
    %reduce_sum3A_9 = arith.constant dense<0.000000e+00> : vector<1xf32>
    %reduce_sum3A_10 = vector.multi_reduction <add>, %reduce_sum3A_8, %reduce_sum3A_9 [1, 2, 3] : vector<1x32x8x128xf32> to vector<1xf32>
    %reduce_sum3A_11 = vector.shape_cast %reduce_sum3A_10 : vector<1xf32> to vector<1x1x1x1xf32>
    %reduce_sum3A_12 = vector.extract %reduce_sum3A_11[0, 0, 0, 0] : f32 from vector<1x1x1x1xf32>
    %div3A = arith.constant 1.024000e+03 : f32
    %div3A_13 = arith.divf %reduce_sum3A_12, %div3A : f32
    %get3A_14 = arith.constant 0 : index
    %get3A_15 = arith.constant 0 : index
    %get3A_16 = vector.load %arg2[%get3A_14, %get3A_15] : memref<8x128xi32, #tpu.memory_space<vmem>>, vector<8x128xi32>
    %reduce_max3A = vector.shape_cast %get3A_16 : vector<8x128xi32> to vector<1x8x128xi32>
    %reduce_max3A_17 = arith.constant dense<-2147483648> : vector<1xi32>
    %reduce_max3A_18 = vector.multi_reduction <maxsi>, %reduce_max3A, %reduce_max3A_17 [1, 2] : vector<1x8x128xi32> to vector<1xi32>
    %reduce_max3A_19 = vector.shape_cast %reduce_max3A_18 : vector<1xi32> to vector<1x1x1xi32>
    %reduce_max3A_20 = vector.extract %reduce_max3A_19[0, 0, 0] : i32 from vector<1x1x1xi32>
    %get3A_21 = arith.constant 0 : index
    %get3A_22 = arith.constant 0 : index
    %get3A_23 = vector.load %arg3[%get3A_21, %get3A_22] : memref<8x128xi32, #tpu.memory_space<vmem>>, vector<8x128xi32>
    %reduce_max3A_24 = vector.shape_cast %get3A_23 : vector<8x128xi32> to vector<1x8x128xi32>
    %reduce_max3A_25 = arith.constant dense<-2147483648> : vector<1xi32>
    %reduce_max3A_26 = vector.multi_reduction <maxsi>, %reduce_max3A_24, %reduce_max3A_25 [1, 2] : vector<1x8x128xi32> to vector<1xi32>
    %reduce_max3A_27 = vector.shape_cast %reduce_max3A_26 : vector<1xi32> to vector<1x1x1xi32>
    %reduce_max3A_28 = vector.extract %reduce_max3A_27[0, 0, 0] : i32 from vector<1x1x1xi32>
    %get3A_29 = arith.constant 0 : index
    %get3A_30 = arith.constant 0 : index
    %get3A_31 = vector.load %arg4[%get3A_29, %get3A_30] : memref<8x128xi32, #tpu.memory_space<vmem>>, vector<8x128xi32>
    %reduce_max3A_32 = vector.shape_cast %get3A_31 : vector<8x128xi32> to vector<1x8x128xi32>
    %reduce_max3A_33 = arith.constant dense<-2147483648> : vector<1xi32>
    %reduce_max3A_34 = vector.multi_reduction <maxsi>, %reduce_max3A_32, %reduce_max3A_33 [1, 2] : vector<1x8x128xi32> to vector<1xi32>
    %reduce_max3A_35 = vector.shape_cast %reduce_max3A_34 : vector<1xi32> to vector<1x1x1xi32>
    %reduce_max3A_36 = vector.extract %reduce_max3A_35[0, 0, 0] : i32 from vector<1x1x1xi32>
    %iota3A = tpu.iota {dimensions = array<i32: 0>} : vector<512x128xi32>
    %iota3A_37 = tpu.iota {dimensions = array<i32: 1>} : vector<512x128xi32>
    %mul3A = arith.constant 128 : i32
    %mul3A_38 = vector.broadcast %mul3A : i32 to vector<512x128xi32>
    %mul3A_39 = arith.muli %iota3A, %mul3A_38 : vector<512x128xi32>
    %add3A = arith.addi %mul3A_39, %iota3A_37 : vector<512x128xi32>
    %scan3A = arith.constant 0 : i32
    %scan3A_40 = arith.constant 65535 : i32
    %scan3A_41 = arith.constant 0 : i32
    %scan3A_42 = arith.constant 16 : i32
    %scan3A_43 = arith.addi %scan3A_41, %scan3A_42 : i32
    %scan3A_44 = arith.constant 1 : i32
    %scan3A_45:2 = scf.for %scan3A_88 = %scan3A_41 to %scan3A_43 step %scan3A_44 iter_args(%scan3A_89 = %scan3A, %scan3A_90 = %scan3A_40) -> (i32, i32)  : i32 {
      %add3A_91 = arith.addi %scan3A_89, %scan3A_90 : i32
      %add3A_92 = arith.constant 1 : i32
      %add3A_93 = arith.addi %add3A_91, %add3A_92 : i32
      %jit3A_94 = arith.constant 2 : i32
      %div3A_95 = arith.divsi %add3A_93, %jit3A_94 : i32
      %sign3A = arith.constant 0 : i32
      %sign3A_96 = arith.cmpi sgt, %add3A_93, %sign3A : i32
      %sign3A_97 = arith.extui %sign3A_96 : i1 to i32
      %sign3A_98 = arith.constant 0 : i32
      %sign3A_99 = arith.cmpi slt, %add3A_93, %sign3A_98 : i32
      %sign3A_100 = arith.extui %sign3A_99 : i1 to i32
      %sign3A_101 = arith.subi %sign3A_97, %sign3A_100 : i32
      %sign3A_102 = arith.constant 0 : i32
      %sign3A_103 = arith.cmpi sgt, %jit3A_94, %sign3A_102 : i32
      %sign3A_104 = arith.extui %sign3A_103 : i1 to i32
      %sign3A_105 = arith.constant 0 : i32
      %sign3A_106 = arith.cmpi slt, %jit3A_94, %sign3A_105 : i32
      %sign3A_107 = arith.extui %sign3A_106 : i1 to i32
      %sign3A_108 = arith.subi %sign3A_104, %sign3A_107 : i32
      %ne3A = arith.cmpi ne, %sign3A_101, %sign3A_108 : i32
      %rem3A = arith.remsi %add3A_93, %jit3A_94 : i32
      %ne3A_109 = arith.constant 0 : i32
      %ne3A_110 = arith.cmpi ne, %rem3A, %ne3A_109 : i32
      %and3A = arith.andi %ne3A, %ne3A_110 : i1
      %sub3A = arith.constant 1 : i32
      %sub3A_111 = arith.subi %div3A_95, %sub3A : i32
      %select_n3A_112 = arith.select %and3A, %sub3A_111, %div3A_95 : i32
      %ge3A = vector.broadcast %select_n3A_112 : i32 to vector<512x128xi32>
      %ge3A_113 = arith.cmpi sge, %add3A, %ge3A : vector<512x128xi32>
      %jit3A_114 = arith.constant 0 : i32
      %broadcast_in_dim3A_115 = vector.broadcast %jit3A_114 : i32 to vector<512x128xi32>
      %select_n3A_116 = arith.select %ge3A_113, %reduce_sum3A_3, %broadcast_in_dim3A_115 : vector<512x128xi1>, vector<512x128xi32>
      %reduce_sum3A_117 = vector.shape_cast %select_n3A_116 : vector<512x128xi32> to vector<1x512x128xi32>
      %reduce_sum3A_118 = arith.constant dense<0> : vector<1xi32>
      %reduce_sum3A_119 = vector.multi_reduction <add>, %reduce_sum3A_117, %reduce_sum3A_118 [1, 2] : vector<1x512x128xi32> to vector<1xi32>
      %reduce_sum3A_120 = vector.shape_cast %reduce_sum3A_119 : vector<1xi32> to vector<1x1x1xi32>
      %reduce_sum3A_121 = vector.extract %reduce_sum3A_120[0, 0, 0] : i32 from vector<1x1x1xi32>
      %ge3A_122 = arith.cmpi sge, %reduce_sum3A_121, %reduce_max3A_28 : i32
      %select_n3A_123 = arith.select %ge3A_122, %select_n3A_112, %scan3A_89 : i32
      %sub3A_124 = arith.constant 1 : i32
      %sub3A_125 = arith.subi %select_n3A_112, %sub3A_124 : i32
      %select_n3A_126 = arith.select %ge3A_122, %scan3A_90, %sub3A_125 : i32
      scf.yield %select_n3A_123, %select_n3A_126 : i32, i32
    }
    %gt3A = vector.broadcast %scan3A_45#0 : i32 to vector<512x128xi32>
    %gt3A_46 = arith.cmpi sgt, %add3A, %gt3A : vector<512x128xi32>
    %jit3A = arith.constant 0 : i32
    %broadcast_in_dim3A = vector.broadcast %jit3A : i32 to vector<512x128xi32>
    %select_n3A = arith.select %gt3A_46, %reduce_sum3A_3, %broadcast_in_dim3A : vector<512x128xi1>, vector<512x128xi32>
    %reduce_sum3A_47 = vector.shape_cast %select_n3A : vector<512x128xi32> to vector<1x512x128xi32>
    %reduce_sum3A_48 = arith.constant dense<0> : vector<1xi32>
    %reduce_sum3A_49 = vector.multi_reduction <add>, %reduce_sum3A_47, %reduce_sum3A_48 [1, 2] : vector<1x512x128xi32> to vector<1xi32>
    %reduce_sum3A_50 = vector.shape_cast %reduce_sum3A_49 : vector<1xi32> to vector<1x1x1xi32>
    %reduce_sum3A_51 = vector.extract %reduce_sum3A_50[0, 0, 0] : i32 from vector<1x1x1xi32>
    %eq3A = vector.broadcast %scan3A_45#0 : i32 to vector<512x128xi32>
    %eq3A_52 = arith.cmpi eq, %add3A, %eq3A : vector<512x128xi32>
    %jit3A_53 = arith.constant 0 : i32
    %broadcast_in_dim3A_54 = vector.broadcast %jit3A_53 : i32 to vector<512x128xi32>
    %select_n3A_55 = arith.select %eq3A_52, %reduce_sum3A_3, %broadcast_in_dim3A_54 : vector<512x128xi1>, vector<512x128xi32>
    %reduce_sum3A_56 = vector.shape_cast %select_n3A_55 : vector<512x128xi32> to vector<1x512x128xi32>
    %reduce_sum3A_57 = arith.constant dense<0> : vector<1xi32>
    %reduce_sum3A_58 = vector.multi_reduction <add>, %reduce_sum3A_56, %reduce_sum3A_57 [1, 2] : vector<1x512x128xi32> to vector<1xi32>
    %reduce_sum3A_59 = vector.shape_cast %reduce_sum3A_58 : vector<1xi32> to vector<1x1x1xi32>
    %reduce_sum3A_60 = vector.extract %reduce_sum3A_59[0, 0, 0] : i32 from vector<1x1x1xi32>
    %shift_left3A = arith.constant 16 : i32
    %shift_left3A_61 = arith.shli %reduce_max3A_20, %shift_left3A : i32
    %or3A = vector.broadcast %shift_left3A_61 : i32 to vector<512x128xi32>
    %or3A_62 = arith.ori %or3A, %add3A : vector<512x128xi32>
    %bitcast_convert_type3A = tpu.bitcast %or3A_62 : vector<512x128xi32> -> vector<512x128xf32>
    %convert_element_type3A = arith.sitofp %reduce_sum3A_3 : vector<512x128xi32> to vector<512x128xf32>
    %mul3A_63 = arith.mulf %convert_element_type3A, %bitcast_convert_type3A : vector<512x128xf32>
    %jit3A_64 = arith.constant 0.000000e+00 : f32
    %broadcast_in_dim3A_65 = vector.broadcast %jit3A_64 : f32 to vector<512x128xf32>
    %select_n3A_66 = arith.select %gt3A_46, %mul3A_63, %broadcast_in_dim3A_65 : vector<512x128xi1>, vector<512x128xf32>
    %reduce_sum3A_67 = vector.shape_cast %select_n3A_66 : vector<512x128xf32> to vector<1x512x128xf32>
    %reduce_sum3A_68 = arith.constant dense<0.000000e+00> : vector<1xf32>
    %reduce_sum3A_69 = vector.multi_reduction <add>, %reduce_sum3A_67, %reduce_sum3A_68 [1, 2] : vector<1x512x128xf32> to vector<1xf32>
    %reduce_sum3A_70 = vector.shape_cast %reduce_sum3A_69 : vector<1xf32> to vector<1x1x1xf32>
    %reduce_sum3A_71 = vector.extract %reduce_sum3A_70[0, 0, 0] : f32 from vector<1x1x1xf32>
    %shift_left3A_72 = arith.constant 16 : i32
    %shift_left3A_73 = arith.shli %reduce_max3A_20, %shift_left3A_72 : i32
    %or3A_74 = arith.ori %shift_left3A_73, %scan3A_45#0 : i32
    %bitcast_convert_type3A_75 = arith.bitcast %or3A_74 : i32 to f32
    %add3A_76 = arith.addf %div3A_13, %reduce_sum3A_71 : f32
    %convert_element_type3A_77 = arith.sitofp %reduce_sum3A_60 : i32 to f32
    %mul3A_78 = arith.mulf %convert_element_type3A_77, %bitcast_convert_type3A_75 : f32
    %add3A_79 = arith.addf %add3A_76, %mul3A_78 : f32
    %add3A_80 = arith.addi %reduce_max3A_36, %reduce_sum3A_51 : i32
    %add3A_81 = arith.addi %add3A_80, %reduce_sum3A_60 : i32
    %max3A = arith.constant 1 : i32
    %max3A_82 = arith.maxsi %add3A_81, %max3A : i32
    %convert_element_type3A_83 = arith.sitofp %max3A_82 : i32 to f32
    %div3A_84 = arith.divf %add3A_79, %convert_element_type3A_83 : f32
    %broadcast_in_dim3A_85 = vector.broadcast %div3A_84 : f32 to vector<8x128xf32>
    %swap3A = arith.constant 0 : index
    %swap3A_86 = arith.constant 0 : index
    %swap3A_87 = vector.load %arg5[%swap3A, %swap3A_86] : memref<8x128xf32, #tpu.memory_space<vmem>>, vector<8x128xf32>
    tpu.vector_store %arg5[%swap3A, %swap3A_86], %broadcast_in_dim3A_85 {strides = array<i32>} : memref<8x128xf32, #tpu.memory_space<vmem>>, vector<8x128xf32>,
    return
  }
}

</mosaic_0001>

<sc_bundles>
// kernel: kernel.12.cloned.1.call-start
scs
__scs_entry_jumppad:
0x0: {  	(pc) =	sbr.rel $0x88, $3  }
0x1: {  	(tag) =	ssettag $0x0;
	lr =	simm.s32 $0x1  }
0x2: {  	[smem:$0x3F9F] =	sst lr;
	_ =	strace $0xD0000000  }
0x3: {  	_ = 	snop  }
0x4: {  	_ = 	snop  }
0x5: {  	_ = 	snop  }
0x6: {  	_ = 	snop  }
0x7: {  	_ = 	snop  }
__scs_overlays_trampoline_lowered:
0x8: {  	[smem:$0x3FAE] =	sst s0  }
0x9: {  	[smem:$0x3FAF] =	sst s1  }
0xa: {  	[smem:$0x3FB0] =	sst s2  }
0xb: {  	[smem:$0x3FB1] =	sst s3  }
0xc: {  	[smem:$0x3FB2] =	sst s4  }
0xd: {  	[smem:$0x3FB3] =	sst s5  }
0xe: {  	[smem:$0x3FB4] =	sst s6  }
0xf: {  	[smem:$0x3FB5] =	sst s7  }
0x10: {  	[smem:$0x3FB6] =	sst s8  }
0x11: {  	[smem:$0x3FB7] =	sst s9;
	s0 =	simm.s32 @!p0 $0x0  }
0x12: {  	s1 =	sld [smem:$0x3F9D];
	s0 =	simm.s32 @p0 $0x1  }
0x13: {  	[smem:$0x3FB8] =	sst s0;
	s0 =	simm.s32 @!p1 $0x0  }
0x14: {  	s2 =	sld [smem:$0x3F9C];
	s0 =	simm.s32 @p1 $0x1  }
0x15: {  	[smem:$0x3FB9] =	sst s0;
	s0 =	simm.s32 @!p2 $0x0  }
0x16: {  	s3 =	sld [smem:$0x3FDB];
	s0 =	simm.s32 @p2 $0x1  }
0x17: {  	s4 =	simm.s32 $0x1BF5;
	[smem:$0x3FBB] =	sst s0  }
0x18: {  	s0 =	sld [smem:$0x3F9E];
	_ =	swait.ge [sflag:s4], $0x0  }
0x19: {  	s7 =	sld [smem:$0x3F9F]  }
0x1a: {  	s8 =	sadd.s32 $0xFFFFE003, lr  }
0x1b: {  	s9 =	sadd.s32 $0xFFFFFEF7, lr;
	s5 =	simm.s32 $0xFFFFFFFF;
	p2 =	slt.u32 s8, $0xFFFFF086  }
0x1c: {  	p1 =	slt.u32 s9, $0xF7A;
	s5 =	simm.s32 @!p2 $0x0  }
0x1d: {  	s5 =	simm.s32 @p1 $0x1;
	p0 =	seq.s32 s7, s2  }
0x1e: {  	s7 =	smul.u32 @!p0 $0xF7A, s2;
	p2 =	seq.s32 @!p0 s5, $0x0  }
0x1f: {  	s9 =	smul.u32 $0xF7A, s1;
	s8 =	simm.s32 @!p0 $0x1BF5;
	p2 =	por !p2, p0  }
0x20: {  	[sflag:s8] =	ssyncset.s32 @!p0 $0xFFFFF086;
	s6 =	sadd.s32 @!p0 s3, s7;
	s7 =	simm.s32 @!p0 $0x108  }
0x21: {  	s3 =	sadd.s32 s3, s9;
	s6 =	sadd.s32 @!p0 $0x88, s6;
	s7 =	simm.s32 @p2 $0x1082  }
0x22: {  	[simem:s7], [sflag:s8] =	dma.local @!p0 [hbm:s6], $0xF7A  }
0x23: {  	s9 =	sor.u32 $0xD0000000, s2;
	s6 =	simm.s32 $0x108;
	_ =	swait.ge @!p0 [sflag:s8], $0x0  }
0x24: {  	s3 =	sadd.s32 $0x88, s3;
	s6 =	simm.s32 @!p1 $0x1082;
	[sflag:s4] =	ssyncset.s32 $0xFFFFF086  }
0x25: {  	[simem:s6], [sflag:s4] =	dma.local [hbm:s3], $0xF7A  }
0x26: {  	[smem:$0x3F9F] =	sst s1;
	(tag) =	ssettag s2;
	_ =	strace s9  }
0x27: {  	s1 =	sld [smem:$0x3FAF]  }
0x28: {  	s2 =	sld [smem:$0x3FB0]  }
0x29: {  	s4 =	sld [smem:$0x3FB2]  }
0x2a: {  	p0 =	seq.s32 s5, $0x0;
	s5 =	sld [smem:$0x3FB3]  }
0x2b: {  	s6 =	sld [smem:$0x3FB4]  }
0x2c: {  	s7 =	sld [smem:$0x3FB5]  }
0x2d: {  	s3 =	simm.s32 $0x108;
	s8 =	sld [smem:$0x3FB6]  }
0x2e: {  	s3 =	simm.s32 @!p0 $0x1082;
	s9 =	sld [smem:$0x3FB7]  }
0x2f: {  	lr =	sadd.s32 s0, s3;
	s0 =	sld [smem:$0x3FAE]  }
0x30: {  	s3 =	sld [smem:$0x3FB1]  }
0x31: {  	[smem:$0x3FBA] =	sst s10  }
0x32: {  	s10 =	sld [smem:$0x3FB8];
	_ =	sdelay $0x3  }
0x33: {  	p0 =	seq.s32 s10, $0x1;
	s10 =	sld [smem:$0x3FBA];
	_ =	sdelay $0x3  }
0x34: {  	[smem:$0x3FBA] =	sst s10  }
0x35: {  	s10 =	sld [smem:$0x3FB9];
	_ =	sdelay $0x3  }
0x36: {  	p1 =	seq.s32 s10, $0x1;
	s10 =	sld [smem:$0x3FBA];
	_ =	sdelay $0x3  }
0x37: {  	[smem:$0x3FBA] =	sst s10  }
0x38: {  	s10 =	sld [smem:$0x3FBB]  }
0x39: {  	_ = 	snop;
	(pc) =	sbr.ind lr, $3  }
0x3a: {  	_ = 	snop  }
0x3b: {  	_ = 	snop  }
0x3c: {  	p2 =	seq.s32 s10, $0x1;
	s10 =	sld [smem:$0x3FBA]  }
0x3d: {  	_ =	shalt  }
0x3e: {  	_ =	shalt  }
0x3f: {  	_ =	shalt  }
0x40: {  	_ =	shalt  }
0x41: {  	_ =	shalt  }
0x42: {  	_ =	shalt  }
0x43: {  	_ =	shalt  }
0x44: {  	_ =	shalt  }
0x45: {  	_ =	shalt  }
0x46: {  	_ =	shalt  }
0x47: {  	_ =	shalt  }
0x48: {  	_ =	shalt  }
0x49: {  	_ =	shalt  }
0x4a: {  	_ =	shalt  }
0x4b: {  	_ =	shalt  }
0x4c: {  	_ =	shalt  }
0x4d: {  	_ =	shalt  }
0x4e: {  	_ =	shalt  }
0x4f: {  	_ =	shalt  }
0x50: {  	_ =	shalt  }
0x51: {  	_ =	shalt  }
0x52: {  	_ =	shalt  }
0x53: {  	_ =	shalt  }
0x54: {  	_ =	shalt  }
0x55: {  	_ =	shalt  }
0x56: {  	_ =	shalt  }
0x57: {  	_ =	shalt  }
0x58: {  	_ =	shalt  }
0x59: {  	_ =	shalt  }
0x5a: {  	_ =	shalt  }
0x5b: {  	_ =	shalt  }
0x5c: {  	_ =	shalt  }
0x5d: {  	_ =	shalt  }
0x5e: {  	_ =	shalt  }
0x5f: {  	_ =	shalt  }
0x60: {  	_ =	shalt  }
0x61: {  	_ =	shalt  }
0x62: {  	_ =	shalt  }
0x63: {  	_ =	shalt  }
0x64: {  	_ =	shalt  }
0x65: {  	_ =	shalt  }
0x66: {  	_ =	shalt  }
0x67: {  	_ =	shalt  }
0x68: {  	_ =	shalt  }
0x69: {  	_ =	shalt  }
0x6a: {  	_ =	shalt  }
0x6b: {  	_ =	shalt  }
0x6c: {  	_ =	shalt  }
0x6d: {  	_ =	shalt  }
0x6e: {  	_ =	shalt  }
0x6f: {  	_ =	shalt  }
0x70: {  	_ =	shalt  }
0x71: {  	_ =	shalt  }
0x72: {  	_ =	shalt  }
0x73: {  	_ =	shalt  }
0x74: {  	_ =	shalt  }
0x75: {  	_ =	shalt  }
0x76: {  	_ =	shalt  }
0x77: {  	_ =	shalt  }
0x78: {  	_ =	shalt  }
0x79: {  	_ =	shalt  }
0x7a: {  	_ =	shalt  }
0x7b: {  	_ =	shalt  }
0x7c: {  	_ =	shalt  }
0x7d: {  	_ =	shalt  }
0x7e: {  	_ =	shalt  }
0x7f: {  	_ =	shalt  }
0x80: {  	_ =	shalt  }
0x81: {  	_ =	shalt  }
0x82: {  	_ =	shalt  }
0x83: {  	_ =	shalt  }
0x84: {  	_ =	shalt  }
0x85: {  	_ =	shalt  }
0x86: {  	_ =	shalt  }
0x87: {  	_ =	shalt  }
.Lfunc_end0:
.L_simem_size_0:
called_computation.1_lowered:
.L_overlay_start_0:
0x88: {  	s2 =	sld [smem:$0x3FD9]  }
0x89: {  	s3 =	sld [smem:$0x3FFE];
	_ =	sdelay $0x1  }
0x8a: {  	s1 =	srdreg.scid  }
0x8b: {  	s0 =	sand.u32 $0x1, s1  }
0x8c: {  	s17 =	sshll.u32 s0, $0xA;
	s2 =	sadd.s32 s3, s2  }
0x8d: {  	s2 =	sadd.s32 s2, s17  }
0x8e: {  	[smem:$0x3FC6] =	sst s2  }
0x8f: {  	_ = 	snop  }
0x90: {  	(tm) =	ssettm $0x1  }
0x91: {  	s18 =	sld [smem:$0x3FFB];
	_ =	sdelay $0x3  }
0x92: {  	_ =	strace s18  }
0x93: {  	s2 =	sld [smem:$0x3FFC];
	_ =	sdelay $0x3  }
0x94: {  	_ =	strace s2  }
0x95: {  	s2 =	sld [smem:$0x3FFD];
	_ =	sdelay $0x3  }
0x96: {  	_ =	strace s2  }
0x97: {  	_ =	strace $0x8FFFFFFF  }
0x98: {  	s19 =	sld [smem:$0x3FDB];
	_ =	sdelay $0x1  }
0x99: {  	s20 =	simm.s32 $_scs_section_size  }
0x9a: {  	s4 =	simm.s32 $_size__tile_overlayer_lowered;
	s5 =	simm.s32 $_tile_overlayer_lowered  }
0x9b: {  	s6 =	simm.s32 $0x1BFF;
	s21 =	sshll.u32 s5, $0x1;
	s3 =	sadd.s32 s20, s19  }
0x9c: {  	s22 =	simm.s32 $0x0;
	s4 =	sshll.u32 s4, $0x1;
	s5 =	sadd.s32 s21, s3  }
0x9d: {  	[timem:s22], [sflag:s6] =	dma.local [hbm:s5], s4  }
0x9e: {  	_ =	swait.ge [sflag:s6], s4  }
0x9f: {  	s4 =	ssub.s32 $0x0, s4;
	[sflag:s6] =	ssyncset.done $0x0  }
0xa0: {  	[sflag:s6] =	ssyncadd.s32 s4;
	_ =	sdelay $0x1  }
0xa1: {  	s23 =	simm.s32 $0x1B8B  }
0xa2: {  	_ =	swait.ge [sflag:s23], $0x1  }
0xa3: {  	[sflag:s23] =	ssyncset.done $0x0  }
0xa4: {  	[sflag:s23] =	ssyncadd.s32 $0xFFFFFFFF  }
0xa5: {  	s4 =	sld [smem:$0x0]  }
0xa6: {  	s5 =	sand.u32 $0xFFFFFFFE, s1  }
0xa7: {  	p0 =	sne.s32 s1, s5  }
0xa8: {  	s5 =	sshll.u32 @p0 s5, $0xE  }
0xa9: {  	s5 =	sadd.s32 @p0 $0x11B8D, s5;
	s6 =	sshll.u32 @p0 s4, $0x11  }
0xaa: {  	s5 =	sor.u32 @p0 s6, s5  }
0xab: {  	[sflag:s5] =	ssyncadd.remote.s32 @p0 $0x1;
	_ =	sdelay $0x1  }
0xac: {  	s5 =	simm.s32 @p0 $0x1B8D  }
0xad: {  	_ =	swait.eq @p0 [sflag:s5], $0x1  }
0xae: {  	[sflag:s5] =	ssyncadd.s32 @p0 $0xFFFFFFFF  }
0xaf: {  	s6 =	sshll.u32 @!p0 s1, $0xE  }
0xb0: {  	s6 =	sor.u32 @!p0 $0x4000, s6;
	s5 =	simm.s32 @!p0 $0x1B8D  }
0xb1: {  	s4 =	sshll.u32 @!p0 s4, $0x11;
	s6 =	sadd.s32 @!p0 $0x11B8D, s6;
	_ =	swait.eq @!p0 [sflag:s5], $0x1  }
0xb2: {  	s4 =	sor.u32 @!p0 s4, s6;
	[sflag:s5] =	ssyncadd.s32 @!p0 $0xFFFFFFFF  }
0xb3: {  	s25 =	simm.s32 $0x1B8E;
	s24 =	sld [smem:$0x3FFE];
	[sflag:s4] =	ssyncadd.remote.s32 @!p0 $0x1  }
0xb4: {  	s26 =	simm.s32 $execute0_lowered;
	[smem:$0x3FD2] =	sst s25  }
0xb5: {  	s5 =	sshll.u32 s26, $0x1;
	_ =	strace $0x80000049;
	[dreg:$0x1] =	wrdreg $0xFFFFFFFF  }
0xb6: {  	s28 =	simm.s32 $_size_execute0_lowered;
	s3 =	sadd.s32 s3, s5;
	[dreg:$0x0] =	wrdreg $0x0  }
0xb7: {  	s5 =	sshll.u32 s28, $0x1;
	[dreg:$0x2] =	wrdreg s3  }
0xb8: {  	[dreg:$0x3] =	wrdreg s5  }
0xb9: {  	[dreg:$0x4] =	wrdreg $0xC0  }
0xba: {  	_ =	task [dreg:s22], $0x5FFFF  }
0xbb: {  	[dreg:$0x1] =	wrdreg $0xFFFFFFFF  }
0xbc: {  	[dreg:$0x0] =	wrdreg $0x60  }
0xbd: {  	[dreg:$0x2] =	wrdreg s24  }
0xbe: {  	[dreg:$0x3] =	wrdreg $0xA  }
0xbf: {  	_ =	task.clear_ibuf [dreg:s22], $0x4FFFF;
	_ =	strace $0x90000049  }
0xc0: {  	s29 =	simm.s32 $0xA;
	_ =	strace $0x8000004B  }
0xc1: {  	_ =	swait.ge [sflag:s29], $0x1  }
0xc2: {  	[sflag:s29] =	ssyncadd.s32 $0xFFFFFFFF  }
0xc3: {  	_ =	strace $0x9000004B  }
0xc4: {  	_ =	sfence  }
0xc5: {  	s30 =	sld [smem:$0x0];
	_ =	sdelay $0x2  }
0xc6: {  	s31 =	sshll.u32 s1, $0xD;
	s1 =	sshrl.u32 s1, $0x2  }
0xc7: {  	s4 =	sand.u32 $0x4000, s31;
	s1 =	sadd.s32 s1, s30  }
0xc8: {  	s0 =	sor.u32 s4, s0;
	s1 =	sshll.u32 s1, $0x11  }
0xc9: {  	s0 =	sor.u32 s1, s0  }
0xca: {  	s0 =	sadd.s32 $0x8F2B, s0  }
0xcb: {  	[sflag:s0] =	ssyncadd.remote.s32 $0x1  }
0xcc: {  	_ =	sfence.sel $0xFFFF  }
0xcd: {  	[dreg:$0x0] =	wrdreg $0xFFFFFFFF;
	(pc) =	sbr.abs _section_cstart, $3  }
0xce: {  	[dreg:$0x1] =	wrdreg $0xFFFFFFFF  }
0xcf: {  	_ =	task.clear_ibuf [dreg:s22], $0x2FFFF;
	_ =	strace $0x9FFFFFFF  }
0xd0: {  	(tm) =	ssettm $0x7FFFFFFF  }
0xd1: {  	_ =	shalt  }
tec
execute0_lowered:
.L_overlay_start_1:
0x0: {  	(tag) =	ssettag $0x1  }
0x1: {  	s3 =	rddreg [dreg:$0x0];
	s2 =	srdreg.scid  }
0x2: {  	s0 =	rddreg [dreg:$0x1];
	s1 =	stileid.u32;
	s7 =	simm.s32 $0x8000  }
0x3: {  	s8 =	simm.s32 $0xC000;
	s9 =	simm.s32 $0x1;
	s4 =	sand.u32 $0x1, s2  }
0x4: {  	s10 =	simm.s32 $0x0;
	s5 =	sshll.u32 s1, $0xD;
	s6 =	sshll.u32 s4, $0xC  }
0x5: {  	s2 =	simm.s32 $0x0;
	s4 =	ssub.s32 $0x2, s4;
	s5 =	sor.u32 s6, s5  }
0x6: {  	[smem:$0x7FF] =	sst s2;
	s30 =	sshrl.u32 s4, $0x1;
	s5 =	sadd.s32 s5, s3  }
0x7: {  	_ =	strace $0x8000004A;
	s31 =	ssub.s32 s4, s30;
	s3 =	sadd.s32 $0x42400, s5  }
0x8: {  	v0 =	vimm.s32 $0x0;
	v1 =	vimm.s32 $0x1;
	s4 =	sadd.s32 $0x42C00, s5;
	s5 =	sadd.s32 $0x62400, s5;
	s6 =	smax.u32 s31, $0x1  }
.LBB2_1:
0x9: {  	[tilespmem:s7], [sflag:$0x1] =	stream.linear.gather [hbm4b:s3+s2], $0x4000, $0x38;
	[tilespmem:$0x10000] =	vst v63  }
0xa: {  	s11 =	simm.s32 $0x80  }
0xb: {  	[tilespmem:s11+$0xFFFFFF80] =	vst v0  }
0xc: {  	[tilespmem:s11+$0x70] =	vst v0  }
0xd: {  	[tilespmem:s11+$0x60] =	vst v0  }
0xe: {  	[tilespmem:s11+$0x50] =	vst v0  }
0xf: {  	[tilespmem:s11+$0x40] =	vst v0  }
0x10: {  	[tilespmem:s11+$0x30] =	vst v0  }
0x11: {  	[tilespmem:s11+$0x20] =	vst v0  }
0x12: {  	[tilespmem:s11+$0x10] =	vst v0  }
0x13: {  	[tilespmem:s11+$0x0] =	vst v0  }
0x14: {  	[tilespmem:s11+$0xFFFFFFF0] =	vst v0  }
0x15: {  	[tilespmem:s11+$0xFFFFFFE0] =	vst v0  }
0x16: {  	[tilespmem:s11+$0xFFFFFFD0] =	vst v0  }
0x17: {  	[tilespmem:s11+$0xFFFFFFC0] =	vst v0  }
0x18: {  	[tilespmem:s11+$0xFFFFFFB0] =	vst v0  }
0x19: {  	s12 =	simm.s32 $0x0;
	[tilespmem:s11+$0xFFFFFFA0] =	vst v0  }
.LBB2_2:
0x1a: {  	s12 =	sadd.s32 $0x2, s12;
	[tilespmem:s11+$0xFFFFFF90] =	vst v0;
	s11 =	sadd.s32 $0x100, s11  }
0x1b: {  	[tilespmem:s11+$0xFFFFFF80] =	vst v0;
	p0 =	slt.u32 s12, $0xFE  }
0x1c: {  	[tilespmem:s11+$0x70] =	vst v0  }
0x1d: {  	[tilespmem:s11+$0x60] =	vst v0  }
0x1e: {  	[tilespmem:s11+$0x50] =	vst v0  }
0x1f: {  	[tilespmem:s11+$0x40] =	vst v0  }
0x20: {  	[tilespmem:s11+$0x30] =	vst v0  }
0x21: {  	[tilespmem:s11+$0x20] =	vst v0  }
0x22: {  	[tilespmem:s11+$0x10] =	vst v0  }
0x23: {  	[tilespmem:s11+$0x0] =	vst v0  }
0x24: {  	[tilespmem:s11+$0xFFFFFFF0] =	vst v0  }
.Ltmp0:
0x25: {  	[tilespmem:s11+$0xFFFFFFE0] =	vst v0;
	(pc) =	sbr.rel @p0 .LBB2_2-.Ltmp0, $4  }
0x26: {  	[tilespmem:s11+$0xFFFFFFD0] =	vst v0  }
0x27: {  	[tilespmem:s11+$0xFFFFFFC0] =	vst v0  }
0x28: {  	[tilespmem:s11+$0xFFFFFFB0] =	vst v0  }
0x29: {  	[tilespmem:s11+$0xFFFFFFA0] =	vst v0  }
0x2a: {  	[tilespmem:s11+$0xFFFFFF90] =	vst v0;
	s11 =	simm.s32 $0x0  }
0x2b: {  	[tilespmem:s8], [sflag:$0x1] =	stream.linear.gather [hbm4b:s4+s11], $0x4000, $0x38;
	[tilespmem:$0x10000] =	vst v63  }
0x2c: {  	_ =	swait.ge [sflag:s9], $0x4000  }
0x2d: {  	[sflag:s9] =	ssyncset.done $0x0  }
0x2e: {  	s12 =	simm.s32 $0x0;
	[sflag:s9] =	ssyncadd.s32 $0xFFFFC000  }
.LBB2_4:
0x2f: {  	s13 =	sand.u32 $0x3000, s12;
	s14 =	sand.u32 $0x380, s11  }
0x30: {  	s13 =	sor.u32 s14, s13  }
0x31: {  	v2 =	vld [tilespmem:s13+$0x8000]  }
0x32: {  	v3 =	vld [tilespmem:s13+$0x8010]  }
0x33: {  	v4 =	vld [tilespmem:s13+$0x8020]  }
0x34: {  	v5 =	vld [tilespmem:s13+$0x8030];
	_ =	sdelay $0x1  }
0x35: {  	v2 =	vshrl.u32 v2, $0x10  }
0x36: {  	v3 =	vshrl.u32 v3, $0x10  }
0x37: {  	v4 =	vshrl.u32 v4, $0x10  }
0x38: {  	v5 =	vshrl.u32 v5, $0x10;
	_ =	sdelay $0x1  }
0x39: {  	[tilespmem:v2+s2+$0x0] =	vst.idx.add.s32.msk $0xffff, v1  }
0x3a: {  	[tilespmem:v3+s2+$0x0] =	vst.idx.add.s32.msk $0xffff, v1  }
0x3b: {  	[tilespmem:v4+s2+$0x0] =	vst.idx.add.s32.msk $0xffff, v1  }
0x3c: {  	[tilespmem:v5+s2+$0x0] =	vst.idx.add.s32.msk $0xffff, v1  }
0x3d: {  	v2 =	vld [tilespmem:s13+$0x8040]  }
0x3e: {  	v3 =	vld [tilespmem:s13+$0x8050]  }
0x3f: {  	v4 =	vld [tilespmem:s13+$0x8060]  }
0x40: {  	v5 =	vld [tilespmem:s13+$0x8070];
	_ =	sdelay $0x1  }
0x41: {  	v2 =	vshrl.u32 v2, $0x10  }
0x42: {  	v3 =	vshrl.u32 v3, $0x10  }
0x43: {  	v4 =	vshrl.u32 v4, $0x10  }
0x44: {  	v5 =	vshrl.u32 v5, $0x10;
	_ =	sdelay $0x1  }
0x45: {  	[tilespmem:v2+s2+$0x0] =	vst.idx.add.s32.msk $0xffff, v1  }
0x46: {  	[tilespmem:v3+s2+$0x0] =	vst.idx.add.s32.msk $0xffff, v1  }
0x47: {  	[tilespmem:v4+s2+$0x0] =	vst.idx.add.s32.msk $0xffff, v1  }
0x48: {  	[tilespmem:v5+s2+$0x0] =	vst.idx.add.s32.msk $0xffff, v1  }
0x49: {  	v2 =	vld [tilespmem:s13+$0x8400]  }
0x4a: {  	v3 =	vld [tilespmem:s13+$0x8410]  }
0x4b: {  	v4 =	vld [tilespmem:s13+$0x8420]  }
0x4c: {  	v5 =	vld [tilespmem:s13+$0x8430];
	_ =	sdelay $0x1  }
0x4d: {  	v2 =	vshrl.u32 v2, $0x10  }
0x4e: {  	v3 =	vshrl.u32 v3, $0x10  }
0x4f: {  	v4 =	vshrl.u32 v4, $0x10  }
0x50: {  	v5 =	vshrl.u32 v5, $0x10;
	_ =	sdelay $0x1  }
0x51: {  	[tilespmem:v2+s2+$0x0] =	vst.idx.add.s32.msk $0xffff, v1  }
0x52: {  	[tilespmem:v3+s2+$0x0] =	vst.idx.add.s32.msk $0xffff, v1  }
0x53: {  	[tilespmem:v4+s2+$0x0] =	vst.idx.add.s32.msk $0xffff, v1  }
0x54: {  	[tilespmem:v5+s2+$0x0] =	vst.idx.add.s32.msk $0xffff, v1  }
0x55: {  	v2 =	vld [tilespmem:s13+$0x8440]  }
0x56: {  	v3 =	vld [tilespmem:s13+$0x8450]  }
0x57: {  	v4 =	vld [tilespmem:s13+$0x8460]  }
0x58: {  	v5 =	vld [tilespmem:s13+$0x8470];
	_ =	sdelay $0x1  }
0x59: {  	v2 =	vshrl.u32 v2, $0x10  }
0x5a: {  	v3 =	vshrl.u32 v3, $0x10  }
0x5b: {  	v4 =	vshrl.u32 v4, $0x10  }
0x5c: {  	v5 =	vshrl.u32 v5, $0x10;
	_ =	sdelay $0x1  }
0x5d: {  	[tilespmem:v2+s2+$0x0] =	vst.idx.add.s32.msk $0xffff, v1  }
0x5e: {  	[tilespmem:v3+s2+$0x0] =	vst.idx.add.s32.msk $0xffff, v1  }
0x5f: {  	[tilespmem:v4+s2+$0x0] =	vst.idx.add.s32.msk $0xffff, v1  }
0x60: {  	[tilespmem:v5+s2+$0x0] =	vst.idx.add.s32.msk $0xffff, v1  }
0x61: {  	v2 =	vld [tilespmem:s13+$0x8800]  }
0x62: {  	v3 =	vld [tilespmem:s13+$0x8810]  }
0x63: {  	v4 =	vld [tilespmem:s13+$0x8820]  }
0x64: {  	v5 =	vld [tilespmem:s13+$0x8830];
	_ =	sdelay $0x1  }
0x65: {  	v2 =	vshrl.u32 v2, $0x10  }
0x66: {  	v3 =	vshrl.u32 v3, $0x10  }
0x67: {  	v4 =	vshrl.u32 v4, $0x10  }
0x68: {  	v5 =	vshrl.u32 v5, $0x10;
	_ =	sdelay $0x1  }
0x69: {  	[tilespmem:v2+s2+$0x0] =	vst.idx.add.s32.msk $0xffff, v1  }
0x6a: {  	[tilespmem:v3+s2+$0x0] =	vst.idx.add.s32.msk $0xffff, v1  }
0x6b: {  	[tilespmem:v4+s2+$0x0] =	vst.idx.add.s32.msk $0xffff, v1  }
0x6c: {  	[tilespmem:v5+s2+$0x0] =	vst.idx.add.s32.msk $0xffff, v1  }
0x6d: {  	v2 =	vld [tilespmem:s13+$0x8840]  }
0x6e: {  	v3 =	vld [tilespmem:s13+$0x8850]  }
0x6f: {  	v4 =	vld [tilespmem:s13+$0x8860]  }
0x70: {  	v5 =	vld [tilespmem:s13+$0x8870];
	_ =	sdelay $0x1  }
0x71: {  	v2 =	vshrl.u32 v2, $0x10  }
0x72: {  	v3 =	vshrl.u32 v3, $0x10  }
0x73: {  	v4 =	vshrl.u32 v4, $0x10  }
0x74: {  	v5 =	vshrl.u32 v5, $0x10;
	_ =	sdelay $0x1  }
0x75: {  	[tilespmem:v2+s2+$0x0] =	vst.idx.add.s32.msk $0xffff, v1  }
0x76: {  	[tilespmem:v3+s2+$0x0] =	vst.idx.add.s32.msk $0xffff, v1  }
0x77: {  	[tilespmem:v4+s2+$0x0] =	vst.idx.add.s32.msk $0xffff, v1  }
0x78: {  	[tilespmem:v5+s2+$0x0] =	vst.idx.add.s32.msk $0xffff, v1  }
0x79: {  	v2 =	vld [tilespmem:s13+$0x8C00]  }
0x7a: {  	v3 =	vld [tilespmem:s13+$0x8C10]  }
0x7b: {  	v4 =	vld [tilespmem:s13+$0x8C20]  }
0x7c: {  	v5 =	vld [tilespmem:s13+$0x8C30];
	_ =	sdelay $0x1  }
0x7d: {  	v2 =	vshrl.u32 v2, $0x10  }
0x7e: {  	v3 =	vshrl.u32 v3, $0x10  }
0x7f: {  	v4 =	vshrl.u32 v4, $0x10  }
0x80: {  	v5 =	vshrl.u32 v5, $0x10;
	_ =	sdelay $0x1  }
0x81: {  	[tilespmem:v2+s2+$0x0] =	vst.idx.add.s32.msk $0xffff, v1  }
0x82: {  	[tilespmem:v3+s2+$0x0] =	vst.idx.add.s32.msk $0xffff, v1  }
0x83: {  	[tilespmem:v4+s2+$0x0] =	vst.idx.add.s32.msk $0xffff, v1  }
0x84: {  	[tilespmem:v5+s2+$0x0] =	vst.idx.add.s32.msk $0xffff, v1  }
0x85: {  	v2 =	vld [tilespmem:s13+$0x8C40]  }
0x86: {  	v3 =	vld [tilespmem:s13+$0x8C50]  }
0x87: {  	v4 =	vld [tilespmem:s13+$0x8C60]  }
0x88: {  	v5 =	vld [tilespmem:s13+$0x8C70];
	_ =	sdelay $0x1  }
0x89: {  	v2 =	vshrl.u32 v2, $0x10  }
0x8a: {  	v3 =	vshrl.u32 v3, $0x10  }
0x8b: {  	v4 =	vshrl.u32 v4, $0x10  }
0x8c: {  	p0 =	sne.s32 s12, $0x3E00;
	v5 =	vshrl.u32 v5, $0x10  }
.Ltmp1:
0x8d: {  	_ = 	snop;
	(pc) =	sbr.rel @p0 .LBB2_4-.Ltmp1, $4  }
0x8e: {  	[tilespmem:v2+s2+$0x0] =	vst.idx.add.s32.msk $0xffff, v1  }
0x8f: {  	[tilespmem:v3+s2+$0x0] =	vst.idx.add.s32.msk $0xffff, v1  }
0x90: {  	[tilespmem:v4+s2+$0x0] =	vst.idx.add.s32.msk $0xffff, v1  }
0x91: {  	s11 =	sadd.s32 $0x80, s11;
	s12 =	sadd.s32 $0x200, s12;
	[tilespmem:v5+s2+$0x0] =	vst.idx.add.s32.msk $0xffff, v1  }
0x92: {  	_ =	swait.ge [sflag:s9], $0x4000  }
0x93: {  	[sflag:s9] =	ssyncset.done $0x0  }
0x94: {  	s11 =	simm.s32 $0x0;
	s12 =	simm.s32 $0x0;
	[sflag:s9] =	ssyncadd.s32 $0xFFFFC000  }
.LBB2_6:
0x95: {  	s13 =	sand.u32 $0x3000, s12;
	s14 =	sand.u32 $0x380, s11  }
0x96: {  	s13 =	sor.u32 s14, s13  }
0x97: {  	v2 =	vld [tilespmem:s13+$0xC000]  }
0x98: {  	v3 =	vld [tilespmem:s13+$0xC010]  }
0x99: {  	v4 =	vld [tilespmem:s13+$0xC020]  }
0x9a: {  	v5 =	vld [tilespmem:s13+$0xC030];
	_ =	sdelay $0x1  }
0x9b: {  	v2 =	vshrl.u32 v2, $0x10  }
0x9c: {  	v3 =	vshrl.u32 v3, $0x10  }
0x9d: {  	v4 =	vshrl.u32 v4, $0x10  }
0x9e: {  	v5 =	vshrl.u32 v5, $0x10;
	_ =	sdelay $0x1  }
0x9f: {  	[tilespmem:v2+s2+$0x0] =	vst.idx.add.s32.msk $0xffff, v1  }
0xa0: {  	[tilespmem:v3+s2+$0x0] =	vst.idx.add.s32.msk $0xffff, v1  }
0xa1: {  	[tilespmem:v4+s2+$0x0] =	vst.idx.add.s32.msk $0xffff, v1  }
0xa2: {  	[tilespmem:v5+s2+$0x0] =	vst.idx.add.s32.msk $0xffff, v1  }
0xa3: {  	v2 =	vld [tilespmem:s13+$0xC040]  }
0xa4: {  	v3 =	vld [tilespmem:s13+$0xC050]  }
0xa5: {  	v4 =	vld [tilespmem:s13+$0xC060]  }
0xa6: {  	v5 =	vld [tilespmem:s13+$0xC070];
	_ =	sdelay $0x1  }
0xa7: {  	v2 =	vshrl.u32 v2, $0x10  }
0xa8: {  	v3 =	vshrl.u32 v3, $0x10  }
0xa9: {  	v4 =	vshrl.u32 v4, $0x10  }
0xaa: {  	v5 =	vshrl.u32 v5, $0x10;
	_ =	sdelay $0x1  }
0xab: {  	[tilespmem:v2+s2+$0x0] =	vst.idx.add.s32.msk $0xffff, v1  }
0xac: {  	[tilespmem:v3+s2+$0x0] =	vst.idx.add.s32.msk $0xffff, v1  }
0xad: {  	[tilespmem:v4+s2+$0x0] =	vst.idx.add.s32.msk $0xffff, v1  }
0xae: {  	[tilespmem:v5+s2+$0x0] =	vst.idx.add.s32.msk $0xffff, v1  }
0xaf: {  	v2 =	vld [tilespmem:s13+$0xC400]  }
0xb0: {  	v3 =	vld [tilespmem:s13+$0xC410]  }
0xb1: {  	v4 =	vld [tilespmem:s13+$0xC420]  }
0xb2: {  	v5 =	vld [tilespmem:s13+$0xC430];
	_ =	sdelay $0x1  }
0xb3: {  	v2 =	vshrl.u32 v2, $0x10  }
0xb4: {  	v3 =	vshrl.u32 v3, $0x10  }
0xb5: {  	v4 =	vshrl.u32 v4, $0x10  }
0xb6: {  	v5 =	vshrl.u32 v5, $0x10;
	_ =	sdelay $0x1  }
0xb7: {  	[tilespmem:v2+s2+$0x0] =	vst.idx.add.s32.msk $0xffff, v1  }
0xb8: {  	[tilespmem:v3+s2+$0x0] =	vst.idx.add.s32.msk $0xffff, v1  }
0xb9: {  	[tilespmem:v4+s2+$0x0] =	vst.idx.add.s32.msk $0xffff, v1  }
0xba: {  	[tilespmem:v5+s2+$0x0] =	vst.idx.add.s32.msk $0xffff, v1  }
0xbb: {  	v2 =	vld [tilespmem:s13+$0xC440]  }
0xbc: {  	v3 =	vld [tilespmem:s13+$0xC450]  }
0xbd: {  	v4 =	vld [tilespmem:s13+$0xC460]  }
0xbe: {  	v5 =	vld [tilespmem:s13+$0xC470];
	_ =	sdelay $0x1  }
0xbf: {  	v2 =	vshrl.u32 v2, $0x10  }
0xc0: {  	v3 =	vshrl.u32 v3, $0x10  }
0xc1: {  	v4 =	vshrl.u32 v4, $0x10  }
0xc2: {  	v5 =	vshrl.u32 v5, $0x10;
	_ =	sdelay $0x1  }
0xc3: {  	[tilespmem:v2+s2+$0x0] =	vst.idx.add.s32.msk $0xffff, v1  }
0xc4: {  	[tilespmem:v3+s2+$0x0] =	vst.idx.add.s32.msk $0xffff, v1  }
0xc5: {  	[tilespmem:v4+s2+$0x0] =	vst.idx.add.s32.msk $0xffff, v1  }
0xc6: {  	[tilespmem:v5+s2+$0x0] =	vst.idx.add.s32.msk $0xffff, v1  }
0xc7: {  	v2 =	vld [tilespmem:s13+$0xC800]  }
0xc8: {  	v3 =	vld [tilespmem:s13+$0xC810]  }
0xc9: {  	v4 =	vld [tilespmem:s13+$0xC820]  }
0xca: {  	v5 =	vld [tilespmem:s13+$0xC830];
	_ =	sdelay $0x1  }
0xcb: {  	v2 =	vshrl.u32 v2, $0x10  }
0xcc: {  	v3 =	vshrl.u32 v3, $0x10  }
0xcd: {  	v4 =	vshrl.u32 v4, $0x10  }
0xce: {  	v5 =	vshrl.u32 v5, $0x10;
	_ =	sdelay $0x1  }
0xcf: {  	[tilespmem:v2+s2+$0x0] =	vst.idx.add.s32.msk $0xffff, v1  }
0xd0: {  	[tilespmem:v3+s2+$0x0] =	vst.idx.add.s32.msk $0xffff, v1  }
0xd1: {  	[tilespmem:v4+s2+$0x0] =	vst.idx.add.s32.msk $0xffff, v1  }
0xd2: {  	[tilespmem:v5+s2+$0x0] =	vst.idx.add.s32.msk $0xffff, v1  }
0xd3: {  	v2 =	vld [tilespmem:s13+$0xC840]  }
0xd4: {  	v3 =	vld [tilespmem:s13+$0xC850]  }
0xd5: {  	v4 =	vld [tilespmem:s13+$0xC860]  }
0xd6: {  	v5 =	vld [tilespmem:s13+$0xC870];
	_ =	sdelay $0x1  }
0xd7: {  	v2 =	vshrl.u32 v2, $0x10  }
0xd8: {  	v3 =	vshrl.u32 v3, $0x10  }
0xd9: {  	v4 =	vshrl.u32 v4, $0x10  }
0xda: {  	v5 =	vshrl.u32 v5, $0x10;
	_ =	sdelay $0x1  }
0xdb: {  	[tilespmem:v2+s2+$0x0] =	vst.idx.add.s32.msk $0xffff, v1  }
0xdc: {  	[tilespmem:v3+s2+$0x0] =	vst.idx.add.s32.msk $0xffff, v1  }
0xdd: {  	[tilespmem:v4+s2+$0x0] =	vst.idx.add.s32.msk $0xffff, v1  }
0xde: {  	[tilespmem:v5+s2+$0x0] =	vst.idx.add.s32.msk $0xffff, v1  }
0xdf: {  	v2 =	vld [tilespmem:s13+$0xCC00]  }
0xe0: {  	v3 =	vld [tilespmem:s13+$0xCC10]  }
0xe1: {  	v4 =	vld [tilespmem:s13+$0xCC20]  }
0xe2: {  	v5 =	vld [tilespmem:s13+$0xCC30];
	_ =	sdelay $0x1  }
0xe3: {  	v2 =	vshrl.u32 v2, $0x10  }
0xe4: {  	v3 =	vshrl.u32 v3, $0x10  }
0xe5: {  	v4 =	vshrl.u32 v4, $0x10  }
0xe6: {  	v5 =	vshrl.u32 v5, $0x10;
	_ =	sdelay $0x1  }
0xe7: {  	[tilespmem:v2+s2+$0x0] =	vst.idx.add.s32.msk $0xffff, v1  }
0xe8: {  	[tilespmem:v3+s2+$0x0] =	vst.idx.add.s32.msk $0xffff, v1  }
0xe9: {  	[tilespmem:v4+s2+$0x0] =	vst.idx.add.s32.msk $0xffff, v1  }
0xea: {  	[tilespmem:v5+s2+$0x0] =	vst.idx.add.s32.msk $0xffff, v1  }
0xeb: {  	v2 =	vld [tilespmem:s13+$0xCC40]  }
0xec: {  	v3 =	vld [tilespmem:s13+$0xCC50]  }
0xed: {  	v4 =	vld [tilespmem:s13+$0xCC60]  }
0xee: {  	v5 =	vld [tilespmem:s13+$0xCC70];
	_ =	sdelay $0x1  }
0xef: {  	v2 =	vshrl.u32 v2, $0x10  }
0xf0: {  	v3 =	vshrl.u32 v3, $0x10  }
0xf1: {  	v4 =	vshrl.u32 v4, $0x10  }
0xf2: {  	p0 =	sne.s32 s12, $0x3E00;
	v5 =	vshrl.u32 v5, $0x10  }
.Ltmp2:
0xf3: {  	_ = 	snop;
	(pc) =	sbr.rel @p0 .LBB2_6-.Ltmp2, $4  }
0xf4: {  	[tilespmem:v2+s2+$0x0] =	vst.idx.add.s32.msk $0xffff, v1  }
0xf5: {  	[tilespmem:v3+s2+$0x0] =	vst.idx.add.s32.msk $0xffff, v1  }
0xf6: {  	[tilespmem:v4+s2+$0x0] =	vst.idx.add.s32.msk $0xffff, v1  }
0xf7: {  	s11 =	sadd.s32 $0x80, s11;
	s12 =	sadd.s32 $0x200, s12;
	[tilespmem:v5+s2+$0x0] =	vst.idx.add.s32.msk $0xffff, v1  }
0xf8: {  	s10 =	sadd.s32 $0x1, s10  }
0xf9: {  	p0 =	sne.s32 s10, s6  }
.Ltmp3:
0xfa: {  	_ = 	snop;
	(pc) =	sbr.rel @p0 .LBB2_1-.Ltmp3, $4  }
0xfb: {  	[hbm4b:s5+s2] =	stream.linear.scatter [tilespmem:s2], [sflag:$0x1], $0x8000, $0x38;
	[tilespmem:$0x10000] =	vst v63  }
0xfc: {  	_ =	swait.ge [sflag:s9], $0x8000  }
0xfd: {  	[sflag:s9] =	ssyncset.done $0x0  }
0xfe: {  	[sflag:s9] =	ssyncadd.s32 $0xFFFF8000  }
0xff: {  	_ =	sfence.sel $0x180000  }
0x100: {  	[bflag:$0x0] =	sbarrier.arrive $0xFFFF  }
0x101: {  	p0 =	sne.s32 s1, $0x0;
	_ =	strace $0x9000004A  }
0x102: {  	s0 =	sadd.s32 @!p0 $0x100000, s0;
	[bflag:$0x2] =	sbarrier.arrive $0xFFFF  }
0x103: {  	[sflag:s0] =	ssyncadd.tile.s32 @!p0 $0x1;
	_ =	shalt  }
.Lfunc_end2:
_tile_overlayer_lowered:
.L_overlay_start_2:
0x104: {  	(tag) =	ssettag $0x2  }
0x105: {  	s0 =	rddreg [dreg:$0x0];
	s2 =	stileid.u32  }
0x106: {  	s1 =	rddreg [dreg:$0x1];
	p0 =	sne.s32 s2, $0x0  }
0x107: {  	s3 =	rddreg [dreg:$0x2];
	[bflag:$0x3] =	sbarrier.arrive $0xFFFF;
	s2 =	simm.s32 @!p0 $0x1C02  }
0x108: {  	[timem:s3], [sflag:s2] =	dma.local @!p0 [hbm:s0], s1  }
0x109: {  	s0 =	simm.s32 @!p0 $0x2  }
0x10a: {  	_ =	swait.ge @!p0 [sflag:s0], s1  }
0x10b: {  	s1 =	ssub.s32 @!p0 $0x0, s1;
	[sflag:s0] =	ssyncset.done @!p0 $0x0  }
0x10c: {  	[sflag:s0] =	ssyncadd.s32 @!p0 s1  }
0x10d: {  	[bflag:$0x3] =	sbarrier.arrive $0xFFFF  }
0x10e: {  	_ =	shalt  }

// kernel: kernel.15.cloned.1.call-start
scs
__scs_entry_jumppad:
0x0: {  	(pc) =	sbr.rel $0x88, $3  }
0x1: {  	(tag) =	ssettag $0x0;
	lr =	simm.s32 $0x1  }
0x2: {  	[smem:$0x3F9F] =	sst lr;
	_ =	strace $0xD0000000  }
0x3: {  	_ = 	snop  }
0x4: {  	_ = 	snop  }
0x5: {  	_ = 	snop  }
0x6: {  	_ = 	snop  }
0x7: {  	_ = 	snop  }
__scs_overlays_trampoline_lowered:
0x8: {  	[smem:$0x3FAE] =	sst s0  }
0x9: {  	[smem:$0x3FAF] =	sst s1  }
0xa: {  	[smem:$0x3FB0] =	sst s2  }
0xb: {  	[smem:$0x3FB1] =	sst s3  }
0xc: {  	[smem:$0x3FB2] =	sst s4  }
0xd: {  	[smem:$0x3FB3] =	sst s5  }
0xe: {  	[smem:$0x3FB4] =	sst s6  }
0xf: {  	[smem:$0x3FB5] =	sst s7  }
0x10: {  	[smem:$0x3FB6] =	sst s8  }
0x11: {  	[smem:$0x3FB7] =	sst s9;
	s0 =	simm.s32 @!p0 $0x0  }
0x12: {  	s1 =	sld [smem:$0x3F9D];
	s0 =	simm.s32 @p0 $0x1  }
0x13: {  	[smem:$0x3FB8] =	sst s0;
	s0 =	simm.s32 @!p1 $0x0  }
0x14: {  	s2 =	sld [smem:$0x3F9C];
	s0 =	simm.s32 @p1 $0x1  }
0x15: {  	[smem:$0x3FB9] =	sst s0;
	s0 =	simm.s32 @!p2 $0x0  }
0x16: {  	s3 =	sld [smem:$0x3FDB];
	s0 =	simm.s32 @p2 $0x1  }
0x17: {  	s4 =	simm.s32 $0x1BF5;
	[smem:$0x3FBB] =	sst s0  }
0x18: {  	s0 =	sld [smem:$0x3F9E];
	_ =	swait.ge [sflag:s4], $0x0  }
0x19: {  	s7 =	sld [smem:$0x3F9F]  }
0x1a: {  	s8 =	sadd.s32 $0xFFFFE003, lr  }
0x1b: {  	s9 =	sadd.s32 $0xFFFFFEF7, lr;
	s5 =	simm.s32 $0xFFFFFFFF;
	p2 =	slt.u32 s8, $0xFFFFF086  }
0x1c: {  	p1 =	slt.u32 s9, $0xF7A;
	s5 =	simm.s32 @!p2 $0x0  }
0x1d: {  	s5 =	simm.s32 @p1 $0x1;
	p0 =	seq.s32 s7, s2  }
0x1e: {  	s7 =	smul.u32 @!p0 $0xF7A, s2;
	p2 =	seq.s32 @!p0 s5, $0x0  }
0x1f: {  	s9 =	smul.u32 $0xF7A, s1;
	s8 =	simm.s32 @!p0 $0x1BF5;
	p2 =	por !p2, p0  }
0x20: {  	[sflag:s8] =	ssyncset.s32 @!p0 $0xFFFFF086;
	s6 =	sadd.s32 @!p0 s3, s7;
	s7 =	simm.s32 @!p0 $0x108  }
0x21: {  	s3 =	sadd.s32 s3, s9;
	s6 =	sadd.s32 @!p0 $0x88, s6;
	s7 =	simm.s32 @p2 $0x1082  }
0x22: {  	[simem:s7], [sflag:s8] =	dma.local @!p0 [hbm:s6], $0xF7A  }
0x23: {  	s9 =	sor.u32 $0xD0000000, s2;
	s6 =	simm.s32 $0x108;
	_ =	swait.ge @!p0 [sflag:s8], $0x0  }
0x24: {  	s3 =	sadd.s32 $0x88, s3;
	s6 =	simm.s32 @!p1 $0x1082;
	[sflag:s4] =	ssyncset.s32 $0xFFFFF086  }
0x25: {  	[simem:s6], [sflag:s4] =	dma.local [hbm:s3], $0xF7A  }
0x26: {  	[smem:$0x3F9F] =	sst s1;
	(tag) =	ssettag s2;
	_ =	strace s9  }
0x27: {  	s1 =	sld [smem:$0x3FAF]  }
0x28: {  	s2 =	sld [smem:$0x3FB0]  }
0x29: {  	s4 =	sld [smem:$0x3FB2]  }
0x2a: {  	p0 =	seq.s32 s5, $0x0;
	s5 =	sld [smem:$0x3FB3]  }
0x2b: {  	s6 =	sld [smem:$0x3FB4]  }
0x2c: {  	s7 =	sld [smem:$0x3FB5]  }
0x2d: {  	s3 =	simm.s32 $0x108;
	s8 =	sld [smem:$0x3FB6]  }
0x2e: {  	s3 =	simm.s32 @!p0 $0x1082;
	s9 =	sld [smem:$0x3FB7]  }
0x2f: {  	lr =	sadd.s32 s0, s3;
	s0 =	sld [smem:$0x3FAE]  }
0x30: {  	s3 =	sld [smem:$0x3FB1]  }
0x31: {  	[smem:$0x3FBA] =	sst s10  }
0x32: {  	s10 =	sld [smem:$0x3FB8];
	_ =	sdelay $0x3  }
0x33: {  	p0 =	seq.s32 s10, $0x1;
	s10 =	sld [smem:$0x3FBA];
	_ =	sdelay $0x3  }
0x34: {  	[smem:$0x3FBA] =	sst s10  }
0x35: {  	s10 =	sld [smem:$0x3FB9];
	_ =	sdelay $0x3  }
0x36: {  	p1 =	seq.s32 s10, $0x1;
	s10 =	sld [smem:$0x3FBA];
	_ =	sdelay $0x3  }
0x37: {  	[smem:$0x3FBA] =	sst s10  }
0x38: {  	s10 =	sld [smem:$0x3FBB]  }
0x39: {  	_ = 	snop;
	(pc) =	sbr.ind lr, $3  }
0x3a: {  	_ = 	snop  }
0x3b: {  	_ = 	snop  }
0x3c: {  	p2 =	seq.s32 s10, $0x1;
	s10 =	sld [smem:$0x3FBA]  }
0x3d: {  	_ =	shalt  }
0x3e: {  	_ =	shalt  }
0x3f: {  	_ =	shalt  }
0x40: {  	_ =	shalt  }
0x41: {  	_ =	shalt  }
0x42: {  	_ =	shalt  }
0x43: {  	_ =	shalt  }
0x44: {  	_ =	shalt  }
0x45: {  	_ =	shalt  }
0x46: {  	_ =	shalt  }
0x47: {  	_ =	shalt  }
0x48: {  	_ =	shalt  }
0x49: {  	_ =	shalt  }
0x4a: {  	_ =	shalt  }
0x4b: {  	_ =	shalt  }
0x4c: {  	_ =	shalt  }
0x4d: {  	_ =	shalt  }
0x4e: {  	_ =	shalt  }
0x4f: {  	_ =	shalt  }
0x50: {  	_ =	shalt  }
0x51: {  	_ =	shalt  }
0x52: {  	_ =	shalt  }
0x53: {  	_ =	shalt  }
0x54: {  	_ =	shalt  }
0x55: {  	_ =	shalt  }
0x56: {  	_ =	shalt  }
0x57: {  	_ =	shalt  }
0x58: {  	_ =	shalt  }
0x59: {  	_ =	shalt  }
0x5a: {  	_ =	shalt  }
0x5b: {  	_ =	shalt  }
0x5c: {  	_ =	shalt  }
0x5d: {  	_ =	shalt  }
0x5e: {  	_ =	shalt  }
0x5f: {  	_ =	shalt  }
0x60: {  	_ =	shalt  }
0x61: {  	_ =	shalt  }
0x62: {  	_ =	shalt  }
0x63: {  	_ =	shalt  }
0x64: {  	_ =	shalt  }
0x65: {  	_ =	shalt  }
0x66: {  	_ =	shalt  }
0x67: {  	_ =	shalt  }
0x68: {  	_ =	shalt  }
0x69: {  	_ =	shalt  }
0x6a: {  	_ =	shalt  }
0x6b: {  	_ =	shalt  }
0x6c: {  	_ =	shalt  }
0x6d: {  	_ =	shalt  }
0x6e: {  	_ =	shalt  }
0x6f: {  	_ =	shalt  }
0x70: {  	_ =	shalt  }
0x71: {  	_ =	shalt  }
0x72: {  	_ =	shalt  }
0x73: {  	_ =	shalt  }
0x74: {  	_ =	shalt  }
0x75: {  	_ =	shalt  }
0x76: {  	_ =	shalt  }
0x77: {  	_ =	shalt  }
0x78: {  	_ =	shalt  }
0x79: {  	_ =	shalt  }
0x7a: {  	_ =	shalt  }
0x7b: {  	_ =	shalt  }
0x7c: {  	_ =	shalt  }
0x7d: {  	_ =	shalt  }
0x7e: {  	_ =	shalt  }
0x7f: {  	_ =	shalt  }
0x80: {  	_ =	shalt  }
0x81: {  	_ =	shalt  }
0x82: {  	_ =	shalt  }
0x83: {  	_ =	shalt  }
0x84: {  	_ =	shalt  }
0x85: {  	_ =	shalt  }
0x86: {  	_ =	shalt  }
0x87: {  	_ =	shalt  }
.Lfunc_end0:
.L_simem_size_0:
called_computation.2_lowered:
.L_overlay_start_0:
0x88: {  	s2 =	sld [smem:$0x3FD9]  }
0x89: {  	s3 =	sld [smem:$0x3FFE];
	_ =	sdelay $0x1  }
0x8a: {  	s1 =	srdreg.scid  }
0x8b: {  	s0 =	sand.u32 $0x1, s1  }
0x8c: {  	s16 =	sshll.u32 s0, $0xA;
	s2 =	sadd.s32 s3, s2  }
0x8d: {  	s2 =	sadd.s32 s2, s16  }
0x8e: {  	[smem:$0x3FC6] =	sst s2  }
0x8f: {  	_ = 	snop  }
0x90: {  	(tm) =	ssettm $0x1  }
0x91: {  	s17 =	sld [smem:$0x3FFB];
	_ =	sdelay $0x3  }
0x92: {  	_ =	strace s17  }
0x93: {  	s2 =	sld [smem:$0x3FFC];
	_ =	sdelay $0x3  }
0x94: {  	_ =	strace s2  }
0x95: {  	s2 =	sld [smem:$0x3FFD];
	_ =	sdelay $0x3  }
0x96: {  	_ =	strace s2  }
0x97: {  	_ =	strace $0x8FFFFFFF  }
0x98: {  	s18 =	sld [smem:$0x3FDB];
	_ =	sdelay $0x1  }
0x99: {  	s19 =	simm.s32 $_scs_section_size  }
0x9a: {  	s4 =	simm.s32 $_size__tile_overlayer_lowered;
	s5 =	simm.s32 $_tile_overlayer_lowered  }
0x9b: {  	s22 =	simm.s32 $0x1BFF;
	s21 =	sshll.u32 s5, $0x1;
	s2 =	sadd.s32 s19, s18  }
0x9c: {  	s6 =	simm.s32 $0x0;
	s20 =	sshll.u32 s4, $0x1;
	s4 =	sadd.s32 s21, s2  }
0x9d: {  	[timem:s6], [sflag:s22] =	dma.local [hbm:s4], s20  }
0x9e: {  	_ =	swait.ge [sflag:s22], s20  }
0x9f: {  	s3 =	ssub.s32 $0x0, s20;
	[sflag:s22] =	ssyncset.done $0x0  }
0xa0: {  	[sflag:s22] =	ssyncadd.s32 s3;
	_ =	sdelay $0x1  }
0xa1: {  	s23 =	simm.s32 $0x1B8B  }
0xa2: {  	_ =	swait.ge [sflag:s23], $0x1  }
0xa3: {  	[sflag:s23] =	ssyncset.done $0x0  }
0xa4: {  	s25 =	simm.s32 $0x1B8E;
	s24 =	sld [smem:$0x3FFE];
	[sflag:s23] =	ssyncadd.s32 $0xFFFFFFFF  }
0xa5: {  	s26 =	simm.s32 $execute0_lowered;
	[smem:$0x3FD2] =	sst s25  }
0xa6: {  	s4 =	sshll.u32 s26, $0x1;
	_ =	strace $0x8000004C;
	[dreg:$0x1] =	wrdreg $0xFFFFFFFF  }
0xa7: {  	s28 =	simm.s32 $_size_execute0_lowered;
	s2 =	sadd.s32 s2, s4;
	[dreg:$0x0] =	wrdreg $0x0  }
0xa8: {  	s4 =	sshll.u32 s28, $0x1;
	[dreg:$0x2] =	wrdreg s2  }
0xa9: {  	[dreg:$0x3] =	wrdreg s4  }
0xaa: {  	[dreg:$0x4] =	wrdreg $0xC0  }
0xab: {  	_ =	task [dreg:s6], $0x5FFFF  }
0xac: {  	[dreg:$0x1] =	wrdreg $0xFFFFFFFF  }
0xad: {  	[dreg:$0x0] =	wrdreg $0x60  }
0xae: {  	[dreg:$0x2] =	wrdreg s24  }
0xaf: {  	[dreg:$0x3] =	wrdreg $0x9  }
0xb0: {  	_ =	task.clear_ibuf [dreg:s6], $0x4FFFF;
	_ =	strace $0x9000004C  }
0xb1: {  	s29 =	simm.s32 $0x9;
	_ =	strace $0x8000004E  }
0xb2: {  	_ =	swait.ge [sflag:s29], $0x1  }
0xb3: {  	[sflag:s29] =	ssyncadd.s32 $0xFFFFFFFF  }
0xb4: {  	_ =	strace $0x9000004E  }
0xb5: {  	_ =	sfence  }
0xb6: {  	s30 =	sld [smem:$0x0];
	_ =	sdelay $0x2  }
0xb7: {  	s31 =	sshll.u32 s1, $0xD;
	s1 =	sshrl.u32 s1, $0x2  }
0xb8: {  	s3 =	sand.u32 $0x4000, s31;
	s1 =	sadd.s32 s1, s30  }
0xb9: {  	s0 =	sor.u32 s3, s0;
	s1 =	sshll.u32 s1, $0x11  }
0xba: {  	s0 =	sor.u32 s1, s0  }
0xbb: {  	s0 =	sadd.s32 $0x8F2B, s0  }
0xbc: {  	[sflag:s0] =	ssyncadd.remote.s32 $0x1  }
0xbd: {  	_ =	sfence.sel $0xFFFF  }
0xbe: {  	[dreg:$0x0] =	wrdreg $0xFFFFFFFF;
	(pc) =	sbr.abs _section_cstart, $3  }
0xbf: {  	[dreg:$0x1] =	wrdreg $0xFFFFFFFF  }
0xc0: {  	_ =	task.clear_ibuf [dreg:s6], $0x2FFFF;
	_ =	strace $0x9FFFFFFF  }
0xc1: {  	(tm) =	ssettm $0x7FFFFFFF  }
tec
execute0_lowered:
.L_overlay_start_1:
0x0: {  	(tag) =	ssettag $0x1  }
0x1: {  	s4 =	rddreg [dreg:$0x0]  }
0x2: {  	s0 =	rddreg [dreg:$0x1]  }
0x3: {  	s2 =	simm.s32 $0x0;
	s3 =	srdreg.scid;
	s1 =	stileid.u32  }
0x4: {  	s13 =	simm.s32 $0x10480;
	s14 =	simm.s32 $0x14480;
	s15 =	simm.s32 $0x10080  }
0x5: {  	s16 =	simm.s32 $0x0;
	[smem:$0x7FF] =	sst s2;
	s5 =	sand.u32 $0x1, s3  }
0x6: {  	s30 =	sshll.u32 s1, $0x1;
	s6 =	sadd.s32 $0x2400, s4;
	s8 =	sadd.s32 $0x42400, s4  }
0x7: {  	s3 =	sadd.s32 $0x22400, s4;
	_ =	strace $0x8000004D;
	s7 =	sor.u32 s5, s30  }
0x8: {  	s5 =	ssub.s32 $0x2, s5;
	s9 =	sshll.u32 s7, $0xD;
	s10 =	sshll.u32 s7, $0x7  }
0x9: {  	s31 =	sshrl.u32 s5, $0x1;
	s7 =	sshll.u32 s7, $0xC;
	s9 =	sadd.s32 s9, s4  }
0xa: {  	s10 =	sadd.s32 s10, s4;
	s11 =	ssub.s32 s5, s31;
	s12 =	sor.u32 $0x800, s7  }
0xb: {  	s4 =	sadd.s32 s6, s7;
	s5 =	sadd.s32 s6, s12;
	s6 =	sadd.s32 s8, s7  }
0xc: {  	s7 =	sadd.s32 s8, s12;
	s8 =	sadd.s32 $0x62400, s9;
	s9 =	sadd.s32 $0x22600, s10  }
0xd: {  	v0 =	vimm.s32 $0x0;
	v1 =	vimm.f32 $0.0e+00;
	v2 =	vimm.s32 $0x1;
	s10 =	smax.u32 s11, $0x1;
	s11 =	simm.s32 $0x18480;
	s12 =	simm.s32 $0x1  }
.LBB2_1:
0xe: {  	[tilespmem:s11], [sflag:$0x1] =	stream.linear.gather [hbm4b:s3+s2], $0x400, $0x38;
	[tilespmem:$0x18880] =	vst v63  }
0xf: {  	_ =	swait.ge [sflag:s12], $0x400  }
0x10: {  	[sflag:s12] =	ssyncset.done $0x0  }
0x11: {  	s17 =	simm.s32 $0x80;
	[sflag:s12] =	ssyncadd.s32 $0xFFFFFC00  }
0x12: {  	v3 =	vld [tilespmem:$0x18480];
	[tilespmem:s13], [sflag:$0x1] =	stream.linear.gather [hbm4b:s4+s2], $0x4000, $0x38  }
0x13: {  	[tilespmem:s17+$0xFFFFFF80] =	vst v0  }
0x14: {  	[tilespmem:s17+$0x70] =	vst v0  }
0x15: {  	[tilespmem:s17+$0x60] =	vst v0  }
0x16: {  	[tilespmem:s17+$0x50] =	vst v0  }
0x17: {  	[tilespmem:s17+$0x40] =	vst v0  }
0x18: {  	[tilespmem:s17+$0x30] =	vst v0  }
0x19: {  	[tilespmem:s17+$0x20] =	vst v0  }
0x1a: {  	[tilespmem:s17+$0x10] =	vst v0  }
0x1b: {  	[tilespmem:s17+$0x0] =	vst v0  }
0x1c: {  	[tilespmem:s17+$0xFFFFFFF0] =	vst v0  }
0x1d: {  	[tilespmem:s17+$0xFFFFFFE0] =	vst v0  }
0x1e: {  	[tilespmem:s17+$0xFFFFFFD0] =	vst v0  }
0x1f: {  	[tilespmem:s17+$0xFFFFFFC0] =	vst v0  }
0x20: {  	[tilespmem:s17+$0xFFFFFFB0] =	vst v0  }
0x21: {  	s18 =	simm.s32 $0x0;
	[tilespmem:s17+$0xFFFFFFA0] =	vst v0  }
.LBB2_2:
0x22: {  	s18 =	sadd.s32 $0x2, s18;
	[tilespmem:s17+$0xFFFFFF90] =	vst v0;
	s17 =	sadd.s32 $0x100, s17  }
0x23: {  	[tilespmem:s17+$0xFFFFFF80] =	vst v0;
	p0 =	slt.u32 s18, $0x1FE  }
0x24: {  	[tilespmem:s17+$0x70] =	vst v0  }
0x25: {  	[tilespmem:s17+$0x60] =	vst v0  }
0x26: {  	[tilespmem:s17+$0x50] =	vst v0  }
0x27: {  	[tilespmem:s17+$0x40] =	vst v0  }
0x28: {  	[tilespmem:s17+$0x30] =	vst v0  }
0x29: {  	[tilespmem:s17+$0x20] =	vst v0  }
0x2a: {  	[tilespmem:s17+$0x10] =	vst v0  }
0x2b: {  	[tilespmem:s17+$0x0] =	vst v0  }
0x2c: {  	[tilespmem:s17+$0xFFFFFFF0] =	vst v0  }
.Ltmp0:
0x2d: {  	[tilespmem:s17+$0xFFFFFFE0] =	vst v0;
	(pc) =	sbr.rel @p0 .LBB2_2-.Ltmp0, $4  }
0x2e: {  	[tilespmem:s17+$0xFFFFFFD0] =	vst v0  }
0x2f: {  	[tilespmem:s17+$0xFFFFFFC0] =	vst v0  }
0x30: {  	[tilespmem:s17+$0xFFFFFFB0] =	vst v0  }
0x31: {  	[tilespmem:s17+$0xFFFFFFA0] =	vst v0  }
0x32: {  	[tilespmem:s17+$0xFFFFFF90] =	vst v0  }
0x33: {  	s17 =	simm.s32 $0x0;
	[tilespmem:$0x10000] =	vst v1  }
0x34: {  	[tilespmem:s14], [sflag:$0x1] =	stream.linear.gather [hbm4b:s5+s17], $0x4000, $0x38;
	[tilespmem:$0x18880] =	vst v63  }
0x35: {  	_ =	swait.ge [sflag:s12], $0x4000  }
0x36: {  	[sflag:s12] =	ssyncset.done $0x0  }
0x37: {  	s18 =	simm.s32 $0x0;
	s19 =	simm.s32 $0x0;
	[sflag:s12] =	ssyncadd.s32 $0xFFFFC000  }
.LBB2_4:
0x38: {  	s20 =	sshll.u32 s18, $0x2;
	s21 =	sand.u32 $0x7, s17  }
0x39: {  	s20 =	sand.u32 $0xFFFFC000, s20;
	s21 =	sshll.u32 s21, $0x9  }
0x3a: {  	s20 =	sor.u32 s21, s20  }
0x3b: {  	s20 =	sshrl.u32 s20, $0x2  }
0x3c: {  	s20 =	sadd.s32 $0x104C0, s20  }
0x3d: {  	v4 =	vld [tilespmem:s20+$0xFFFFFFC0]  }
0x3e: {  	v5 =	vld [tilespmem:s20+$0xFFFFFFD0];
	_ =	sdelay $0x1  }
0x3f: {  	v6 =	vld [tilespmem:s20+$0xFFFFFFE0];
	_ =	sdelay $0x1  }
0x40: {  	v7 =	vld [tilespmem:s20+$0xFFFFFFF0]  }
0x41: {  	v8 =	vshrl.u32 v4, $0x10;
	v9 =	vadd.f32 $0.0e+00, v4;
	v10 =	vshrl.u32 v5, $0x10  }
0x42: {  	vm0 =	vgt.s32 v8, v3;
	vm1 =	vgt.s32 v10, v3  }
0x43: {  	v11 =	vshrl.u32 v6, $0x10;
	v9 =	vnsel vm0, $0x0, v9;
	v12 =	vnsel vm1, $0x0, v5  }
0x44: {  	vm0 =	vgt.s32 v11, v3;
	v9 =	vadd.f32 v12, v9  }
0x45: {  	v14 =	vld [tilespmem:$0x10000];
	v50 =	vshrl.u32 v7, $0x10;
	v13 =	vnsel vm0, $0x0, v6  }
0x46: {  	vm0 =	vgt.s32 v50, v3;
	v9 =	vadd.f32 v13, v9  }
0x47: {  	v51 =	vnsel vm0, $0x0, v7;
	vm0 =	veq.s32 v8, v3  }
0x48: {  	v4 =	vand.u32 $0xFFFF, v4;
	vm1 =	veq.s32 v10, v3;
	v52 =	vadd.f32 v51, v9  }
0x49: {  	vm2 =	veq.s32 v11, v3;
	v5 =	vand.u32 $0xFFFF, v5  }
0x4a: {  	vm3 =	veq.s32 v50, v3;
	v6 =	vand.u32 $0xFFFF, v6;
	v8 =	vadd.f32 v52, v14  }
0x4b: {  	v7 =	vand.u32 $0xFFFF, v7  }
0x4c: {  	[tilespmem:$0x10000] =	vst v8  }
0x4d: {  	[tilespmem:v4+s2+$0x0] =	vst.idx.add.s32.msk vm0, v2  }
0x4e: {  	[tilespmem:v5+s2+$0x0] =	vst.idx.add.s32.msk vm1, v2  }
0x4f: {  	[tilespmem:v6+s2+$0x0] =	vst.idx.add.s32.msk vm2, v2  }
0x50: {  	[tilespmem:v7+s2+$0x0] =	vst.idx.add.s32.msk vm3, v2  }
0x51: {  	v4 =	vld [tilespmem:s20+$0x0]  }
0x52: {  	v5 =	vld [tilespmem:s20+$0x10];
	_ =	sdelay $0x1  }
0x53: {  	v6 =	vld [tilespmem:s20+$0x20];
	_ =	sdelay $0x1  }
0x54: {  	v7 =	vld [tilespmem:s20+$0x30]  }
0x55: {  	v53 =	vshrl.u32 v4, $0x10;
	v54 =	vadd.f32 $0.0e+00, v4;
	v55 =	vshrl.u32 v5, $0x10  }
0x56: {  	vm0 =	vgt.s32 v53, v3;
	vm1 =	vgt.s32 v55, v3  }
0x57: {  	v56 =	vshrl.u32 v6, $0x10;
	v9 =	vnsel vm0, $0x0, v54;
	v57 =	vnsel vm1, $0x0, v5  }
0x58: {  	vm0 =	vgt.s32 v56, v3;
	v9 =	vadd.f32 v57, v9  }
0x59: {  	v60 =	vld [tilespmem:$0x10000];
	v58 =	vshrl.u32 v7, $0x10;
	v59 =	vnsel vm0, $0x0, v6  }
0x5a: {  	vm0 =	vgt.s32 v58, v3;
	v9 =	vadd.f32 v59, v9  }
0x5b: {  	vm1 =	veq.s32 v53, v3;
	v61 =	vnsel vm0, $0x0, v7  }
0x5c: {  	v4 =	vand.u32 $0xFFFF, v4;
	v62 =	vadd.f32 v61, v9;
	_ =	sdelay $0x1  }
0x5d: {  	v63 =	vand.u32 $0xFFFF, v5;
	v5 =	vadd.f32 v62, v60  }
0x5e: {  	vm2 =	veq.s32 v55, v3  }
0x5f: {  	vm0 =	veq.s32 v56, v3;
	[tilespmem:$0x10000] =	vst v5  }
0x60: {  	[tilespmem:v4+s2+$0x0] =	vst.idx.add.s32.msk vm1, v2;
	v4 =	vand.u32 $0xFFFF, v6;
	vm1 =	veq.s32 v58, v3  }
0x61: {  	v5 =	vand.u32 $0xFFFF, v7;
	_ =	sdelay $0x2  }
0x62: {  	s21 =	simm.s32 $0x0;
	[tilespmem:v63+s2+$0x0] =	vst.idx.add.s32.msk vm2, v2  }
.LBB2_5:
0x63: {  	s21 =	sadd.s32 $0x2, s21;
	[tilespmem:v4+s2+$0x0] =	vst.idx.add.s32.msk vm0, v2;
	s20 =	sadd.s32 $0x400, s20  }
0x64: {  	p0 =	slt.u32 s21, $0x6;
	[tilespmem:v5+s2+$0x0] =	vst.idx.add.s32.msk vm1, v2  }
0x65: {  	v4 =	vld [tilespmem:s20+$0xFFFFFFC0]  }
0x66: {  	v5 =	vld [tilespmem:s20+$0xFFFFFFD0];
	_ =	sdelay $0x1  }
0x67: {  	v6 =	vld [tilespmem:s20+$0xFFFFFFE0];
	_ =	sdelay $0x1  }
0x68: {  	v7 =	vld [tilespmem:s20+$0xFFFFFFF0];
	v8 =	vshrl.u32 v4, $0x10;
	v9 =	vadd.f32 $0.0e+00, v4  }
0x69: {  	v10 =	vshrl.u32 v5, $0x10;
	vm0 =	vgt.s32 v8, v3  }
0x6a: {  	v9 =	vnsel vm0, $0x0, v9;
	vm0 =	vgt.s32 v10, v3  }
0x6b: {  	v11 =	vshrl.u32 v6, $0x10;
	v12 =	vnsel vm0, $0x0, v5  }
0x6c: {  	v9 =	vadd.f32 v12, v9;
	vm0 =	vgt.s32 v11, v3  }
0x6d: {  	v12 =	vshrl.u32 v7, $0x10;
	v13 =	vnsel vm0, $0x0, v6;
	v14 =	vld [tilespmem:$0x10000]  }
0x6e: {  	v9 =	vadd.f32 v13, v9;
	vm0 =	vgt.s32 v12, v3  }
0x6f: {  	v13 =	vnsel vm0, $0x0, v7;
	vm0 =	veq.s32 v8, v3  }
0x70: {  	v4 =	vand.u32 $0xFFFF, v4;
	vm1 =	veq.s32 v10, v3;
	v8 =	vadd.f32 v13, v9  }
0x71: {  	v5 =	vand.u32 $0xFFFF, v5;
	vm2 =	veq.s32 v11, v3  }
0x72: {  	v6 =	vand.u32 $0xFFFF, v6;
	vm3 =	veq.s32 v12, v3;
	v8 =	vadd.f32 v8, v14  }
0x73: {  	v7 =	vand.u32 $0xFFFF, v7  }
0x74: {  	[tilespmem:$0x10000] =	vst v8  }
0x75: {  	[tilespmem:v4+s2+$0x0] =	vst.idx.add.s32.msk vm0, v2  }
0x76: {  	[tilespmem:v5+s2+$0x0] =	vst.idx.add.s32.msk vm1, v2  }
0x77: {  	[tilespmem:v6+s2+$0x0] =	vst.idx.add.s32.msk vm2, v2  }
0x78: {  	[tilespmem:v7+s2+$0x0] =	vst.idx.add.s32.msk vm3, v2  }
0x79: {  	v4 =	vld [tilespmem:s20+$0x0]  }
0x7a: {  	v5 =	vld [tilespmem:s20+$0x10]  }
0x7b: {  	v6 =	vld [tilespmem:s20+$0x20];
	_ =	sdelay $0x1  }
0x7c: {  	v7 =	vld [tilespmem:s20+$0x30]  }
0x7d: {  	v8 =	vshrl.u32 v4, $0x10;
	v9 =	vadd.f32 $0.0e+00, v4  }
0x7e: {  	v10 =	vshrl.u32 v5, $0x10;
	vm0 =	vgt.s32 v8, v3  }
0x7f: {  	v11 =	vshrl.u32 v6, $0x10;
	v9 =	vnsel vm0, $0x0, v9;
	vm0 =	vgt.s32 v10, v3  }
0x80: {  	v12 =	vnsel vm0, $0x0, v5;
	vm0 =	vgt.s32 v11, v3  }
0x81: {  	v13 =	vshrl.u32 v7, $0x10;
	v9 =	vadd.f32 v12, v9;
	v12 =	vnsel vm0, $0x0, v6;
	v14 =	vld [tilespmem:$0x10000]  }
0x82: {  	vm0 =	vgt.s32 v13, v3  }
0x83: {  	vm2 =	veq.s32 v8, v3;
	v9 =	vadd.f32 v12, v9;
	v12 =	vnsel vm0, $0x0, v7  }
0x84: {  	v8 =	vand.u32 $0xFFFF, v4;
	vm3 =	veq.s32 v10, v3  }
0x85: {  	v10 =	vand.u32 $0xFFFF, v5;
	vm0 =	veq.s32 v11, v3;
	v9 =	vadd.f32 v12, v9  }
0x86: {  	v4 =	vand.u32 $0xFFFF, v6;
	vm1 =	veq.s32 v13, v3  }
.Ltmp1:
0x87: {  	v5 =	vand.u32 $0xFFFF, v7;
	v6 =	vadd.f32 v9, v14;
	(pc) =	sbr.rel @p0 .LBB2_5-.Ltmp1, $4  }
0x88: {  	_ = 	snop  }
0x89: {  	[tilespmem:$0x10000] =	vst v6  }
0x8a: {  	[tilespmem:v8+s2+$0x0] =	vst.idx.add.s32.msk vm2, v2  }
0x8b: {  	[tilespmem:v10+s2+$0x0] =	vst.idx.add.s32.msk vm3, v2  }
0x8c: {  	s19 =	sadd.s32 $0x1, s19  }
0x8d: {  	p0 =	sne.s32 s19, $0x20  }
.Ltmp2:
0x8e: {  	_ = 	snop;
	(pc) =	sbr.rel @p0 .LBB2_4-.Ltmp2, $3  }
0x8f: {  	_ =	sdelay $0x1  }
0x90: {  	[tilespmem:v4+s2+$0x0] =	vst.idx.add.s32.msk vm0, v2  }
0x91: {  	s18 =	sadd.s32 $0x200, s18;
	s17 =	sadd.s32 $0x1, s17;
	[tilespmem:v5+s2+$0x0] =	vst.idx.add.s32.msk vm1, v2  }
0x92: {  	_ =	swait.ge [sflag:s12], $0x4000  }
0x93: {  	s17 =	simm.s32 $0x0;
	[sflag:s12] =	ssyncset.done $0x0  }
0x94: {  	s18 =	simm.s32 $0x0;
	s19 =	simm.s32 $0x0;
	[sflag:s12] =	ssyncadd.s32 $0xFFFFC000  }
.LBB2_8:
0x95: {  	s20 =	sshll.u32 s18, $0x2;
	s21 =	sand.u32 $0x7, s17  }
0x96: {  	s20 =	sand.u32 $0xFFFFC000, s20;
	s21 =	sshll.u32 s21, $0x9  }
0x97: {  	s20 =	sor.u32 s21, s20  }
0x98: {  	s20 =	sshrl.u32 s20, $0x2  }
0x99: {  	s20 =	sadd.s32 $0x144C0, s20  }
0x9a: {  	v4 =	vld [tilespmem:s20+$0xFFFFFFC0]  }
0x9b: {  	v5 =	vld [tilespmem:s20+$0xFFFFFFD0];
	_ =	sdelay $0x1  }
0x9c: {  	v6 =	vld [tilespmem:s20+$0xFFFFFFE0];
	_ =	sdelay $0x1  }
0x9d: {  	v7 =	vld [tilespmem:s20+$0xFFFFFFF0]  }
0x9e: {  	v8 =	vshrl.u32 v4, $0x10;
	v9 =	vadd.f32 $0.0e+00, v4;
	v10 =	vshrl.u32 v5, $0x10  }
0x9f: {  	vm0 =	vgt.s32 v8, v3;
	vm1 =	vgt.s32 v10, v3  }
0xa0: {  	v11 =	vshrl.u32 v6, $0x10;
	v9 =	vnsel vm0, $0x0, v9;
	v12 =	vnsel vm1, $0x0, v5  }
0xa1: {  	vm0 =	vgt.s32 v11, v3;
	v9 =	vadd.f32 v12, v9  }
0xa2: {  	v14 =	vld [tilespmem:$0x10000];
	v50 =	vshrl.u32 v7, $0x10;
	v13 =	vnsel vm0, $0x0, v6  }
0xa3: {  	vm0 =	vgt.s32 v50, v3;
	v9 =	vadd.f32 v13, v9  }
0xa4: {  	v51 =	vnsel vm0, $0x0, v7;
	vm0 =	veq.s32 v8, v3  }
0xa5: {  	v4 =	vand.u32 $0xFFFF, v4;
	vm1 =	veq.s32 v10, v3;
	v52 =	vadd.f32 v51, v9  }
0xa6: {  	vm2 =	veq.s32 v11, v3;
	v5 =	vand.u32 $0xFFFF, v5  }
0xa7: {  	vm3 =	veq.s32 v50, v3;
	v6 =	vand.u32 $0xFFFF, v6;
	v8 =	vadd.f32 v52, v14  }
0xa8: {  	v7 =	vand.u32 $0xFFFF, v7  }
0xa9: {  	[tilespmem:$0x10000] =	vst v8  }
0xaa: {  	[tilespmem:v4+s2+$0x0] =	vst.idx.add.s32.msk vm0, v2  }
0xab: {  	[tilespmem:v5+s2+$0x0] =	vst.idx.add.s32.msk vm1, v2  }
0xac: {  	[tilespmem:v6+s2+$0x0] =	vst.idx.add.s32.msk vm2, v2  }
0xad: {  	[tilespmem:v7+s2+$0x0] =	vst.idx.add.s32.msk vm3, v2  }
0xae: {  	v4 =	vld [tilespmem:s20+$0x0]  }
0xaf: {  	v5 =	vld [tilespmem:s20+$0x10];
	_ =	sdelay $0x1  }
0xb0: {  	v6 =	vld [tilespmem:s20+$0x20];
	_ =	sdelay $0x1  }
0xb1: {  	v7 =	vld [tilespmem:s20+$0x30]  }
0xb2: {  	v53 =	vshrl.u32 v4, $0x10;
	v54 =	vadd.f32 $0.0e+00, v4;
	v55 =	vshrl.u32 v5, $0x10  }
0xb3: {  	vm0 =	vgt.s32 v53, v3;
	vm1 =	vgt.s32 v55, v3  }
0xb4: {  	v56 =	vshrl.u32 v6, $0x10;
	v9 =	vnsel vm0, $0x0, v54;
	v57 =	vnsel vm1, $0x0, v5  }
0xb5: {  	vm0 =	vgt.s32 v56, v3;
	v9 =	vadd.f32 v57, v9  }
0xb6: {  	v60 =	vld [tilespmem:$0x10000];
	v58 =	vshrl.u32 v7, $0x10;
	v59 =	vnsel vm0, $0x0, v6  }
0xb7: {  	vm0 =	vgt.s32 v58, v3;
	v9 =	vadd.f32 v59, v9  }
0xb8: {  	vm1 =	veq.s32 v53, v3;
	v61 =	vnsel vm0, $0x0, v7  }
0xb9: {  	v4 =	vand.u32 $0xFFFF, v4;
	v62 =	vadd.f32 v61, v9;
	_ =	sdelay $0x1  }
0xba: {  	v63 =	vand.u32 $0xFFFF, v5;
	v5 =	vadd.f32 v62, v60  }
0xbb: {  	vm2 =	veq.s32 v55, v3  }
0xbc: {  	vm0 =	veq.s32 v56, v3;
	[tilespmem:$0x10000] =	vst v5  }
0xbd: {  	[tilespmem:v4+s2+$0x0] =	vst.idx.add.s32.msk vm1, v2;
	v4 =	vand.u32 $0xFFFF, v6;
	vm1 =	veq.s32 v58, v3  }
0xbe: {  	v5 =	vand.u32 $0xFFFF, v7;
	_ =	sdelay $0x2  }
0xbf: {  	s21 =	simm.s32 $0x0;
	[tilespmem:v63+s2+$0x0] =	vst.idx.add.s32.msk vm2, v2  }
.LBB2_9:
0xc0: {  	s21 =	sadd.s32 $0x2, s21;
	[tilespmem:v4+s2+$0x0] =	vst.idx.add.s32.msk vm0, v2;
	s20 =	sadd.s32 $0x400, s20  }
0xc1: {  	p0 =	slt.u32 s21, $0x6;
	[tilespmem:v5+s2+$0x0] =	vst.idx.add.s32.msk vm1, v2  }
0xc2: {  	v4 =	vld [tilespmem:s20+$0xFFFFFFC0]  }
0xc3: {  	v5 =	vld [tilespmem:s20+$0xFFFFFFD0];
	_ =	sdelay $0x1  }
0xc4: {  	v6 =	vld [tilespmem:s20+$0xFFFFFFE0];
	_ =	sdelay $0x1  }
0xc5: {  	v7 =	vld [tilespmem:s20+$0xFFFFFFF0];
	v8 =	vshrl.u32 v4, $0x10;
	v9 =	vadd.f32 $0.0e+00, v4  }
0xc6: {  	v10 =	vshrl.u32 v5, $0x10;
	vm0 =	vgt.s32 v8, v3  }
0xc7: {  	v9 =	vnsel vm0, $0x0, v9;
	vm0 =	vgt.s32 v10, v3  }
0xc8: {  	v11 =	vshrl.u32 v6, $0x10;
	v12 =	vnsel vm0, $0x0, v5  }
0xc9: {  	v9 =	vadd.f32 v12, v9;
	vm0 =	vgt.s32 v11, v3  }
0xca: {  	v12 =	vshrl.u32 v7, $0x10;
	v13 =	vnsel vm0, $0x0, v6;
	v14 =	vld [tilespmem:$0x10000]  }
0xcb: {  	v9 =	vadd.f32 v13, v9;
	vm0 =	vgt.s32 v12, v3  }
0xcc: {  	v13 =	vnsel vm0, $0x0, v7;
	vm0 =	veq.s32 v8, v3  }
0xcd: {  	v4 =	vand.u32 $0xFFFF, v4;
	vm1 =	veq.s32 v10, v3;
	v8 =	vadd.f32 v13, v9  }
0xce: {  	v5 =	vand.u32 $0xFFFF, v5;
	vm2 =	veq.s32 v11, v3  }
0xcf: {  	v6 =	vand.u32 $0xFFFF, v6;
	vm3 =	veq.s32 v12, v3;
	v8 =	vadd.f32 v8, v14  }
0xd0: {  	v7 =	vand.u32 $0xFFFF, v7  }
0xd1: {  	[tilespmem:$0x10000] =	vst v8  }
0xd2: {  	[tilespmem:v4+s2+$0x0] =	vst.idx.add.s32.msk vm0, v2  }
0xd3: {  	[tilespmem:v5+s2+$0x0] =	vst.idx.add.s32.msk vm1, v2  }
0xd4: {  	[tilespmem:v6+s2+$0x0] =	vst.idx.add.s32.msk vm2, v2  }
0xd5: {  	[tilespmem:v7+s2+$0x0] =	vst.idx.add.s32.msk vm3, v2  }
0xd6: {  	v4 =	vld [tilespmem:s20+$0x0]  }
0xd7: {  	v5 =	vld [tilespmem:s20+$0x10]  }
0xd8: {  	v6 =	vld [tilespmem:s20+$0x20];
	_ =	sdelay $0x1  }
0xd9: {  	v7 =	vld [tilespmem:s20+$0x30]  }
0xda: {  	v8 =	vshrl.u32 v4, $0x10;
	v9 =	vadd.f32 $0.0e+00, v4  }
0xdb: {  	v10 =	vshrl.u32 v5, $0x10;
	vm0 =	vgt.s32 v8, v3  }
0xdc: {  	v11 =	vshrl.u32 v6, $0x10;
	v9 =	vnsel vm0, $0x0, v9;
	vm0 =	vgt.s32 v10, v3  }
0xdd: {  	v12 =	vnsel vm0, $0x0, v5;
	vm0 =	vgt.s32 v11, v3  }
0xde: {  	v13 =	vshrl.u32 v7, $0x10;
	v9 =	vadd.f32 v12, v9;
	v12 =	vnsel vm0, $0x0, v6;
	v14 =	vld [tilespmem:$0x10000]  }
0xdf: {  	vm0 =	vgt.s32 v13, v3  }
0xe0: {  	vm2 =	veq.s32 v8, v3;
	v9 =	vadd.f32 v12, v9;
	v12 =	vnsel vm0, $0x0, v7  }
0xe1: {  	v8 =	vand.u32 $0xFFFF, v4;
	vm3 =	veq.s32 v10, v3  }
0xe2: {  	v10 =	vand.u32 $0xFFFF, v5;
	vm0 =	veq.s32 v11, v3;
	v9 =	vadd.f32 v12, v9  }
0xe3: {  	v4 =	vand.u32 $0xFFFF, v6;
	vm1 =	veq.s32 v13, v3  }
.Ltmp3:
0xe4: {  	v5 =	vand.u32 $0xFFFF, v7;
	v6 =	vadd.f32 v9, v14;
	(pc) =	sbr.rel @p0 .LBB2_9-.Ltmp3, $4  }
0xe5: {  	_ = 	snop  }
0xe6: {  	[tilespmem:$0x10000] =	vst v6  }
0xe7: {  	[tilespmem:v8+s2+$0x0] =	vst.idx.add.s32.msk vm2, v2  }
0xe8: {  	[tilespmem:v10+s2+$0x0] =	vst.idx.add.s32.msk vm3, v2  }
0xe9: {  	s19 =	sadd.s32 $0x1, s19  }
0xea: {  	p0 =	sne.s32 s19, $0x20  }
.Ltmp4:
0xeb: {  	_ = 	snop;
	(pc) =	sbr.rel @p0 .LBB2_8-.Ltmp4, $3  }
0xec: {  	_ =	sdelay $0x1  }
0xed: {  	[tilespmem:v4+s2+$0x0] =	vst.idx.add.s32.msk vm0, v2  }
0xee: {  	s18 =	sadd.s32 $0x200, s18;
	s17 =	sadd.s32 $0x1, s17;
	[tilespmem:v5+s2+$0x0] =	vst.idx.add.s32.msk vm1, v2  }
0xef: {  	s17 =	simm.s32 $0x0  }
0xf0: {  	[tilespmem:s13], [sflag:$0x1] =	stream.linear.gather [hbm4b:s6+s17], $0x4000, $0x38;
	[tilespmem:$0x18880] =	vst v63  }
0xf1: {  	_ = 	snop  }
0xf2: {  	[tilespmem:s14], [sflag:$0x1] =	stream.linear.gather [hbm4b:s7+s17], $0x4000, $0x38;
	[tilespmem:$0x18880] =	vst v63  }
0xf3: {  	_ =	swait.ge [sflag:s12], $0x4000  }
0xf4: {  	[sflag:s12] =	ssyncset.done $0x0  }
0xf5: {  	s18 =	simm.s32 $0x0;
	s19 =	simm.s32 $0x0;
	[sflag:s12] =	ssyncadd.s32 $0xFFFFC000  }
.LBB2_12:
0xf6: {  	s20 =	sshll.u32 s18, $0x2;
	s21 =	sand.u32 $0x7, s17  }
0xf7: {  	s20 =	sand.u32 $0xFFFFC000, s20;
	s21 =	sshll.u32 s21, $0x9  }
0xf8: {  	s20 =	sor.u32 s21, s20  }
0xf9: {  	s20 =	sshrl.u32 s20, $0x2  }
0xfa: {  	s20 =	sadd.s32 $0x104C0, s20  }
0xfb: {  	v4 =	vld [tilespmem:s20+$0xFFFFFFC0]  }
0xfc: {  	v5 =	vld [tilespmem:s20+$0xFFFFFFD0];
	_ =	sdelay $0x1  }
0xfd: {  	v6 =	vld [tilespmem:s20+$0xFFFFFFE0];
	_ =	sdelay $0x1  }
0xfe: {  	v7 =	vld [tilespmem:s20+$0xFFFFFFF0]  }
0xff: {  	v8 =	vshrl.u32 v4, $0x10;
	v9 =	vadd.f32 $0.0e+00, v4;
	v10 =	vshrl.u32 v5, $0x10  }
0x100: {  	vm0 =	vgt.s32 v8, v3;
	vm1 =	vgt.s32 v10, v3  }
0x101: {  	v11 =	vshrl.u32 v6, $0x10;
	v9 =	vnsel vm0, $0x0, v9;
	v12 =	vnsel vm1, $0x0, v5  }
0x102: {  	vm0 =	vgt.s32 v11, v3;
	v9 =	vadd.f32 v12, v9  }
0x103: {  	v14 =	vld [tilespmem:$0x10000];
	v50 =	vshrl.u32 v7, $0x10;
	v13 =	vnsel vm0, $0x0, v6  }
0x104: {  	vm0 =	vgt.s32 v50, v3;
	v9 =	vadd.f32 v13, v9  }
0x105: {  	v51 =	vnsel vm0, $0x0, v7;
	vm0 =	veq.s32 v8, v3  }
0x106: {  	v4 =	vand.u32 $0xFFFF, v4;
	vm1 =	veq.s32 v10, v3;
	v52 =	vadd.f32 v51, v9  }
0x107: {  	vm2 =	veq.s32 v11, v3;
	v5 =	vand.u32 $0xFFFF, v5  }
0x108: {  	vm3 =	veq.s32 v50, v3;
	v6 =	vand.u32 $0xFFFF, v6;
	v8 =	vadd.f32 v52, v14  }
0x109: {  	v7 =	vand.u32 $0xFFFF, v7  }
0x10a: {  	[tilespmem:$0x10000] =	vst v8  }
0x10b: {  	[tilespmem:v4+s2+$0x0] =	vst.idx.add.s32.msk vm0, v2  }
0x10c: {  	[tilespmem:v5+s2+$0x0] =	vst.idx.add.s32.msk vm1, v2  }
0x10d: {  	[tilespmem:v6+s2+$0x0] =	vst.idx.add.s32.msk vm2, v2  }
0x10e: {  	[tilespmem:v7+s2+$0x0] =	vst.idx.add.s32.msk vm3, v2  }
0x10f: {  	v4 =	vld [tilespmem:s20+$0x0]  }
0x110: {  	v5 =	vld [tilespmem:s20+$0x10];
	_ =	sdelay $0x1  }
0x111: {  	v6 =	vld [tilespmem:s20+$0x20];
	_ =	sdelay $0x1  }
0x112: {  	v7 =	vld [tilespmem:s20+$0x30]  }
0x113: {  	v53 =	vshrl.u32 v4, $0x10;
	v54 =	vadd.f32 $0.0e+00, v4;
	v55 =	vshrl.u32 v5, $0x10  }
0x114: {  	vm0 =	vgt.s32 v53, v3;
	vm1 =	vgt.s32 v55, v3  }
0x115: {  	v56 =	vshrl.u32 v6, $0x10;
	v9 =	vnsel vm0, $0x0, v54;
	v57 =	vnsel vm1, $0x0, v5  }
0x116: {  	vm0 =	vgt.s32 v56, v3;
	v9 =	vadd.f32 v57, v9  }
0x117: {  	v60 =	vld [tilespmem:$0x10000];
	v58 =	vshrl.u32 v7, $0x10;
	v59 =	vnsel vm0, $0x0, v6  }
0x118: {  	vm0 =	vgt.s32 v58, v3;
	v9 =	vadd.f32 v59, v9  }
0x119: {  	vm1 =	veq.s32 v53, v3;
	v61 =	vnsel vm0, $0x0, v7  }
0x11a: {  	v4 =	vand.u32 $0xFFFF, v4;
	v62 =	vadd.f32 v61, v9;
	_ =	sdelay $0x1  }
0x11b: {  	v63 =	vand.u32 $0xFFFF, v5;
	v5 =	vadd.f32 v62, v60  }
0x11c: {  	vm2 =	veq.s32 v55, v3  }
0x11d: {  	vm0 =	veq.s32 v56, v3;
	[tilespmem:$0x10000] =	vst v5  }
0x11e: {  	[tilespmem:v4+s2+$0x0] =	vst.idx.add.s32.msk vm1, v2;
	v4 =	vand.u32 $0xFFFF, v6;
	vm1 =	veq.s32 v58, v3  }
0x11f: {  	v5 =	vand.u32 $0xFFFF, v7;
	_ =	sdelay $0x2  }
0x120: {  	s21 =	simm.s32 $0x0;
	[tilespmem:v63+s2+$0x0] =	vst.idx.add.s32.msk vm2, v2  }
.LBB2_13:
0x121: {  	s21 =	sadd.s32 $0x2, s21;
	[tilespmem:v4+s2+$0x0] =	vst.idx.add.s32.msk vm0, v2;
	s20 =	sadd.s32 $0x400, s20  }
0x122: {  	p0 =	slt.u32 s21, $0x6;
	[tilespmem:v5+s2+$0x0] =	vst.idx.add.s32.msk vm1, v2  }
0x123: {  	v4 =	vld [tilespmem:s20+$0xFFFFFFC0]  }
0x124: {  	v5 =	vld [tilespmem:s20+$0xFFFFFFD0];
	_ =	sdelay $0x1  }
0x125: {  	v6 =	vld [tilespmem:s20+$0xFFFFFFE0];
	_ =	sdelay $0x1  }
0x126: {  	v7 =	vld [tilespmem:s20+$0xFFFFFFF0];
	v8 =	vshrl.u32 v4, $0x10;
	v9 =	vadd.f32 $0.0e+00, v4  }
0x127: {  	v10 =	vshrl.u32 v5, $0x10;
	vm0 =	vgt.s32 v8, v3  }
0x128: {  	v9 =	vnsel vm0, $0x0, v9;
	vm0 =	vgt.s32 v10, v3  }
0x129: {  	v11 =	vshrl.u32 v6, $0x10;
	v12 =	vnsel vm0, $0x0, v5  }
0x12a: {  	v9 =	vadd.f32 v12, v9;
	vm0 =	vgt.s32 v11, v3  }
0x12b: {  	v12 =	vshrl.u32 v7, $0x10;
	v13 =	vnsel vm0, $0x0, v6;
	v14 =	vld [tilespmem:$0x10000]  }
0x12c: {  	v9 =	vadd.f32 v13, v9;
	vm0 =	vgt.s32 v12, v3  }
0x12d: {  	v13 =	vnsel vm0, $0x0, v7;
	vm0 =	veq.s32 v8, v3  }
0x12e: {  	v4 =	vand.u32 $0xFFFF, v4;
	vm1 =	veq.s32 v10, v3;
	v8 =	vadd.f32 v13, v9  }
0x12f: {  	v5 =	vand.u32 $0xFFFF, v5;
	vm2 =	veq.s32 v11, v3  }
0x130: {  	v6 =	vand.u32 $0xFFFF, v6;
	vm3 =	veq.s32 v12, v3;
	v8 =	vadd.f32 v8, v14  }
0x131: {  	v7 =	vand.u32 $0xFFFF, v7  }
0x132: {  	[tilespmem:$0x10000] =	vst v8  }
0x133: {  	[tilespmem:v4+s2+$0x0] =	vst.idx.add.s32.msk vm0, v2  }
0x134: {  	[tilespmem:v5+s2+$0x0] =	vst.idx.add.s32.msk vm1, v2  }
0x135: {  	[tilespmem:v6+s2+$0x0] =	vst.idx.add.s32.msk vm2, v2  }
0x136: {  	[tilespmem:v7+s2+$0x0] =	vst.idx.add.s32.msk vm3, v2  }
0x137: {  	v4 =	vld [tilespmem:s20+$0x0]  }
0x138: {  	v5 =	vld [tilespmem:s20+$0x10]  }
0x139: {  	v6 =	vld [tilespmem:s20+$0x20];
	_ =	sdelay $0x1  }
0x13a: {  	v7 =	vld [tilespmem:s20+$0x30]  }
0x13b: {  	v8 =	vshrl.u32 v4, $0x10;
	v9 =	vadd.f32 $0.0e+00, v4  }
0x13c: {  	v10 =	vshrl.u32 v5, $0x10;
	vm0 =	vgt.s32 v8, v3  }
0x13d: {  	v11 =	vshrl.u32 v6, $0x10;
	v9 =	vnsel vm0, $0x0, v9;
	vm0 =	vgt.s32 v10, v3  }
0x13e: {  	v12 =	vnsel vm0, $0x0, v5;
	vm0 =	vgt.s32 v11, v3  }
0x13f: {  	v13 =	vshrl.u32 v7, $0x10;
	v9 =	vadd.f32 v12, v9;
	v12 =	vnsel vm0, $0x0, v6;
	v14 =	vld [tilespmem:$0x10000]  }
0x140: {  	vm0 =	vgt.s32 v13, v3  }
0x141: {  	vm2 =	veq.s32 v8, v3;
	v9 =	vadd.f32 v12, v9;
	v12 =	vnsel vm0, $0x0, v7  }
0x142: {  	v8 =	vand.u32 $0xFFFF, v4;
	vm3 =	veq.s32 v10, v3  }
0x143: {  	v10 =	vand.u32 $0xFFFF, v5;
	vm0 =	veq.s32 v11, v3;
	v9 =	vadd.f32 v12, v9  }
0x144: {  	v4 =	vand.u32 $0xFFFF, v6;
	vm1 =	veq.s32 v13, v3  }
.Ltmp5:
0x145: {  	v5 =	vand.u32 $0xFFFF, v7;
	v6 =	vadd.f32 v9, v14;
	(pc) =	sbr.rel @p0 .LBB2_13-.Ltmp5, $4  }
0x146: {  	_ = 	snop  }
0x147: {  	[tilespmem:$0x10000] =	vst v6  }
0x148: {  	[tilespmem:v8+s2+$0x0] =	vst.idx.add.s32.msk vm2, v2  }
0x149: {  	[tilespmem:v10+s2+$0x0] =	vst.idx.add.s32.msk vm3, v2  }
0x14a: {  	s19 =	sadd.s32 $0x1, s19  }
0x14b: {  	p0 =	sne.s32 s19, $0x20  }
.Ltmp6:
0x14c: {  	_ = 	snop;
	(pc) =	sbr.rel @p0 .LBB2_12-.Ltmp6, $3  }
0x14d: {  	_ =	sdelay $0x1  }
0x14e: {  	[tilespmem:v4+s2+$0x0] =	vst.idx.add.s32.msk vm0, v2  }
0x14f: {  	s18 =	sadd.s32 $0x200, s18;
	s17 =	sadd.s32 $0x1, s17;
	[tilespmem:v5+s2+$0x0] =	vst.idx.add.s32.msk vm1, v2  }
0x150: {  	_ =	swait.ge [sflag:s12], $0x4000  }
0x151: {  	s17 =	simm.s32 $0x0;
	[sflag:s12] =	ssyncset.done $0x0  }
0x152: {  	s18 =	simm.s32 $0x0;
	s19 =	simm.s32 $0x0;
	[sflag:s12] =	ssyncadd.s32 $0xFFFFC000  }
.LBB2_16:
0x153: {  	s20 =	sshll.u32 s18, $0x2;
	s21 =	sand.u32 $0x7, s17  }
0x154: {  	s20 =	sand.u32 $0xFFFFC000, s20;
	s21 =	sshll.u32 s21, $0x9  }
0x155: {  	s20 =	sor.u32 s21, s20  }
0x156: {  	s20 =	sshrl.u32 s20, $0x2  }
0x157: {  	s20 =	sadd.s32 $0x144C0, s20  }
0x158: {  	v4 =	vld [tilespmem:s20+$0xFFFFFFC0]  }
0x159: {  	v5 =	vld [tilespmem:s20+$0xFFFFFFD0];
	_ =	sdelay $0x1  }
0x15a: {  	v6 =	vld [tilespmem:s20+$0xFFFFFFE0];
	_ =	sdelay $0x1  }
0x15b: {  	v7 =	vld [tilespmem:s20+$0xFFFFFFF0]  }
0x15c: {  	v8 =	vshrl.u32 v4, $0x10;
	v9 =	vadd.f32 $0.0e+00, v4;
	v10 =	vshrl.u32 v5, $0x10  }
0x15d: {  	vm0 =	vgt.s32 v8, v3;
	vm1 =	vgt.s32 v10, v3  }
0x15e: {  	v11 =	vshrl.u32 v6, $0x10;
	v9 =	vnsel vm0, $0x0, v9;
	v12 =	vnsel vm1, $0x0, v5  }
0x15f: {  	vm0 =	vgt.s32 v11, v3;
	v9 =	vadd.f32 v12, v9  }
0x160: {  	v14 =	vld [tilespmem:$0x10000];
	v50 =	vshrl.u32 v7, $0x10;
	v13 =	vnsel vm0, $0x0, v6  }
0x161: {  	vm0 =	vgt.s32 v50, v3;
	v9 =	vadd.f32 v13, v9  }
0x162: {  	v51 =	vnsel vm0, $0x0, v7;
	vm0 =	veq.s32 v8, v3  }
0x163: {  	v4 =	vand.u32 $0xFFFF, v4;
	vm1 =	veq.s32 v10, v3;
	v52 =	vadd.f32 v51, v9  }
0x164: {  	vm2 =	veq.s32 v11, v3;
	v5 =	vand.u32 $0xFFFF, v5  }
0x165: {  	vm3 =	veq.s32 v50, v3;
	v6 =	vand.u32 $0xFFFF, v6;
	v8 =	vadd.f32 v52, v14  }
0x166: {  	v7 =	vand.u32 $0xFFFF, v7  }
0x167: {  	[tilespmem:$0x10000] =	vst v8  }
0x168: {  	[tilespmem:v4+s2+$0x0] =	vst.idx.add.s32.msk vm0, v2  }
0x169: {  	[tilespmem:v5+s2+$0x0] =	vst.idx.add.s32.msk vm1, v2  }
0x16a: {  	[tilespmem:v6+s2+$0x0] =	vst.idx.add.s32.msk vm2, v2  }
0x16b: {  	[tilespmem:v7+s2+$0x0] =	vst.idx.add.s32.msk vm3, v2  }
0x16c: {  	v4 =	vld [tilespmem:s20+$0x0]  }
0x16d: {  	v5 =	vld [tilespmem:s20+$0x10];
	_ =	sdelay $0x1  }
0x16e: {  	v6 =	vld [tilespmem:s20+$0x20];
	_ =	sdelay $0x1  }
0x16f: {  	v7 =	vld [tilespmem:s20+$0x30]  }
0x170: {  	v53 =	vshrl.u32 v4, $0x10;
	v54 =	vadd.f32 $0.0e+00, v4;
	v55 =	vshrl.u32 v5, $0x10  }
0x171: {  	vm0 =	vgt.s32 v53, v3;
	vm1 =	vgt.s32 v55, v3  }
0x172: {  	v56 =	vshrl.u32 v6, $0x10;
	v9 =	vnsel vm0, $0x0, v54;
	v57 =	vnsel vm1, $0x0, v5  }
0x173: {  	vm0 =	vgt.s32 v56, v3;
	v9 =	vadd.f32 v57, v9  }
0x174: {  	v60 =	vld [tilespmem:$0x10000];
	v58 =	vshrl.u32 v7, $0x10;
	v59 =	vnsel vm0, $0x0, v6  }
0x175: {  	vm0 =	vgt.s32 v58, v3;
	v9 =	vadd.f32 v59, v9  }
0x176: {  	vm1 =	veq.s32 v53, v3;
	v61 =	vnsel vm0, $0x0, v7  }
0x177: {  	v4 =	vand.u32 $0xFFFF, v4;
	v62 =	vadd.f32 v61, v9;
	_ =	sdelay $0x1  }
0x178: {  	v63 =	vand.u32 $0xFFFF, v5;
	v5 =	vadd.f32 v62, v60  }
0x179: {  	vm2 =	veq.s32 v55, v3  }
0x17a: {  	vm0 =	veq.s32 v56, v3;
	[tilespmem:$0x10000] =	vst v5  }
0x17b: {  	[tilespmem:v4+s2+$0x0] =	vst.idx.add.s32.msk vm1, v2;
	v4 =	vand.u32 $0xFFFF, v6;
	vm1 =	veq.s32 v58, v3  }
0x17c: {  	v5 =	vand.u32 $0xFFFF, v7;
	_ =	sdelay $0x2  }
0x17d: {  	s21 =	simm.s32 $0x0;
	[tilespmem:v63+s2+$0x0] =	vst.idx.add.s32.msk vm2, v2  }
.LBB2_17:
0x17e: {  	s21 =	sadd.s32 $0x2, s21;
	[tilespmem:v4+s2+$0x0] =	vst.idx.add.s32.msk vm0, v2;
	s20 =	sadd.s32 $0x400, s20  }
0x17f: {  	p0 =	slt.u32 s21, $0x6;
	[tilespmem:v5+s2+$0x0] =	vst.idx.add.s32.msk vm1, v2  }
0x180: {  	v4 =	vld [tilespmem:s20+$0xFFFFFFC0]  }
0x181: {  	v5 =	vld [tilespmem:s20+$0xFFFFFFD0];
	_ =	sdelay $0x1  }
0x182: {  	v6 =	vld [tilespmem:s20+$0xFFFFFFE0];
	_ =	sdelay $0x1  }
0x183: {  	v7 =	vld [tilespmem:s20+$0xFFFFFFF0];
	v8 =	vshrl.u32 v4, $0x10;
	v9 =	vadd.f32 $0.0e+00, v4  }
0x184: {  	v10 =	vshrl.u32 v5, $0x10;
	vm0 =	vgt.s32 v8, v3  }
0x185: {  	v9 =	vnsel vm0, $0x0, v9;
	vm0 =	vgt.s32 v10, v3  }
0x186: {  	v11 =	vshrl.u32 v6, $0x10;
	v12 =	vnsel vm0, $0x0, v5  }
0x187: {  	v9 =	vadd.f32 v12, v9;
	vm0 =	vgt.s32 v11, v3  }
0x188: {  	v12 =	vshrl.u32 v7, $0x10;
	v13 =	vnsel vm0, $0x0, v6;
	v14 =	vld [tilespmem:$0x10000]  }
0x189: {  	v9 =	vadd.f32 v13, v9;
	vm0 =	vgt.s32 v12, v3  }
0x18a: {  	v13 =	vnsel vm0, $0x0, v7;
	vm0 =	veq.s32 v8, v3  }
0x18b: {  	v4 =	vand.u32 $0xFFFF, v4;
	vm1 =	veq.s32 v10, v3;
	v8 =	vadd.f32 v13, v9  }
0x18c: {  	v5 =	vand.u32 $0xFFFF, v5;
	vm2 =	veq.s32 v11, v3  }
0x18d: {  	v6 =	vand.u32 $0xFFFF, v6;
	vm3 =	veq.s32 v12, v3;
	v8 =	vadd.f32 v8, v14  }
0x18e: {  	v7 =	vand.u32 $0xFFFF, v7  }
0x18f: {  	[tilespmem:$0x10000] =	vst v8  }
0x190: {  	[tilespmem:v4+s2+$0x0] =	vst.idx.add.s32.msk vm0, v2  }
0x191: {  	[tilespmem:v5+s2+$0x0] =	vst.idx.add.s32.msk vm1, v2  }
0x192: {  	[tilespmem:v6+s2+$0x0] =	vst.idx.add.s32.msk vm2, v2  }
0x193: {  	[tilespmem:v7+s2+$0x0] =	vst.idx.add.s32.msk vm3, v2  }
0x194: {  	v4 =	vld [tilespmem:s20+$0x0]  }
0x195: {  	v5 =	vld [tilespmem:s20+$0x10]  }
0x196: {  	v6 =	vld [tilespmem:s20+$0x20];
	_ =	sdelay $0x1  }
0x197: {  	v7 =	vld [tilespmem:s20+$0x30]  }
0x198: {  	v8 =	vshrl.u32 v4, $0x10;
	v9 =	vadd.f32 $0.0e+00, v4  }
0x199: {  	v10 =	vshrl.u32 v5, $0x10;
	vm0 =	vgt.s32 v8, v3  }
0x19a: {  	v11 =	vshrl.u32 v6, $0x10;
	v9 =	vnsel vm0, $0x0, v9;
	vm0 =	vgt.s32 v10, v3  }
0x19b: {  	v12 =	vnsel vm0, $0x0, v5;
	vm0 =	vgt.s32 v11, v3  }
0x19c: {  	v13 =	vshrl.u32 v7, $0x10;
	v9 =	vadd.f32 v12, v9;
	v12 =	vnsel vm0, $0x0, v6;
	v14 =	vld [tilespmem:$0x10000]  }
0x19d: {  	vm0 =	vgt.s32 v13, v3  }
0x19e: {  	vm2 =	veq.s32 v8, v3;
	v9 =	vadd.f32 v12, v9;
	v12 =	vnsel vm0, $0x0, v7  }
0x19f: {  	v8 =	vand.u32 $0xFFFF, v4;
	vm3 =	veq.s32 v10, v3  }
0x1a0: {  	v10 =	vand.u32 $0xFFFF, v5;
	vm0 =	veq.s32 v11, v3;
	v9 =	vadd.f32 v12, v9  }
0x1a1: {  	v4 =	vand.u32 $0xFFFF, v6;
	vm1 =	veq.s32 v13, v3  }
.Ltmp7:
0x1a2: {  	v5 =	vand.u32 $0xFFFF, v7;
	v6 =	vadd.f32 v9, v14;
	(pc) =	sbr.rel @p0 .LBB2_17-.Ltmp7, $4  }
0x1a3: {  	_ = 	snop  }
0x1a4: {  	[tilespmem:$0x10000] =	vst v6  }
0x1a5: {  	[tilespmem:v8+s2+$0x0] =	vst.idx.add.s32.msk vm2, v2  }
0x1a6: {  	[tilespmem:v10+s2+$0x0] =	vst.idx.add.s32.msk vm3, v2  }
0x1a7: {  	s19 =	sadd.s32 $0x1, s19  }
0x1a8: {  	p0 =	sne.s32 s19, $0x20  }
.Ltmp8:
0x1a9: {  	_ = 	snop;
	(pc) =	sbr.rel @p0 .LBB2_16-.Ltmp8, $3  }
0x1aa: {  	_ =	sdelay $0x1  }
0x1ab: {  	[tilespmem:v4+s2+$0x0] =	vst.idx.add.s32.msk vm0, v2  }
0x1ac: {  	s18 =	sadd.s32 $0x200, s18;
	s17 =	sadd.s32 $0x1, s17;
	[tilespmem:v5+s2+$0x0] =	vst.idx.add.s32.msk vm1, v2  }
0x1ad: {  	v3 =	vld [tilespmem:$0x10000];
	_ =	sdelay $0x4  }
0x1ae: {  	(xrf2) =	vadd.scan.msk.f32 $0xffff, v3;
	_ =	sdelay $0x9  }
0x1af: {  	v3, _, _ =	vpop (xrf2)  }
0x1b0: {  	v3 =	vbroadcast v3, $0xF;
	_ =	sdelay $0x1  }
0x1b1: {  	[tilespmem:$0x10080] =	vst v3  }
0x1b2: {  	[tilespmem:$0x10090] =	vst v3  }
0x1b3: {  	[tilespmem:$0x100A0] =	vst v3  }
0x1b4: {  	[tilespmem:$0x100B0] =	vst v3  }
0x1b5: {  	[tilespmem:$0x100C0] =	vst v3  }
0x1b6: {  	[tilespmem:$0x100D0] =	vst v3  }
0x1b7: {  	[tilespmem:$0x100E0] =	vst v3  }
0x1b8: {  	[tilespmem:$0x100F0] =	vst v3  }
0x1b9: {  	[tilespmem:$0x10100] =	vst v3  }
0x1ba: {  	[tilespmem:$0x10110] =	vst v3  }
0x1bb: {  	[tilespmem:$0x10120] =	vst v3  }
0x1bc: {  	[tilespmem:$0x10130] =	vst v3  }
0x1bd: {  	[tilespmem:$0x10140] =	vst v3  }
0x1be: {  	[tilespmem:$0x10150] =	vst v3  }
0x1bf: {  	[tilespmem:$0x10160] =	vst v3  }
0x1c0: {  	[tilespmem:$0x10170] =	vst v3  }
0x1c1: {  	[tilespmem:$0x10180] =	vst v3  }
0x1c2: {  	[tilespmem:$0x10190] =	vst v3  }
0x1c3: {  	[tilespmem:$0x101A0] =	vst v3  }
0x1c4: {  	[tilespmem:$0x101B0] =	vst v3  }
0x1c5: {  	[tilespmem:$0x101C0] =	vst v3  }
0x1c6: {  	[tilespmem:$0x101D0] =	vst v3  }
0x1c7: {  	[tilespmem:$0x101E0] =	vst v3  }
0x1c8: {  	[tilespmem:$0x101F0] =	vst v3  }
0x1c9: {  	[tilespmem:$0x10200] =	vst v3  }
0x1ca: {  	[tilespmem:$0x10210] =	vst v3  }
0x1cb: {  	[tilespmem:$0x10220] =	vst v3  }
0x1cc: {  	[tilespmem:$0x10230] =	vst v3  }
0x1cd: {  	[tilespmem:$0x10240] =	vst v3  }
0x1ce: {  	[tilespmem:$0x10250] =	vst v3  }
0x1cf: {  	[tilespmem:$0x10260] =	vst v3  }
0x1d0: {  	[tilespmem:$0x10270] =	vst v3  }
0x1d1: {  	[tilespmem:$0x10280] =	vst v3  }
0x1d2: {  	[tilespmem:$0x10290] =	vst v3  }
0x1d3: {  	[tilespmem:$0x102A0] =	vst v3  }
0x1d4: {  	[tilespmem:$0x102B0] =	vst v3  }
0x1d5: {  	[tilespmem:$0x102C0] =	vst v3  }
0x1d6: {  	[tilespmem:$0x102D0] =	vst v3  }
0x1d7: {  	[tilespmem:$0x102E0] =	vst v3  }
0x1d8: {  	[tilespmem:$0x102F0] =	vst v3  }
0x1d9: {  	[tilespmem:$0x10300] =	vst v3  }
0x1da: {  	[tilespmem:$0x10310] =	vst v3  }
0x1db: {  	[tilespmem:$0x10320] =	vst v3  }
0x1dc: {  	[tilespmem:$0x10330] =	vst v3  }
0x1dd: {  	[tilespmem:$0x10340] =	vst v3  }
0x1de: {  	[tilespmem:$0x10350] =	vst v3  }
0x1df: {  	[tilespmem:$0x10360] =	vst v3  }
0x1e0: {  	[tilespmem:$0x10370] =	vst v3  }
0x1e1: {  	[tilespmem:$0x10380] =	vst v3  }
0x1e2: {  	[tilespmem:$0x10390] =	vst v3  }
0x1e3: {  	[tilespmem:$0x103A0] =	vst v3  }
0x1e4: {  	[tilespmem:$0x103B0] =	vst v3  }
0x1e5: {  	[tilespmem:$0x103C0] =	vst v3  }
0x1e6: {  	[tilespmem:$0x103D0] =	vst v3  }
0x1e7: {  	[tilespmem:$0x103E0] =	vst v3  }
0x1e8: {  	[tilespmem:$0x103F0] =	vst v3  }
0x1e9: {  	[tilespmem:$0x10400] =	vst v3  }
0x1ea: {  	[tilespmem:$0x10410] =	vst v3  }
0x1eb: {  	[tilespmem:$0x10420] =	vst v3  }
0x1ec: {  	[tilespmem:$0x10430] =	vst v3  }
0x1ed: {  	[tilespmem:$0x10440] =	vst v3  }
0x1ee: {  	[tilespmem:$0x10450] =	vst v3  }
0x1ef: {  	[tilespmem:$0x10460] =	vst v3  }
0x1f0: {  	[tilespmem:$0x10470] =	vst v3  }
0x1f1: {  	[hbm4b:s8+s2] =	stream.linear.scatter [tilespmem:s2], [sflag:$0x1], $0x10000, $0x38;
	[tilespmem:$0x18880] =	vst v63  }
0x1f2: {  	s16 =	sadd.s32 $0x1, s16;
	_ =	swait.ge [sflag:s12], $0x10000  }
0x1f3: {  	p0 =	sne.s32 s16, s10;
	[sflag:s12] =	ssyncset.done $0x0  }
.Ltmp9:
0x1f4: {  	[sflag:s12] =	ssyncadd.s32 $0xFFFF0000;
	(pc) =	sbr.rel @p0 .LBB2_1-.Ltmp9, $4  }
0x1f5: {  	[hbm4b:s9+s2] =	stream.linear.scatter [tilespmem:s15], [sflag:$0x1], $0x400, $0x38;
	[tilespmem:$0x18880] =	vst v63  }
0x1f6: {  	_ =	swait.ge [sflag:s12], $0x400  }
0x1f7: {  	[sflag:s12] =	ssyncset.done $0x0  }
0x1f8: {  	[sflag:s12] =	ssyncadd.s32 $0xFFFFFC00  }
0x1f9: {  	_ =	sfence.sel $0x180000  }
0x1fa: {  	[bflag:$0x0] =	sbarrier.arrive $0xFFFF  }
0x1fb: {  	p0 =	sne.s32 s1, $0x0;
	_ =	strace $0x9000004D  }
0x1fc: {  	s0 =	sadd.s32 @!p0 $0x100000, s0;
	[bflag:$0x2] =	sbarrier.arrive $0xFFFF  }
0x1fd: {  	[sflag:s0] =	ssyncadd.tile.s32 @!p0 $0x1;
	_ =	shalt  }
.Lfunc_end2:
_tile_overlayer_lowered:
.L_overlay_start_2:
0x1fe: {  	(tag) =	ssettag $0x2  }
0x1ff: {  	s0 =	rddreg [dreg:$0x0];
	s2 =	stileid.u32  }
0x200: {  	s1 =	rddreg [dreg:$0x1];
	p0 =	sne.s32 s2, $0x0  }
0x201: {  	s3 =	rddreg [dreg:$0x2];
	[bflag:$0x3] =	sbarrier.arrive $0xFFFF;
	s2 =	simm.s32 @!p0 $0x1C02  }
0x202: {  	[timem:s3], [sflag:s2] =	dma.local @!p0 [hbm:s0], s1  }
0x203: {  	s0 =	simm.s32 @!p0 $0x2  }
0x204: {  	_ =	swait.ge @!p0 [sflag:s0], s1  }
0x205: {  	s1 =	ssub.s32 @!p0 $0x0, s1;
	[sflag:s0] =	ssyncset.done @!p0 $0x0  }
0x206: {  	[sflag:s0] =	ssyncadd.s32 @!p0 s1  }
0x207: {  	[bflag:$0x3] =	sbarrier.arrive $0xFFFF  }
0x208: {  	_ =	shalt  }

// kernel: kernel.9.cloned.1.call-start
scs
__scs_entry_jumppad:
0x0: {  	(pc) =	sbr.rel $0x88, $3  }
0x1: {  	(tag) =	ssettag $0x0;
	lr =	simm.s32 $0x1  }
0x2: {  	[smem:$0x3F9F] =	sst lr;
	_ =	strace $0xD0000000  }
0x3: {  	_ = 	snop  }
0x4: {  	_ = 	snop  }
0x5: {  	_ = 	snop  }
0x6: {  	_ = 	snop  }
0x7: {  	_ = 	snop  }
__scs_overlays_trampoline_lowered:
0x8: {  	[smem:$0x3FAE] =	sst s0  }
0x9: {  	[smem:$0x3FAF] =	sst s1  }
0xa: {  	[smem:$0x3FB0] =	sst s2  }
0xb: {  	[smem:$0x3FB1] =	sst s3  }
0xc: {  	[smem:$0x3FB2] =	sst s4  }
0xd: {  	[smem:$0x3FB3] =	sst s5  }
0xe: {  	[smem:$0x3FB4] =	sst s6  }
0xf: {  	[smem:$0x3FB5] =	sst s7  }
0x10: {  	[smem:$0x3FB6] =	sst s8  }
0x11: {  	[smem:$0x3FB7] =	sst s9;
	s0 =	simm.s32 @!p0 $0x0  }
0x12: {  	s1 =	sld [smem:$0x3F9D];
	s0 =	simm.s32 @p0 $0x1  }
0x13: {  	[smem:$0x3FB8] =	sst s0;
	s0 =	simm.s32 @!p1 $0x0  }
0x14: {  	s2 =	sld [smem:$0x3F9C];
	s0 =	simm.s32 @p1 $0x1  }
0x15: {  	[smem:$0x3FB9] =	sst s0;
	s0 =	simm.s32 @!p2 $0x0  }
0x16: {  	s3 =	sld [smem:$0x3FDB];
	s0 =	simm.s32 @p2 $0x1  }
0x17: {  	s4 =	simm.s32 $0x1BF5;
	[smem:$0x3FBB] =	sst s0  }
0x18: {  	s0 =	sld [smem:$0x3F9E];
	_ =	swait.ge [sflag:s4], $0x0  }
0x19: {  	s7 =	sld [smem:$0x3F9F]  }
0x1a: {  	s8 =	sadd.s32 $0xFFFFE003, lr  }
0x1b: {  	s9 =	sadd.s32 $0xFFFFFEF7, lr;
	s5 =	simm.s32 $0xFFFFFFFF;
	p2 =	slt.u32 s8, $0xFFFFF086  }
0x1c: {  	p1 =	slt.u32 s9, $0xF7A;
	s5 =	simm.s32 @!p2 $0x0  }
0x1d: {  	s5 =	simm.s32 @p1 $0x1;
	p0 =	seq.s32 s7, s2  }
0x1e: {  	s7 =	smul.u32 @!p0 $0xF7A, s2;
	p2 =	seq.s32 @!p0 s5, $0x0  }
0x1f: {  	s9 =	smul.u32 $0xF7A, s1;
	s8 =	simm.s32 @!p0 $0x1BF5;
	p2 =	por !p2, p0  }
0x20: {  	[sflag:s8] =	ssyncset.s32 @!p0 $0xFFFFF086;
	s6 =	sadd.s32 @!p0 s3, s7;
	s7 =	simm.s32 @!p0 $0x108  }
0x21: {  	s3 =	sadd.s32 s3, s9;
	s6 =	sadd.s32 @!p0 $0x88, s6;
	s7 =	simm.s32 @p2 $0x1082  }
0x22: {  	[simem:s7], [sflag:s8] =	dma.local @!p0 [hbm:s6], $0xF7A  }
0x23: {  	s9 =	sor.u32 $0xD0000000, s2;
	s6 =	simm.s32 $0x108;
	_ =	swait.ge @!p0 [sflag:s8], $0x0  }
0x24: {  	s3 =	sadd.s32 $0x88, s3;
	s6 =	simm.s32 @!p1 $0x1082;
	[sflag:s4] =	ssyncset.s32 $0xFFFFF086  }
0x25: {  	[simem:s6], [sflag:s4] =	dma.local [hbm:s3], $0xF7A  }
0x26: {  	[smem:$0x3F9F] =	sst s1;
	(tag) =	ssettag s2;
	_ =	strace s9  }
0x27: {  	s1 =	sld [smem:$0x3FAF]  }
0x28: {  	s2 =	sld [smem:$0x3FB0]  }
0x29: {  	s4 =	sld [smem:$0x3FB2]  }
0x2a: {  	p0 =	seq.s32 s5, $0x0;
	s5 =	sld [smem:$0x3FB3]  }
0x2b: {  	s6 =	sld [smem:$0x3FB4]  }
0x2c: {  	s7 =	sld [smem:$0x3FB5]  }
0x2d: {  	s3 =	simm.s32 $0x108;
	s8 =	sld [smem:$0x3FB6]  }
0x2e: {  	s3 =	simm.s32 @!p0 $0x1082;
	s9 =	sld [smem:$0x3FB7]  }
0x2f: {  	lr =	sadd.s32 s0, s3;
	s0 =	sld [smem:$0x3FAE]  }
0x30: {  	s3 =	sld [smem:$0x3FB1]  }
0x31: {  	[smem:$0x3FBA] =	sst s10  }
0x32: {  	s10 =	sld [smem:$0x3FB8];
	_ =	sdelay $0x3  }
0x33: {  	p0 =	seq.s32 s10, $0x1;
	s10 =	sld [smem:$0x3FBA];
	_ =	sdelay $0x3  }
0x34: {  	[smem:$0x3FBA] =	sst s10  }
0x35: {  	s10 =	sld [smem:$0x3FB9];
	_ =	sdelay $0x3  }
0x36: {  	p1 =	seq.s32 s10, $0x1;
	s10 =	sld [smem:$0x3FBA];
	_ =	sdelay $0x3  }
0x37: {  	[smem:$0x3FBA] =	sst s10  }
0x38: {  	s10 =	sld [smem:$0x3FBB]  }
0x39: {  	_ = 	snop;
	(pc) =	sbr.ind lr, $3  }
0x3a: {  	_ = 	snop  }
0x3b: {  	_ = 	snop  }
0x3c: {  	p2 =	seq.s32 s10, $0x1;
	s10 =	sld [smem:$0x3FBA]  }
0x3d: {  	_ =	shalt  }
0x3e: {  	_ =	shalt  }
0x3f: {  	_ =	shalt  }
0x40: {  	_ =	shalt  }
0x41: {  	_ =	shalt  }
0x42: {  	_ =	shalt  }
0x43: {  	_ =	shalt  }
0x44: {  	_ =	shalt  }
0x45: {  	_ =	shalt  }
0x46: {  	_ =	shalt  }
0x47: {  	_ =	shalt  }
0x48: {  	_ =	shalt  }
0x49: {  	_ =	shalt  }
0x4a: {  	_ =	shalt  }
0x4b: {  	_ =	shalt  }
0x4c: {  	_ =	shalt  }
0x4d: {  	_ =	shalt  }
0x4e: {  	_ =	shalt  }
0x4f: {  	_ =	shalt  }
0x50: {  	_ =	shalt  }
0x51: {  	_ =	shalt  }
0x52: {  	_ =	shalt  }
0x53: {  	_ =	shalt  }
0x54: {  	_ =	shalt  }
0x55: {  	_ =	shalt  }
0x56: {  	_ =	shalt  }
0x57: {  	_ =	shalt  }
0x58: {  	_ =	shalt  }
0x59: {  	_ =	shalt  }
0x5a: {  	_ =	shalt  }
0x5b: {  	_ =	shalt  }
0x5c: {  	_ =	shalt  }
0x5d: {  	_ =	shalt  }
0x5e: {  	_ =	shalt  }
0x5f: {  	_ =	shalt  }
0x60: {  	_ =	shalt  }
0x61: {  	_ =	shalt  }
0x62: {  	_ =	shalt  }
0x63: {  	_ =	shalt  }
0x64: {  	_ =	shalt  }
0x65: {  	_ =	shalt  }
0x66: {  	_ =	shalt  }
0x67: {  	_ =	shalt  }
0x68: {  	_ =	shalt  }
0x69: {  	_ =	shalt  }
0x6a: {  	_ =	shalt  }
0x6b: {  	_ =	shalt  }
0x6c: {  	_ =	shalt  }
0x6d: {  	_ =	shalt  }
0x6e: {  	_ =	shalt  }
0x6f: {  	_ =	shalt  }
0x70: {  	_ =	shalt  }
0x71: {  	_ =	shalt  }
0x72: {  	_ =	shalt  }
0x73: {  	_ =	shalt  }
0x74: {  	_ =	shalt  }
0x75: {  	_ =	shalt  }
0x76: {  	_ =	shalt  }
0x77: {  	_ =	shalt  }
0x78: {  	_ =	shalt  }
0x79: {  	_ =	shalt  }
0x7a: {  	_ =	shalt  }
0x7b: {  	_ =	shalt  }
0x7c: {  	_ =	shalt  }
0x7d: {  	_ =	shalt  }
0x7e: {  	_ =	shalt  }
0x7f: {  	_ =	shalt  }
0x80: {  	_ =	shalt  }
0x81: {  	_ =	shalt  }
0x82: {  	_ =	shalt  }
0x83: {  	_ =	shalt  }
0x84: {  	_ =	shalt  }
0x85: {  	_ =	shalt  }
0x86: {  	_ =	shalt  }
0x87: {  	_ =	shalt  }
.Lfunc_end0:
.L_simem_size_0:
called_computation_lowered:
.L_overlay_start_0:
0x88: {  	s2 =	sld [smem:$0x3FD9]  }
0x89: {  	s3 =	sld [smem:$0x3FFE];
	_ =	sdelay $0x1  }
0x8a: {  	s1 =	srdreg.scid  }
0x8b: {  	s0 =	sand.u32 $0x1, s1  }
0x8c: {  	s16 =	sshll.u32 s0, $0xA;
	s2 =	sadd.s32 s3, s2  }
0x8d: {  	s2 =	sadd.s32 s2, s16  }
0x8e: {  	[smem:$0x3FC6] =	sst s2  }
0x8f: {  	_ = 	snop  }
0x90: {  	(tm) =	ssettm $0x1  }
0x91: {  	s17 =	sld [smem:$0x3FFB];
	_ =	sdelay $0x3  }
0x92: {  	_ =	strace s17  }
0x93: {  	s2 =	sld [smem:$0x3FFC];
	_ =	sdelay $0x3  }
0x94: {  	_ =	strace s2  }
0x95: {  	s2 =	sld [smem:$0x3FFD];
	_ =	sdelay $0x3  }
0x96: {  	_ =	strace s2  }
0x97: {  	_ =	strace $0x8FFFFFFF  }
0x98: {  	s18 =	sld [smem:$0x3FDB];
	_ =	sdelay $0x1  }
0x99: {  	s19 =	simm.s32 $_scs_section_size  }
0x9a: {  	s4 =	simm.s32 $_size__tile_overlayer_lowered;
	s5 =	simm.s32 $_tile_overlayer_lowered  }
0x9b: {  	s22 =	simm.s32 $0x1BFF;
	s21 =	sshll.u32 s5, $0x1;
	s2 =	sadd.s32 s19, s18  }
0x9c: {  	s6 =	simm.s32 $0x0;
	s20 =	sshll.u32 s4, $0x1;
	s4 =	sadd.s32 s21, s2  }
0x9d: {  	[timem:s6], [sflag:s22] =	dma.local [hbm:s4], s20  }
0x9e: {  	_ =	swait.ge [sflag:s22], s20  }
0x9f: {  	s3 =	ssub.s32 $0x0, s20;
	[sflag:s22] =	ssyncset.done $0x0  }
0xa0: {  	[sflag:s22] =	ssyncadd.s32 s3;
	_ =	sdelay $0x1  }
0xa1: {  	s23 =	simm.s32 $0x1B8B  }
0xa2: {  	_ =	swait.ge [sflag:s23], $0x1  }
0xa3: {  	[sflag:s23] =	ssyncset.done $0x0  }
0xa4: {  	s25 =	simm.s32 $0x1B8E;
	s24 =	sld [smem:$0x3FFE];
	[sflag:s23] =	ssyncadd.s32 $0xFFFFFFFF  }
0xa5: {  	s26 =	simm.s32 $execute0_lowered;
	[smem:$0x3FD2] =	sst s25  }
0xa6: {  	s4 =	sshll.u32 s26, $0x1;
	_ =	strace $0x80000046;
	[dreg:$0x1] =	wrdreg $0xFFFFFFFF  }
0xa7: {  	s28 =	simm.s32 $_size_execute0_lowered;
	s2 =	sadd.s32 s2, s4;
	[dreg:$0x0] =	wrdreg $0x0  }
0xa8: {  	s4 =	sshll.u32 s28, $0x1;
	[dreg:$0x2] =	wrdreg s2  }
0xa9: {  	[dreg:$0x3] =	wrdreg s4  }
0xaa: {  	[dreg:$0x4] =	wrdreg $0xC0  }
0xab: {  	_ =	task [dreg:s6], $0x5FFFF  }
0xac: {  	[dreg:$0x1] =	wrdreg $0xFFFFFFFF  }
0xad: {  	[dreg:$0x0] =	wrdreg $0x60  }
0xae: {  	[dreg:$0x2] =	wrdreg s24  }
0xaf: {  	[dreg:$0x3] =	wrdreg $0x9  }
0xb0: {  	_ =	task.clear_ibuf [dreg:s6], $0x4FFFF;
	_ =	strace $0x90000046  }
0xb1: {  	s29 =	simm.s32 $0x9;
	_ =	strace $0x80000048  }
0xb2: {  	_ =	swait.ge [sflag:s29], $0x1  }
0xb3: {  	[sflag:s29] =	ssyncadd.s32 $0xFFFFFFFF  }
0xb4: {  	_ =	strace $0x90000048  }
0xb5: {  	_ =	sfence  }
0xb6: {  	s30 =	sld [smem:$0x0];
	_ =	sdelay $0x2  }
0xb7: {  	s31 =	sshll.u32 s1, $0xD;
	s1 =	sshrl.u32 s1, $0x2  }
0xb8: {  	s3 =	sand.u32 $0x4000, s31;
	s1 =	sadd.s32 s1, s30  }
0xb9: {  	s0 =	sor.u32 s3, s0;
	s1 =	sshll.u32 s1, $0x11  }
0xba: {  	s0 =	sor.u32 s1, s0  }
0xbb: {  	s0 =	sadd.s32 $0x8F2B, s0  }
0xbc: {  	[sflag:s0] =	ssyncadd.remote.s32 $0x1  }
0xbd: {  	_ =	sfence.sel $0xFFFF  }
0xbe: {  	[dreg:$0x0] =	wrdreg $0xFFFFFFFF;
	(pc) =	sbr.abs _section_cstart, $3  }
0xbf: {  	[dreg:$0x1] =	wrdreg $0xFFFFFFFF  }
0xc0: {  	_ =	task.clear_ibuf [dreg:s6], $0x2FFFF;
	_ =	strace $0x9FFFFFFF  }
0xc1: {  	(tm) =	ssettm $0x7FFFFFFF  }
tec
execute0_lowered:
.L_overlay_start_1:
0x0: {  	(tag) =	ssettag $0x1  }
0x1: {  	s3 =	rddreg [dreg:$0x0];
	s2 =	srdreg.scid  }
0x2: {  	s0 =	rddreg [dreg:$0x1];
	s1 =	stileid.u32;
	s7 =	simm.s32 $0x8000  }
0x3: {  	s8 =	simm.s32 $0xC000;
	s9 =	simm.s32 $0x1;
	s4 =	sand.u32 $0x1, s2  }
0x4: {  	s10 =	simm.s32 $0x0;
	s5 =	sshll.u32 s1, $0xD;
	s6 =	sshll.u32 s4, $0xC  }
0x5: {  	s2 =	simm.s32 $0x0;
	s4 =	ssub.s32 $0x2, s4;
	s5 =	sor.u32 s6, s5  }
0x6: {  	[smem:$0x7FF] =	sst s2;
	s30 =	sshrl.u32 s4, $0x1;
	s5 =	sadd.s32 s5, s3  }
0x7: {  	_ =	strace $0x80000047;
	s31 =	ssub.s32 s4, s30;
	s3 =	sadd.s32 $0x2400, s5  }
0x8: {  	v0 =	vimm.s32 $0x0;
	v1 =	vimm.s32 $0x1;
	s4 =	sadd.s32 $0x2C00, s5;
	s5 =	sadd.s32 $0x22400, s5;
	s6 =	smax.u32 s31, $0x1  }
.LBB2_1:
0x9: {  	[tilespmem:s7], [sflag:$0x1] =	stream.linear.gather [hbm4b:s3+s2], $0x4000, $0x38;
	[tilespmem:$0x10000] =	vst v63  }
0xa: {  	s11 =	simm.s32 $0x80  }
0xb: {  	[tilespmem:s11+$0xFFFFFF80] =	vst v0  }
0xc: {  	[tilespmem:s11+$0x70] =	vst v0  }
0xd: {  	[tilespmem:s11+$0x60] =	vst v0  }
0xe: {  	[tilespmem:s11+$0x50] =	vst v0  }
0xf: {  	[tilespmem:s11+$0x40] =	vst v0  }
0x10: {  	[tilespmem:s11+$0x30] =	vst v0  }
0x11: {  	[tilespmem:s11+$0x20] =	vst v0  }
0x12: {  	[tilespmem:s11+$0x10] =	vst v0  }
0x13: {  	[tilespmem:s11+$0x0] =	vst v0  }
0x14: {  	[tilespmem:s11+$0xFFFFFFF0] =	vst v0  }
0x15: {  	[tilespmem:s11+$0xFFFFFFE0] =	vst v0  }
0x16: {  	[tilespmem:s11+$0xFFFFFFD0] =	vst v0  }
0x17: {  	[tilespmem:s11+$0xFFFFFFC0] =	vst v0  }
0x18: {  	[tilespmem:s11+$0xFFFFFFB0] =	vst v0  }
0x19: {  	s12 =	simm.s32 $0x0;
	[tilespmem:s11+$0xFFFFFFA0] =	vst v0  }
.LBB2_2:
0x1a: {  	s12 =	sadd.s32 $0x2, s12;
	[tilespmem:s11+$0xFFFFFF90] =	vst v0;
	s11 =	sadd.s32 $0x100, s11  }
0x1b: {  	[tilespmem:s11+$0xFFFFFF80] =	vst v0;
	p0 =	slt.u32 s12, $0xFE  }
0x1c: {  	[tilespmem:s11+$0x70] =	vst v0  }
0x1d: {  	[tilespmem:s11+$0x60] =	vst v0  }
0x1e: {  	[tilespmem:s11+$0x50] =	vst v0  }
0x1f: {  	[tilespmem:s11+$0x40] =	vst v0  }
0x20: {  	[tilespmem:s11+$0x30] =	vst v0  }
0x21: {  	[tilespmem:s11+$0x20] =	vst v0  }
0x22: {  	[tilespmem:s11+$0x10] =	vst v0  }
0x23: {  	[tilespmem:s11+$0x0] =	vst v0  }
0x24: {  	[tilespmem:s11+$0xFFFFFFF0] =	vst v0  }
.Ltmp0:
0x25: {  	[tilespmem:s11+$0xFFFFFFE0] =	vst v0;
	(pc) =	sbr.rel @p0 .LBB2_2-.Ltmp0, $4  }
0x26: {  	[tilespmem:s11+$0xFFFFFFD0] =	vst v0  }
0x27: {  	[tilespmem:s11+$0xFFFFFFC0] =	vst v0  }
0x28: {  	[tilespmem:s11+$0xFFFFFFB0] =	vst v0  }
0x29: {  	[tilespmem:s11+$0xFFFFFFA0] =	vst v0  }
0x2a: {  	[tilespmem:s11+$0xFFFFFF90] =	vst v0;
	s11 =	simm.s32 $0x0  }
0x2b: {  	[tilespmem:s8], [sflag:$0x1] =	stream.linear.gather [hbm4b:s4+s11], $0x4000, $0x38;
	[tilespmem:$0x10000] =	vst v63  }
0x2c: {  	_ =	swait.ge [sflag:s9], $0x4000  }
0x2d: {  	[sflag:s9] =	ssyncset.done $0x0  }
0x2e: {  	s12 =	simm.s32 $0x0;
	[sflag:s9] =	ssyncadd.s32 $0xFFFFC000  }
.LBB2_4:
0x2f: {  	s13 =	sand.u32 $0x3000, s12;
	s14 =	sand.u32 $0x380, s11  }
0x30: {  	s13 =	sor.u32 s14, s13  }
0x31: {  	v2 =	vld [tilespmem:s13+$0x8000]  }
0x32: {  	v3 =	vld [tilespmem:s13+$0x8010]  }
0x33: {  	v4 =	vld [tilespmem:s13+$0x8020]  }
0x34: {  	v5 =	vld [tilespmem:s13+$0x8030];
	_ =	sdelay $0x1  }
0x35: {  	v2 =	vshrl.u32 v2, $0x10  }
0x36: {  	v3 =	vshrl.u32 v3, $0x10  }
0x37: {  	v4 =	vshrl.u32 v4, $0x10  }
0x38: {  	v5 =	vshrl.u32 v5, $0x10;
	_ =	sdelay $0x1  }
0x39: {  	[tilespmem:v2+s2+$0x0] =	vst.idx.add.s32.msk $0xffff, v1  }
0x3a: {  	[tilespmem:v3+s2+$0x0] =	vst.idx.add.s32.msk $0xffff, v1  }
0x3b: {  	[tilespmem:v4+s2+$0x0] =	vst.idx.add.s32.msk $0xffff, v1  }
0x3c: {  	[tilespmem:v5+s2+$0x0] =	vst.idx.add.s32.msk $0xffff, v1  }
0x3d: {  	v2 =	vld [tilespmem:s13+$0x8040]  }
0x3e: {  	v3 =	vld [tilespmem:s13+$0x8050]  }
0x3f: {  	v4 =	vld [tilespmem:s13+$0x8060]  }
0x40: {  	v5 =	vld [tilespmem:s13+$0x8070];
	_ =	sdelay $0x1  }
0x41: {  	v2 =	vshrl.u32 v2, $0x10  }
0x42: {  	v3 =	vshrl.u32 v3, $0x10  }
0x43: {  	v4 =	vshrl.u32 v4, $0x10  }
0x44: {  	v5 =	vshrl.u32 v5, $0x10;
	_ =	sdelay $0x1  }
0x45: {  	[tilespmem:v2+s2+$0x0] =	vst.idx.add.s32.msk $0xffff, v1  }
0x46: {  	[tilespmem:v3+s2+$0x0] =	vst.idx.add.s32.msk $0xffff, v1  }
0x47: {  	[tilespmem:v4+s2+$0x0] =	vst.idx.add.s32.msk $0xffff, v1  }
0x48: {  	[tilespmem:v5+s2+$0x0] =	vst.idx.add.s32.msk $0xffff, v1  }
0x49: {  	v2 =	vld [tilespmem:s13+$0x8400]  }
0x4a: {  	v3 =	vld [tilespmem:s13+$0x8410]  }
0x4b: {  	v4 =	vld [tilespmem:s13+$0x8420]  }
0x4c: {  	v5 =	vld [tilespmem:s13+$0x8430];
	_ =	sdelay $0x1  }
0x4d: {  	v2 =	vshrl.u32 v2, $0x10  }
0x4e: {  	v3 =	vshrl.u32 v3, $0x10  }
0x4f: {  	v4 =	vshrl.u32 v4, $0x10  }
0x50: {  	v5 =	vshrl.u32 v5, $0x10;
	_ =	sdelay $0x1  }
0x51: {  	[tilespmem:v2+s2+$0x0] =	vst.idx.add.s32.msk $0xffff, v1  }
0x52: {  	[tilespmem:v3+s2+$0x0] =	vst.idx.add.s32.msk $0xffff, v1  }
0x53: {  	[tilespmem:v4+s2+$0x0] =	vst.idx.add.s32.msk $0xffff, v1  }
0x54: {  	[tilespmem:v5+s2+$0x0] =	vst.idx.add.s32.msk $0xffff, v1  }
0x55: {  	v2 =	vld [tilespmem:s13+$0x8440]  }
0x56: {  	v3 =	vld [tilespmem:s13+$0x8450]  }
0x57: {  	v4 =	vld [tilespmem:s13+$0x8460]  }
0x58: {  	v5 =	vld [tilespmem:s13+$0x8470];
	_ =	sdelay $0x1  }
0x59: {  	v2 =	vshrl.u32 v2, $0x10  }
0x5a: {  	v3 =	vshrl.u32 v3, $0x10  }
0x5b: {  	v4 =	vshrl.u32 v4, $0x10  }
0x5c: {  	v5 =	vshrl.u32 v5, $0x10;
	_ =	sdelay $0x1  }
0x5d: {  	[tilespmem:v2+s2+$0x0] =	vst.idx.add.s32.msk $0xffff, v1  }
0x5e: {  	[tilespmem:v3+s2+$0x0] =	vst.idx.add.s32.msk $0xffff, v1  }
0x5f: {  	[tilespmem:v4+s2+$0x0] =	vst.idx.add.s32.msk $0xffff, v1  }
0x60: {  	[tilespmem:v5+s2+$0x0] =	vst.idx.add.s32.msk $0xffff, v1  }
0x61: {  	v2 =	vld [tilespmem:s13+$0x8800]  }
0x62: {  	v3 =	vld [tilespmem:s13+$0x8810]  }
0x63: {  	v4 =	vld [tilespmem:s13+$0x8820]  }
0x64: {  	v5 =	vld [tilespmem:s13+$0x8830];
	_ =	sdelay $0x1  }
0x65: {  	v2 =	vshrl.u32 v2, $0x10  }
0x66: {  	v3 =	vshrl.u32 v3, $0x10  }
0x67: {  	v4 =	vshrl.u32 v4, $0x10  }
0x68: {  	v5 =	vshrl.u32 v5, $0x10;
	_ =	sdelay $0x1  }
0x69: {  	[tilespmem:v2+s2+$0x0] =	vst.idx.add.s32.msk $0xffff, v1  }
0x6a: {  	[tilespmem:v3+s2+$0x0] =	vst.idx.add.s32.msk $0xffff, v1  }
0x6b: {  	[tilespmem:v4+s2+$0x0] =	vst.idx.add.s32.msk $0xffff, v1  }
0x6c: {  	[tilespmem:v5+s2+$0x0] =	vst.idx.add.s32.msk $0xffff, v1  }
0x6d: {  	v2 =	vld [tilespmem:s13+$0x8840]  }
0x6e: {  	v3 =	vld [tilespmem:s13+$0x8850]  }
0x6f: {  	v4 =	vld [tilespmem:s13+$0x8860]  }
0x70: {  	v5 =	vld [tilespmem:s13+$0x8870];
	_ =	sdelay $0x1  }
0x71: {  	v2 =	vshrl.u32 v2, $0x10  }
0x72: {  	v3 =	vshrl.u32 v3, $0x10  }
0x73: {  	v4 =	vshrl.u32 v4, $0x10  }
0x74: {  	v5 =	vshrl.u32 v5, $0x10;
	_ =	sdelay $0x1  }
0x75: {  	[tilespmem:v2+s2+$0x0] =	vst.idx.add.s32.msk $0xffff, v1  }
0x76: {  	[tilespmem:v3+s2+$0x0] =	vst.idx.add.s32.msk $0xffff, v1  }
0x77: {  	[tilespmem:v4+s2+$0x0] =	vst.idx.add.s32.msk $0xffff, v1  }
0x78: {  	[tilespmem:v5+s2+$0x0] =	vst.idx.add.s32.msk $0xffff, v1  }
0x79: {  	v2 =	vld [tilespmem:s13+$0x8C00]  }
0x7a: {  	v3 =	vld [tilespmem:s13+$0x8C10]  }
0x7b: {  	v4 =	vld [tilespmem:s13+$0x8C20]  }
0x7c: {  	v5 =	vld [tilespmem:s13+$0x8C30];
	_ =	sdelay $0x1  }
0x7d: {  	v2 =	vshrl.u32 v2, $0x10  }
0x7e: {  	v3 =	vshrl.u32 v3, $0x10  }
0x7f: {  	v4 =	vshrl.u32 v4, $0x10  }
0x80: {  	v5 =	vshrl.u32 v5, $0x10;
	_ =	sdelay $0x1  }
0x81: {  	[tilespmem:v2+s2+$0x0] =	vst.idx.add.s32.msk $0xffff, v1  }
0x82: {  	[tilespmem:v3+s2+$0x0] =	vst.idx.add.s32.msk $0xffff, v1  }
0x83: {  	[tilespmem:v4+s2+$0x0] =	vst.idx.add.s32.msk $0xffff, v1  }
0x84: {  	[tilespmem:v5+s2+$0x0] =	vst.idx.add.s32.msk $0xffff, v1  }
0x85: {  	v2 =	vld [tilespmem:s13+$0x8C40]  }
0x86: {  	v3 =	vld [tilespmem:s13+$0x8C50]  }
0x87: {  	v4 =	vld [tilespmem:s13+$0x8C60]  }
0x88: {  	v5 =	vld [tilespmem:s13+$0x8C70];
	_ =	sdelay $0x1  }
0x89: {  	v2 =	vshrl.u32 v2, $0x10  }
0x8a: {  	v3 =	vshrl.u32 v3, $0x10  }
0x8b: {  	v4 =	vshrl.u32 v4, $0x10  }
0x8c: {  	p0 =	sne.s32 s12, $0x3E00;
	v5 =	vshrl.u32 v5, $0x10  }
.Ltmp1:
0x8d: {  	_ = 	snop;
	(pc) =	sbr.rel @p0 .LBB2_4-.Ltmp1, $4  }
0x8e: {  	[tilespmem:v2+s2+$0x0] =	vst.idx.add.s32.msk $0xffff, v1  }
0x8f: {  	[tilespmem:v3+s2+$0x0] =	vst.idx.add.s32.msk $0xffff, v1  }
0x90: {  	[tilespmem:v4+s2+$0x0] =	vst.idx.add.s32.msk $0xffff, v1  }
0x91: {  	s11 =	sadd.s32 $0x80, s11;
	s12 =	sadd.s32 $0x200, s12;
	[tilespmem:v5+s2+$0x0] =	vst.idx.add.s32.msk $0xffff, v1  }
0x92: {  	_ =	swait.ge [sflag:s9], $0x4000  }
0x93: {  	[sflag:s9] =	ssyncset.done $0x0  }
0x94: {  	s11 =	simm.s32 $0x0;
	s12 =	simm.s32 $0x0;
	[sflag:s9] =	ssyncadd.s32 $0xFFFFC000  }
.LBB2_6:
0x95: {  	s13 =	sand.u32 $0x3000, s12;
	s14 =	sand.u32 $0x380, s11  }
0x96: {  	s13 =	sor.u32 s14, s13  }
0x97: {  	v2 =	vld [tilespmem:s13+$0xC000]  }
0x98: {  	v3 =	vld [tilespmem:s13+$0xC010]  }
0x99: {  	v4 =	vld [tilespmem:s13+$0xC020]  }
0x9a: {  	v5 =	vld [tilespmem:s13+$0xC030];
	_ =	sdelay $0x1  }
0x9b: {  	v2 =	vshrl.u32 v2, $0x10  }
0x9c: {  	v3 =	vshrl.u32 v3, $0x10  }
0x9d: {  	v4 =	vshrl.u32 v4, $0x10  }
0x9e: {  	v5 =	vshrl.u32 v5, $0x10;
	_ =	sdelay $0x1  }
0x9f: {  	[tilespmem:v2+s2+$0x0] =	vst.idx.add.s32.msk $0xffff, v1  }
0xa0: {  	[tilespmem:v3+s2+$0x0] =	vst.idx.add.s32.msk $0xffff, v1  }
0xa1: {  	[tilespmem:v4+s2+$0x0] =	vst.idx.add.s32.msk $0xffff, v1  }
0xa2: {  	[tilespmem:v5+s2+$0x0] =	vst.idx.add.s32.msk $0xffff, v1  }
0xa3: {  	v2 =	vld [tilespmem:s13+$0xC040]  }
0xa4: {  	v3 =	vld [tilespmem:s13+$0xC050]  }
0xa5: {  	v4 =	vld [tilespmem:s13+$0xC060]  }
0xa6: {  	v5 =	vld [tilespmem:s13+$0xC070];
	_ =	sdelay $0x1  }
0xa7: {  	v2 =	vshrl.u32 v2, $0x10  }
0xa8: {  	v3 =	vshrl.u32 v3, $0x10  }
0xa9: {  	v4 =	vshrl.u32 v4, $0x10  }
0xaa: {  	v5 =	vshrl.u32 v5, $0x10;
	_ =	sdelay $0x1  }
0xab: {  	[tilespmem:v2+s2+$0x0] =	vst.idx.add.s32.msk $0xffff, v1  }
0xac: {  	[tilespmem:v3+s2+$0x0] =	vst.idx.add.s32.msk $0xffff, v1  }
0xad: {  	[tilespmem:v4+s2+$0x0] =	vst.idx.add.s32.msk $0xffff, v1  }
0xae: {  	[tilespmem:v5+s2+$0x0] =	vst.idx.add.s32.msk $0xffff, v1  }
0xaf: {  	v2 =	vld [tilespmem:s13+$0xC400]  }
0xb0: {  	v3 =	vld [tilespmem:s13+$0xC410]  }
0xb1: {  	v4 =	vld [tilespmem:s13+$0xC420]  }
0xb2: {  	v5 =	vld [tilespmem:s13+$0xC430];
	_ =	sdelay $0x1  }
0xb3: {  	v2 =	vshrl.u32 v2, $0x10  }
0xb4: {  	v3 =	vshrl.u32 v3, $0x10  }
0xb5: {  	v4 =	vshrl.u32 v4, $0x10  }
0xb6: {  	v5 =	vshrl.u32 v5, $0x10;
	_ =	sdelay $0x1  }
0xb7: {  	[tilespmem:v2+s2+$0x0] =	vst.idx.add.s32.msk $0xffff, v1  }
0xb8: {  	[tilespmem:v3+s2+$0x0] =	vst.idx.add.s32.msk $0xffff, v1  }
0xb9: {  	[tilespmem:v4+s2+$0x0] =	vst.idx.add.s32.msk $0xffff, v1  }
0xba: {  	[tilespmem:v5+s2+$0x0] =	vst.idx.add.s32.msk $0xffff, v1  }
0xbb: {  	v2 =	vld [tilespmem:s13+$0xC440]  }
0xbc: {  	v3 =	vld [tilespmem:s13+$0xC450]  }
0xbd: {  	v4 =	vld [tilespmem:s13+$0xC460]  }
0xbe: {  	v5 =	vld [tilespmem:s13+$0xC470];
	_ =	sdelay $0x1  }
0xbf: {  	v2 =	vshrl.u32 v2, $0x10  }
0xc0: {  	v3 =	vshrl.u32 v3, $0x10  }
0xc1: {  	v4 =	vshrl.u32 v4, $0x10  }
0xc2: {  	v5 =	vshrl.u32 v5, $0x10;
	_ =	sdelay $0x1  }
0xc3: {  	[tilespmem:v2+s2+$0x0] =	vst.idx.add.s32.msk $0xffff, v1  }
0xc4: {  	[tilespmem:v3+s2+$0x0] =	vst.idx.add.s32.msk $0xffff, v1  }
0xc5: {  	[tilespmem:v4+s2+$0x0] =	vst.idx.add.s32.msk $0xffff, v1  }
0xc6: {  	[tilespmem:v5+s2+$0x0] =	vst.idx.add.s32.msk $0xffff, v1  }
0xc7: {  	v2 =	vld [tilespmem:s13+$0xC800]  }
0xc8: {  	v3 =	vld [tilespmem:s13+$0xC810]  }
0xc9: {  	v4 =	vld [tilespmem:s13+$0xC820]  }
0xca: {  	v5 =	vld [tilespmem:s13+$0xC830];
	_ =	sdelay $0x1  }
0xcb: {  	v2 =	vshrl.u32 v2, $0x10  }
0xcc: {  	v3 =	vshrl.u32 v3, $0x10  }
0xcd: {  	v4 =	vshrl.u32 v4, $0x10  }
0xce: {  	v5 =	vshrl.u32 v5, $0x10;
	_ =	sdelay $0x1  }
0xcf: {  	[tilespmem:v2+s2+$0x0] =	vst.idx.add.s32.msk $0xffff, v1  }
0xd0: {  	[tilespmem:v3+s2+$0x0] =	vst.idx.add.s32.msk $0xffff, v1  }
0xd1: {  	[tilespmem:v4+s2+$0x0] =	vst.idx.add.s32.msk $0xffff, v1  }
0xd2: {  	[tilespmem:v5+s2+$0x0] =	vst.idx.add.s32.msk $0xffff, v1  }
0xd3: {  	v2 =	vld [tilespmem:s13+$0xC840]  }
0xd4: {  	v3 =	vld [tilespmem:s13+$0xC850]  }
0xd5: {  	v4 =	vld [tilespmem:s13+$0xC860]  }
0xd6: {  	v5 =	vld [tilespmem:s13+$0xC870];
	_ =	sdelay $0x1  }
0xd7: {  	v2 =	vshrl.u32 v2, $0x10  }
0xd8: {  	v3 =	vshrl.u32 v3, $0x10  }
0xd9: {  	v4 =	vshrl.u32 v4, $0x10  }
0xda: {  	v5 =	vshrl.u32 v5, $0x10;
	_ =	sdelay $0x1  }
0xdb: {  	[tilespmem:v2+s2+$0x0] =	vst.idx.add.s32.msk $0xffff, v1  }
0xdc: {  	[tilespmem:v3+s2+$0x0] =	vst.idx.add.s32.msk $0xffff, v1  }
0xdd: {  	[tilespmem:v4+s2+$0x0] =	vst.idx.add.s32.msk $0xffff, v1  }
0xde: {  	[tilespmem:v5+s2+$0x0] =	vst.idx.add.s32.msk $0xffff, v1  }
0xdf: {  	v2 =	vld [tilespmem:s13+$0xCC00]  }
0xe0: {  	v3 =	vld [tilespmem:s13+$0xCC10]  }
0xe1: {  	v4 =	vld [tilespmem:s13+$0xCC20]  }
0xe2: {  	v5 =	vld [tilespmem:s13+$0xCC30];
	_ =	sdelay $0x1  }
0xe3: {  	v2 =	vshrl.u32 v2, $0x10  }
0xe4: {  	v3 =	vshrl.u32 v3, $0x10  }
0xe5: {  	v4 =	vshrl.u32 v4, $0x10  }
0xe6: {  	v5 =	vshrl.u32 v5, $0x10;
	_ =	sdelay $0x1  }
0xe7: {  	[tilespmem:v2+s2+$0x0] =	vst.idx.add.s32.msk $0xffff, v1  }
0xe8: {  	[tilespmem:v3+s2+$0x0] =	vst.idx.add.s32.msk $0xffff, v1  }
0xe9: {  	[tilespmem:v4+s2+$0x0] =	vst.idx.add.s32.msk $0xffff, v1  }
0xea: {  	[tilespmem:v5+s2+$0x0] =	vst.idx.add.s32.msk $0xffff, v1  }
0xeb: {  	v2 =	vld [tilespmem:s13+$0xCC40]  }
0xec: {  	v3 =	vld [tilespmem:s13+$0xCC50]  }
0xed: {  	v4 =	vld [tilespmem:s13+$0xCC60]  }
0xee: {  	v5 =	vld [tilespmem:s13+$0xCC70];
	_ =	sdelay $0x1  }
0xef: {  	v2 =	vshrl.u32 v2, $0x10  }
0xf0: {  	v3 =	vshrl.u32 v3, $0x10  }
0xf1: {  	v4 =	vshrl.u32 v4, $0x10  }
0xf2: {  	p0 =	sne.s32 s12, $0x3E00;
	v5 =	vshrl.u32 v5, $0x10  }
.Ltmp2:
0xf3: {  	_ = 	snop;
	(pc) =	sbr.rel @p0 .LBB2_6-.Ltmp2, $4  }
0xf4: {  	[tilespmem:v2+s2+$0x0] =	vst.idx.add.s32.msk $0xffff, v1  }
0xf5: {  	[tilespmem:v3+s2+$0x0] =	vst.idx.add.s32.msk $0xffff, v1  }
0xf6: {  	[tilespmem:v4+s2+$0x0] =	vst.idx.add.s32.msk $0xffff, v1  }
0xf7: {  	s11 =	sadd.s32 $0x80, s11;
	s12 =	sadd.s32 $0x200, s12;
	[tilespmem:v5+s2+$0x0] =	vst.idx.add.s32.msk $0xffff, v1  }
0xf8: {  	s10 =	sadd.s32 $0x1, s10  }
0xf9: {  	p0 =	sne.s32 s10, s6  }
.Ltmp3:
0xfa: {  	_ = 	snop;
	(pc) =	sbr.rel @p0 .LBB2_1-.Ltmp3, $4  }
0xfb: {  	[hbm4b:s5+s2] =	stream.linear.scatter [tilespmem:s2], [sflag:$0x1], $0x8000, $0x38;
	[tilespmem:$0x10000] =	vst v63  }
0xfc: {  	_ =	swait.ge [sflag:s9], $0x8000  }
0xfd: {  	[sflag:s9] =	ssyncset.done $0x0  }
0xfe: {  	[sflag:s9] =	ssyncadd.s32 $0xFFFF8000  }
0xff: {  	_ =	sfence.sel $0x180000  }
0x100: {  	[bflag:$0x0] =	sbarrier.arrive $0xFFFF  }
0x101: {  	p0 =	sne.s32 s1, $0x0;
	_ =	strace $0x90000047  }
0x102: {  	s0 =	sadd.s32 @!p0 $0x100000, s0;
	[bflag:$0x2] =	sbarrier.arrive $0xFFFF  }
0x103: {  	[sflag:s0] =	ssyncadd.tile.s32 @!p0 $0x1;
	_ =	shalt  }
.Lfunc_end2:
_tile_overlayer_lowered:
.L_overlay_start_2:
0x104: {  	(tag) =	ssettag $0x2  }
0x105: {  	s0 =	rddreg [dreg:$0x0];
	s2 =	stileid.u32  }
0x106: {  	s1 =	rddreg [dreg:$0x1];
	p0 =	sne.s32 s2, $0x0  }
0x107: {  	s3 =	rddreg [dreg:$0x2];
	[bflag:$0x3] =	sbarrier.arrive $0xFFFF;
	s2 =	simm.s32 @!p0 $0x1C02  }
0x108: {  	[timem:s3], [sflag:s2] =	dma.local @!p0 [hbm:s0], s1  }
0x109: {  	s0 =	simm.s32 @!p0 $0x2  }
0x10a: {  	_ =	swait.ge @!p0 [sflag:s0], s1  }
0x10b: {  	s1 =	ssub.s32 @!p0 $0x0, s1;
	[sflag:s0] =	ssyncset.done @!p0 $0x0  }
0x10c: {  	[sflag:s0] =	ssyncadd.s32 @!p0 s1  }
0x10d: {  	[bflag:$0x3] =	sbarrier.arrive $0xFFFF  }
0x10e: {  	_ =	shalt  }

</sc_bundles>
